<compile_context>
chip_gen: v7x
topology: tpu7x:2x2x1
jax: 0.10.2.dev20260603
libtpu: 0.0.44.dev20260713+nightly
codegen_flags: <defaults>
</compile_context>

<pallas_src>
import functools

import jax
import jax.numpy as jnp
from jax import lax
from jax.experimental import pallas as pl
from jax.experimental.pallas import tpu as pltpu
from jax.experimental.pallas import tpu_sc as plsc

VOCAB = 1000000
HIDDEN = 64
NUM_CLASSES = 3
BATCH = 4096
SEQ = 200

NC = 2
NS = 16
NW = NC * NS
ROWS_PER_W = BATCH // NW
HALF = SEQ // 2
IDXROWS_PER_W = 2 * ROWS_PER_W

PAIRS_PER_W = ROWS_PER_W // 2
STREAMS_PER_PAIR = 4
PAIR_ROWS = 2 * SEQ
NSLOT = 4


def _sc_kernel(ids_hbm, table_hbm, wt_hbm, b_hbm, out_hbm,
               idx_v, rows_v, w_v, b_v, out_v, *sems):
  wid = lax.axis_index("s") * NC + lax.axis_index("c")
  ibase = wid * IDXROWS_PER_W
  obase = wid * ROWS_PER_W

  pltpu.sync_copy(ids_hbm.at[pl.ds(ibase, IDXROWS_PER_W)], idx_v)
  pltpu.sync_copy(wt_hbm, w_v)
  pltpu.sync_copy(b_hbm, b_v)

  inv = jnp.float32(1.0 / SEQ)
  bvec = b_v[pl.ds(0, 16)]
  iot = lax.iota(jnp.int32, 16)

  def fire(slot, p):
    for k in range(STREAMS_PER_PAIR):
      pltpu.async_copy(table_hbm.at[idx_v.at[STREAMS_PER_PAIR * p + k]],
                       rows_v.at[pl.ds(slot * PAIR_ROWS + k * HALF, HALF)],
                       sems[slot])

  def wait_slot(slot):
    pltpu.make_async_copy(table_hbm.at[pl.ds(0, PAIR_ROWS)],
                          rows_v.at[pl.ds(slot * PAIR_ROWS, PAIR_ROWS)],
                          sems[slot]).wait()

  for p in range(NSLOT - 1):
    fire(p, p)

  zero = jnp.zeros((16,), jnp.float32)

  def emit(i, a):
    a0, a1, a2, a3 = a
    logits = []
    for c in range(NUM_CLASSES):
      s = (jnp.sum(a0 * w_v[c, pl.ds(0, 16)]) +
           jnp.sum(a1 * w_v[c, pl.ds(16, 16)]) +
           jnp.sum(a2 * w_v[c, pl.ds(32, 16)]) +
           jnp.sum(a3 * w_v[c, pl.ds(48, 16)]))
      logits.append(s * inv + bvec[c])
    lv = jnp.where(iot == 0, logits[0],
                   jnp.where(iot == 1, logits[1], logits[2]))
    plsc.store_scatter(out_v, [NUM_CLASSES * i + iot], lv,
                       mask=iot < NUM_CLASSES)

  def outer(j, _):
    for b in range(NSLOT):
      p = j * NSLOT + b

      @pl.when(p + NSLOT - 1 < PAIRS_PER_W)
      def _():
        fire((b + NSLOT - 1) % NSLOT, p + NSLOT - 1)

      wait_slot(b)

      for half in range(2):
        base = b * PAIR_ROWS + half * SEQ

        def acc_body(k, a):
          a0, a1, a2, a3 = a
          a0 = a0 + rows_v[base + k, pl.ds(0, 16)]
          a1 = a1 + rows_v[base + k, pl.ds(16, 16)]
          a2 = a2 + rows_v[base + k, pl.ds(32, 16)]
          a3 = a3 + rows_v[base + k, pl.ds(48, 16)]
          return (a0, a1, a2, a3)

        acc = lax.fori_loop(0, SEQ, acc_body,
                            (zero, zero, zero, zero), unroll=10)
        emit(2 * p + half, acc)
    return 0

  lax.fori_loop(0, PAIRS_PER_W // NSLOT, outer, 0)

  pltpu.sync_copy(out_v, out_hbm.at[pl.ds(obase * NUM_CLASSES,
                                          ROWS_PER_W * NUM_CLASSES)])


@jax.jit
def _run(ids2, table, wt, bpad):
  mesh = plsc.VectorSubcoreMesh(core_axis_name="c", subcore_axis_name="s")
  f = functools.partial(
      pl.kernel,
      out_type=jax.ShapeDtypeStruct((BATCH * NUM_CLASSES,), jnp.float32),
      mesh=mesh,
      scratch_types=[
          pltpu.VMEM((IDXROWS_PER_W, HALF), jnp.int32),
          pltpu.VMEM((NSLOT * PAIR_ROWS, HIDDEN), jnp.float32),
          pltpu.VMEM((NUM_CLASSES, HIDDEN), jnp.float32),
          pltpu.VMEM((16,), jnp.float32),
          pltpu.VMEM((ROWS_PER_W * NUM_CLASSES,), jnp.float32),
      ] + [pltpu.SemaphoreType.DMA] * NSLOT,
      compiler_params=pltpu.CompilerParams(needs_layout_passes=False,
                                           use_tc_tiling_on_sc=False),
  )(_sc_kernel)
  return f(ids2, table, wt, bpad)


def kernel(input_ids, emb_table, W, b):
  ids2 = input_ids.astype(jnp.int32).reshape(BATCH * SEQ // HALF, HALF)
  wt = W.T
  bpad = jnp.pad(b.astype(jnp.float32), (0, 16 - NUM_CLASSES))
  return _run(ids2, emb_table, wt, bpad).reshape(BATCH, NUM_CLASSES)

# --- scband reference (transcript-rebuilt; emitter-appended) ---
"""Pipeline reference for scband-hfclassification-model-893353198138 (READ-ONLY COPY).

The authoritative reference and input builder live on the scoring server;
editing this copy changes nothing except your own understanding.
"""

import jax, jax.numpy as jnp
import numpy as np

VOCAB = 1000000
HIDDEN = 64
NUM_CLASSES = 3
BATCH = 4096
SEQ = 200

def setup_inputs(seed: int = 0) -> dict:
    key = jax.random.key(seed)
    k_ids, k_emb, k_w, k_b = jax.random.split(key, 4)
    input_ids = jax.random.randint(k_ids, (BATCH, SEQ), 0, VOCAB, dtype=jnp.int64 if jax.config.jax_enable_x64 else jnp.int32)
    emb_table = jax.random.normal(k_emb, (VOCAB, HIDDEN), dtype=jnp.float32)
    W = jax.random.normal(k_w, (HIDDEN, NUM_CLASSES), dtype=jnp.float32) * 0.02
    b = jnp.zeros((NUM_CLASSES,), dtype=jnp.float32)
    return {"input_ids": input_ids, "emb_table": emb_table, "W": W, "b": b}

def reference(input_ids, emb_table, W, b):
    # embedding lookup: [B, S] -> [B, S, H]
    x = jnp.take(emb_table, input_ids, axis=0)
    # mean pool over sequence dim
    x = jnp.mean(x, axis=1)
    # linear classifier
    logits = x @ W + b
    return logits

if __name__ == "__main__":
    import jax
    _d = setup_inputs()
    print(jax.jit(kernel)(*tuple(_d.values())))

</pallas_src>

<mosaic_0001>
#map = affine_map<(d0, d1) -> (0, 0)>
#map1 = affine_map<(d0, d1) -> (0)>
module attributes {stable_mosaic.version = 14 : i64} {
  func.func @_sc_kernel(%arg0: i32, %arg1: i32, %arg2: memref<8192x100xi32, #tpu.memory_space<hbm>>, %arg3: memref<1000000x64xf32, #tpu.memory_space<hbm>>, %arg4: memref<3x64xf32, #tpu.memory_space<hbm>>, %arg5: memref<16xf32, #tpu.memory_space<hbm>>, %arg6: memref<12288xf32, #tpu.memory_space<hbm>>, %arg7: memref<256x100xi32, #tpu.memory_space<vmem>>, %arg8: memref<1600x64xf32, #tpu.memory_space<vmem>>, %arg9: memref<3x64xf32, #tpu.memory_space<vmem>>, %arg10: memref<16xf32, #tpu.memory_space<vmem>>, %arg11: memref<384xf32, #tpu.memory_space<vmem>>, %arg12: memref<!tpu.dma_semaphore, #tpu.memory_space<semaphore_mem>>, %arg13: memref<!tpu.dma_semaphore, #tpu.memory_space<semaphore_mem>>, %arg14: memref<!tpu.dma_semaphore, #tpu.memory_space<semaphore_mem>>, %arg15: memref<!tpu.dma_semaphore, #tpu.memory_space<semaphore_mem>>) attributes {dimension_semantics = [#tpu.dimension_semantics<core_parallel>, #tpu.dimension_semantics<subcore_parallel>], iteration_bounds = array<i64: 2, 16>, scalar_prefetch = 0 : i64, scratch_operands = 9 : i64, tpu.core_type = #tpu.core_type<sc_vector_subcore>, window_params = [{transform_indices = #map}, {transform_indices = #map}, {transform_indices = #map}, {transform_indices = #map1}, {transform_indices = #map1}]} {
    %mul3A = arith.constant 2 : i32
    %mul3A_0 = arith.muli %arg1, %mul3A : i32
    %add3A = arith.addi %mul3A_0, %arg0 : i32
    %mul3A_1 = arith.constant 256 : i32
    %mul3A_2 = arith.muli %add3A, %mul3A_1 : i32
    %mul3A_3 = arith.constant 128 : i32
    %mul3A_4 = arith.muli %add3A, %mul3A_3 : i32
    "tpu.region"() ({
      %run_scoped3A = tpu.sem_alloc : memref<!tpu.dma_semaphore, #tpu.memory_space<semaphore_mem>>
      %dma_start3A_135 = arith.constant 0 : i32
      %dma_start3A_136 = tpu.memref_slice %arg2[%mul3A_2, %dma_start3A_135] : memref<8192x100xi32, #tpu.memory_space<hbm>> -> memref<256x100xi32, #tpu.memory_space<hbm>>
      %dma_start3A_137 = arith.constant 0 : i32
      %dma_start3A_138 = tpu.memref_slice %arg2[%mul3A_2, %dma_start3A_137] : memref<8192x100xi32, #tpu.memory_space<hbm>> -> memref<256x100xi32, #tpu.memory_space<hbm>>
      tpu.enqueue_dma source(%dma_start3A_138 : memref<256x100xi32, #tpu.memory_space<hbm>>) target(%arg7 : memref<256x100xi32, #tpu.memory_space<vmem>>) target_semaphore(%run_scoped3A : memref<!tpu.dma_semaphore, #tpu.memory_space<semaphore_mem>>)
      %dma_wait3A = arith.constant 0 : i32
      %dma_wait3A_139 = tpu.memref_slice %arg2[%mul3A_2, %dma_wait3A] : memref<8192x100xi32, #tpu.memory_space<hbm>> -> memref<256x100xi32, #tpu.memory_space<hbm>>
      %dma_wait3A_140 = arith.constant 0 : i32
      %dma_wait3A_141 = tpu.memref_slice %arg2[%mul3A_2, %dma_wait3A_140] : memref<8192x100xi32, #tpu.memory_space<hbm>> -> memref<256x100xi32, #tpu.memory_space<hbm>>
      tpu.wait_dma2 semaphore(%run_scoped3A : memref<!tpu.dma_semaphore, #tpu.memory_space<semaphore_mem>>) src(%dma_wait3A_141 : memref<256x100xi32, #tpu.memory_space<hbm>>) dst(%arg7 : memref<256x100xi32, #tpu.memory_space<vmem>>)
      tpu.yield
    }) : () -> ()
    "tpu.region"() ({
      %run_scoped3A = tpu.sem_alloc : memref<!tpu.dma_semaphore, #tpu.memory_space<semaphore_mem>>
      tpu.enqueue_dma source(%arg4 : memref<3x64xf32, #tpu.memory_space<hbm>>) target(%arg9 : memref<3x64xf32, #tpu.memory_space<vmem>>) target_semaphore(%run_scoped3A : memref<!tpu.dma_semaphore, #tpu.memory_space<semaphore_mem>>)
      tpu.wait_dma2 semaphore(%run_scoped3A : memref<!tpu.dma_semaphore, #tpu.memory_space<semaphore_mem>>) src(%arg4 : memref<3x64xf32, #tpu.memory_space<hbm>>) dst(%arg9 : memref<3x64xf32, #tpu.memory_space<vmem>>)
      tpu.yield
    }) : () -> ()
    "tpu.region"() ({
      %run_scoped3A = tpu.sem_alloc : memref<!tpu.dma_semaphore, #tpu.memory_space<semaphore_mem>>
      tpu.enqueue_dma source(%arg5 : memref<16xf32, #tpu.memory_space<hbm>>) target(%arg10 : memref<16xf32, #tpu.memory_space<vmem>>) target_semaphore(%run_scoped3A : memref<!tpu.dma_semaphore, #tpu.memory_space<semaphore_mem>>)
      tpu.wait_dma2 semaphore(%run_scoped3A : memref<!tpu.dma_semaphore, #tpu.memory_space<semaphore_mem>>) src(%arg5 : memref<16xf32, #tpu.memory_space<hbm>>) dst(%arg10 : memref<16xf32, #tpu.memory_space<vmem>>)
      tpu.yield
    }) : () -> ()
    %get3A = arith.constant 0 : index
    %get3A_5 = tpu.vector_load %arg10[%get3A] {strides = array<i32>} : memref<16xf32, #tpu.memory_space<vmem>>, vector<16xf32>,
    %iota3A = tpu.iota {dimensions = array<i32: 0>} : vector<16xi32>
    %dma_start3A = arith.constant 0 : i32
    %dma_start3A_6 = arith.constant 0 : i32
    %dma_start3A_7 = arith.constant 0 : i32
    %dma_start3A_8 = tpu.memref_slice %arg8[%dma_start3A_6, %dma_start3A_7] : memref<1600x64xf32, #tpu.memory_space<vmem>> -> memref<100x64xf32, #tpu.memory_space<vmem>>
    %dma_start3A_9 = arith.constant 0 : i32
    %dma_start3A_10 = tpu.memref_slice %arg7[%dma_start3A, %dma_start3A_9] : memref<256x100xi32, #tpu.memory_space<vmem>> -> memref<1x100xi32, #tpu.memory_space<vmem>>
    %dma_start3A_11 = tpu.memref_squeeze %dma_start3A_10 : memref<1x100xi32, #tpu.memory_space<vmem>> -> memref<100xi32, #tpu.memory_space<vmem>>
    %dma_start3A_12 = arith.constant 0 : i32
    %dma_start3A_13 = arith.constant 0 : i32
    %dma_start3A_14 = tpu.memref_slice %arg3[%dma_start3A_12, %dma_start3A_13] : memref<1000000x64xf32, #tpu.memory_space<hbm>> -> memref<1000000x64xf32, #tpu.memory_space<hbm>>
    tpu.enqueue_indirect_dma source(%dma_start3A_14 : memref<1000000x64xf32, #tpu.memory_space<hbm>>) target(%dma_start3A_8 : memref<100x64xf32, #tpu.memory_space<vmem>>) offsets(%dma_start3A_11 : memref<100xi32, #tpu.memory_space<vmem>>) semaphore(%arg12 : memref<!tpu.dma_semaphore, #tpu.memory_space<semaphore_mem>>)
    %dma_start3A_15 = arith.constant 1 : i32
    %dma_start3A_16 = arith.constant 100 : i32
    %dma_start3A_17 = arith.constant 0 : i32
    %dma_start3A_18 = tpu.memref_slice %arg8[%dma_start3A_16, %dma_start3A_17] : memref<1600x64xf32, #tpu.memory_space<vmem>> -> memref<100x64xf32, #tpu.memory_space<vmem>>
    %dma_start3A_19 = arith.constant 0 : i32
    %dma_start3A_20 = tpu.memref_slice %arg7[%dma_start3A_15, %dma_start3A_19] : memref<256x100xi32, #tpu.memory_space<vmem>> -> memref<1x100xi32, #tpu.memory_space<vmem>>
    %dma_start3A_21 = tpu.memref_squeeze %dma_start3A_20 : memref<1x100xi32, #tpu.memory_space<vmem>> -> memref<100xi32, #tpu.memory_space<vmem>>
    %dma_start3A_22 = arith.constant 0 : i32
    %dma_start3A_23 = arith.constant 0 : i32
    %dma_start3A_24 = tpu.memref_slice %arg3[%dma_start3A_22, %dma_start3A_23] : memref<1000000x64xf32, #tpu.memory_space<hbm>> -> memref<1000000x64xf32, #tpu.memory_space<hbm>>
    tpu.enqueue_indirect_dma source(%dma_start3A_24 : memref<1000000x64xf32, #tpu.memory_space<hbm>>) target(%dma_start3A_18 : memref<100x64xf32, #tpu.memory_space<vmem>>) offsets(%dma_start3A_21 : memref<100xi32, #tpu.memory_space<vmem>>) semaphore(%arg12 : memref<!tpu.dma_semaphore, #tpu.memory_space<semaphore_mem>>)
    %dma_start3A_25 = arith.constant 2 : i32
    %dma_start3A_26 = arith.constant 200 : i32
    %dma_start3A_27 = arith.constant 0 : i32
    %dma_start3A_28 = tpu.memref_slice %arg8[%dma_start3A_26, %dma_start3A_27] : memref<1600x64xf32, #tpu.memory_space<vmem>> -> memref<100x64xf32, #tpu.memory_space<vmem>>
    %dma_start3A_29 = arith.constant 0 : i32
    %dma_start3A_30 = tpu.memref_slice %arg7[%dma_start3A_25, %dma_start3A_29] : memref<256x100xi32, #tpu.memory_space<vmem>> -> memref<1x100xi32, #tpu.memory_space<vmem>>
    %dma_start3A_31 = tpu.memref_squeeze %dma_start3A_30 : memref<1x100xi32, #tpu.memory_space<vmem>> -> memref<100xi32, #tpu.memory_space<vmem>>
    %dma_start3A_32 = arith.constant 0 : i32
    %dma_start3A_33 = arith.constant 0 : i32
    %dma_start3A_34 = tpu.memref_slice %arg3[%dma_start3A_32, %dma_start3A_33] : memref<1000000x64xf32, #tpu.memory_space<hbm>> -> memref<1000000x64xf32, #tpu.memory_space<hbm>>
    tpu.enqueue_indirect_dma source(%dma_start3A_34 : memref<1000000x64xf32, #tpu.memory_space<hbm>>) target(%dma_start3A_28 : memref<100x64xf32, #tpu.memory_space<vmem>>) offsets(%dma_start3A_31 : memref<100xi32, #tpu.memory_space<vmem>>) semaphore(%arg12 : memref<!tpu.dma_semaphore, #tpu.memory_space<semaphore_mem>>)
    %dma_start3A_35 = arith.constant 3 : i32
    %dma_start3A_36 = arith.constant 300 : i32
    %dma_start3A_37 = arith.constant 0 : i32
    %dma_start3A_38 = tpu.memref_slice %arg8[%dma_start3A_36, %dma_start3A_37] : memref<1600x64xf32, #tpu.memory_space<vmem>> -> memref<100x64xf32, #tpu.memory_space<vmem>>
    %dma_start3A_39 = arith.constant 0 : i32
    %dma_start3A_40 = tpu.memref_slice %arg7[%dma_start3A_35, %dma_start3A_39] : memref<256x100xi32, #tpu.memory_space<vmem>> -> memref<1x100xi32, #tpu.memory_space<vmem>>
    %dma_start3A_41 = tpu.memref_squeeze %dma_start3A_40 : memref<1x100xi32, #tpu.memory_space<vmem>> -> memref<100xi32, #tpu.memory_space<vmem>>
    %dma_start3A_42 = arith.constant 0 : i32
    %dma_start3A_43 = arith.constant 0 : i32
    %dma_start3A_44 = tpu.memref_slice %arg3[%dma_start3A_42, %dma_start3A_43] : memref<1000000x64xf32, #tpu.memory_space<hbm>> -> memref<1000000x64xf32, #tpu.memory_space<hbm>>
    tpu.enqueue_indirect_dma source(%dma_start3A_44 : memref<1000000x64xf32, #tpu.memory_space<hbm>>) target(%dma_start3A_38 : memref<100x64xf32, #tpu.memory_space<vmem>>) offsets(%dma_start3A_41 : memref<100xi32, #tpu.memory_space<vmem>>) semaphore(%arg12 : memref<!tpu.dma_semaphore, #tpu.memory_space<semaphore_mem>>)
    %dma_start3A_45 = arith.constant 4 : i32
    %dma_start3A_46 = arith.constant 400 : i32
    %dma_start3A_47 = arith.constant 0 : i32
    %dma_start3A_48 = tpu.memref_slice %arg8[%dma_start3A_46, %dma_start3A_47] : memref<1600x64xf32, #tpu.memory_space<vmem>> -> memref<100x64xf32, #tpu.memory_space<vmem>>
    %dma_start3A_49 = arith.constant 0 : i32
    %dma_start3A_50 = tpu.memref_slice %arg7[%dma_start3A_45, %dma_start3A_49] : memref<256x100xi32, #tpu.memory_space<vmem>> -> memref<1x100xi32, #tpu.memory_space<vmem>>
    %dma_start3A_51 = tpu.memref_squeeze %dma_start3A_50 : memref<1x100xi32, #tpu.memory_space<vmem>> -> memref<100xi32, #tpu.memory_space<vmem>>
    %dma_start3A_52 = arith.constant 0 : i32
    %dma_start3A_53 = arith.constant 0 : i32
    %dma_start3A_54 = tpu.memref_slice %arg3[%dma_start3A_52, %dma_start3A_53] : memref<1000000x64xf32, #tpu.memory_space<hbm>> -> memref<1000000x64xf32, #tpu.memory_space<hbm>>
    tpu.enqueue_indirect_dma source(%dma_start3A_54 : memref<1000000x64xf32, #tpu.memory_space<hbm>>) target(%dma_start3A_48 : memref<100x64xf32, #tpu.memory_space<vmem>>) offsets(%dma_start3A_51 : memref<100xi32, #tpu.memory_space<vmem>>) semaphore(%arg13 : memref<!tpu.dma_semaphore, #tpu.memory_space<semaphore_mem>>)
    %dma_start3A_55 = arith.constant 5 : i32
    %dma_start3A_56 = arith.constant 500 : i32
    %dma_start3A_57 = arith.constant 0 : i32
    %dma_start3A_58 = tpu.memref_slice %arg8[%dma_start3A_56, %dma_start3A_57] : memref<1600x64xf32, #tpu.memory_space<vmem>> -> memref<100x64xf32, #tpu.memory_space<vmem>>
    %dma_start3A_59 = arith.constant 0 : i32
    %dma_start3A_60 = tpu.memref_slice %arg7[%dma_start3A_55, %dma_start3A_59] : memref<256x100xi32, #tpu.memory_space<vmem>> -> memref<1x100xi32, #tpu.memory_space<vmem>>
    %dma_start3A_61 = tpu.memref_squeeze %dma_start3A_60 : memref<1x100xi32, #tpu.memory_space<vmem>> -> memref<100xi32, #tpu.memory_space<vmem>>
    %dma_start3A_62 = arith.constant 0 : i32
    %dma_start3A_63 = arith.constant 0 : i32
    %dma_start3A_64 = tpu.memref_slice %arg3[%dma_start3A_62, %dma_start3A_63] : memref<1000000x64xf32, #tpu.memory_space<hbm>> -> memref<1000000x64xf32, #tpu.memory_space<hbm>>
    tpu.enqueue_indirect_dma source(%dma_start3A_64 : memref<1000000x64xf32, #tpu.memory_space<hbm>>) target(%dma_start3A_58 : memref<100x64xf32, #tpu.memory_space<vmem>>) offsets(%dma_start3A_61 : memref<100xi32, #tpu.memory_space<vmem>>) semaphore(%arg13 : memref<!tpu.dma_semaphore, #tpu.memory_space<semaphore_mem>>)
    %dma_start3A_65 = arith.constant 6 : i32
    %dma_start3A_66 = arith.constant 600 : i32
    %dma_start3A_67 = arith.constant 0 : i32
    %dma_start3A_68 = tpu.memref_slice %arg8[%dma_start3A_66, %dma_start3A_67] : memref<1600x64xf32, #tpu.memory_space<vmem>> -> memref<100x64xf32, #tpu.memory_space<vmem>>
    %dma_start3A_69 = arith.constant 0 : i32
    %dma_start3A_70 = tpu.memref_slice %arg7[%dma_start3A_65, %dma_start3A_69] : memref<256x100xi32, #tpu.memory_space<vmem>> -> memref<1x100xi32, #tpu.memory_space<vmem>>
    %dma_start3A_71 = tpu.memref_squeeze %dma_start3A_70 : memref<1x100xi32, #tpu.memory_space<vmem>> -> memref<100xi32, #tpu.memory_space<vmem>>
    %dma_start3A_72 = arith.constant 0 : i32
    %dma_start3A_73 = arith.constant 0 : i32
    %dma_start3A_74 = tpu.memref_slice %arg3[%dma_start3A_72, %dma_start3A_73] : memref<1000000x64xf32, #tpu.memory_space<hbm>> -> memref<1000000x64xf32, #tpu.memory_space<hbm>>
    tpu.enqueue_indirect_dma source(%dma_start3A_74 : memref<1000000x64xf32, #tpu.memory_space<hbm>>) target(%dma_start3A_68 : memref<100x64xf32, #tpu.memory_space<vmem>>) offsets(%dma_start3A_71 : memref<100xi32, #tpu.memory_space<vmem>>) semaphore(%arg13 : memref<!tpu.dma_semaphore, #tpu.memory_space<semaphore_mem>>)
    %dma_start3A_75 = arith.constant 7 : i32
    %dma_start3A_76 = arith.constant 700 : i32
    %dma_start3A_77 = arith.constant 0 : i32
    %dma_start3A_78 = tpu.memref_slice %arg8[%dma_start3A_76, %dma_start3A_77] : memref<1600x64xf32, #tpu.memory_space<vmem>> -> memref<100x64xf32, #tpu.memory_space<vmem>>
    %dma_start3A_79 = arith.constant 0 : i32
    %dma_start3A_80 = tpu.memref_slice %arg7[%dma_start3A_75, %dma_start3A_79] : memref<256x100xi32, #tpu.memory_space<vmem>> -> memref<1x100xi32, #tpu.memory_space<vmem>>
    %dma_start3A_81 = tpu.memref_squeeze %dma_start3A_80 : memref<1x100xi32, #tpu.memory_space<vmem>> -> memref<100xi32, #tpu.memory_space<vmem>>
    %dma_start3A_82 = arith.constant 0 : i32
    %dma_start3A_83 = arith.constant 0 : i32
    %dma_start3A_84 = tpu.memref_slice %arg3[%dma_start3A_82, %dma_start3A_83] : memref<1000000x64xf32, #tpu.memory_space<hbm>> -> memref<1000000x64xf32, #tpu.memory_space<hbm>>
    tpu.enqueue_indirect_dma source(%dma_start3A_84 : memref<1000000x64xf32, #tpu.memory_space<hbm>>) target(%dma_start3A_78 : memref<100x64xf32, #tpu.memory_space<vmem>>) offsets(%dma_start3A_81 : memref<100xi32, #tpu.memory_space<vmem>>) semaphore(%arg13 : memref<!tpu.dma_semaphore, #tpu.memory_space<semaphore_mem>>)
    %dma_start3A_85 = arith.constant 8 : i32
    %dma_start3A_86 = arith.constant 800 : i32
    %dma_start3A_87 = arith.constant 0 : i32
    %dma_start3A_88 = tpu.memref_slice %arg8[%dma_start3A_86, %dma_start3A_87] : memref<1600x64xf32, #tpu.memory_space<vmem>> -> memref<100x64xf32, #tpu.memory_space<vmem>>
    %dma_start3A_89 = arith.constant 0 : i32
    %dma_start3A_90 = tpu.memref_slice %arg7[%dma_start3A_85, %dma_start3A_89] : memref<256x100xi32, #tpu.memory_space<vmem>> -> memref<1x100xi32, #tpu.memory_space<vmem>>
    %dma_start3A_91 = tpu.memref_squeeze %dma_start3A_90 : memref<1x100xi32, #tpu.memory_space<vmem>> -> memref<100xi32, #tpu.memory_space<vmem>>
    %dma_start3A_92 = arith.constant 0 : i32
    %dma_start3A_93 = arith.constant 0 : i32
    %dma_start3A_94 = tpu.memref_slice %arg3[%dma_start3A_92, %dma_start3A_93] : memref<1000000x64xf32, #tpu.memory_space<hbm>> -> memref<1000000x64xf32, #tpu.memory_space<hbm>>
    tpu.enqueue_indirect_dma source(%dma_start3A_94 : memref<1000000x64xf32, #tpu.memory_space<hbm>>) target(%dma_start3A_88 : memref<100x64xf32, #tpu.memory_space<vmem>>) offsets(%dma_start3A_91 : memref<100xi32, #tpu.memory_space<vmem>>) semaphore(%arg14 : memref<!tpu.dma_semaphore, #tpu.memory_space<semaphore_mem>>)
    %dma_start3A_95 = arith.constant 9 : i32
    %dma_start3A_96 = arith.constant 900 : i32
    %dma_start3A_97 = arith.constant 0 : i32
    %dma_start3A_98 = tpu.memref_slice %arg8[%dma_start3A_96, %dma_start3A_97] : memref<1600x64xf32, #tpu.memory_space<vmem>> -> memref<100x64xf32, #tpu.memory_space<vmem>>
    %dma_start3A_99 = arith.constant 0 : i32
    %dma_start3A_100 = tpu.memref_slice %arg7[%dma_start3A_95, %dma_start3A_99] : memref<256x100xi32, #tpu.memory_space<vmem>> -> memref<1x100xi32, #tpu.memory_space<vmem>>
    %dma_start3A_101 = tpu.memref_squeeze %dma_start3A_100 : memref<1x100xi32, #tpu.memory_space<vmem>> -> memref<100xi32, #tpu.memory_space<vmem>>
    %dma_start3A_102 = arith.constant 0 : i32
    %dma_start3A_103 = arith.constant 0 : i32
    %dma_start3A_104 = tpu.memref_slice %arg3[%dma_start3A_102, %dma_start3A_103] : memref<1000000x64xf32, #tpu.memory_space<hbm>> -> memref<1000000x64xf32, #tpu.memory_space<hbm>>
    tpu.enqueue_indirect_dma source(%dma_start3A_104 : memref<1000000x64xf32, #tpu.memory_space<hbm>>) target(%dma_start3A_98 : memref<100x64xf32, #tpu.memory_space<vmem>>) offsets(%dma_start3A_101 : memref<100xi32, #tpu.memory_space<vmem>>) semaphore(%arg14 : memref<!tpu.dma_semaphore, #tpu.memory_space<semaphore_mem>>)
    %dma_start3A_105 = arith.constant 10 : i32
    %dma_start3A_106 = arith.constant 1000 : i32
    %dma_start3A_107 = arith.constant 0 : i32
    %dma_start3A_108 = tpu.memref_slice %arg8[%dma_start3A_106, %dma_start3A_107] : memref<1600x64xf32, #tpu.memory_space<vmem>> -> memref<100x64xf32, #tpu.memory_space<vmem>>
    %dma_start3A_109 = arith.constant 0 : i32
    %dma_start3A_110 = tpu.memref_slice %arg7[%dma_start3A_105, %dma_start3A_109] : memref<256x100xi32, #tpu.memory_space<vmem>> -> memref<1x100xi32, #tpu.memory_space<vmem>>
    %dma_start3A_111 = tpu.memref_squeeze %dma_start3A_110 : memref<1x100xi32, #tpu.memory_space<vmem>> -> memref<100xi32, #tpu.memory_space<vmem>>
    %dma_start3A_112 = arith.constant 0 : i32
    %dma_start3A_113 = arith.constant 0 : i32
    %dma_start3A_114 = tpu.memref_slice %arg3[%dma_start3A_112, %dma_start3A_113] : memref<1000000x64xf32, #tpu.memory_space<hbm>> -> memref<1000000x64xf32, #tpu.memory_space<hbm>>
    tpu.enqueue_indirect_dma source(%dma_start3A_114 : memref<1000000x64xf32, #tpu.memory_space<hbm>>) target(%dma_start3A_108 : memref<100x64xf32, #tpu.memory_space<vmem>>) offsets(%dma_start3A_111 : memref<100xi32, #tpu.memory_space<vmem>>) semaphore(%arg14 : memref<!tpu.dma_semaphore, #tpu.memory_space<semaphore_mem>>)
    %dma_start3A_115 = arith.constant 11 : i32
    %dma_start3A_116 = arith.constant 1100 : i32
    %dma_start3A_117 = arith.constant 0 : i32
    %dma_start3A_118 = tpu.memref_slice %arg8[%dma_start3A_116, %dma_start3A_117] : memref<1600x64xf32, #tpu.memory_space<vmem>> -> memref<100x64xf32, #tpu.memory_space<vmem>>
    %dma_start3A_119 = arith.constant 0 : i32
    %dma_start3A_120 = tpu.memref_slice %arg7[%dma_start3A_115, %dma_start3A_119] : memref<256x100xi32, #tpu.memory_space<vmem>> -> memref<1x100xi32, #tpu.memory_space<vmem>>
    %dma_start3A_121 = tpu.memref_squeeze %dma_start3A_120 : memref<1x100xi32, #tpu.memory_space<vmem>> -> memref<100xi32, #tpu.memory_space<vmem>>
    %dma_start3A_122 = arith.constant 0 : i32
    %dma_start3A_123 = arith.constant 0 : i32
    %dma_start3A_124 = tpu.memref_slice %arg3[%dma_start3A_122, %dma_start3A_123] : memref<1000000x64xf32, #tpu.memory_space<hbm>> -> memref<1000000x64xf32, #tpu.memory_space<hbm>>
    tpu.enqueue_indirect_dma source(%dma_start3A_124 : memref<1000000x64xf32, #tpu.memory_space<hbm>>) target(%dma_start3A_118 : memref<100x64xf32, #tpu.memory_space<vmem>>) offsets(%dma_start3A_121 : memref<100xi32, #tpu.memory_space<vmem>>) semaphore(%arg14 : memref<!tpu.dma_semaphore, #tpu.memory_space<semaphore_mem>>)
    %broadcast_in_dim3A = arith.constant 0.000000e+00 : f32
    %broadcast_in_dim3A_125 = vector.broadcast %broadcast_in_dim3A : f32 to vector<16xf32>
    %scan3A = arith.constant 5.000000e-03 : f32
    %scan3A_126 = arith.constant 0 : i32
    %scan3A_127 = arith.constant 0 : i32
    %scan3A_128 = arith.constant 16 : i32
    %scan3A_129 = arith.addi %scan3A_127, %scan3A_128 : i32
    %scan3A_130 = arith.constant 1 : i32
    %scan3A_131 = scf.for %scan3A_135 = %scan3A_127 to %scan3A_129 step %scan3A_130 iter_args(%scan3A_136 = %scan3A_126) -> (i32)  : i32 {
      %mul3A_137 = arith.constant 4 : i32
      %mul3A_138 = arith.muli %scan3A_135, %mul3A_137 : i32
      %add3A_139 = arith.constant 0 : i32
      %add3A_140 = arith.addi %mul3A_138, %add3A_139 : i32
      %add3A_141 = arith.constant 4 : i32
      %add3A_142 = arith.addi %add3A_140, %add3A_141 : i32
      %sub3A = arith.constant 1 : i32
      %sub3A_143 = arith.subi %add3A_142, %sub3A : i32
      %lt3A = arith.constant 64 : i32
      %lt3A_144 = arith.cmpi slt, %sub3A_143, %lt3A : i32
      %convert_element_type3A = arith.extui %lt3A_144 : i1 to i32
      %cond3A = arith.constant 0 : i32
      %cond3A_145 = arith.cmpi ne, %convert_element_type3A, %cond3A : i32
      scf.if %cond3A_145 {
        %add3A_1484 = arith.constant 4 : i32
        %add3A_1485 = arith.addi %add3A_140, %add3A_1484 : i32
        %sub3A_1486 = arith.constant 1 : i32
        %sub3A_1487 = arith.subi %add3A_1485, %sub3A_1486 : i32
        %mul3A_1488 = arith.constant 4 : i32
        %mul3A_1489 = arith.muli %mul3A_1488, %sub3A_1487 : i32
        %add3A_1490 = arith.constant 0 : i32
        %add3A_1491 = arith.addi %mul3A_1489, %add3A_1490 : i32
        %dma_start3A_1492 = arith.constant 1200 : i32
        %dma_start3A_1493 = arith.constant 0 : i32
        %dma_start3A_1494 = tpu.memref_slice %arg8[%dma_start3A_1492, %dma_start3A_1493] : memref<1600x64xf32, #tpu.memory_space<vmem>> -> memref<100x64xf32, #tpu.memory_space<vmem>>
        %dma_start3A_1495 = arith.constant 0 : i32
        %dma_start3A_1496 = tpu.memref_slice %arg7[%add3A_1491, %dma_start3A_1495] : memref<256x100xi32, #tpu.memory_space<vmem>> -> memref<1x100xi32, #tpu.memory_space<vmem>>
        %dma_start3A_1497 = tpu.memref_squeeze %dma_start3A_1496 : memref<1x100xi32, #tpu.memory_space<vmem>> -> memref<100xi32, #tpu.memory_space<vmem>>
        %dma_start3A_1498 = arith.constant 0 : i32
        %dma_start3A_1499 = arith.constant 0 : i32
        %dma_start3A_1500 = tpu.memref_slice %arg3[%dma_start3A_1498, %dma_start3A_1499] : memref<1000000x64xf32, #tpu.memory_space<hbm>> -> memref<1000000x64xf32, #tpu.memory_space<hbm>>
        tpu.enqueue_indirect_dma source(%dma_start3A_1500 : memref<1000000x64xf32, #tpu.memory_space<hbm>>) target(%dma_start3A_1494 : memref<100x64xf32, #tpu.memory_space<vmem>>) offsets(%dma_start3A_1497 : memref<100xi32, #tpu.memory_space<vmem>>) semaphore(%arg15 : memref<!tpu.dma_semaphore, #tpu.memory_space<semaphore_mem>>)
        %mul3A_1501 = arith.constant 4 : i32
        %mul3A_1502 = arith.muli %mul3A_1501, %sub3A_1487 : i32
        %add3A_1503 = arith.constant 1 : i32
        %add3A_1504 = arith.addi %mul3A_1502, %add3A_1503 : i32
        %dma_start3A_1505 = arith.constant 1300 : i32
        %dma_start3A_1506 = arith.constant 0 : i32
        %dma_start3A_1507 = tpu.memref_slice %arg8[%dma_start3A_1505, %dma_start3A_1506] : memref<1600x64xf32, #tpu.memory_space<vmem>> -> memref<100x64xf32, #tpu.memory_space<vmem>>
        %dma_start3A_1508 = arith.constant 0 : i32
        %dma_start3A_1509 = tpu.memref_slice %arg7[%add3A_1504, %dma_start3A_1508] : memref<256x100xi32, #tpu.memory_space<vmem>> -> memref<1x100xi32, #tpu.memory_space<vmem>>
        %dma_start3A_1510 = tpu.memref_squeeze %dma_start3A_1509 : memref<1x100xi32, #tpu.memory_space<vmem>> -> memref<100xi32, #tpu.memory_space<vmem>>
        %dma_start3A_1511 = arith.constant 0 : i32
        %dma_start3A_1512 = arith.constant 0 : i32
        %dma_start3A_1513 = tpu.memref_slice %arg3[%dma_start3A_1511, %dma_start3A_1512] : memref<1000000x64xf32, #tpu.memory_space<hbm>> -> memref<1000000x64xf32, #tpu.memory_space<hbm>>
        tpu.enqueue_indirect_dma source(%dma_start3A_1513 : memref<1000000x64xf32, #tpu.memory_space<hbm>>) target(%dma_start3A_1507 : memref<100x64xf32, #tpu.memory_space<vmem>>) offsets(%dma_start3A_1510 : memref<100xi32, #tpu.memory_space<vmem>>) semaphore(%arg15 : memref<!tpu.dma_semaphore, #tpu.memory_space<semaphore_mem>>)
        %mul3A_1514 = arith.constant 4 : i32
        %mul3A_1515 = arith.muli %mul3A_1514, %sub3A_1487 : i32
        %add3A_1516 = arith.constant 2 : i32
        %add3A_1517 = arith.addi %mul3A_1515, %add3A_1516 : i32
        %dma_start3A_1518 = arith.constant 1400 : i32
        %dma_start3A_1519 = arith.constant 0 : i32
        %dma_start3A_1520 = tpu.memref_slice %arg8[%dma_start3A_1518, %dma_start3A_1519] : memref<1600x64xf32, #tpu.memory_space<vmem>> -> memref<100x64xf32, #tpu.memory_space<vmem>>
        %dma_start3A_1521 = arith.constant 0 : i32
        %dma_start3A_1522 = tpu.memref_slice %arg7[%add3A_1517, %dma_start3A_1521] : memref<256x100xi32, #tpu.memory_space<vmem>> -> memref<1x100xi32, #tpu.memory_space<vmem>>
        %dma_start3A_1523 = tpu.memref_squeeze %dma_start3A_1522 : memref<1x100xi32, #tpu.memory_space<vmem>> -> memref<100xi32, #tpu.memory_space<vmem>>
        %dma_start3A_1524 = arith.constant 0 : i32
        %dma_start3A_1525 = arith.constant 0 : i32
        %dma_start3A_1526 = tpu.memref_slice %arg3[%dma_start3A_1524, %dma_start3A_1525] : memref<1000000x64xf32, #tpu.memory_space<hbm>> -> memref<1000000x64xf32, #tpu.memory_space<hbm>>
        tpu.enqueue_indirect_dma source(%dma_start3A_1526 : memref<1000000x64xf32, #tpu.memory_space<hbm>>) target(%dma_start3A_1520 : memref<100x64xf32, #tpu.memory_space<vmem>>) offsets(%dma_start3A_1523 : memref<100xi32, #tpu.memory_space<vmem>>) semaphore(%arg15 : memref<!tpu.dma_semaphore, #tpu.memory_space<semaphore_mem>>)
        %mul3A_1527 = arith.constant 4 : i32
        %mul3A_1528 = arith.muli %mul3A_1527, %sub3A_1487 : i32
        %add3A_1529 = arith.constant 3 : i32
        %add3A_1530 = arith.addi %mul3A_1528, %add3A_1529 : i32
        %dma_start3A_1531 = arith.constant 1500 : i32
        %dma_start3A_1532 = arith.constant 0 : i32
        %dma_start3A_1533 = tpu.memref_slice %arg8[%dma_start3A_1531, %dma_start3A_1532] : memref<1600x64xf32, #tpu.memory_space<vmem>> -> memref<100x64xf32, #tpu.memory_space<vmem>>
        %dma_start3A_1534 = arith.constant 0 : i32
        %dma_start3A_1535 = tpu.memref_slice %arg7[%add3A_1530, %dma_start3A_1534] : memref<256x100xi32, #tpu.memory_space<vmem>> -> memref<1x100xi32, #tpu.memory_space<vmem>>
        %dma_start3A_1536 = tpu.memref_squeeze %dma_start3A_1535 : memref<1x100xi32, #tpu.memory_space<vmem>> -> memref<100xi32, #tpu.memory_space<vmem>>
        %dma_start3A_1537 = arith.constant 0 : i32
        %dma_start3A_1538 = arith.constant 0 : i32
        %dma_start3A_1539 = tpu.memref_slice %arg3[%dma_start3A_1537, %dma_start3A_1538] : memref<1000000x64xf32, #tpu.memory_space<hbm>> -> memref<1000000x64xf32, #tpu.memory_space<hbm>>
        tpu.enqueue_indirect_dma source(%dma_start3A_1539 : memref<1000000x64xf32, #tpu.memory_space<hbm>>) target(%dma_start3A_1533 : memref<100x64xf32, #tpu.memory_space<vmem>>) offsets(%dma_start3A_1536 : memref<100xi32, #tpu.memory_space<vmem>>) semaphore(%arg15 : memref<!tpu.dma_semaphore, #tpu.memory_space<semaphore_mem>>)
      } else {
      }
      %dma_wait3A = arith.constant 0 : i32
      %dma_wait3A_146 = arith.constant 0 : i32
      %dma_wait3A_147 = tpu.memref_slice %arg8[%dma_wait3A, %dma_wait3A_146] : memref<1600x64xf32, #tpu.memory_space<vmem>> -> memref<400x64xf32, #tpu.memory_space<vmem>>
      %dma_wait3A_148 = arith.constant 0 : i32
      %dma_wait3A_149 = arith.constant 0 : i32
      %dma_wait3A_150 = tpu.memref_slice %arg3[%dma_wait3A_148, %dma_wait3A_149] : memref<1000000x64xf32, #tpu.memory_space<hbm>> -> memref<400x64xf32, #tpu.memory_space<hbm>>
      %dma_wait3A_151 = arith.constant 0 : i32
      %dma_wait3A_152 = arith.constant 0 : i32
      %dma_wait3A_153 = tpu.memref_slice %arg8[%dma_wait3A_151, %dma_wait3A_152] : memref<1600x64xf32, #tpu.memory_space<vmem>> -> memref<400x64xf32, #tpu.memory_space<vmem>>
      %dma_wait3A_154 = arith.constant 0 : i32
      %dma_wait3A_155 = arith.constant 0 : i32
      %dma_wait3A_156 = tpu.memref_slice %arg3[%dma_wait3A_154, %dma_wait3A_155] : memref<1000000x64xf32, #tpu.memory_space<hbm>> -> memref<400x64xf32, #tpu.memory_space<hbm>>
      tpu.wait_dma2 semaphore(%arg12 : memref<!tpu.dma_semaphore, #tpu.memory_space<semaphore_mem>>) src(%dma_wait3A_156 : memref<400x64xf32, #tpu.memory_space<hbm>>) dst(%dma_wait3A_153 : memref<400x64xf32, #tpu.memory_space<vmem>>)
      %scan3A_157 = arith.constant 0 : i32
      %scan3A_158 = arith.constant 200 : i32
      %scan3A_159 = arith.addi %scan3A_157, %scan3A_158 : i32
      %scan3A_160 = arith.constant 10 : i32
      %scan3A_161:4 = scf.for %scan3A_1484 = %scan3A_157 to %scan3A_159 step %scan3A_160 iter_args(%scan3A_1485 = %broadcast_in_dim3A_125, %scan3A_1486 = %broadcast_in_dim3A_125, %scan3A_1487 = %broadcast_in_dim3A_125, %scan3A_1488 = %broadcast_in_dim3A_125) -> (vector<16xf32>, vector<16xf32>, vector<16xf32>, vector<16xf32>)  : i32 {
        %add3A_1489 = arith.constant 0 : i32
        %add3A_1490 = arith.addi %add3A_1489, %scan3A_1484 : i32
        %get3A_1491 = arith.index_cast %add3A_1490 : i32 to index
        %get3A_1492 = arith.constant 0 : index
        %get3A_1493 = tpu.vector_load %arg8[%get3A_1491, %get3A_1492] {strides = array<i32>} : memref<1600x64xf32, #tpu.memory_space<vmem>>, vector<16xf32>,
        %add3A_1494 = arith.addf %scan3A_1485, %get3A_1493 : vector<16xf32>
        %add3A_1495 = arith.constant 0 : i32
        %add3A_1496 = arith.addi %add3A_1495, %scan3A_1484 : i32
        %get3A_1497 = arith.index_cast %add3A_1496 : i32 to index
        %get3A_1498 = arith.constant 16 : index
        %get3A_1499 = tpu.vector_load %arg8[%get3A_1497, %get3A_1498] {strides = array<i32>} : memref<1600x64xf32, #tpu.memory_space<vmem>>, vector<16xf32>,
        %add3A_1500 = arith.addf %scan3A_1486, %get3A_1499 : vector<16xf32>
        %add3A_1501 = arith.constant 0 : i32
        %add3A_1502 = arith.addi %add3A_1501, %scan3A_1484 : i32
        %get3A_1503 = arith.index_cast %add3A_1502 : i32 to index
        %get3A_1504 = arith.constant 32 : index
        %get3A_1505 = tpu.vector_load %arg8[%get3A_1503, %get3A_1504] {strides = array<i32>} : memref<1600x64xf32, #tpu.memory_space<vmem>>, vector<16xf32>,
        %add3A_1506 = arith.addf %scan3A_1487, %get3A_1505 : vector<16xf32>
        %add3A_1507 = arith.constant 0 : i32
        %add3A_1508 = arith.addi %add3A_1507, %scan3A_1484 : i32
        %get3A_1509 = arith.index_cast %add3A_1508 : i32 to index
        %get3A_1510 = arith.constant 48 : index
        %get3A_1511 = tpu.vector_load %arg8[%get3A_1509, %get3A_1510] {strides = array<i32>} : memref<1600x64xf32, #tpu.memory_space<vmem>>, vector<16xf32>,
        %add3A_1512 = arith.addf %scan3A_1488, %get3A_1511 : vector<16xf32>
        %scan3A_1513 = arith.constant 1 : i32
        %scan3A_1514 = arith.addi %scan3A_1484, %scan3A_1513 : i32
        %add3A_1515 = arith.constant 0 : i32
        %add3A_1516 = arith.addi %add3A_1515, %scan3A_1514 : i32
        %get3A_1517 = arith.index_cast %add3A_1516 : i32 to index
        %get3A_1518 = arith.constant 0 : index
        %get3A_1519 = tpu.vector_load %arg8[%get3A_1517, %get3A_1518] {strides = array<i32>} : memref<1600x64xf32, #tpu.memory_space<vmem>>, vector<16xf32>,
        %add3A_1520 = arith.addf %add3A_1494, %get3A_1519 : vector<16xf32>
        %add3A_1521 = arith.constant 0 : i32
        %add3A_1522 = arith.addi %add3A_1521, %scan3A_1514 : i32
        %get3A_1523 = arith.index_cast %add3A_1522 : i32 to index
        %get3A_1524 = arith.constant 16 : index
        %get3A_1525 = tpu.vector_load %arg8[%get3A_1523, %get3A_1524] {strides = array<i32>} : memref<1600x64xf32, #tpu.memory_space<vmem>>, vector<16xf32>,
        %add3A_1526 = arith.addf %add3A_1500, %get3A_1525 : vector<16xf32>
        %add3A_1527 = arith.constant 0 : i32
        %add3A_1528 = arith.addi %add3A_1527, %scan3A_1514 : i32
        %get3A_1529 = arith.index_cast %add3A_1528 : i32 to index
        %get3A_1530 = arith.constant 32 : index
        %get3A_1531 = tpu.vector_load %arg8[%get3A_1529, %get3A_1530] {strides = array<i32>} : memref<1600x64xf32, #tpu.memory_space<vmem>>, vector<16xf32>,
        %add3A_1532 = arith.addf %add3A_1506, %get3A_1531 : vector<16xf32>
        %add3A_1533 = arith.constant 0 : i32
        %add3A_1534 = arith.addi %add3A_1533, %scan3A_1514 : i32
        %get3A_1535 = arith.index_cast %add3A_1534 : i32 to index
        %get3A_1536 = arith.constant 48 : index
        %get3A_1537 = tpu.vector_load %arg8[%get3A_1535, %get3A_1536] {strides = array<i32>} : memref<1600x64xf32, #tpu.memory_space<vmem>>, vector<16xf32>,
        %add3A_1538 = arith.addf %add3A_1512, %get3A_1537 : vector<16xf32>
        %scan3A_1539 = arith.constant 2 : i32
        %scan3A_1540 = arith.addi %scan3A_1484, %scan3A_1539 : i32
        %add3A_1541 = arith.constant 0 : i32
        %add3A_1542 = arith.addi %add3A_1541, %scan3A_1540 : i32
        %get3A_1543 = arith.index_cast %add3A_1542 : i32 to index
        %get3A_1544 = arith.constant 0 : index
        %get3A_1545 = tpu.vector_load %arg8[%get3A_1543, %get3A_1544] {strides = array<i32>} : memref<1600x64xf32, #tpu.memory_space<vmem>>, vector<16xf32>,
        %add3A_1546 = arith.addf %add3A_1520, %get3A_1545 : vector<16xf32>
        %add3A_1547 = arith.constant 0 : i32
        %add3A_1548 = arith.addi %add3A_1547, %scan3A_1540 : i32
        %get3A_1549 = arith.index_cast %add3A_1548 : i32 to index
        %get3A_1550 = arith.constant 16 : index
        %get3A_1551 = tpu.vector_load %arg8[%get3A_1549, %get3A_1550] {strides = array<i32>} : memref<1600x64xf32, #tpu.memory_space<vmem>>, vector<16xf32>,
        %add3A_1552 = arith.addf %add3A_1526, %get3A_1551 : vector<16xf32>
        %add3A_1553 = arith.constant 0 : i32
        %add3A_1554 = arith.addi %add3A_1553, %scan3A_1540 : i32
        %get3A_1555 = arith.index_cast %add3A_1554 : i32 to index
        %get3A_1556 = arith.constant 32 : index
        %get3A_1557 = tpu.vector_load %arg8[%get3A_1555, %get3A_1556] {strides = array<i32>} : memref<1600x64xf32, #tpu.memory_space<vmem>>, vector<16xf32>,
        %add3A_1558 = arith.addf %add3A_1532, %get3A_1557 : vector<16xf32>
        %add3A_1559 = arith.constant 0 : i32
        %add3A_1560 = arith.addi %add3A_1559, %scan3A_1540 : i32
        %get3A_1561 = arith.index_cast %add3A_1560 : i32 to index
        %get3A_1562 = arith.constant 48 : index
        %get3A_1563 = tpu.vector_load %arg8[%get3A_1561, %get3A_1562] {strides = array<i32>} : memref<1600x64xf32, #tpu.memory_space<vmem>>, vector<16xf32>,
        %add3A_1564 = arith.addf %add3A_1538, %get3A_1563 : vector<16xf32>
        %scan3A_1565 = arith.constant 3 : i32
        %scan3A_1566 = arith.addi %scan3A_1484, %scan3A_1565 : i32
        %add3A_1567 = arith.constant 0 : i32
        %add3A_1568 = arith.addi %add3A_1567, %scan3A_1566 : i32
        %get3A_1569 = arith.index_cast %add3A_1568 : i32 to index
        %get3A_1570 = arith.constant 0 : index
        %get3A_1571 = tpu.vector_load %arg8[%get3A_1569, %get3A_1570] {strides = array<i32>} : memref<1600x64xf32, #tpu.memory_space<vmem>>, vector<16xf32>,
        %add3A_1572 = arith.addf %add3A_1546, %get3A_1571 : vector<16xf32>
        %add3A_1573 = arith.constant 0 : i32
        %add3A_1574 = arith.addi %add3A_1573, %scan3A_1566 : i32
        %get3A_1575 = arith.index_cast %add3A_1574 : i32 to index
        %get3A_1576 = arith.constant 16 : index
        %get3A_1577 = tpu.vector_load %arg8[%get3A_1575, %get3A_1576] {strides = array<i32>} : memref<1600x64xf32, #tpu.memory_space<vmem>>, vector<16xf32>,
        %add3A_1578 = arith.addf %add3A_1552, %get3A_1577 : vector<16xf32>
        %add3A_1579 = arith.constant 0 : i32
        %add3A_1580 = arith.addi %add3A_1579, %scan3A_1566 : i32
        %get3A_1581 = arith.index_cast %add3A_1580 : i32 to index
        %get3A_1582 = arith.constant 32 : index
        %get3A_1583 = tpu.vector_load %arg8[%get3A_1581, %get3A_1582] {strides = array<i32>} : memref<1600x64xf32, #tpu.memory_space<vmem>>, vector<16xf32>,
        %add3A_1584 = arith.addf %add3A_1558, %get3A_1583 : vector<16xf32>
        %add3A_1585 = arith.constant 0 : i32
        %add3A_1586 = arith.addi %add3A_1585, %scan3A_1566 : i32
        %get3A_1587 = arith.index_cast %add3A_1586 : i32 to index
        %get3A_1588 = arith.constant 48 : index
        %get3A_1589 = tpu.vector_load %arg8[%get3A_1587, %get3A_1588] {strides = array<i32>} : memref<1600x64xf32, #tpu.memory_space<vmem>>, vector<16xf32>,
        %add3A_1590 = arith.addf %add3A_1564, %get3A_1589 : vector<16xf32>
        %scan3A_1591 = arith.constant 4 : i32
        %scan3A_1592 = arith.addi %scan3A_1484, %scan3A_1591 : i32
        %add3A_1593 = arith.constant 0 : i32
        %add3A_1594 = arith.addi %add3A_1593, %scan3A_1592 : i32
        %get3A_1595 = arith.index_cast %add3A_1594 : i32 to index
        %get3A_1596 = arith.constant 0 : index
        %get3A_1597 = tpu.vector_load %arg8[%get3A_1595, %get3A_1596] {strides = array<i32>} : memref<1600x64xf32, #tpu.memory_space<vmem>>, vector<16xf32>,
        %add3A_1598 = arith.addf %add3A_1572, %get3A_1597 : vector<16xf32>
        %add3A_1599 = arith.constant 0 : i32
        %add3A_1600 = arith.addi %add3A_1599, %scan3A_1592 : i32
        %get3A_1601 = arith.index_cast %add3A_1600 : i32 to index
        %get3A_1602 = arith.constant 16 : index
        %get3A_1603 = tpu.vector_load %arg8[%get3A_1601, %get3A_1602] {strides = array<i32>} : memref<1600x64xf32, #tpu.memory_space<vmem>>, vector<16xf32>,
        %add3A_1604 = arith.addf %add3A_1578, %get3A_1603 : vector<16xf32>
        %add3A_1605 = arith.constant 0 : i32
        %add3A_1606 = arith.addi %add3A_1605, %scan3A_1592 : i32
        %get3A_1607 = arith.index_cast %add3A_1606 : i32 to index
        %get3A_1608 = arith.constant 32 : index
        %get3A_1609 = tpu.vector_load %arg8[%get3A_1607, %get3A_1608] {strides = array<i32>} : memref<1600x64xf32, #tpu.memory_space<vmem>>, vector<16xf32>,
        %add3A_1610 = arith.addf %add3A_1584, %get3A_1609 : vector<16xf32>
        %add3A_1611 = arith.constant 0 : i32
        %add3A_1612 = arith.addi %add3A_1611, %scan3A_1592 : i32
        %get3A_1613 = arith.index_cast %add3A_1612 : i32 to index
        %get3A_1614 = arith.constant 48 : index
        %get3A_1615 = tpu.vector_load %arg8[%get3A_1613, %get3A_1614] {strides = array<i32>} : memref<1600x64xf32, #tpu.memory_space<vmem>>, vector<16xf32>,
        %add3A_1616 = arith.addf %add3A_1590, %get3A_1615 : vector<16xf32>
        %scan3A_1617 = arith.constant 5 : i32
        %scan3A_1618 = arith.addi %scan3A_1484, %scan3A_1617 : i32
        %add3A_1619 = arith.constant 0 : i32
        %add3A_1620 = arith.addi %add3A_1619, %scan3A_1618 : i32
        %get3A_1621 = arith.index_cast %add3A_1620 : i32 to index
        %get3A_1622 = arith.constant 0 : index
        %get3A_1623 = tpu.vector_load %arg8[%get3A_1621, %get3A_1622] {strides = array<i32>} : memref<1600x64xf32, #tpu.memory_space<vmem>>, vector<16xf32>,
        %add3A_1624 = arith.addf %add3A_1598, %get3A_1623 : vector<16xf32>
        %add3A_1625 = arith.constant 0 : i32
        %add3A_1626 = arith.addi %add3A_1625, %scan3A_1618 : i32
        %get3A_1627 = arith.index_cast %add3A_1626 : i32 to index
        %get3A_1628 = arith.constant 16 : index
        %get3A_1629 = tpu.vector_load %arg8[%get3A_1627, %get3A_1628] {strides = array<i32>} : memref<1600x64xf32, #tpu.memory_space<vmem>>, vector<16xf32>,
        %add3A_1630 = arith.addf %add3A_1604, %get3A_1629 : vector<16xf32>
        %add3A_1631 = arith.constant 0 : i32
        %add3A_1632 = arith.addi %add3A_1631, %scan3A_1618 : i32
        %get3A_1633 = arith.index_cast %add3A_1632 : i32 to index
        %get3A_1634 = arith.constant 32 : index
        %get3A_1635 = tpu.vector_load %arg8[%get3A_1633, %get3A_1634] {strides = array<i32>} : memref<1600x64xf32, #tpu.memory_space<vmem>>, vector<16xf32>,
        %add3A_1636 = arith.addf %add3A_1610, %get3A_1635 : vector<16xf32>
        %add3A_1637 = arith.constant 0 : i32
        %add3A_1638 = arith.addi %add3A_1637, %scan3A_1618 : i32
        %get3A_1639 = arith.index_cast %add3A_1638 : i32 to index
        %get3A_1640 = arith.constant 48 : index
        %get3A_1641 = tpu.vector_load %arg8[%get3A_1639, %get3A_1640] {strides = array<i32>} : memref<1600x64xf32, #tpu.memory_space<vmem>>, vector<16xf32>,
        %add3A_1642 = arith.addf %add3A_1616, %get3A_1641 : vector<16xf32>
        %scan3A_1643 = arith.constant 6 : i32
        %scan3A_1644 = arith.addi %scan3A_1484, %scan3A_1643 : i32
        %add3A_1645 = arith.constant 0 : i32
        %add3A_1646 = arith.addi %add3A_1645, %scan3A_1644 : i32
        %get3A_1647 = arith.index_cast %add3A_1646 : i32 to index
        %get3A_1648 = arith.constant 0 : index
        %get3A_1649 = tpu.vector_load %arg8[%get3A_1647, %get3A_1648] {strides = array<i32>} : memref<1600x64xf32, #tpu.memory_space<vmem>>, vector<16xf32>,
        %add3A_1650 = arith.addf %add3A_1624, %get3A_1649 : vector<16xf32>
        %add3A_1651 = arith.constant 0 : i32
        %add3A_1652 = arith.addi %add3A_1651, %scan3A_1644 : i32
        %get3A_1653 = arith.index_cast %add3A_1652 : i32 to index
        %get3A_1654 = arith.constant 16 : index
        %get3A_1655 = tpu.vector_load %arg8[%get3A_1653, %get3A_1654] {strides = array<i32>} : memref<1600x64xf32, #tpu.memory_space<vmem>>, vector<16xf32>,
        %add3A_1656 = arith.addf %add3A_1630, %get3A_1655 : vector<16xf32>
        %add3A_1657 = arith.constant 0 : i32
        %add3A_1658 = arith.addi %add3A_1657, %scan3A_1644 : i32
        %get3A_1659 = arith.index_cast %add3A_1658 : i32 to index
        %get3A_1660 = arith.constant 32 : index
        %get3A_1661 = tpu.vector_load %arg8[%get3A_1659, %get3A_1660] {strides = array<i32>} : memref<1600x64xf32, #tpu.memory_space<vmem>>, vector<16xf32>,
        %add3A_1662 = arith.addf %add3A_1636, %get3A_1661 : vector<16xf32>
        %add3A_1663 = arith.constant 0 : i32
        %add3A_1664 = arith.addi %add3A_1663, %scan3A_1644 : i32
        %get3A_1665 = arith.index_cast %add3A_1664 : i32 to index
        %get3A_1666 = arith.constant 48 : index
        %get3A_1667 = tpu.vector_load %arg8[%get3A_1665, %get3A_1666] {strides = array<i32>} : memref<1600x64xf32, #tpu.memory_space<vmem>>, vector<16xf32>,
        %add3A_1668 = arith.addf %add3A_1642, %get3A_1667 : vector<16xf32>
        %scan3A_1669 = arith.constant 7 : i32
        %scan3A_1670 = arith.addi %scan3A_1484, %scan3A_1669 : i32
        %add3A_1671 = arith.constant 0 : i32
        %add3A_1672 = arith.addi %add3A_1671, %scan3A_1670 : i32
        %get3A_1673 = arith.index_cast %add3A_1672 : i32 to index
        %get3A_1674 = arith.constant 0 : index
        %get3A_1675 = tpu.vector_load %arg8[%get3A_1673, %get3A_1674] {strides = array<i32>} : memref<1600x64xf32, #tpu.memory_space<vmem>>, vector<16xf32>,
        %add3A_1676 = arith.addf %add3A_1650, %get3A_1675 : vector<16xf32>
        %add3A_1677 = arith.constant 0 : i32
        %add3A_1678 = arith.addi %add3A_1677, %scan3A_1670 : i32
        %get3A_1679 = arith.index_cast %add3A_1678 : i32 to index
        %get3A_1680 = arith.constant 16 : index
        %get3A_1681 = tpu.vector_load %arg8[%get3A_1679, %get3A_1680] {strides = array<i32>} : memref<1600x64xf32, #tpu.memory_space<vmem>>, vector<16xf32>,
        %add3A_1682 = arith.addf %add3A_1656, %get3A_1681 : vector<16xf32>
        %add3A_1683 = arith.constant 0 : i32
        %add3A_1684 = arith.addi %add3A_1683, %scan3A_1670 : i32
        %get3A_1685 = arith.index_cast %add3A_1684 : i32 to index
        %get3A_1686 = arith.constant 32 : index
        %get3A_1687 = tpu.vector_load %arg8[%get3A_1685, %get3A_1686] {strides = array<i32>} : memref<1600x64xf32, #tpu.memory_space<vmem>>, vector<16xf32>,
        %add3A_1688 = arith.addf %add3A_1662, %get3A_1687 : vector<16xf32>
        %add3A_1689 = arith.constant 0 : i32
        %add3A_1690 = arith.addi %add3A_1689, %scan3A_1670 : i32
        %get3A_1691 = arith.index_cast %add3A_1690 : i32 to index
        %get3A_1692 = arith.constant 48 : index
        %get3A_1693 = tpu.vector_load %arg8[%get3A_1691, %get3A_1692] {strides = array<i32>} : memref<1600x64xf32, #tpu.memory_space<vmem>>, vector<16xf32>,
        %add3A_1694 = arith.addf %add3A_1668, %get3A_1693 : vector<16xf32>
        %scan3A_1695 = arith.constant 8 : i32
        %scan3A_1696 = arith.addi %scan3A_1484, %scan3A_1695 : i32
        %add3A_1697 = arith.constant 0 : i32
        %add3A_1698 = arith.addi %add3A_1697, %scan3A_1696 : i32
        %get3A_1699 = arith.index_cast %add3A_1698 : i32 to index
        %get3A_1700 = arith.constant 0 : index
        %get3A_1701 = tpu.vector_load %arg8[%get3A_1699, %get3A_1700] {strides = array<i32>} : memref<1600x64xf32, #tpu.memory_space<vmem>>, vector<16xf32>,
        %add3A_1702 = arith.addf %add3A_1676, %get3A_1701 : vector<16xf32>
        %add3A_1703 = arith.constant 0 : i32
        %add3A_1704 = arith.addi %add3A_1703, %scan3A_1696 : i32
        %get3A_1705 = arith.index_cast %add3A_1704 : i32 to index
        %get3A_1706 = arith.constant 16 : index
        %get3A_1707 = tpu.vector_load %arg8[%get3A_1705, %get3A_1706] {strides = array<i32>} : memref<1600x64xf32, #tpu.memory_space<vmem>>, vector<16xf32>,
        %add3A_1708 = arith.addf %add3A_1682, %get3A_1707 : vector<16xf32>
        %add3A_1709 = arith.constant 0 : i32
        %add3A_1710 = arith.addi %add3A_1709, %scan3A_1696 : i32
        %get3A_1711 = arith.index_cast %add3A_1710 : i32 to index
        %get3A_1712 = arith.constant 32 : index
        %get3A_1713 = tpu.vector_load %arg8[%get3A_1711, %get3A_1712] {strides = array<i32>} : memref<1600x64xf32, #tpu.memory_space<vmem>>, vector<16xf32>,
        %add3A_1714 = arith.addf %add3A_1688, %get3A_1713 : vector<16xf32>
        %add3A_1715 = arith.constant 0 : i32
        %add3A_1716 = arith.addi %add3A_1715, %scan3A_1696 : i32
        %get3A_1717 = arith.index_cast %add3A_1716 : i32 to index
        %get3A_1718 = arith.constant 48 : index
        %get3A_1719 = tpu.vector_load %arg8[%get3A_1717, %get3A_1718] {strides = array<i32>} : memref<1600x64xf32, #tpu.memory_space<vmem>>, vector<16xf32>,
        %add3A_1720 = arith.addf %add3A_1694, %get3A_1719 : vector<16xf32>
        %scan3A_1721 = arith.constant 9 : i32
        %scan3A_1722 = arith.addi %scan3A_1484, %scan3A_1721 : i32
        %add3A_1723 = arith.constant 0 : i32
        %add3A_1724 = arith.addi %add3A_1723, %scan3A_1722 : i32
        %get3A_1725 = arith.index_cast %add3A_1724 : i32 to index
        %get3A_1726 = arith.constant 0 : index
        %get3A_1727 = tpu.vector_load %arg8[%get3A_1725, %get3A_1726] {strides = array<i32>} : memref<1600x64xf32, #tpu.memory_space<vmem>>, vector<16xf32>,
        %add3A_1728 = arith.addf %add3A_1702, %get3A_1727 : vector<16xf32>
        %add3A_1729 = arith.constant 0 : i32
        %add3A_1730 = arith.addi %add3A_1729, %scan3A_1722 : i32
        %get3A_1731 = arith.index_cast %add3A_1730 : i32 to index
        %get3A_1732 = arith.constant 16 : index
        %get3A_1733 = tpu.vector_load %arg8[%get3A_1731, %get3A_1732] {strides = array<i32>} : memref<1600x64xf32, #tpu.memory_space<vmem>>, vector<16xf32>,
        %add3A_1734 = arith.addf %add3A_1708, %get3A_1733 : vector<16xf32>
        %add3A_1735 = arith.constant 0 : i32
        %add3A_1736 = arith.addi %add3A_1735, %scan3A_1722 : i32
        %get3A_1737 = arith.index_cast %add3A_1736 : i32 to index
        %get3A_1738 = arith.constant 32 : index
        %get3A_1739 = tpu.vector_load %arg8[%get3A_1737, %get3A_1738] {strides = array<i32>} : memref<1600x64xf32, #tpu.memory_space<vmem>>, vector<16xf32>,
        %add3A_1740 = arith.addf %add3A_1714, %get3A_1739 : vector<16xf32>
        %add3A_1741 = arith.constant 0 : i32
        %add3A_1742 = arith.addi %add3A_1741, %scan3A_1722 : i32
        %get3A_1743 = arith.index_cast %add3A_1742 : i32 to index
        %get3A_1744 = arith.constant 48 : index
        %get3A_1745 = tpu.vector_load %arg8[%get3A_1743, %get3A_1744] {strides = array<i32>} : memref<1600x64xf32, #tpu.memory_space<vmem>>, vector<16xf32>,
        %add3A_1746 = arith.addf %add3A_1720, %get3A_1745 : vector<16xf32>
        scf.yield %add3A_1728, %add3A_1734, %add3A_1740, %add3A_1746 : vector<16xf32>, vector<16xf32>, vector<16xf32>, vector<16xf32>
      }
      %scan3A_162 = arith.constant 200 : i32
      %mul3A_163 = arith.constant 2 : i32
      %mul3A_164 = arith.muli %mul3A_163, %add3A_140 : i32
      %add3A_165 = arith.constant 0 : i32
      %add3A_166 = arith.addi %mul3A_164, %add3A_165 : i32
      %get3A_167 = arith.constant 0 : i32
      %get3A_168 = arith.index_cast %get3A_167 : i32 to index
      %get3A_169 = arith.constant 0 : index
      %get3A_170 = tpu.vector_load %arg9[%get3A_168, %get3A_169] {strides = array<i32>} : memref<3x64xf32, #tpu.memory_space<vmem>>, vector<16xf32>,
      %mul3A_171 = arith.mulf %scan3A_161#0, %get3A_170 : vector<16xf32>
      %reduce_sum3A = arith.constant true
      %reduce_sum3A_172 = vector.broadcast %reduce_sum3A : i1 to vector<16xi1>
      %reduce_sum3A_173 = tpu.scan <sum>, %mul3A_171 masked %reduce_sum3A_172 : vector<16xf32>, vector<16xi1> -> vector<16xf32>
      %reduce_sum3A_174 = vector.extract %reduce_sum3A_173[15] : f32 from vector<16xf32>
      %get3A_175 = arith.constant 0 : i32
      %get3A_176 = arith.index_cast %get3A_175 : i32 to index
      %get3A_177 = arith.constant 16 : index
      %get3A_178 = tpu.vector_load %arg9[%get3A_176, %get3A_177] {strides = array<i32>} : memref<3x64xf32, #tpu.memory_space<vmem>>, vector<16xf32>,
      %mul3A_179 = arith.mulf %scan3A_161#1, %get3A_178 : vector<16xf32>
      %reduce_sum3A_180 = arith.constant true
      %reduce_sum3A_181 = vector.broadcast %reduce_sum3A_180 : i1 to vector<16xi1>
      %reduce_sum3A_182 = tpu.scan <sum>, %mul3A_179 masked %reduce_sum3A_181 : vector<16xf32>, vector<16xi1> -> vector<16xf32>
      %reduce_sum3A_183 = vector.extract %reduce_sum3A_182[15] : f32 from vector<16xf32>
      %add3A_184 = arith.addf %reduce_sum3A_174, %reduce_sum3A_183 : f32
      %get3A_185 = arith.constant 0 : i32
      %get3A_186 = arith.index_cast %get3A_185 : i32 to index
      %get3A_187 = arith.constant 32 : index
      %get3A_188 = tpu.vector_load %arg9[%get3A_186, %get3A_187] {strides = array<i32>} : memref<3x64xf32, #tpu.memory_space<vmem>>, vector<16xf32>,
      %mul3A_189 = arith.mulf %scan3A_161#2, %get3A_188 : vector<16xf32>
      %reduce_sum3A_190 = arith.constant true
      %reduce_sum3A_191 = vector.broadcast %reduce_sum3A_190 : i1 to vector<16xi1>
      %reduce_sum3A_192 = tpu.scan <sum>, %mul3A_189 masked %reduce_sum3A_191 : vector<16xf32>, vector<16xi1> -> vector<16xf32>
      %reduce_sum3A_193 = vector.extract %reduce_sum3A_192[15] : f32 from vector<16xf32>
      %add3A_194 = arith.addf %add3A_184, %reduce_sum3A_193 : f32
      %get3A_195 = arith.constant 0 : i32
      %get3A_196 = arith.index_cast %get3A_195 : i32 to index
      %get3A_197 = arith.constant 48 : index
      %get3A_198 = tpu.vector_load %arg9[%get3A_196, %get3A_197] {strides = array<i32>} : memref<3x64xf32, #tpu.memory_space<vmem>>, vector<16xf32>,
      %mul3A_199 = arith.mulf %scan3A_161#3, %get3A_198 : vector<16xf32>
      %reduce_sum3A_200 = arith.constant true
      %reduce_sum3A_201 = vector.broadcast %reduce_sum3A_200 : i1 to vector<16xi1>
      %reduce_sum3A_202 = tpu.scan <sum>, %mul3A_199 masked %reduce_sum3A_201 : vector<16xf32>, vector<16xi1> -> vector<16xf32>
      %reduce_sum3A_203 = vector.extract %reduce_sum3A_202[15] : f32 from vector<16xf32>
      %add3A_204 = arith.addf %add3A_194, %reduce_sum3A_203 : f32
      %mul3A_205 = arith.mulf %add3A_204, %scan3A : f32
      %slice3A = vector.extract_strided_slice %get3A_5 {offsets = [0], sizes = [1], strides = [1]} : vector<16xf32> to vector<1xf32>
      %squeeze3A = vector.extract %slice3A[0] : f32 from vector<1xf32>
      %add3A_206 = arith.addf %mul3A_205, %squeeze3A : f32
      %get3A_207 = arith.constant 1 : i32
      %get3A_208 = arith.index_cast %get3A_207 : i32 to index
      %get3A_209 = arith.constant 0 : index
      %get3A_210 = tpu.vector_load %arg9[%get3A_208, %get3A_209] {strides = array<i32>} : memref<3x64xf32, #tpu.memory_space<vmem>>, vector<16xf32>,
      %mul3A_211 = arith.mulf %scan3A_161#0, %get3A_210 : vector<16xf32>
      %reduce_sum3A_212 = arith.constant true
      %reduce_sum3A_213 = vector.broadcast %reduce_sum3A_212 : i1 to vector<16xi1>
      %reduce_sum3A_214 = tpu.scan <sum>, %mul3A_211 masked %reduce_sum3A_213 : vector<16xf32>, vector<16xi1> -> vector<16xf32>
      %reduce_sum3A_215 = vector.extract %reduce_sum3A_214[15] : f32 from vector<16xf32>
      %get3A_216 = arith.constant 1 : i32
      %get3A_217 = arith.index_cast %get3A_216 : i32 to index
      %get3A_218 = arith.constant 16 : index
      %get3A_219 = tpu.vector_load %arg9[%get3A_217, %get3A_218] {strides = array<i32>} : memref<3x64xf32, #tpu.memory_space<vmem>>, vector<16xf32>,
      %mul3A_220 = arith.mulf %scan3A_161#1, %get3A_219 : vector<16xf32>
      %reduce_sum3A_221 = arith.constant true
      %reduce_sum3A_222 = vector.broadcast %reduce_sum3A_221 : i1 to vector<16xi1>
      %reduce_sum3A_223 = tpu.scan <sum>, %mul3A_220 masked %reduce_sum3A_222 : vector<16xf32>, vector<16xi1> -> vector<16xf32>
      %reduce_sum3A_224 = vector.extract %reduce_sum3A_223[15] : f32 from vector<16xf32>
      %add3A_225 = arith.addf %reduce_sum3A_215, %reduce_sum3A_224 : f32
      %get3A_226 = arith.constant 1 : i32
      %get3A_227 = arith.index_cast %get3A_226 : i32 to index
      %get3A_228 = arith.constant 32 : index
      %get3A_229 = tpu.vector_load %arg9[%get3A_227, %get3A_228] {strides = array<i32>} : memref<3x64xf32, #tpu.memory_space<vmem>>, vector<16xf32>,
      %mul3A_230 = arith.mulf %scan3A_161#2, %get3A_229 : vector<16xf32>
      %reduce_sum3A_231 = arith.constant true
      %reduce_sum3A_232 = vector.broadcast %reduce_sum3A_231 : i1 to vector<16xi1>
      %reduce_sum3A_233 = tpu.scan <sum>, %mul3A_230 masked %reduce_sum3A_232 : vector<16xf32>, vector<16xi1> -> vector<16xf32>
      %reduce_sum3A_234 = vector.extract %reduce_sum3A_233[15] : f32 from vector<16xf32>
      %add3A_235 = arith.addf %add3A_225, %reduce_sum3A_234 : f32
      %get3A_236 = arith.constant 1 : i32
      %get3A_237 = arith.index_cast %get3A_236 : i32 to index
      %get3A_238 = arith.constant 48 : index
      %get3A_239 = tpu.vector_load %arg9[%get3A_237, %get3A_238] {strides = array<i32>} : memref<3x64xf32, #tpu.memory_space<vmem>>, vector<16xf32>,
      %mul3A_240 = arith.mulf %scan3A_161#3, %get3A_239 : vector<16xf32>
      %reduce_sum3A_241 = arith.constant true
      %reduce_sum3A_242 = vector.broadcast %reduce_sum3A_241 : i1 to vector<16xi1>
      %reduce_sum3A_243 = tpu.scan <sum>, %mul3A_240 masked %reduce_sum3A_242 : vector<16xf32>, vector<16xi1> -> vector<16xf32>
      %reduce_sum3A_244 = vector.extract %reduce_sum3A_243[15] : f32 from vector<16xf32>
      %add3A_245 = arith.addf %add3A_235, %reduce_sum3A_244 : f32
      %mul3A_246 = arith.mulf %add3A_245, %scan3A : f32
      %slice3A_247 = vector.extract_strided_slice %get3A_5 {offsets = [1], sizes = [1], strides = [1]} : vector<16xf32> to vector<1xf32>
      %squeeze3A_248 = vector.extract %slice3A_247[0] : f32 from vector<1xf32>
      %add3A_249 = arith.addf %mul3A_246, %squeeze3A_248 : f32
      %get3A_250 = arith.constant 2 : i32
      %get3A_251 = arith.index_cast %get3A_250 : i32 to index
      %get3A_252 = arith.constant 0 : index
      %get3A_253 = tpu.vector_load %arg9[%get3A_251, %get3A_252] {strides = array<i32>} : memref<3x64xf32, #tpu.memory_space<vmem>>, vector<16xf32>,
      %mul3A_254 = arith.mulf %scan3A_161#0, %get3A_253 : vector<16xf32>
      %reduce_sum3A_255 = arith.constant true
      %reduce_sum3A_256 = vector.broadcast %reduce_sum3A_255 : i1 to vector<16xi1>
      %reduce_sum3A_257 = tpu.scan <sum>, %mul3A_254 masked %reduce_sum3A_256 : vector<16xf32>, vector<16xi1> -> vector<16xf32>
      %reduce_sum3A_258 = vector.extract %reduce_sum3A_257[15] : f32 from vector<16xf32>
      %get3A_259 = arith.constant 2 : i32
      %get3A_260 = arith.index_cast %get3A_259 : i32 to index
      %get3A_261 = arith.constant 16 : index
      %get3A_262 = tpu.vector_load %arg9[%get3A_260, %get3A_261] {strides = array<i32>} : memref<3x64xf32, #tpu.memory_space<vmem>>, vector<16xf32>,
      %mul3A_263 = arith.mulf %scan3A_161#1, %get3A_262 : vector<16xf32>
      %reduce_sum3A_264 = arith.constant true
      %reduce_sum3A_265 = vector.broadcast %reduce_sum3A_264 : i1 to vector<16xi1>
      %reduce_sum3A_266 = tpu.scan <sum>, %mul3A_263 masked %reduce_sum3A_265 : vector<16xf32>, vector<16xi1> -> vector<16xf32>
      %reduce_sum3A_267 = vector.extract %reduce_sum3A_266[15] : f32 from vector<16xf32>
      %add3A_268 = arith.addf %reduce_sum3A_258, %reduce_sum3A_267 : f32
      %get3A_269 = arith.constant 2 : i32
      %get3A_270 = arith.index_cast %get3A_269 : i32 to index
      %get3A_271 = arith.constant 32 : index
      %get3A_272 = tpu.vector_load %arg9[%get3A_270, %get3A_271] {strides = array<i32>} : memref<3x64xf32, #tpu.memory_space<vmem>>, vector<16xf32>,
      %mul3A_273 = arith.mulf %scan3A_161#2, %get3A_272 : vector<16xf32>
      %reduce_sum3A_274 = arith.constant true
      %reduce_sum3A_275 = vector.broadcast %reduce_sum3A_274 : i1 to vector<16xi1>
      %reduce_sum3A_276 = tpu.scan <sum>, %mul3A_273 masked %reduce_sum3A_275 : vector<16xf32>, vector<16xi1> -> vector<16xf32>
      %reduce_sum3A_277 = vector.extract %reduce_sum3A_276[15] : f32 from vector<16xf32>
      %add3A_278 = arith.addf %add3A_268, %reduce_sum3A_277 : f32
      %get3A_279 = arith.constant 2 : i32
      %get3A_280 = arith.index_cast %get3A_279 : i32 to index
      %get3A_281 = arith.constant 48 : index
      %get3A_282 = tpu.vector_load %arg9[%get3A_280, %get3A_281] {strides = array<i32>} : memref<3x64xf32, #tpu.memory_space<vmem>>, vector<16xf32>,
      %mul3A_283 = arith.mulf %scan3A_161#3, %get3A_282 : vector<16xf32>
      %reduce_sum3A_284 = arith.constant true
      %reduce_sum3A_285 = vector.broadcast %reduce_sum3A_284 : i1 to vector<16xi1>
      %reduce_sum3A_286 = tpu.scan <sum>, %mul3A_283 masked %reduce_sum3A_285 : vector<16xf32>, vector<16xi1> -> vector<16xf32>
      %reduce_sum3A_287 = vector.extract %reduce_sum3A_286[15] : f32 from vector<16xf32>
      %add3A_288 = arith.addf %add3A_278, %reduce_sum3A_287 : f32
      %mul3A_289 = arith.mulf %add3A_288, %scan3A : f32
      %slice3A_290 = vector.extract_strided_slice %get3A_5 {offsets = [2], sizes = [1], strides = [1]} : vector<16xf32> to vector<1xf32>
      %squeeze3A_291 = vector.extract %slice3A_290[0] : f32 from vector<1xf32>
      %add3A_292 = arith.addf %mul3A_289, %squeeze3A_291 : f32
      %eq3A = arith.constant 0 : i32
      %eq3A_293 = vector.broadcast %eq3A : i32 to vector<16xi32>
      %eq3A_294 = arith.cmpi eq, %iota3A, %eq3A_293 : vector<16xi32>
      %eq3A_295 = arith.constant 1 : i32
      %eq3A_296 = vector.broadcast %eq3A_295 : i32 to vector<16xi32>
      %eq3A_297 = arith.cmpi eq, %iota3A, %eq3A_296 : vector<16xi32>
      %broadcast_in_dim3A_298 = vector.broadcast %add3A_249 : f32 to vector<16xf32>
      %broadcast_in_dim3A_299 = vector.broadcast %add3A_292 : f32 to vector<16xf32>
      %select_n3A = arith.select %eq3A_297, %broadcast_in_dim3A_298, %broadcast_in_dim3A_299 : vector<16xi1>, vector<16xf32>
      %broadcast_in_dim3A_300 = vector.broadcast %add3A_206 : f32 to vector<16xf32>
      %select_n3A_301 = arith.select %eq3A_294, %broadcast_in_dim3A_300, %select_n3A : vector<16xi1>, vector<16xf32>
      %mul3A_302 = arith.constant 3 : i32
      %mul3A_303 = arith.muli %mul3A_302, %add3A_166 : i32
      %add3A_304 = vector.broadcast %mul3A_303 : i32 to vector<16xi32>
      %add3A_305 = arith.addi %add3A_304, %iota3A : vector<16xi32>
      %lt3A_306 = arith.constant 3 : i32
      %lt3A_307 = vector.broadcast %lt3A_306 : i32 to vector<16xi32>
      %lt3A_308 = arith.cmpi slt, %iota3A, %lt3A_307 : vector<16xi32>
      tpu.vector_store_idx %arg11[%add3A_305], %select_n3A_301 masked %lt3A_308 : memref<384xf32, #tpu.memory_space<vmem>>[vector<16xi32>], vector<16xf32>, vector<16xi1>
      %scan3A_309 = arith.constant 0 : i32
      %scan3A_310 = arith.constant 200 : i32
      %scan3A_311 = arith.addi %scan3A_309, %scan3A_310 : i32
      %scan3A_312 = arith.constant 10 : i32
      %scan3A_313:4 = scf.for %scan3A_1484 = %scan3A_309 to %scan3A_311 step %scan3A_312 iter_args(%scan3A_1485 = %broadcast_in_dim3A_125, %scan3A_1486 = %broadcast_in_dim3A_125, %scan3A_1487 = %broadcast_in_dim3A_125, %scan3A_1488 = %broadcast_in_dim3A_125) -> (vector<16xf32>, vector<16xf32>, vector<16xf32>, vector<16xf32>)  : i32 {
        %add3A_1489 = arith.constant 200 : i32
        %add3A_1490 = arith.addi %add3A_1489, %scan3A_1484 : i32
        %get3A_1491 = arith.index_cast %add3A_1490 : i32 to index
        %get3A_1492 = arith.constant 0 : index
        %get3A_1493 = tpu.vector_load %arg8[%get3A_1491, %get3A_1492] {strides = array<i32>} : memref<1600x64xf32, #tpu.memory_space<vmem>>, vector<16xf32>,
        %add3A_1494 = arith.addf %scan3A_1485, %get3A_1493 : vector<16xf32>
        %add3A_1495 = arith.constant 200 : i32
        %add3A_1496 = arith.addi %add3A_1495, %scan3A_1484 : i32
        %get3A_1497 = arith.index_cast %add3A_1496 : i32 to index
        %get3A_1498 = arith.constant 16 : index
        %get3A_1499 = tpu.vector_load %arg8[%get3A_1497, %get3A_1498] {strides = array<i32>} : memref<1600x64xf32, #tpu.memory_space<vmem>>, vector<16xf32>,
        %add3A_1500 = arith.addf %scan3A_1486, %get3A_1499 : vector<16xf32>
        %add3A_1501 = arith.constant 200 : i32
        %add3A_1502 = arith.addi %add3A_1501, %scan3A_1484 : i32
        %get3A_1503 = arith.index_cast %add3A_1502 : i32 to index
        %get3A_1504 = arith.constant 32 : index
        %get3A_1505 = tpu.vector_load %arg8[%get3A_1503, %get3A_1504] {strides = array<i32>} : memref<1600x64xf32, #tpu.memory_space<vmem>>, vector<16xf32>,
        %add3A_1506 = arith.addf %scan3A_1487, %get3A_1505 : vector<16xf32>
        %add3A_1507 = arith.constant 200 : i32
        %add3A_1508 = arith.addi %add3A_1507, %scan3A_1484 : i32
        %get3A_1509 = arith.index_cast %add3A_1508 : i32 to index
        %get3A_1510 = arith.constant 48 : index
        %get3A_1511 = tpu.vector_load %arg8[%get3A_1509, %get3A_1510] {strides = array<i32>} : memref<1600x64xf32, #tpu.memory_space<vmem>>, vector<16xf32>,
        %add3A_1512 = arith.addf %scan3A_1488, %get3A_1511 : vector<16xf32>
        %scan3A_1513 = arith.constant 1 : i32
        %scan3A_1514 = arith.addi %scan3A_1484, %scan3A_1513 : i32
        %add3A_1515 = arith.constant 200 : i32
        %add3A_1516 = arith.addi %add3A_1515, %scan3A_1514 : i32
        %get3A_1517 = arith.index_cast %add3A_1516 : i32 to index
        %get3A_1518 = arith.constant 0 : index
        %get3A_1519 = tpu.vector_load %arg8[%get3A_1517, %get3A_1518] {strides = array<i32>} : memref<1600x64xf32, #tpu.memory_space<vmem>>, vector<16xf32>,
        %add3A_1520 = arith.addf %add3A_1494, %get3A_1519 : vector<16xf32>
        %add3A_1521 = arith.constant 200 : i32
        %add3A_1522 = arith.addi %add3A_1521, %scan3A_1514 : i32
        %get3A_1523 = arith.index_cast %add3A_1522 : i32 to index
        %get3A_1524 = arith.constant 16 : index
        %get3A_1525 = tpu.vector_load %arg8[%get3A_1523, %get3A_1524] {strides = array<i32>} : memref<1600x64xf32, #tpu.memory_space<vmem>>, vector<16xf32>,
        %add3A_1526 = arith.addf %add3A_1500, %get3A_1525 : vector<16xf32>
        %add3A_1527 = arith.constant 200 : i32
        %add3A_1528 = arith.addi %add3A_1527, %scan3A_1514 : i32
        %get3A_1529 = arith.index_cast %add3A_1528 : i32 to index
        %get3A_1530 = arith.constant 32 : index
        %get3A_1531 = tpu.vector_load %arg8[%get3A_1529, %get3A_1530] {strides = array<i32>} : memref<1600x64xf32, #tpu.memory_space<vmem>>, vector<16xf32>,
        %add3A_1532 = arith.addf %add3A_1506, %get3A_1531 : vector<16xf32>
        %add3A_1533 = arith.constant 200 : i32
        %add3A_1534 = arith.addi %add3A_1533, %scan3A_1514 : i32
        %get3A_1535 = arith.index_cast %add3A_1534 : i32 to index
        %get3A_1536 = arith.constant 48 : index
        %get3A_1537 = tpu.vector_load %arg8[%get3A_1535, %get3A_1536] {strides = array<i32>} : memref<1600x64xf32, #tpu.memory_space<vmem>>, vector<16xf32>,
        %add3A_1538 = arith.addf %add3A_1512, %get3A_1537 : vector<16xf32>
        %scan3A_1539 = arith.constant 2 : i32
        %scan3A_1540 = arith.addi %scan3A_1484, %scan3A_1539 : i32
        %add3A_1541 = arith.constant 200 : i32
        %add3A_1542 = arith.addi %add3A_1541, %scan3A_1540 : i32
        %get3A_1543 = arith.index_cast %add3A_1542 : i32 to index
        %get3A_1544 = arith.constant 0 : index
        %get3A_1545 = tpu.vector_load %arg8[%get3A_1543, %get3A_1544] {strides = array<i32>} : memref<1600x64xf32, #tpu.memory_space<vmem>>, vector<16xf32>,
        %add3A_1546 = arith.addf %add3A_1520, %get3A_1545 : vector<16xf32>
        %add3A_1547 = arith.constant 200 : i32
        %add3A_1548 = arith.addi %add3A_1547, %scan3A_1540 : i32
        %get3A_1549 = arith.index_cast %add3A_1548 : i32 to index
        %get3A_1550 = arith.constant 16 : index
        %get3A_1551 = tpu.vector_load %arg8[%get3A_1549, %get3A_1550] {strides = array<i32>} : memref<1600x64xf32, #tpu.memory_space<vmem>>, vector<16xf32>,
        %add3A_1552 = arith.addf %add3A_1526, %get3A_1551 : vector<16xf32>
        %add3A_1553 = arith.constant 200 : i32
        %add3A_1554 = arith.addi %add3A_1553, %scan3A_1540 : i32
        %get3A_1555 = arith.index_cast %add3A_1554 : i32 to index
        %get3A_1556 = arith.constant 32 : index
        %get3A_1557 = tpu.vector_load %arg8[%get3A_1555, %get3A_1556] {strides = array<i32>} : memref<1600x64xf32, #tpu.memory_space<vmem>>, vector<16xf32>,
        %add3A_1558 = arith.addf %add3A_1532, %get3A_1557 : vector<16xf32>
        %add3A_1559 = arith.constant 200 : i32
        %add3A_1560 = arith.addi %add3A_1559, %scan3A_1540 : i32
        %get3A_1561 = arith.index_cast %add3A_1560 : i32 to index
        %get3A_1562 = arith.constant 48 : index
        %get3A_1563 = tpu.vector_load %arg8[%get3A_1561, %get3A_1562] {strides = array<i32>} : memref<1600x64xf32, #tpu.memory_space<vmem>>, vector<16xf32>,
        %add3A_1564 = arith.addf %add3A_1538, %get3A_1563 : vector<16xf32>
        %scan3A_1565 = arith.constant 3 : i32
        %scan3A_1566 = arith.addi %scan3A_1484, %scan3A_1565 : i32
        %add3A_1567 = arith.constant 200 : i32
        %add3A_1568 = arith.addi %add3A_1567, %scan3A_1566 : i32
        %get3A_1569 = arith.index_cast %add3A_1568 : i32 to index
        %get3A_1570 = arith.constant 0 : index
        %get3A_1571 = tpu.vector_load %arg8[%get3A_1569, %get3A_1570] {strides = array<i32>} : memref<1600x64xf32, #tpu.memory_space<vmem>>, vector<16xf32>,
        %add3A_1572 = arith.addf %add3A_1546, %get3A_1571 : vector<16xf32>
        %add3A_1573 = arith.constant 200 : i32
        %add3A_1574 = arith.addi %add3A_1573, %scan3A_1566 : i32
        %get3A_1575 = arith.index_cast %add3A_1574 : i32 to index
        %get3A_1576 = arith.constant 16 : index
        %get3A_1577 = tpu.vector_load %arg8[%get3A_1575, %get3A_1576] {strides = array<i32>} : memref<1600x64xf32, #tpu.memory_space<vmem>>, vector<16xf32>,
        %add3A_1578 = arith.addf %add3A_1552, %get3A_1577 : vector<16xf32>
        %add3A_1579 = arith.constant 200 : i32
        %add3A_1580 = arith.addi %add3A_1579, %scan3A_1566 : i32
        %get3A_1581 = arith.index_cast %add3A_1580 : i32 to index
        %get3A_1582 = arith.constant 32 : index
        %get3A_1583 = tpu.vector_load %arg8[%get3A_1581, %get3A_1582] {strides = array<i32>} : memref<1600x64xf32, #tpu.memory_space<vmem>>, vector<16xf32>,
        %add3A_1584 = arith.addf %add3A_1558, %get3A_1583 : vector<16xf32>
        %add3A_1585 = arith.constant 200 : i32
        %add3A_1586 = arith.addi %add3A_1585, %scan3A_1566 : i32
        %get3A_1587 = arith.index_cast %add3A_1586 : i32 to index
        %get3A_1588 = arith.constant 48 : index
        %get3A_1589 = tpu.vector_load %arg8[%get3A_1587, %get3A_1588] {strides = array<i32>} : memref<1600x64xf32, #tpu.memory_space<vmem>>, vector<16xf32>,
        %add3A_1590 = arith.addf %add3A_1564, %get3A_1589 : vector<16xf32>
        %scan3A_1591 = arith.constant 4 : i32
        %scan3A_1592 = arith.addi %scan3A_1484, %scan3A_1591 : i32
        %add3A_1593 = arith.constant 200 : i32
        %add3A_1594 = arith.addi %add3A_1593, %scan3A_1592 : i32
        %get3A_1595 = arith.index_cast %add3A_1594 : i32 to index
        %get3A_1596 = arith.constant 0 : index
        %get3A_1597 = tpu.vector_load %arg8[%get3A_1595, %get3A_1596] {strides = array<i32>} : memref<1600x64xf32, #tpu.memory_space<vmem>>, vector<16xf32>,
        %add3A_1598 = arith.addf %add3A_1572, %get3A_1597 : vector<16xf32>
        %add3A_1599 = arith.constant 200 : i32
        %add3A_1600 = arith.addi %add3A_1599, %scan3A_1592 : i32
        %get3A_1601 = arith.index_cast %add3A_1600 : i32 to index
        %get3A_1602 = arith.constant 16 : index
        %get3A_1603 = tpu.vector_load %arg8[%get3A_1601, %get3A_1602] {strides = array<i32>} : memref<1600x64xf32, #tpu.memory_space<vmem>>, vector<16xf32>,
        %add3A_1604 = arith.addf %add3A_1578, %get3A_1603 : vector<16xf32>
        %add3A_1605 = arith.constant 200 : i32
        %add3A_1606 = arith.addi %add3A_1605, %scan3A_1592 : i32
        %get3A_1607 = arith.index_cast %add3A_1606 : i32 to index
        %get3A_1608 = arith.constant 32 : index
        %get3A_1609 = tpu.vector_load %arg8[%get3A_1607, %get3A_1608] {strides = array<i32>} : memref<1600x64xf32, #tpu.memory_space<vmem>>, vector<16xf32>,
        %add3A_1610 = arith.addf %add3A_1584, %get3A_1609 : vector<16xf32>
        %add3A_1611 = arith.constant 200 : i32
        %add3A_1612 = arith.addi %add3A_1611, %scan3A_1592 : i32
        %get3A_1613 = arith.index_cast %add3A_1612 : i32 to index
        %get3A_1614 = arith.constant 48 : index
        %get3A_1615 = tpu.vector_load %arg8[%get3A_1613, %get3A_1614] {strides = array<i32>} : memref<1600x64xf32, #tpu.memory_space<vmem>>, vector<16xf32>,
        %add3A_1616 = arith.addf %add3A_1590, %get3A_1615 : vector<16xf32>
        %scan3A_1617 = arith.constant 5 : i32
        %scan3A_1618 = arith.addi %scan3A_1484, %scan3A_1617 : i32
        %add3A_1619 = arith.constant 200 : i32
        %add3A_1620 = arith.addi %add3A_1619, %scan3A_1618 : i32
        %get3A_1621 = arith.index_cast %add3A_1620 : i32 to index
        %get3A_1622 = arith.constant 0 : index
        %get3A_1623 = tpu.vector_load %arg8[%get3A_1621, %get3A_1622] {strides = array<i32>} : memref<1600x64xf32, #tpu.memory_space<vmem>>, vector<16xf32>,
        %add3A_1624 = arith.addf %add3A_1598, %get3A_1623 : vector<16xf32>
        %add3A_1625 = arith.constant 200 : i32
        %add3A_1626 = arith.addi %add3A_1625, %scan3A_1618 : i32
        %get3A_1627 = arith.index_cast %add3A_1626 : i32 to index
        %get3A_1628 = arith.constant 16 : index
        %get3A_1629 = tpu.vector_load %arg8[%get3A_1627, %get3A_1628] {strides = array<i32>} : memref<1600x64xf32, #tpu.memory_space<vmem>>, vector<16xf32>,
        %add3A_1630 = arith.addf %add3A_1604, %get3A_1629 : vector<16xf32>
        %add3A_1631 = arith.constant 200 : i32
        %add3A_1632 = arith.addi %add3A_1631, %scan3A_1618 : i32
        %get3A_1633 = arith.index_cast %add3A_1632 : i32 to index
        %get3A_1634 = arith.constant 32 : index
        %get3A_1635 = tpu.vector_load %arg8[%get3A_1633, %get3A_1634] {strides = array<i32>} : memref<1600x64xf32, #tpu.memory_space<vmem>>, vector<16xf32>,
        %add3A_1636 = arith.addf %add3A_1610, %get3A_1635 : vector<16xf32>
        %add3A_1637 = arith.constant 200 : i32
        %add3A_1638 = arith.addi %add3A_1637, %scan3A_1618 : i32
        %get3A_1639 = arith.index_cast %add3A_1638 : i32 to index
        %get3A_1640 = arith.constant 48 : index
        %get3A_1641 = tpu.vector_load %arg8[%get3A_1639, %get3A_1640] {strides = array<i32>} : memref<1600x64xf32, #tpu.memory_space<vmem>>, vector<16xf32>,
        %add3A_1642 = arith.addf %add3A_1616, %get3A_1641 : vector<16xf32>
        %scan3A_1643 = arith.constant 6 : i32
        %scan3A_1644 = arith.addi %scan3A_1484, %scan3A_1643 : i32
        %add3A_1645 = arith.constant 200 : i32
        %add3A_1646 = arith.addi %add3A_1645, %scan3A_1644 : i32
        %get3A_1647 = arith.index_cast %add3A_1646 : i32 to index
        %get3A_1648 = arith.constant 0 : index
        %get3A_1649 = tpu.vector_load %arg8[%get3A_1647, %get3A_1648] {strides = array<i32>} : memref<1600x64xf32, #tpu.memory_space<vmem>>, vector<16xf32>,
        %add3A_1650 = arith.addf %add3A_1624, %get3A_1649 : vector<16xf32>
        %add3A_1651 = arith.constant 200 : i32
        %add3A_1652 = arith.addi %add3A_1651, %scan3A_1644 : i32
        %get3A_1653 = arith.index_cast %add3A_1652 : i32 to index
        %get3A_1654 = arith.constant 16 : index
        %get3A_1655 = tpu.vector_load %arg8[%get3A_1653, %get3A_1654] {strides = array<i32>} : memref<1600x64xf32, #tpu.memory_space<vmem>>, vector<16xf32>,
        %add3A_1656 = arith.addf %add3A_1630, %get3A_1655 : vector<16xf32>
        %add3A_1657 = arith.constant 200 : i32
        %add3A_1658 = arith.addi %add3A_1657, %scan3A_1644 : i32
        %get3A_1659 = arith.index_cast %add3A_1658 : i32 to index
        %get3A_1660 = arith.constant 32 : index
        %get3A_1661 = tpu.vector_load %arg8[%get3A_1659, %get3A_1660] {strides = array<i32>} : memref<1600x64xf32, #tpu.memory_space<vmem>>, vector<16xf32>,
        %add3A_1662 = arith.addf %add3A_1636, %get3A_1661 : vector<16xf32>
        %add3A_1663 = arith.constant 200 : i32
        %add3A_1664 = arith.addi %add3A_1663, %scan3A_1644 : i32
        %get3A_1665 = arith.index_cast %add3A_1664 : i32 to index
        %get3A_1666 = arith.constant 48 : index
        %get3A_1667 = tpu.vector_load %arg8[%get3A_1665, %get3A_1666] {strides = array<i32>} : memref<1600x64xf32, #tpu.memory_space<vmem>>, vector<16xf32>,
        %add3A_1668 = arith.addf %add3A_1642, %get3A_1667 : vector<16xf32>
        %scan3A_1669 = arith.constant 7 : i32
        %scan3A_1670 = arith.addi %scan3A_1484, %scan3A_1669 : i32
        %add3A_1671 = arith.constant 200 : i32
        %add3A_1672 = arith.addi %add3A_1671, %scan3A_1670 : i32
        %get3A_1673 = arith.index_cast %add3A_1672 : i32 to index
        %get3A_1674 = arith.constant 0 : index
        %get3A_1675 = tpu.vector_load %arg8[%get3A_1673, %get3A_1674] {strides = array<i32>} : memref<1600x64xf32, #tpu.memory_space<vmem>>, vector<16xf32>,
        %add3A_1676 = arith.addf %add3A_1650, %get3A_1675 : vector<16xf32>
        %add3A_1677 = arith.constant 200 : i32
        %add3A_1678 = arith.addi %add3A_1677, %scan3A_1670 : i32
        %get3A_1679 = arith.index_cast %add3A_1678 : i32 to index
        %get3A_1680 = arith.constant 16 : index
        %get3A_1681 = tpu.vector_load %arg8[%get3A_1679, %get3A_1680] {strides = array<i32>} : memref<1600x64xf32, #tpu.memory_space<vmem>>, vector<16xf32>,
        %add3A_1682 = arith.addf %add3A_1656, %get3A_1681 : vector<16xf32>
        %add3A_1683 = arith.constant 200 : i32
        %add3A_1684 = arith.addi %add3A_1683, %scan3A_1670 : i32
        %get3A_1685 = arith.index_cast %add3A_1684 : i32 to index
        %get3A_1686 = arith.constant 32 : index
        %get3A_1687 = tpu.vector_load %arg8[%get3A_1685, %get3A_1686] {strides = array<i32>} : memref<1600x64xf32, #tpu.memory_space<vmem>>, vector<16xf32>,
        %add3A_1688 = arith.addf %add3A_1662, %get3A_1687 : vector<16xf32>
        %add3A_1689 = arith.constant 200 : i32
        %add3A_1690 = arith.addi %add3A_1689, %scan3A_1670 : i32
        %get3A_1691 = arith.index_cast %add3A_1690 : i32 to index
        %get3A_1692 = arith.constant 48 : index
        %get3A_1693 = tpu.vector_load %arg8[%get3A_1691, %get3A_1692] {strides = array<i32>} : memref<1600x64xf32, #tpu.memory_space<vmem>>, vector<16xf32>,
        %add3A_1694 = arith.addf %add3A_1668, %get3A_1693 : vector<16xf32>
        %scan3A_1695 = arith.constant 8 : i32
        %scan3A_1696 = arith.addi %scan3A_1484, %scan3A_1695 : i32
        %add3A_1697 = arith.constant 200 : i32
        %add3A_1698 = arith.addi %add3A_1697, %scan3A_1696 : i32
        %get3A_1699 = arith.index_cast %add3A_1698 : i32 to index
        %get3A_1700 = arith.constant 0 : index
        %get3A_1701 = tpu.vector_load %arg8[%get3A_1699, %get3A_1700] {strides = array<i32>} : memref<1600x64xf32, #tpu.memory_space<vmem>>, vector<16xf32>,
        %add3A_1702 = arith.addf %add3A_1676, %get3A_1701 : vector<16xf32>
        %add3A_1703 = arith.constant 200 : i32
        %add3A_1704 = arith.addi %add3A_1703, %scan3A_1696 : i32
        %get3A_1705 = arith.index_cast %add3A_1704 : i32 to index
        %get3A_1706 = arith.constant 16 : index
        %get3A_1707 = tpu.vector_load %arg8[%get3A_1705, %get3A_1706] {strides = array<i32>} : memref<1600x64xf32, #tpu.memory_space<vmem>>, vector<16xf32>,
        %add3A_1708 = arith.addf %add3A_1682, %get3A_1707 : vector<16xf32>
        %add3A_1709 = arith.constant 200 : i32
        %add3A_1710 = arith.addi %add3A_1709, %scan3A_1696 : i32
        %get3A_1711 = arith.index_cast %add3A_1710 : i32 to index
        %get3A_1712 = arith.constant 32 : index
        %get3A_1713 = tpu.vector_load %arg8[%get3A_1711, %get3A_1712] {strides = array<i32>} : memref<1600x64xf32, #tpu.memory_space<vmem>>, vector<16xf32>,
        %add3A_1714 = arith.addf %add3A_1688, %get3A_1713 : vector<16xf32>
        %add3A_1715 = arith.constant 200 : i32
        %add3A_1716 = arith.addi %add3A_1715, %scan3A_1696 : i32
        %get3A_1717 = arith.index_cast %add3A_1716 : i32 to index
        %get3A_1718 = arith.constant 48 : index
        %get3A_1719 = tpu.vector_load %arg8[%get3A_1717, %get3A_1718] {strides = array<i32>} : memref<1600x64xf32, #tpu.memory_space<vmem>>, vector<16xf32>,
        %add3A_1720 = arith.addf %add3A_1694, %get3A_1719 : vector<16xf32>
        %scan3A_1721 = arith.constant 9 : i32
        %scan3A_1722 = arith.addi %scan3A_1484, %scan3A_1721 : i32
        %add3A_1723 = arith.constant 200 : i32
        %add3A_1724 = arith.addi %add3A_1723, %scan3A_1722 : i32
        %get3A_1725 = arith.index_cast %add3A_1724 : i32 to index
        %get3A_1726 = arith.constant 0 : index
        %get3A_1727 = tpu.vector_load %arg8[%get3A_1725, %get3A_1726] {strides = array<i32>} : memref<1600x64xf32, #tpu.memory_space<vmem>>, vector<16xf32>,
        %add3A_1728 = arith.addf %add3A_1702, %get3A_1727 : vector<16xf32>
        %add3A_1729 = arith.constant 200 : i32
        %add3A_1730 = arith.addi %add3A_1729, %scan3A_1722 : i32
        %get3A_1731 = arith.index_cast %add3A_1730 : i32 to index
        %get3A_1732 = arith.constant 16 : index
        %get3A_1733 = tpu.vector_load %arg8[%get3A_1731, %get3A_1732] {strides = array<i32>} : memref<1600x64xf32, #tpu.memory_space<vmem>>, vector<16xf32>,
        %add3A_1734 = arith.addf %add3A_1708, %get3A_1733 : vector<16xf32>
        %add3A_1735 = arith.constant 200 : i32
        %add3A_1736 = arith.addi %add3A_1735, %scan3A_1722 : i32
        %get3A_1737 = arith.index_cast %add3A_1736 : i32 to index
        %get3A_1738 = arith.constant 32 : index
        %get3A_1739 = tpu.vector_load %arg8[%get3A_1737, %get3A_1738] {strides = array<i32>} : memref<1600x64xf32, #tpu.memory_space<vmem>>, vector<16xf32>,
        %add3A_1740 = arith.addf %add3A_1714, %get3A_1739 : vector<16xf32>
        %add3A_1741 = arith.constant 200 : i32
        %add3A_1742 = arith.addi %add3A_1741, %scan3A_1722 : i32
        %get3A_1743 = arith.index_cast %add3A_1742 : i32 to index
        %get3A_1744 = arith.constant 48 : index
        %get3A_1745 = tpu.vector_load %arg8[%get3A_1743, %get3A_1744] {strides = array<i32>} : memref<1600x64xf32, #tpu.memory_space<vmem>>, vector<16xf32>,
        %add3A_1746 = arith.addf %add3A_1720, %get3A_1745 : vector<16xf32>
        scf.yield %add3A_1728, %add3A_1734, %add3A_1740, %add3A_1746 : vector<16xf32>, vector<16xf32>, vector<16xf32>, vector<16xf32>
      }
      %scan3A_314 = arith.constant 200 : i32
      %mul3A_315 = arith.constant 2 : i32
      %mul3A_316 = arith.muli %mul3A_315, %add3A_140 : i32
      %add3A_317 = arith.constant 1 : i32
      %add3A_318 = arith.addi %mul3A_316, %add3A_317 : i32
      %get3A_319 = arith.constant 0 : i32
      %get3A_320 = arith.index_cast %get3A_319 : i32 to index
      %get3A_321 = arith.constant 0 : index
      %get3A_322 = tpu.vector_load %arg9[%get3A_320, %get3A_321] {strides = array<i32>} : memref<3x64xf32, #tpu.memory_space<vmem>>, vector<16xf32>,
      %mul3A_323 = arith.mulf %scan3A_313#0, %get3A_322 : vector<16xf32>
      %reduce_sum3A_324 = arith.constant true
      %reduce_sum3A_325 = vector.broadcast %reduce_sum3A_324 : i1 to vector<16xi1>
      %reduce_sum3A_326 = tpu.scan <sum>, %mul3A_323 masked %reduce_sum3A_325 : vector<16xf32>, vector<16xi1> -> vector<16xf32>
      %reduce_sum3A_327 = vector.extract %reduce_sum3A_326[15] : f32 from vector<16xf32>
      %get3A_328 = arith.constant 0 : i32
      %get3A_329 = arith.index_cast %get3A_328 : i32 to index
      %get3A_330 = arith.constant 16 : index
      %get3A_331 = tpu.vector_load %arg9[%get3A_329, %get3A_330] {strides = array<i32>} : memref<3x64xf32, #tpu.memory_space<vmem>>, vector<16xf32>,
      %mul3A_332 = arith.mulf %scan3A_313#1, %get3A_331 : vector<16xf32>
      %reduce_sum3A_333 = arith.constant true
      %reduce_sum3A_334 = vector.broadcast %reduce_sum3A_333 : i1 to vector<16xi1>
      %reduce_sum3A_335 = tpu.scan <sum>, %mul3A_332 masked %reduce_sum3A_334 : vector<16xf32>, vector<16xi1> -> vector<16xf32>
      %reduce_sum3A_336 = vector.extract %reduce_sum3A_335[15] : f32 from vector<16xf32>
      %add3A_337 = arith.addf %reduce_sum3A_327, %reduce_sum3A_336 : f32
      %get3A_338 = arith.constant 0 : i32
      %get3A_339 = arith.index_cast %get3A_338 : i32 to index
      %get3A_340 = arith.constant 32 : index
      %get3A_341 = tpu.vector_load %arg9[%get3A_339, %get3A_340] {strides = array<i32>} : memref<3x64xf32, #tpu.memory_space<vmem>>, vector<16xf32>,
      %mul3A_342 = arith.mulf %scan3A_313#2, %get3A_341 : vector<16xf32>
      %reduce_sum3A_343 = arith.constant true
      %reduce_sum3A_344 = vector.broadcast %reduce_sum3A_343 : i1 to vector<16xi1>
      %reduce_sum3A_345 = tpu.scan <sum>, %mul3A_342 masked %reduce_sum3A_344 : vector<16xf32>, vector<16xi1> -> vector<16xf32>
      %reduce_sum3A_346 = vector.extract %reduce_sum3A_345[15] : f32 from vector<16xf32>
      %add3A_347 = arith.addf %add3A_337, %reduce_sum3A_346 : f32
      %get3A_348 = arith.constant 0 : i32
      %get3A_349 = arith.index_cast %get3A_348 : i32 to index
      %get3A_350 = arith.constant 48 : index
      %get3A_351 = tpu.vector_load %arg9[%get3A_349, %get3A_350] {strides = array<i32>} : memref<3x64xf32, #tpu.memory_space<vmem>>, vector<16xf32>,
      %mul3A_352 = arith.mulf %scan3A_313#3, %get3A_351 : vector<16xf32>
      %reduce_sum3A_353 = arith.constant true
      %reduce_sum3A_354 = vector.broadcast %reduce_sum3A_353 : i1 to vector<16xi1>
      %reduce_sum3A_355 = tpu.scan <sum>, %mul3A_352 masked %reduce_sum3A_354 : vector<16xf32>, vector<16xi1> -> vector<16xf32>
      %reduce_sum3A_356 = vector.extract %reduce_sum3A_355[15] : f32 from vector<16xf32>
      %add3A_357 = arith.addf %add3A_347, %reduce_sum3A_356 : f32
      %mul3A_358 = arith.mulf %add3A_357, %scan3A : f32
      %slice3A_359 = vector.extract_strided_slice %get3A_5 {offsets = [0], sizes = [1], strides = [1]} : vector<16xf32> to vector<1xf32>
      %squeeze3A_360 = vector.extract %slice3A_359[0] : f32 from vector<1xf32>
      %add3A_361 = arith.addf %mul3A_358, %squeeze3A_360 : f32
      %get3A_362 = arith.constant 1 : i32
      %get3A_363 = arith.index_cast %get3A_362 : i32 to index
      %get3A_364 = arith.constant 0 : index
      %get3A_365 = tpu.vector_load %arg9[%get3A_363, %get3A_364] {strides = array<i32>} : memref<3x64xf32, #tpu.memory_space<vmem>>, vector<16xf32>,
      %mul3A_366 = arith.mulf %scan3A_313#0, %get3A_365 : vector<16xf32>
      %reduce_sum3A_367 = arith.constant true
      %reduce_sum3A_368 = vector.broadcast %reduce_sum3A_367 : i1 to vector<16xi1>
      %reduce_sum3A_369 = tpu.scan <sum>, %mul3A_366 masked %reduce_sum3A_368 : vector<16xf32>, vector<16xi1> -> vector<16xf32>
      %reduce_sum3A_370 = vector.extract %reduce_sum3A_369[15] : f32 from vector<16xf32>
      %get3A_371 = arith.constant 1 : i32
      %get3A_372 = arith.index_cast %get3A_371 : i32 to index
      %get3A_373 = arith.constant 16 : index
      %get3A_374 = tpu.vector_load %arg9[%get3A_372, %get3A_373] {strides = array<i32>} : memref<3x64xf32, #tpu.memory_space<vmem>>, vector<16xf32>,
      %mul3A_375 = arith.mulf %scan3A_313#1, %get3A_374 : vector<16xf32>
      %reduce_sum3A_376 = arith.constant true
      %reduce_sum3A_377 = vector.broadcast %reduce_sum3A_376 : i1 to vector<16xi1>
      %reduce_sum3A_378 = tpu.scan <sum>, %mul3A_375 masked %reduce_sum3A_377 : vector<16xf32>, vector<16xi1> -> vector<16xf32>
      %reduce_sum3A_379 = vector.extract %reduce_sum3A_378[15] : f32 from vector<16xf32>
      %add3A_380 = arith.addf %reduce_sum3A_370, %reduce_sum3A_379 : f32
      %get3A_381 = arith.constant 1 : i32
      %get3A_382 = arith.index_cast %get3A_381 : i32 to index
      %get3A_383 = arith.constant 32 : index
      %get3A_384 = tpu.vector_load %arg9[%get3A_382, %get3A_383] {strides = array<i32>} : memref<3x64xf32, #tpu.memory_space<vmem>>, vector<16xf32>,
      %mul3A_385 = arith.mulf %scan3A_313#2, %get3A_384 : vector<16xf32>
      %reduce_sum3A_386 = arith.constant true
      %reduce_sum3A_387 = vector.broadcast %reduce_sum3A_386 : i1 to vector<16xi1>
      %reduce_sum3A_388 = tpu.scan <sum>, %mul3A_385 masked %reduce_sum3A_387 : vector<16xf32>, vector<16xi1> -> vector<16xf32>
      %reduce_sum3A_389 = vector.extract %reduce_sum3A_388[15] : f32 from vector<16xf32>
      %add3A_390 = arith.addf %add3A_380, %reduce_sum3A_389 : f32
      %get3A_391 = arith.constant 1 : i32
      %get3A_392 = arith.index_cast %get3A_391 : i32 to index
      %get3A_393 = arith.constant 48 : index
      %get3A_394 = tpu.vector_load %arg9[%get3A_392, %get3A_393] {strides = array<i32>} : memref<3x64xf32, #tpu.memory_space<vmem>>, vector<16xf32>,
      %mul3A_395 = arith.mulf %scan3A_313#3, %get3A_394 : vector<16xf32>
      %reduce_sum3A_396 = arith.constant true
      %reduce_sum3A_397 = vector.broadcast %reduce_sum3A_396 : i1 to vector<16xi1>
      %reduce_sum3A_398 = tpu.scan <sum>, %mul3A_395 masked %reduce_sum3A_397 : vector<16xf32>, vector<16xi1> -> vector<16xf32>
      %reduce_sum3A_399 = vector.extract %reduce_sum3A_398[15] : f32 from vector<16xf32>
      %add3A_400 = arith.addf %add3A_390, %reduce_sum3A_399 : f32
      %mul3A_401 = arith.mulf %add3A_400, %scan3A : f32
      %slice3A_402 = vector.extract_strided_slice %get3A_5 {offsets = [1], sizes = [1], strides = [1]} : vector<16xf32> to vector<1xf32>
      %squeeze3A_403 = vector.extract %slice3A_402[0] : f32 from vector<1xf32>
      %add3A_404 = arith.addf %mul3A_401, %squeeze3A_403 : f32
      %get3A_405 = arith.constant 2 : i32
      %get3A_406 = arith.index_cast %get3A_405 : i32 to index
      %get3A_407 = arith.constant 0 : index
      %get3A_408 = tpu.vector_load %arg9[%get3A_406, %get3A_407] {strides = array<i32>} : memref<3x64xf32, #tpu.memory_space<vmem>>, vector<16xf32>,
      %mul3A_409 = arith.mulf %scan3A_313#0, %get3A_408 : vector<16xf32>
      %reduce_sum3A_410 = arith.constant true
      %reduce_sum3A_411 = vector.broadcast %reduce_sum3A_410 : i1 to vector<16xi1>
      %reduce_sum3A_412 = tpu.scan <sum>, %mul3A_409 masked %reduce_sum3A_411 : vector<16xf32>, vector<16xi1> -> vector<16xf32>
      %reduce_sum3A_413 = vector.extract %reduce_sum3A_412[15] : f32 from vector<16xf32>
      %get3A_414 = arith.constant 2 : i32
      %get3A_415 = arith.index_cast %get3A_414 : i32 to index
      %get3A_416 = arith.constant 16 : index
      %get3A_417 = tpu.vector_load %arg9[%get3A_415, %get3A_416] {strides = array<i32>} : memref<3x64xf32, #tpu.memory_space<vmem>>, vector<16xf32>,
      %mul3A_418 = arith.mulf %scan3A_313#1, %get3A_417 : vector<16xf32>
      %reduce_sum3A_419 = arith.constant true
      %reduce_sum3A_420 = vector.broadcast %reduce_sum3A_419 : i1 to vector<16xi1>
      %reduce_sum3A_421 = tpu.scan <sum>, %mul3A_418 masked %reduce_sum3A_420 : vector<16xf32>, vector<16xi1> -> vector<16xf32>
      %reduce_sum3A_422 = vector.extract %reduce_sum3A_421[15] : f32 from vector<16xf32>
      %add3A_423 = arith.addf %reduce_sum3A_413, %reduce_sum3A_422 : f32
      %get3A_424 = arith.constant 2 : i32
      %get3A_425 = arith.index_cast %get3A_424 : i32 to index
      %get3A_426 = arith.constant 32 : index
      %get3A_427 = tpu.vector_load %arg9[%get3A_425, %get3A_426] {strides = array<i32>} : memref<3x64xf32, #tpu.memory_space<vmem>>, vector<16xf32>,
      %mul3A_428 = arith.mulf %scan3A_313#2, %get3A_427 : vector<16xf32>
      %reduce_sum3A_429 = arith.constant true
      %reduce_sum3A_430 = vector.broadcast %reduce_sum3A_429 : i1 to vector<16xi1>
      %reduce_sum3A_431 = tpu.scan <sum>, %mul3A_428 masked %reduce_sum3A_430 : vector<16xf32>, vector<16xi1> -> vector<16xf32>
      %reduce_sum3A_432 = vector.extract %reduce_sum3A_431[15] : f32 from vector<16xf32>
      %add3A_433 = arith.addf %add3A_423, %reduce_sum3A_432 : f32
      %get3A_434 = arith.constant 2 : i32
      %get3A_435 = arith.index_cast %get3A_434 : i32 to index
      %get3A_436 = arith.constant 48 : index
      %get3A_437 = tpu.vector_load %arg9[%get3A_435, %get3A_436] {strides = array<i32>} : memref<3x64xf32, #tpu.memory_space<vmem>>, vector<16xf32>,
      %mul3A_438 = arith.mulf %scan3A_313#3, %get3A_437 : vector<16xf32>
      %reduce_sum3A_439 = arith.constant true
      %reduce_sum3A_440 = vector.broadcast %reduce_sum3A_439 : i1 to vector<16xi1>
      %reduce_sum3A_441 = tpu.scan <sum>, %mul3A_438 masked %reduce_sum3A_440 : vector<16xf32>, vector<16xi1> -> vector<16xf32>
      %reduce_sum3A_442 = vector.extract %reduce_sum3A_441[15] : f32 from vector<16xf32>
      %add3A_443 = arith.addf %add3A_433, %reduce_sum3A_442 : f32
      %mul3A_444 = arith.mulf %add3A_443, %scan3A : f32
      %slice3A_445 = vector.extract_strided_slice %get3A_5 {offsets = [2], sizes = [1], strides = [1]} : vector<16xf32> to vector<1xf32>
      %squeeze3A_446 = vector.extract %slice3A_445[0] : f32 from vector<1xf32>
      %add3A_447 = arith.addf %mul3A_444, %squeeze3A_446 : f32
      %eq3A_448 = arith.constant 0 : i32
      %eq3A_449 = vector.broadcast %eq3A_448 : i32 to vector<16xi32>
      %eq3A_450 = arith.cmpi eq, %iota3A, %eq3A_449 : vector<16xi32>
      %eq3A_451 = arith.constant 1 : i32
      %eq3A_452 = vector.broadcast %eq3A_451 : i32 to vector<16xi32>
      %eq3A_453 = arith.cmpi eq, %iota3A, %eq3A_452 : vector<16xi32>
      %broadcast_in_dim3A_454 = vector.broadcast %add3A_404 : f32 to vector<16xf32>
      %broadcast_in_dim3A_455 = vector.broadcast %add3A_447 : f32 to vector<16xf32>
      %select_n3A_456 = arith.select %eq3A_453, %broadcast_in_dim3A_454, %broadcast_in_dim3A_455 : vector<16xi1>, vector<16xf32>
      %broadcast_in_dim3A_457 = vector.broadcast %add3A_361 : f32 to vector<16xf32>
      %select_n3A_458 = arith.select %eq3A_450, %broadcast_in_dim3A_457, %select_n3A_456 : vector<16xi1>, vector<16xf32>
      %mul3A_459 = arith.constant 3 : i32
      %mul3A_460 = arith.muli %mul3A_459, %add3A_318 : i32
      %add3A_461 = vector.broadcast %mul3A_460 : i32 to vector<16xi32>
      %add3A_462 = arith.addi %add3A_461, %iota3A : vector<16xi32>
      %lt3A_463 = arith.constant 3 : i32
      %lt3A_464 = vector.broadcast %lt3A_463 : i32 to vector<16xi32>
      %lt3A_465 = arith.cmpi slt, %iota3A, %lt3A_464 : vector<16xi32>
      tpu.vector_store_idx %arg11[%add3A_462], %select_n3A_458 masked %lt3A_465 : memref<384xf32, #tpu.memory_space<vmem>>[vector<16xi32>], vector<16xf32>, vector<16xi1>
      %mul3A_466 = arith.constant 4 : i32
      %mul3A_467 = arith.muli %scan3A_135, %mul3A_466 : i32
      %add3A_468 = arith.constant 1 : i32
      %add3A_469 = arith.addi %mul3A_467, %add3A_468 : i32
      %add3A_470 = arith.constant 4 : i32
      %add3A_471 = arith.addi %add3A_469, %add3A_470 : i32
      %sub3A_472 = arith.constant 1 : i32
      %sub3A_473 = arith.subi %add3A_471, %sub3A_472 : i32
      %lt3A_474 = arith.constant 64 : i32
      %lt3A_475 = arith.cmpi slt, %sub3A_473, %lt3A_474 : i32
      %convert_element_type3A_476 = arith.extui %lt3A_475 : i1 to i32
      %cond3A_477 = arith.constant 0 : i32
      %cond3A_478 = arith.cmpi ne, %convert_element_type3A_476, %cond3A_477 : i32
      scf.if %cond3A_478 {
        %add3A_1484 = arith.constant 4 : i32
        %add3A_1485 = arith.addi %add3A_469, %add3A_1484 : i32
        %sub3A_1486 = arith.constant 1 : i32
        %sub3A_1487 = arith.subi %add3A_1485, %sub3A_1486 : i32
        %mul3A_1488 = arith.constant 4 : i32
        %mul3A_1489 = arith.muli %mul3A_1488, %sub3A_1487 : i32
        %add3A_1490 = arith.constant 0 : i32
        %add3A_1491 = arith.addi %mul3A_1489, %add3A_1490 : i32
        %dma_start3A_1492 = arith.constant 0 : i32
        %dma_start3A_1493 = arith.constant 0 : i32
        %dma_start3A_1494 = tpu.memref_slice %arg8[%dma_start3A_1492, %dma_start3A_1493] : memref<1600x64xf32, #tpu.memory_space<vmem>> -> memref<100x64xf32, #tpu.memory_space<vmem>>
        %dma_start3A_1495 = arith.constant 0 : i32
        %dma_start3A_1496 = tpu.memref_slice %arg7[%add3A_1491, %dma_start3A_1495] : memref<256x100xi32, #tpu.memory_space<vmem>> -> memref<1x100xi32, #tpu.memory_space<vmem>>
        %dma_start3A_1497 = tpu.memref_squeeze %dma_start3A_1496 : memref<1x100xi32, #tpu.memory_space<vmem>> -> memref<100xi32, #tpu.memory_space<vmem>>
        %dma_start3A_1498 = arith.constant 0 : i32
        %dma_start3A_1499 = arith.constant 0 : i32
        %dma_start3A_1500 = tpu.memref_slice %arg3[%dma_start3A_1498, %dma_start3A_1499] : memref<1000000x64xf32, #tpu.memory_space<hbm>> -> memref<1000000x64xf32, #tpu.memory_space<hbm>>
        tpu.enqueue_indirect_dma source(%dma_start3A_1500 : memref<1000000x64xf32, #tpu.memory_space<hbm>>) target(%dma_start3A_1494 : memref<100x64xf32, #tpu.memory_space<vmem>>) offsets(%dma_start3A_1497 : memref<100xi32, #tpu.memory_space<vmem>>) semaphore(%arg12 : memref<!tpu.dma_semaphore, #tpu.memory_space<semaphore_mem>>)
        %mul3A_1501 = arith.constant 4 : i32
        %mul3A_1502 = arith.muli %mul3A_1501, %sub3A_1487 : i32
        %add3A_1503 = arith.constant 1 : i32
        %add3A_1504 = arith.addi %mul3A_1502, %add3A_1503 : i32
        %dma_start3A_1505 = arith.constant 100 : i32
        %dma_start3A_1506 = arith.constant 0 : i32
        %dma_start3A_1507 = tpu.memref_slice %arg8[%dma_start3A_1505, %dma_start3A_1506] : memref<1600x64xf32, #tpu.memory_space<vmem>> -> memref<100x64xf32, #tpu.memory_space<vmem>>
        %dma_start3A_1508 = arith.constant 0 : i32
        %dma_start3A_1509 = tpu.memref_slice %arg7[%add3A_1504, %dma_start3A_1508] : memref<256x100xi32, #tpu.memory_space<vmem>> -> memref<1x100xi32, #tpu.memory_space<vmem>>
        %dma_start3A_1510 = tpu.memref_squeeze %dma_start3A_1509 : memref<1x100xi32, #tpu.memory_space<vmem>> -> memref<100xi32, #tpu.memory_space<vmem>>
        %dma_start3A_1511 = arith.constant 0 : i32
        %dma_start3A_1512 = arith.constant 0 : i32
        %dma_start3A_1513 = tpu.memref_slice %arg3[%dma_start3A_1511, %dma_start3A_1512] : memref<1000000x64xf32, #tpu.memory_space<hbm>> -> memref<1000000x64xf32, #tpu.memory_space<hbm>>
        tpu.enqueue_indirect_dma source(%dma_start3A_1513 : memref<1000000x64xf32, #tpu.memory_space<hbm>>) target(%dma_start3A_1507 : memref<100x64xf32, #tpu.memory_space<vmem>>) offsets(%dma_start3A_1510 : memref<100xi32, #tpu.memory_space<vmem>>) semaphore(%arg12 : memref<!tpu.dma_semaphore, #tpu.memory_space<semaphore_mem>>)
        %mul3A_1514 = arith.constant 4 : i32
        %mul3A_1515 = arith.muli %mul3A_1514, %sub3A_1487 : i32
        %add3A_1516 = arith.constant 2 : i32
        %add3A_1517 = arith.addi %mul3A_1515, %add3A_1516 : i32
        %dma_start3A_1518 = arith.constant 200 : i32
        %dma_start3A_1519 = arith.constant 0 : i32
        %dma_start3A_1520 = tpu.memref_slice %arg8[%dma_start3A_1518, %dma_start3A_1519] : memref<1600x64xf32, #tpu.memory_space<vmem>> -> memref<100x64xf32, #tpu.memory_space<vmem>>
        %dma_start3A_1521 = arith.constant 0 : i32
        %dma_start3A_1522 = tpu.memref_slice %arg7[%add3A_1517, %dma_start3A_1521] : memref<256x100xi32, #tpu.memory_space<vmem>> -> memref<1x100xi32, #tpu.memory_space<vmem>>
        %dma_start3A_1523 = tpu.memref_squeeze %dma_start3A_1522 : memref<1x100xi32, #tpu.memory_space<vmem>> -> memref<100xi32, #tpu.memory_space<vmem>>
        %dma_start3A_1524 = arith.constant 0 : i32
        %dma_start3A_1525 = arith.constant 0 : i32
        %dma_start3A_1526 = tpu.memref_slice %arg3[%dma_start3A_1524, %dma_start3A_1525] : memref<1000000x64xf32, #tpu.memory_space<hbm>> -> memref<1000000x64xf32, #tpu.memory_space<hbm>>
        tpu.enqueue_indirect_dma source(%dma_start3A_1526 : memref<1000000x64xf32, #tpu.memory_space<hbm>>) target(%dma_start3A_1520 : memref<100x64xf32, #tpu.memory_space<vmem>>) offsets(%dma_start3A_1523 : memref<100xi32, #tpu.memory_space<vmem>>) semaphore(%arg12 : memref<!tpu.dma_semaphore, #tpu.memory_space<semaphore_mem>>)
        %mul3A_1527 = arith.constant 4 : i32
        %mul3A_1528 = arith.muli %mul3A_1527, %sub3A_1487 : i32
        %add3A_1529 = arith.constant 3 : i32
        %add3A_1530 = arith.addi %mul3A_1528, %add3A_1529 : i32
        %dma_start3A_1531 = arith.constant 300 : i32
        %dma_start3A_1532 = arith.constant 0 : i32
        %dma_start3A_1533 = tpu.memref_slice %arg8[%dma_start3A_1531, %dma_start3A_1532] : memref<1600x64xf32, #tpu.memory_space<vmem>> -> memref<100x64xf32, #tpu.memory_space<vmem>>
        %dma_start3A_1534 = arith.constant 0 : i32
        %dma_start3A_1535 = tpu.memref_slice %arg7[%add3A_1530, %dma_start3A_1534] : memref<256x100xi32, #tpu.memory_space<vmem>> -> memref<1x100xi32, #tpu.memory_space<vmem>>
        %dma_start3A_1536 = tpu.memref_squeeze %dma_start3A_1535 : memref<1x100xi32, #tpu.memory_space<vmem>> -> memref<100xi32, #tpu.memory_space<vmem>>
        %dma_start3A_1537 = arith.constant 0 : i32
        %dma_start3A_1538 = arith.constant 0 : i32
        %dma_start3A_1539 = tpu.memref_slice %arg3[%dma_start3A_1537, %dma_start3A_1538] : memref<1000000x64xf32, #tpu.memory_space<hbm>> -> memref<1000000x64xf32, #tpu.memory_space<hbm>>
        tpu.enqueue_indirect_dma source(%dma_start3A_1539 : memref<1000000x64xf32, #tpu.memory_space<hbm>>) target(%dma_start3A_1533 : memref<100x64xf32, #tpu.memory_space<vmem>>) offsets(%dma_start3A_1536 : memref<100xi32, #tpu.memory_space<vmem>>) semaphore(%arg12 : memref<!tpu.dma_semaphore, #tpu.memory_space<semaphore_mem>>)
      } else {
      }
      %dma_wait3A_479 = arith.constant 400 : i32
      %dma_wait3A_480 = arith.constant 0 : i32
      %dma_wait3A_481 = tpu.memref_slice %arg8[%dma_wait3A_479, %dma_wait3A_480] : memref<1600x64xf32, #tpu.memory_space<vmem>> -> memref<400x64xf32, #tpu.memory_space<vmem>>
      %dma_wait3A_482 = arith.constant 0 : i32
      %dma_wait3A_483 = arith.constant 0 : i32
      %dma_wait3A_484 = tpu.memref_slice %arg3[%dma_wait3A_482, %dma_wait3A_483] : memref<1000000x64xf32, #tpu.memory_space<hbm>> -> memref<400x64xf32, #tpu.memory_space<hbm>>
      %dma_wait3A_485 = arith.constant 400 : i32
      %dma_wait3A_486 = arith.constant 0 : i32
      %dma_wait3A_487 = tpu.memref_slice %arg8[%dma_wait3A_485, %dma_wait3A_486] : memref<1600x64xf32, #tpu.memory_space<vmem>> -> memref<400x64xf32, #tpu.memory_space<vmem>>
      %dma_wait3A_488 = arith.constant 0 : i32
      %dma_wait3A_489 = arith.constant 0 : i32
      %dma_wait3A_490 = tpu.memref_slice %arg3[%dma_wait3A_488, %dma_wait3A_489] : memref<1000000x64xf32, #tpu.memory_space<hbm>> -> memref<400x64xf32, #tpu.memory_space<hbm>>
      tpu.wait_dma2 semaphore(%arg13 : memref<!tpu.dma_semaphore, #tpu.memory_space<semaphore_mem>>) src(%dma_wait3A_490 : memref<400x64xf32, #tpu.memory_space<hbm>>) dst(%dma_wait3A_487 : memref<400x64xf32, #tpu.memory_space<vmem>>)
      %scan3A_491 = arith.constant 0 : i32
      %scan3A_492 = arith.constant 200 : i32
      %scan3A_493 = arith.addi %scan3A_491, %scan3A_492 : i32
      %scan3A_494 = arith.constant 10 : i32
      %scan3A_495:4 = scf.for %scan3A_1484 = %scan3A_491 to %scan3A_493 step %scan3A_494 iter_args(%scan3A_1485 = %broadcast_in_dim3A_125, %scan3A_1486 = %broadcast_in_dim3A_125, %scan3A_1487 = %broadcast_in_dim3A_125, %scan3A_1488 = %broadcast_in_dim3A_125) -> (vector<16xf32>, vector<16xf32>, vector<16xf32>, vector<16xf32>)  : i32 {
        %add3A_1489 = arith.constant 400 : i32
        %add3A_1490 = arith.addi %add3A_1489, %scan3A_1484 : i32
        %get3A_1491 = arith.index_cast %add3A_1490 : i32 to index
        %get3A_1492 = arith.constant 0 : index
        %get3A_1493 = tpu.vector_load %arg8[%get3A_1491, %get3A_1492] {strides = array<i32>} : memref<1600x64xf32, #tpu.memory_space<vmem>>, vector<16xf32>,
        %add3A_1494 = arith.addf %scan3A_1485, %get3A_1493 : vector<16xf32>
        %add3A_1495 = arith.constant 400 : i32
        %add3A_1496 = arith.addi %add3A_1495, %scan3A_1484 : i32
        %get3A_1497 = arith.index_cast %add3A_1496 : i32 to index
        %get3A_1498 = arith.constant 16 : index
        %get3A_1499 = tpu.vector_load %arg8[%get3A_1497, %get3A_1498] {strides = array<i32>} : memref<1600x64xf32, #tpu.memory_space<vmem>>, vector<16xf32>,
        %add3A_1500 = arith.addf %scan3A_1486, %get3A_1499 : vector<16xf32>
        %add3A_1501 = arith.constant 400 : i32
        %add3A_1502 = arith.addi %add3A_1501, %scan3A_1484 : i32
        %get3A_1503 = arith.index_cast %add3A_1502 : i32 to index
        %get3A_1504 = arith.constant 32 : index
        %get3A_1505 = tpu.vector_load %arg8[%get3A_1503, %get3A_1504] {strides = array<i32>} : memref<1600x64xf32, #tpu.memory_space<vmem>>, vector<16xf32>,
        %add3A_1506 = arith.addf %scan3A_1487, %get3A_1505 : vector<16xf32>
        %add3A_1507 = arith.constant 400 : i32
        %add3A_1508 = arith.addi %add3A_1507, %scan3A_1484 : i32
        %get3A_1509 = arith.index_cast %add3A_1508 : i32 to index
        %get3A_1510 = arith.constant 48 : index
        %get3A_1511 = tpu.vector_load %arg8[%get3A_1509, %get3A_1510] {strides = array<i32>} : memref<1600x64xf32, #tpu.memory_space<vmem>>, vector<16xf32>,
        %add3A_1512 = arith.addf %scan3A_1488, %get3A_1511 : vector<16xf32>
        %scan3A_1513 = arith.constant 1 : i32
        %scan3A_1514 = arith.addi %scan3A_1484, %scan3A_1513 : i32
        %add3A_1515 = arith.constant 400 : i32
        %add3A_1516 = arith.addi %add3A_1515, %scan3A_1514 : i32
        %get3A_1517 = arith.index_cast %add3A_1516 : i32 to index
        %get3A_1518 = arith.constant 0 : index
        %get3A_1519 = tpu.vector_load %arg8[%get3A_1517, %get3A_1518] {strides = array<i32>} : memref<1600x64xf32, #tpu.memory_space<vmem>>, vector<16xf32>,
        %add3A_1520 = arith.addf %add3A_1494, %get3A_1519 : vector<16xf32>
        %add3A_1521 = arith.constant 400 : i32
        %add3A_1522 = arith.addi %add3A_1521, %scan3A_1514 : i32
        %get3A_1523 = arith.index_cast %add3A_1522 : i32 to index
        %get3A_1524 = arith.constant 16 : index
        %get3A_1525 = tpu.vector_load %arg8[%get3A_1523, %get3A_1524] {strides = array<i32>} : memref<1600x64xf32, #tpu.memory_space<vmem>>, vector<16xf32>,
        %add3A_1526 = arith.addf %add3A_1500, %get3A_1525 : vector<16xf32>
        %add3A_1527 = arith.constant 400 : i32
        %add3A_1528 = arith.addi %add3A_1527, %scan3A_1514 : i32
        %get3A_1529 = arith.index_cast %add3A_1528 : i32 to index
        %get3A_1530 = arith.constant 32 : index
        %get3A_1531 = tpu.vector_load %arg8[%get3A_1529, %get3A_1530] {strides = array<i32>} : memref<1600x64xf32, #tpu.memory_space<vmem>>, vector<16xf32>,
        %add3A_1532 = arith.addf %add3A_1506, %get3A_1531 : vector<16xf32>
        %add3A_1533 = arith.constant 400 : i32
        %add3A_1534 = arith.addi %add3A_1533, %scan3A_1514 : i32
        %get3A_1535 = arith.index_cast %add3A_1534 : i32 to index
        %get3A_1536 = arith.constant 48 : index
        %get3A_1537 = tpu.vector_load %arg8[%get3A_1535, %get3A_1536] {strides = array<i32>} : memref<1600x64xf32, #tpu.memory_space<vmem>>, vector<16xf32>,
        %add3A_1538 = arith.addf %add3A_1512, %get3A_1537 : vector<16xf32>
        %scan3A_1539 = arith.constant 2 : i32
        %scan3A_1540 = arith.addi %scan3A_1484, %scan3A_1539 : i32
        %add3A_1541 = arith.constant 400 : i32
        %add3A_1542 = arith.addi %add3A_1541, %scan3A_1540 : i32
        %get3A_1543 = arith.index_cast %add3A_1542 : i32 to index
        %get3A_1544 = arith.constant 0 : index
        %get3A_1545 = tpu.vector_load %arg8[%get3A_1543, %get3A_1544] {strides = array<i32>} : memref<1600x64xf32, #tpu.memory_space<vmem>>, vector<16xf32>,
        %add3A_1546 = arith.addf %add3A_1520, %get3A_1545 : vector<16xf32>
        %add3A_1547 = arith.constant 400 : i32
        %add3A_1548 = arith.addi %add3A_1547, %scan3A_1540 : i32
        %get3A_1549 = arith.index_cast %add3A_1548 : i32 to index
        %get3A_1550 = arith.constant 16 : index
        %get3A_1551 = tpu.vector_load %arg8[%get3A_1549, %get3A_1550] {strides = array<i32>} : memref<1600x64xf32, #tpu.memory_space<vmem>>, vector<16xf32>,
        %add3A_1552 = arith.addf %add3A_1526, %get3A_1551 : vector<16xf32>
        %add3A_1553 = arith.constant 400 : i32
        %add3A_1554 = arith.addi %add3A_1553, %scan3A_1540 : i32
        %get3A_1555 = arith.index_cast %add3A_1554 : i32 to index
        %get3A_1556 = arith.constant 32 : index
        %get3A_1557 = tpu.vector_load %arg8[%get3A_1555, %get3A_1556] {strides = array<i32>} : memref<1600x64xf32, #tpu.memory_space<vmem>>, vector<16xf32>,
        %add3A_1558 = arith.addf %add3A_1532, %get3A_1557 : vector<16xf32>
        %add3A_1559 = arith.constant 400 : i32
        %add3A_1560 = arith.addi %add3A_1559, %scan3A_1540 : i32
        %get3A_1561 = arith.index_cast %add3A_1560 : i32 to index
        %get3A_1562 = arith.constant 48 : index
        %get3A_1563 = tpu.vector_load %arg8[%get3A_1561, %get3A_1562] {strides = array<i32>} : memref<1600x64xf32, #tpu.memory_space<vmem>>, vector<16xf32>,
        %add3A_1564 = arith.addf %add3A_1538, %get3A_1563 : vector<16xf32>
        %scan3A_1565 = arith.constant 3 : i32
        %scan3A_1566 = arith.addi %scan3A_1484, %scan3A_1565 : i32
        %add3A_1567 = arith.constant 400 : i32
        %add3A_1568 = arith.addi %add3A_1567, %scan3A_1566 : i32
        %get3A_1569 = arith.index_cast %add3A_1568 : i32 to index
        %get3A_1570 = arith.constant 0 : index
        %get3A_1571 = tpu.vector_load %arg8[%get3A_1569, %get3A_1570] {strides = array<i32>} : memref<1600x64xf32, #tpu.memory_space<vmem>>, vector<16xf32>,
        %add3A_1572 = arith.addf %add3A_1546, %get3A_1571 : vector<16xf32>
        %add3A_1573 = arith.constant 400 : i32
        %add3A_1574 = arith.addi %add3A_1573, %scan3A_1566 : i32
        %get3A_1575 = arith.index_cast %add3A_1574 : i32 to index
        %get3A_1576 = arith.constant 16 : index
        %get3A_1577 = tpu.vector_load %arg8[%get3A_1575, %get3A_1576] {strides = array<i32>} : memref<1600x64xf32, #tpu.memory_space<vmem>>, vector<16xf32>,
        %add3A_1578 = arith.addf %add3A_1552, %get3A_1577 : vector<16xf32>
        %add3A_1579 = arith.constant 400 : i32
        %add3A_1580 = arith.addi %add3A_1579, %scan3A_1566 : i32
        %get3A_1581 = arith.index_cast %add3A_1580 : i32 to index
        %get3A_1582 = arith.constant 32 : index
        %get3A_1583 = tpu.vector_load %arg8[%get3A_1581, %get3A_1582] {strides = array<i32>} : memref<1600x64xf32, #tpu.memory_space<vmem>>, vector<16xf32>,
        %add3A_1584 = arith.addf %add3A_1558, %get3A_1583 : vector<16xf32>
        %add3A_1585 = arith.constant 400 : i32
        %add3A_1586 = arith.addi %add3A_1585, %scan3A_1566 : i32
        %get3A_1587 = arith.index_cast %add3A_1586 : i32 to index
        %get3A_1588 = arith.constant 48 : index
        %get3A_1589 = tpu.vector_load %arg8[%get3A_1587, %get3A_1588] {strides = array<i32>} : memref<1600x64xf32, #tpu.memory_space<vmem>>, vector<16xf32>,
        %add3A_1590 = arith.addf %add3A_1564, %get3A_1589 : vector<16xf32>
        %scan3A_1591 = arith.constant 4 : i32
        %scan3A_1592 = arith.addi %scan3A_1484, %scan3A_1591 : i32
        %add3A_1593 = arith.constant 400 : i32
        %add3A_1594 = arith.addi %add3A_1593, %scan3A_1592 : i32
        %get3A_1595 = arith.index_cast %add3A_1594 : i32 to index
        %get3A_1596 = arith.constant 0 : index
        %get3A_1597 = tpu.vector_load %arg8[%get3A_1595, %get3A_1596] {strides = array<i32>} : memref<1600x64xf32, #tpu.memory_space<vmem>>, vector<16xf32>,
        %add3A_1598 = arith.addf %add3A_1572, %get3A_1597 : vector<16xf32>
        %add3A_1599 = arith.constant 400 : i32
        %add3A_1600 = arith.addi %add3A_1599, %scan3A_1592 : i32
        %get3A_1601 = arith.index_cast %add3A_1600 : i32 to index
        %get3A_1602 = arith.constant 16 : index
        %get3A_1603 = tpu.vector_load %arg8[%get3A_1601, %get3A_1602] {strides = array<i32>} : memref<1600x64xf32, #tpu.memory_space<vmem>>, vector<16xf32>,
        %add3A_1604 = arith.addf %add3A_1578, %get3A_1603 : vector<16xf32>
        %add3A_1605 = arith.constant 400 : i32
        %add3A_1606 = arith.addi %add3A_1605, %scan3A_1592 : i32
        %get3A_1607 = arith.index_cast %add3A_1606 : i32 to index
        %get3A_1608 = arith.constant 32 : index
        %get3A_1609 = tpu.vector_load %arg8[%get3A_1607, %get3A_1608] {strides = array<i32>} : memref<1600x64xf32, #tpu.memory_space<vmem>>, vector<16xf32>,
        %add3A_1610 = arith.addf %add3A_1584, %get3A_1609 : vector<16xf32>
        %add3A_1611 = arith.constant 400 : i32
        %add3A_1612 = arith.addi %add3A_1611, %scan3A_1592 : i32
        %get3A_1613 = arith.index_cast %add3A_1612 : i32 to index
        %get3A_1614 = arith.constant 48 : index
        %get3A_1615 = tpu.vector_load %arg8[%get3A_1613, %get3A_1614] {strides = array<i32>} : memref<1600x64xf32, #tpu.memory_space<vmem>>, vector<16xf32>,
        %add3A_1616 = arith.addf %add3A_1590, %get3A_1615 : vector<16xf32>
        %scan3A_1617 = arith.constant 5 : i32
        %scan3A_1618 = arith.addi %scan3A_1484, %scan3A_1617 : i32
        %add3A_1619 = arith.constant 400 : i32
        %add3A_1620 = arith.addi %add3A_1619, %scan3A_1618 : i32
        %get3A_1621 = arith.index_cast %add3A_1620 : i32 to index
        %get3A_1622 = arith.constant 0 : index
        %get3A_1623 = tpu.vector_load %arg8[%get3A_1621, %get3A_1622] {strides = array<i32>} : memref<1600x64xf32, #tpu.memory_space<vmem>>, vector<16xf32>,
        %add3A_1624 = arith.addf %add3A_1598, %get3A_1623 : vector<16xf32>
        %add3A_1625 = arith.constant 400 : i32
        %add3A_1626 = arith.addi %add3A_1625, %scan3A_1618 : i32
        %get3A_1627 = arith.index_cast %add3A_1626 : i32 to index
        %get3A_1628 = arith.constant 16 : index
        %get3A_1629 = tpu.vector_load %arg8[%get3A_1627, %get3A_1628] {strides = array<i32>} : memref<1600x64xf32, #tpu.memory_space<vmem>>, vector<16xf32>,
        %add3A_1630 = arith.addf %add3A_1604, %get3A_1629 : vector<16xf32>
        %add3A_1631 = arith.constant 400 : i32
        %add3A_1632 = arith.addi %add3A_1631, %scan3A_1618 : i32
        %get3A_1633 = arith.index_cast %add3A_1632 : i32 to index
        %get3A_1634 = arith.constant 32 : index
        %get3A_1635 = tpu.vector_load %arg8[%get3A_1633, %get3A_1634] {strides = array<i32>} : memref<1600x64xf32, #tpu.memory_space<vmem>>, vector<16xf32>,
        %add3A_1636 = arith.addf %add3A_1610, %get3A_1635 : vector<16xf32>
        %add3A_1637 = arith.constant 400 : i32
        %add3A_1638 = arith.addi %add3A_1637, %scan3A_1618 : i32
        %get3A_1639 = arith.index_cast %add3A_1638 : i32 to index
        %get3A_1640 = arith.constant 48 : index
        %get3A_1641 = tpu.vector_load %arg8[%get3A_1639, %get3A_1640] {strides = array<i32>} : memref<1600x64xf32, #tpu.memory_space<vmem>>, vector<16xf32>,
        %add3A_1642 = arith.addf %add3A_1616, %get3A_1641 : vector<16xf32>
        %scan3A_1643 = arith.constant 6 : i32
        %scan3A_1644 = arith.addi %scan3A_1484, %scan3A_1643 : i32
        %add3A_1645 = arith.constant 400 : i32
        %add3A_1646 = arith.addi %add3A_1645, %scan3A_1644 : i32
        %get3A_1647 = arith.index_cast %add3A_1646 : i32 to index
        %get3A_1648 = arith.constant 0 : index
        %get3A_1649 = tpu.vector_load %arg8[%get3A_1647, %get3A_1648] {strides = array<i32>} : memref<1600x64xf32, #tpu.memory_space<vmem>>, vector<16xf32>,
        %add3A_1650 = arith.addf %add3A_1624, %get3A_1649 : vector<16xf32>
        %add3A_1651 = arith.constant 400 : i32
        %add3A_1652 = arith.addi %add3A_1651, %scan3A_1644 : i32
        %get3A_1653 = arith.index_cast %add3A_1652 : i32 to index
        %get3A_1654 = arith.constant 16 : index
        %get3A_1655 = tpu.vector_load %arg8[%get3A_1653, %get3A_1654] {strides = array<i32>} : memref<1600x64xf32, #tpu.memory_space<vmem>>, vector<16xf32>,
        %add3A_1656 = arith.addf %add3A_1630, %get3A_1655 : vector<16xf32>
        %add3A_1657 = arith.constant 400 : i32
        %add3A_1658 = arith.addi %add3A_1657, %scan3A_1644 : i32
        %get3A_1659 = arith.index_cast %add3A_1658 : i32 to index
        %get3A_1660 = arith.constant 32 : index
        %get3A_1661 = tpu.vector_load %arg8[%get3A_1659, %get3A_1660] {strides = array<i32>} : memref<1600x64xf32, #tpu.memory_space<vmem>>, vector<16xf32>,
        %add3A_1662 = arith.addf %add3A_1636, %get3A_1661 : vector<16xf32>
        %add3A_1663 = arith.constant 400 : i32
        %add3A_1664 = arith.addi %add3A_1663, %scan3A_1644 : i32
        %get3A_1665 = arith.index_cast %add3A_1664 : i32 to index
        %get3A_1666 = arith.constant 48 : index
        %get3A_1667 = tpu.vector_load %arg8[%get3A_1665, %get3A_1666] {strides = array<i32>} : memref<1600x64xf32, #tpu.memory_space<vmem>>, vector<16xf32>,
        %add3A_1668 = arith.addf %add3A_1642, %get3A_1667 : vector<16xf32>
        %scan3A_1669 = arith.constant 7 : i32
        %scan3A_1670 = arith.addi %scan3A_1484, %scan3A_1669 : i32
        %add3A_1671 = arith.constant 400 : i32
        %add3A_1672 = arith.addi %add3A_1671, %scan3A_1670 : i32
        %get3A_1673 = arith.index_cast %add3A_1672 : i32 to index
        %get3A_1674 = arith.constant 0 : index
        %get3A_1675 = tpu.vector_load %arg8[%get3A_1673, %get3A_1674] {strides = array<i32>} : memref<1600x64xf32, #tpu.memory_space<vmem>>, vector<16xf32>,
        %add3A_1676 = arith.addf %add3A_1650, %get3A_1675 : vector<16xf32>
        %add3A_1677 = arith.constant 400 : i32
        %add3A_1678 = arith.addi %add3A_1677, %scan3A_1670 : i32
        %get3A_1679 = arith.index_cast %add3A_1678 : i32 to index
        %get3A_1680 = arith.constant 16 : index
        %get3A_1681 = tpu.vector_load %arg8[%get3A_1679, %get3A_1680] {strides = array<i32>} : memref<1600x64xf32, #tpu.memory_space<vmem>>, vector<16xf32>,
        %add3A_1682 = arith.addf %add3A_1656, %get3A_1681 : vector<16xf32>
        %add3A_1683 = arith.constant 400 : i32
        %add3A_1684 = arith.addi %add3A_1683, %scan3A_1670 : i32
        %get3A_1685 = arith.index_cast %add3A_1684 : i32 to index
        %get3A_1686 = arith.constant 32 : index
        %get3A_1687 = tpu.vector_load %arg8[%get3A_1685, %get3A_1686] {strides = array<i32>} : memref<1600x64xf32, #tpu.memory_space<vmem>>, vector<16xf32>,
        %add3A_1688 = arith.addf %add3A_1662, %get3A_1687 : vector<16xf32>
        %add3A_1689 = arith.constant 400 : i32
        %add3A_1690 = arith.addi %add3A_1689, %scan3A_1670 : i32
        %get3A_1691 = arith.index_cast %add3A_1690 : i32 to index
        %get3A_1692 = arith.constant 48 : index
        %get3A_1693 = tpu.vector_load %arg8[%get3A_1691, %get3A_1692] {strides = array<i32>} : memref<1600x64xf32, #tpu.memory_space<vmem>>, vector<16xf32>,
        %add3A_1694 = arith.addf %add3A_1668, %get3A_1693 : vector<16xf32>
        %scan3A_1695 = arith.constant 8 : i32
        %scan3A_1696 = arith.addi %scan3A_1484, %scan3A_1695 : i32
        %add3A_1697 = arith.constant 400 : i32
        %add3A_1698 = arith.addi %add3A_1697, %scan3A_1696 : i32
        %get3A_1699 = arith.index_cast %add3A_1698 : i32 to index
        %get3A_1700 = arith.constant 0 : index
        %get3A_1701 = tpu.vector_load %arg8[%get3A_1699, %get3A_1700] {strides = array<i32>} : memref<1600x64xf32, #tpu.memory_space<vmem>>, vector<16xf32>,
        %add3A_1702 = arith.addf %add3A_1676, %get3A_1701 : vector<16xf32>
        %add3A_1703 = arith.constant 400 : i32
        %add3A_1704 = arith.addi %add3A_1703, %scan3A_1696 : i32
        %get3A_1705 = arith.index_cast %add3A_1704 : i32 to index
        %get3A_1706 = arith.constant 16 : index
        %get3A_1707 = tpu.vector_load %arg8[%get3A_1705, %get3A_1706] {strides = array<i32>} : memref<1600x64xf32, #tpu.memory_space<vmem>>, vector<16xf32>,
        %add3A_1708 = arith.addf %add3A_1682, %get3A_1707 : vector<16xf32>
        %add3A_1709 = arith.constant 400 : i32
        %add3A_1710 = arith.addi %add3A_1709, %scan3A_1696 : i32
        %get3A_1711 = arith.index_cast %add3A_1710 : i32 to index
        %get3A_1712 = arith.constant 32 : index
        %get3A_1713 = tpu.vector_load %arg8[%get3A_1711, %get3A_1712] {strides = array<i32>} : memref<1600x64xf32, #tpu.memory_space<vmem>>, vector<16xf32>,
        %add3A_1714 = arith.addf %add3A_1688, %get3A_1713 : vector<16xf32>
        %add3A_1715 = arith.constant 400 : i32
        %add3A_1716 = arith.addi %add3A_1715, %scan3A_1696 : i32
        %get3A_1717 = arith.index_cast %add3A_1716 : i32 to index
        %get3A_1718 = arith.constant 48 : index
        %get3A_1719 = tpu.vector_load %arg8[%get3A_1717, %get3A_1718] {strides = array<i32>} : memref<1600x64xf32, #tpu.memory_space<vmem>>, vector<16xf32>,
        %add3A_1720 = arith.addf %add3A_1694, %get3A_1719 : vector<16xf32>
        %scan3A_1721 = arith.constant 9 : i32
        %scan3A_1722 = arith.addi %scan3A_1484, %scan3A_1721 : i32
        %add3A_1723 = arith.constant 400 : i32
        %add3A_1724 = arith.addi %add3A_1723, %scan3A_1722 : i32
        %get3A_1725 = arith.index_cast %add3A_1724 : i32 to index
        %get3A_1726 = arith.constant 0 : index
        %get3A_1727 = tpu.vector_load %arg8[%get3A_1725, %get3A_1726] {strides = array<i32>} : memref<1600x64xf32, #tpu.memory_space<vmem>>, vector<16xf32>,
        %add3A_1728 = arith.addf %add3A_1702, %get3A_1727 : vector<16xf32>
        %add3A_1729 = arith.constant 400 : i32
        %add3A_1730 = arith.addi %add3A_1729, %scan3A_1722 : i32
        %get3A_1731 = arith.index_cast %add3A_1730 : i32 to index
        %get3A_1732 = arith.constant 16 : index
        %get3A_1733 = tpu.vector_load %arg8[%get3A_1731, %get3A_1732] {strides = array<i32>} : memref<1600x64xf32, #tpu.memory_space<vmem>>, vector<16xf32>,
        %add3A_1734 = arith.addf %add3A_1708, %get3A_1733 : vector<16xf32>
        %add3A_1735 = arith.constant 400 : i32
        %add3A_1736 = arith.addi %add3A_1735, %scan3A_1722 : i32
        %get3A_1737 = arith.index_cast %add3A_1736 : i32 to index
        %get3A_1738 = arith.constant 32 : index
        %get3A_1739 = tpu.vector_load %arg8[%get3A_1737, %get3A_1738] {strides = array<i32>} : memref<1600x64xf32, #tpu.memory_space<vmem>>, vector<16xf32>,
        %add3A_1740 = arith.addf %add3A_1714, %get3A_1739 : vector<16xf32>
        %add3A_1741 = arith.constant 400 : i32
        %add3A_1742 = arith.addi %add3A_1741, %scan3A_1722 : i32
        %get3A_1743 = arith.index_cast %add3A_1742 : i32 to index
        %get3A_1744 = arith.constant 48 : index
        %get3A_1745 = tpu.vector_load %arg8[%get3A_1743, %get3A_1744] {strides = array<i32>} : memref<1600x64xf32, #tpu.memory_space<vmem>>, vector<16xf32>,
        %add3A_1746 = arith.addf %add3A_1720, %get3A_1745 : vector<16xf32>
        scf.yield %add3A_1728, %add3A_1734, %add3A_1740, %add3A_1746 : vector<16xf32>, vector<16xf32>, vector<16xf32>, vector<16xf32>
      }
      %scan3A_496 = arith.constant 200 : i32
      %mul3A_497 = arith.constant 2 : i32
      %mul3A_498 = arith.muli %mul3A_497, %add3A_469 : i32
      %add3A_499 = arith.constant 0 : i32
      %add3A_500 = arith.addi %mul3A_498, %add3A_499 : i32
      %get3A_501 = arith.constant 0 : i32
      %get3A_502 = arith.index_cast %get3A_501 : i32 to index
      %get3A_503 = arith.constant 0 : index
      %get3A_504 = tpu.vector_load %arg9[%get3A_502, %get3A_503] {strides = array<i32>} : memref<3x64xf32, #tpu.memory_space<vmem>>, vector<16xf32>,
      %mul3A_505 = arith.mulf %scan3A_495#0, %get3A_504 : vector<16xf32>
      %reduce_sum3A_506 = arith.constant true
      %reduce_sum3A_507 = vector.broadcast %reduce_sum3A_506 : i1 to vector<16xi1>
      %reduce_sum3A_508 = tpu.scan <sum>, %mul3A_505 masked %reduce_sum3A_507 : vector<16xf32>, vector<16xi1> -> vector<16xf32>
      %reduce_sum3A_509 = vector.extract %reduce_sum3A_508[15] : f32 from vector<16xf32>
      %get3A_510 = arith.constant 0 : i32
      %get3A_511 = arith.index_cast %get3A_510 : i32 to index
      %get3A_512 = arith.constant 16 : index
      %get3A_513 = tpu.vector_load %arg9[%get3A_511, %get3A_512] {strides = array<i32>} : memref<3x64xf32, #tpu.memory_space<vmem>>, vector<16xf32>,
      %mul3A_514 = arith.mulf %scan3A_495#1, %get3A_513 : vector<16xf32>
      %reduce_sum3A_515 = arith.constant true
      %reduce_sum3A_516 = vector.broadcast %reduce_sum3A_515 : i1 to vector<16xi1>
      %reduce_sum3A_517 = tpu.scan <sum>, %mul3A_514 masked %reduce_sum3A_516 : vector<16xf32>, vector<16xi1> -> vector<16xf32>
      %reduce_sum3A_518 = vector.extract %reduce_sum3A_517[15] : f32 from vector<16xf32>
      %add3A_519 = arith.addf %reduce_sum3A_509, %reduce_sum3A_518 : f32
      %get3A_520 = arith.constant 0 : i32
      %get3A_521 = arith.index_cast %get3A_520 : i32 to index
      %get3A_522 = arith.constant 32 : index
      %get3A_523 = tpu.vector_load %arg9[%get3A_521, %get3A_522] {strides = array<i32>} : memref<3x64xf32, #tpu.memory_space<vmem>>, vector<16xf32>,
      %mul3A_524 = arith.mulf %scan3A_495#2, %get3A_523 : vector<16xf32>
      %reduce_sum3A_525 = arith.constant true
      %reduce_sum3A_526 = vector.broadcast %reduce_sum3A_525 : i1 to vector<16xi1>
      %reduce_sum3A_527 = tpu.scan <sum>, %mul3A_524 masked %reduce_sum3A_526 : vector<16xf32>, vector<16xi1> -> vector<16xf32>
      %reduce_sum3A_528 = vector.extract %reduce_sum3A_527[15] : f32 from vector<16xf32>
      %add3A_529 = arith.addf %add3A_519, %reduce_sum3A_528 : f32
      %get3A_530 = arith.constant 0 : i32
      %get3A_531 = arith.index_cast %get3A_530 : i32 to index
      %get3A_532 = arith.constant 48 : index
      %get3A_533 = tpu.vector_load %arg9[%get3A_531, %get3A_532] {strides = array<i32>} : memref<3x64xf32, #tpu.memory_space<vmem>>, vector<16xf32>,
      %mul3A_534 = arith.mulf %scan3A_495#3, %get3A_533 : vector<16xf32>
      %reduce_sum3A_535 = arith.constant true
      %reduce_sum3A_536 = vector.broadcast %reduce_sum3A_535 : i1 to vector<16xi1>
      %reduce_sum3A_537 = tpu.scan <sum>, %mul3A_534 masked %reduce_sum3A_536 : vector<16xf32>, vector<16xi1> -> vector<16xf32>
      %reduce_sum3A_538 = vector.extract %reduce_sum3A_537[15] : f32 from vector<16xf32>
      %add3A_539 = arith.addf %add3A_529, %reduce_sum3A_538 : f32
      %mul3A_540 = arith.mulf %add3A_539, %scan3A : f32
      %slice3A_541 = vector.extract_strided_slice %get3A_5 {offsets = [0], sizes = [1], strides = [1]} : vector<16xf32> to vector<1xf32>
      %squeeze3A_542 = vector.extract %slice3A_541[0] : f32 from vector<1xf32>
      %add3A_543 = arith.addf %mul3A_540, %squeeze3A_542 : f32
      %get3A_544 = arith.constant 1 : i32
      %get3A_545 = arith.index_cast %get3A_544 : i32 to index
      %get3A_546 = arith.constant 0 : index
      %get3A_547 = tpu.vector_load %arg9[%get3A_545, %get3A_546] {strides = array<i32>} : memref<3x64xf32, #tpu.memory_space<vmem>>, vector<16xf32>,
      %mul3A_548 = arith.mulf %scan3A_495#0, %get3A_547 : vector<16xf32>
      %reduce_sum3A_549 = arith.constant true
      %reduce_sum3A_550 = vector.broadcast %reduce_sum3A_549 : i1 to vector<16xi1>
      %reduce_sum3A_551 = tpu.scan <sum>, %mul3A_548 masked %reduce_sum3A_550 : vector<16xf32>, vector<16xi1> -> vector<16xf32>
      %reduce_sum3A_552 = vector.extract %reduce_sum3A_551[15] : f32 from vector<16xf32>
      %get3A_553 = arith.constant 1 : i32
      %get3A_554 = arith.index_cast %get3A_553 : i32 to index
      %get3A_555 = arith.constant 16 : index
      %get3A_556 = tpu.vector_load %arg9[%get3A_554, %get3A_555] {strides = array<i32>} : memref<3x64xf32, #tpu.memory_space<vmem>>, vector<16xf32>,
      %mul3A_557 = arith.mulf %scan3A_495#1, %get3A_556 : vector<16xf32>
      %reduce_sum3A_558 = arith.constant true
      %reduce_sum3A_559 = vector.broadcast %reduce_sum3A_558 : i1 to vector<16xi1>
      %reduce_sum3A_560 = tpu.scan <sum>, %mul3A_557 masked %reduce_sum3A_559 : vector<16xf32>, vector<16xi1> -> vector<16xf32>
      %reduce_sum3A_561 = vector.extract %reduce_sum3A_560[15] : f32 from vector<16xf32>
      %add3A_562 = arith.addf %reduce_sum3A_552, %reduce_sum3A_561 : f32
      %get3A_563 = arith.constant 1 : i32
      %get3A_564 = arith.index_cast %get3A_563 : i32 to index
      %get3A_565 = arith.constant 32 : index
      %get3A_566 = tpu.vector_load %arg9[%get3A_564, %get3A_565] {strides = array<i32>} : memref<3x64xf32, #tpu.memory_space<vmem>>, vector<16xf32>,
      %mul3A_567 = arith.mulf %scan3A_495#2, %get3A_566 : vector<16xf32>
      %reduce_sum3A_568 = arith.constant true
      %reduce_sum3A_569 = vector.broadcast %reduce_sum3A_568 : i1 to vector<16xi1>
      %reduce_sum3A_570 = tpu.scan <sum>, %mul3A_567 masked %reduce_sum3A_569 : vector<16xf32>, vector<16xi1> -> vector<16xf32>
      %reduce_sum3A_571 = vector.extract %reduce_sum3A_570[15] : f32 from vector<16xf32>
      %add3A_572 = arith.addf %add3A_562, %reduce_sum3A_571 : f32
      %get3A_573 = arith.constant 1 : i32
      %get3A_574 = arith.index_cast %get3A_573 : i32 to index
      %get3A_575 = arith.constant 48 : index
      %get3A_576 = tpu.vector_load %arg9[%get3A_574, %get3A_575] {strides = array<i32>} : memref<3x64xf32, #tpu.memory_space<vmem>>, vector<16xf32>,
      %mul3A_577 = arith.mulf %scan3A_495#3, %get3A_576 : vector<16xf32>
      %reduce_sum3A_578 = arith.constant true
      %reduce_sum3A_579 = vector.broadcast %reduce_sum3A_578 : i1 to vector<16xi1>
      %reduce_sum3A_580 = tpu.scan <sum>, %mul3A_577 masked %reduce_sum3A_579 : vector<16xf32>, vector<16xi1> -> vector<16xf32>
      %reduce_sum3A_581 = vector.extract %reduce_sum3A_580[15] : f32 from vector<16xf32>
      %add3A_582 = arith.addf %add3A_572, %reduce_sum3A_581 : f32
      %mul3A_583 = arith.mulf %add3A_582, %scan3A : f32
      %slice3A_584 = vector.extract_strided_slice %get3A_5 {offsets = [1], sizes = [1], strides = [1]} : vector<16xf32> to vector<1xf32>
      %squeeze3A_585 = vector.extract %slice3A_584[0] : f32 from vector<1xf32>
      %add3A_586 = arith.addf %mul3A_583, %squeeze3A_585 : f32
      %get3A_587 = arith.constant 2 : i32
      %get3A_588 = arith.index_cast %get3A_587 : i32 to index
      %get3A_589 = arith.constant 0 : index
      %get3A_590 = tpu.vector_load %arg9[%get3A_588, %get3A_589] {strides = array<i32>} : memref<3x64xf32, #tpu.memory_space<vmem>>, vector<16xf32>,
      %mul3A_591 = arith.mulf %scan3A_495#0, %get3A_590 : vector<16xf32>
      %reduce_sum3A_592 = arith.constant true
      %reduce_sum3A_593 = vector.broadcast %reduce_sum3A_592 : i1 to vector<16xi1>
      %reduce_sum3A_594 = tpu.scan <sum>, %mul3A_591 masked %reduce_sum3A_593 : vector<16xf32>, vector<16xi1> -> vector<16xf32>
      %reduce_sum3A_595 = vector.extract %reduce_sum3A_594[15] : f32 from vector<16xf32>
      %get3A_596 = arith.constant 2 : i32
      %get3A_597 = arith.index_cast %get3A_596 : i32 to index
      %get3A_598 = arith.constant 16 : index
      %get3A_599 = tpu.vector_load %arg9[%get3A_597, %get3A_598] {strides = array<i32>} : memref<3x64xf32, #tpu.memory_space<vmem>>, vector<16xf32>,
      %mul3A_600 = arith.mulf %scan3A_495#1, %get3A_599 : vector<16xf32>
      %reduce_sum3A_601 = arith.constant true
      %reduce_sum3A_602 = vector.broadcast %reduce_sum3A_601 : i1 to vector<16xi1>
      %reduce_sum3A_603 = tpu.scan <sum>, %mul3A_600 masked %reduce_sum3A_602 : vector<16xf32>, vector<16xi1> -> vector<16xf32>
      %reduce_sum3A_604 = vector.extract %reduce_sum3A_603[15] : f32 from vector<16xf32>
      %add3A_605 = arith.addf %reduce_sum3A_595, %reduce_sum3A_604 : f32
      %get3A_606 = arith.constant 2 : i32
      %get3A_607 = arith.index_cast %get3A_606 : i32 to index
      %get3A_608 = arith.constant 32 : index
      %get3A_609 = tpu.vector_load %arg9[%get3A_607, %get3A_608] {strides = array<i32>} : memref<3x64xf32, #tpu.memory_space<vmem>>, vector<16xf32>,
      %mul3A_610 = arith.mulf %scan3A_495#2, %get3A_609 : vector<16xf32>
      %reduce_sum3A_611 = arith.constant true
      %reduce_sum3A_612 = vector.broadcast %reduce_sum3A_611 : i1 to vector<16xi1>
      %reduce_sum3A_613 = tpu.scan <sum>, %mul3A_610 masked %reduce_sum3A_612 : vector<16xf32>, vector<16xi1> -> vector<16xf32>
      %reduce_sum3A_614 = vector.extract %reduce_sum3A_613[15] : f32 from vector<16xf32>
      %add3A_615 = arith.addf %add3A_605, %reduce_sum3A_614 : f32
      %get3A_616 = arith.constant 2 : i32
      %get3A_617 = arith.index_cast %get3A_616 : i32 to index
      %get3A_618 = arith.constant 48 : index
      %get3A_619 = tpu.vector_load %arg9[%get3A_617, %get3A_618] {strides = array<i32>} : memref<3x64xf32, #tpu.memory_space<vmem>>, vector<16xf32>,
      %mul3A_620 = arith.mulf %scan3A_495#3, %get3A_619 : vector<16xf32>
      %reduce_sum3A_621 = arith.constant true
      %reduce_sum3A_622 = vector.broadcast %reduce_sum3A_621 : i1 to vector<16xi1>
      %reduce_sum3A_623 = tpu.scan <sum>, %mul3A_620 masked %reduce_sum3A_622 : vector<16xf32>, vector<16xi1> -> vector<16xf32>
      %reduce_sum3A_624 = vector.extract %reduce_sum3A_623[15] : f32 from vector<16xf32>
      %add3A_625 = arith.addf %add3A_615, %reduce_sum3A_624 : f32
      %mul3A_626 = arith.mulf %add3A_625, %scan3A : f32
      %slice3A_627 = vector.extract_strided_slice %get3A_5 {offsets = [2], sizes = [1], strides = [1]} : vector<16xf32> to vector<1xf32>
      %squeeze3A_628 = vector.extract %slice3A_627[0] : f32 from vector<1xf32>
      %add3A_629 = arith.addf %mul3A_626, %squeeze3A_628 : f32
      %eq3A_630 = arith.constant 0 : i32
      %eq3A_631 = vector.broadcast %eq3A_630 : i32 to vector<16xi32>
      %eq3A_632 = arith.cmpi eq, %iota3A, %eq3A_631 : vector<16xi32>
      %eq3A_633 = arith.constant 1 : i32
      %eq3A_634 = vector.broadcast %eq3A_633 : i32 to vector<16xi32>
      %eq3A_635 = arith.cmpi eq, %iota3A, %eq3A_634 : vector<16xi32>
      %broadcast_in_dim3A_636 = vector.broadcast %add3A_586 : f32 to vector<16xf32>
      %broadcast_in_dim3A_637 = vector.broadcast %add3A_629 : f32 to vector<16xf32>
      %select_n3A_638 = arith.select %eq3A_635, %broadcast_in_dim3A_636, %broadcast_in_dim3A_637 : vector<16xi1>, vector<16xf32>
      %broadcast_in_dim3A_639 = vector.broadcast %add3A_543 : f32 to vector<16xf32>
      %select_n3A_640 = arith.select %eq3A_632, %broadcast_in_dim3A_639, %select_n3A_638 : vector<16xi1>, vector<16xf32>
      %mul3A_641 = arith.constant 3 : i32
      %mul3A_642 = arith.muli %mul3A_641, %add3A_500 : i32
      %add3A_643 = vector.broadcast %mul3A_642 : i32 to vector<16xi32>
      %add3A_644 = arith.addi %add3A_643, %iota3A : vector<16xi32>
      %lt3A_645 = arith.constant 3 : i32
      %lt3A_646 = vector.broadcast %lt3A_645 : i32 to vector<16xi32>
      %lt3A_647 = arith.cmpi slt, %iota3A, %lt3A_646 : vector<16xi32>
      tpu.vector_store_idx %arg11[%add3A_644], %select_n3A_640 masked %lt3A_647 : memref<384xf32, #tpu.memory_space<vmem>>[vector<16xi32>], vector<16xf32>, vector<16xi1>
      %scan3A_648 = arith.constant 0 : i32
      %scan3A_649 = arith.constant 200 : i32
      %scan3A_650 = arith.addi %scan3A_648, %scan3A_649 : i32
      %scan3A_651 = arith.constant 10 : i32
      %scan3A_652:4 = scf.for %scan3A_1484 = %scan3A_648 to %scan3A_650 step %scan3A_651 iter_args(%scan3A_1485 = %broadcast_in_dim3A_125, %scan3A_1486 = %broadcast_in_dim3A_125, %scan3A_1487 = %broadcast_in_dim3A_125, %scan3A_1488 = %broadcast_in_dim3A_125) -> (vector<16xf32>, vector<16xf32>, vector<16xf32>, vector<16xf32>)  : i32 {
        %add3A_1489 = arith.constant 600 : i32
        %add3A_1490 = arith.addi %add3A_1489, %scan3A_1484 : i32
        %get3A_1491 = arith.index_cast %add3A_1490 : i32 to index
        %get3A_1492 = arith.constant 0 : index
        %get3A_1493 = tpu.vector_load %arg8[%get3A_1491, %get3A_1492] {strides = array<i32>} : memref<1600x64xf32, #tpu.memory_space<vmem>>, vector<16xf32>,
        %add3A_1494 = arith.addf %scan3A_1485, %get3A_1493 : vector<16xf32>
        %add3A_1495 = arith.constant 600 : i32
        %add3A_1496 = arith.addi %add3A_1495, %scan3A_1484 : i32
        %get3A_1497 = arith.index_cast %add3A_1496 : i32 to index
        %get3A_1498 = arith.constant 16 : index
        %get3A_1499 = tpu.vector_load %arg8[%get3A_1497, %get3A_1498] {strides = array<i32>} : memref<1600x64xf32, #tpu.memory_space<vmem>>, vector<16xf32>,
        %add3A_1500 = arith.addf %scan3A_1486, %get3A_1499 : vector<16xf32>
        %add3A_1501 = arith.constant 600 : i32
        %add3A_1502 = arith.addi %add3A_1501, %scan3A_1484 : i32
        %get3A_1503 = arith.index_cast %add3A_1502 : i32 to index
        %get3A_1504 = arith.constant 32 : index
        %get3A_1505 = tpu.vector_load %arg8[%get3A_1503, %get3A_1504] {strides = array<i32>} : memref<1600x64xf32, #tpu.memory_space<vmem>>, vector<16xf32>,
        %add3A_1506 = arith.addf %scan3A_1487, %get3A_1505 : vector<16xf32>
        %add3A_1507 = arith.constant 600 : i32
        %add3A_1508 = arith.addi %add3A_1507, %scan3A_1484 : i32
        %get3A_1509 = arith.index_cast %add3A_1508 : i32 to index
        %get3A_1510 = arith.constant 48 : index
        %get3A_1511 = tpu.vector_load %arg8[%get3A_1509, %get3A_1510] {strides = array<i32>} : memref<1600x64xf32, #tpu.memory_space<vmem>>, vector<16xf32>,
        %add3A_1512 = arith.addf %scan3A_1488, %get3A_1511 : vector<16xf32>
        %scan3A_1513 = arith.constant 1 : i32
        %scan3A_1514 = arith.addi %scan3A_1484, %scan3A_1513 : i32
        %add3A_1515 = arith.constant 600 : i32
        %add3A_1516 = arith.addi %add3A_1515, %scan3A_1514 : i32
        %get3A_1517 = arith.index_cast %add3A_1516 : i32 to index
        %get3A_1518 = arith.constant 0 : index
        %get3A_1519 = tpu.vector_load %arg8[%get3A_1517, %get3A_1518] {strides = array<i32>} : memref<1600x64xf32, #tpu.memory_space<vmem>>, vector<16xf32>,
        %add3A_1520 = arith.addf %add3A_1494, %get3A_1519 : vector<16xf32>
        %add3A_1521 = arith.constant 600 : i32
        %add3A_1522 = arith.addi %add3A_1521, %scan3A_1514 : i32
        %get3A_1523 = arith.index_cast %add3A_1522 : i32 to index
        %get3A_1524 = arith.constant 16 : index
        %get3A_1525 = tpu.vector_load %arg8[%get3A_1523, %get3A_1524] {strides = array<i32>} : memref<1600x64xf32, #tpu.memory_space<vmem>>, vector<16xf32>,
        %add3A_1526 = arith.addf %add3A_1500, %get3A_1525 : vector<16xf32>
        %add3A_1527 = arith.constant 600 : i32
        %add3A_1528 = arith.addi %add3A_1527, %scan3A_1514 : i32
        %get3A_1529 = arith.index_cast %add3A_1528 : i32 to index
        %get3A_1530 = arith.constant 32 : index
        %get3A_1531 = tpu.vector_load %arg8[%get3A_1529, %get3A_1530] {strides = array<i32>} : memref<1600x64xf32, #tpu.memory_space<vmem>>, vector<16xf32>,
        %add3A_1532 = arith.addf %add3A_1506, %get3A_1531 : vector<16xf32>
        %add3A_1533 = arith.constant 600 : i32
        %add3A_1534 = arith.addi %add3A_1533, %scan3A_1514 : i32
        %get3A_1535 = arith.index_cast %add3A_1534 : i32 to index
        %get3A_1536 = arith.constant 48 : index
        %get3A_1537 = tpu.vector_load %arg8[%get3A_1535, %get3A_1536] {strides = array<i32>} : memref<1600x64xf32, #tpu.memory_space<vmem>>, vector<16xf32>,
        %add3A_1538 = arith.addf %add3A_1512, %get3A_1537 : vector<16xf32>
        %scan3A_1539 = arith.constant 2 : i32
        %scan3A_1540 = arith.addi %scan3A_1484, %scan3A_1539 : i32
        %add3A_1541 = arith.constant 600 : i32
        %add3A_1542 = arith.addi %add3A_1541, %scan3A_1540 : i32
        %get3A_1543 = arith.index_cast %add3A_1542 : i32 to index
        %get3A_1544 = arith.constant 0 : index
        %get3A_1545 = tpu.vector_load %arg8[%get3A_1543, %get3A_1544] {strides = array<i32>} : memref<1600x64xf32, #tpu.memory_space<vmem>>, vector<16xf32>,
        %add3A_1546 = arith.addf %add3A_1520, %get3A_1545 : vector<16xf32>
        %add3A_1547 = arith.constant 600 : i32
        %add3A_1548 = arith.addi %add3A_1547, %scan3A_1540 : i32
        %get3A_1549 = arith.index_cast %add3A_1548 : i32 to index
        %get3A_1550 = arith.constant 16 : index
        %get3A_1551 = tpu.vector_load %arg8[%get3A_1549, %get3A_1550] {strides = array<i32>} : memref<1600x64xf32, #tpu.memory_space<vmem>>, vector<16xf32>,
        %add3A_1552 = arith.addf %add3A_1526, %get3A_1551 : vector<16xf32>
        %add3A_1553 = arith.constant 600 : i32
        %add3A_1554 = arith.addi %add3A_1553, %scan3A_1540 : i32
        %get3A_1555 = arith.index_cast %add3A_1554 : i32 to index
        %get3A_1556 = arith.constant 32 : index
        %get3A_1557 = tpu.vector_load %arg8[%get3A_1555, %get3A_1556] {strides = array<i32>} : memref<1600x64xf32, #tpu.memory_space<vmem>>, vector<16xf32>,
        %add3A_1558 = arith.addf %add3A_1532, %get3A_1557 : vector<16xf32>
        %add3A_1559 = arith.constant 600 : i32
        %add3A_1560 = arith.addi %add3A_1559, %scan3A_1540 : i32
        %get3A_1561 = arith.index_cast %add3A_1560 : i32 to index
        %get3A_1562 = arith.constant 48 : index
        %get3A_1563 = tpu.vector_load %arg8[%get3A_1561, %get3A_1562] {strides = array<i32>} : memref<1600x64xf32, #tpu.memory_space<vmem>>, vector<16xf32>,
        %add3A_1564 = arith.addf %add3A_1538, %get3A_1563 : vector<16xf32>
        %scan3A_1565 = arith.constant 3 : i32
        %scan3A_1566 = arith.addi %scan3A_1484, %scan3A_1565 : i32
        %add3A_1567 = arith.constant 600 : i32
        %add3A_1568 = arith.addi %add3A_1567, %scan3A_1566 : i32
        %get3A_1569 = arith.index_cast %add3A_1568 : i32 to index
        %get3A_1570 = arith.constant 0 : index
        %get3A_1571 = tpu.vector_load %arg8[%get3A_1569, %get3A_1570] {strides = array<i32>} : memref<1600x64xf32, #tpu.memory_space<vmem>>, vector<16xf32>,
        %add3A_1572 = arith.addf %add3A_1546, %get3A_1571 : vector<16xf32>
        %add3A_1573 = arith.constant 600 : i32
        %add3A_1574 = arith.addi %add3A_1573, %scan3A_1566 : i32
        %get3A_1575 = arith.index_cast %add3A_1574 : i32 to index
        %get3A_1576 = arith.constant 16 : index
        %get3A_1577 = tpu.vector_load %arg8[%get3A_1575, %get3A_1576] {strides = array<i32>} : memref<1600x64xf32, #tpu.memory_space<vmem>>, vector<16xf32>,
        %add3A_1578 = arith.addf %add3A_1552, %get3A_1577 : vector<16xf32>
        %add3A_1579 = arith.constant 600 : i32
        %add3A_1580 = arith.addi %add3A_1579, %scan3A_1566 : i32
        %get3A_1581 = arith.index_cast %add3A_1580 : i32 to index
        %get3A_1582 = arith.constant 32 : index
        %get3A_1583 = tpu.vector_load %arg8[%get3A_1581, %get3A_1582] {strides = array<i32>} : memref<1600x64xf32, #tpu.memory_space<vmem>>, vector<16xf32>,
        %add3A_1584 = arith.addf %add3A_1558, %get3A_1583 : vector<16xf32>
        %add3A_1585 = arith.constant 600 : i32
        %add3A_1586 = arith.addi %add3A_1585, %scan3A_1566 : i32
        %get3A_1587 = arith.index_cast %add3A_1586 : i32 to index
        %get3A_1588 = arith.constant 48 : index
        %get3A_1589 = tpu.vector_load %arg8[%get3A_1587, %get3A_1588] {strides = array<i32>} : memref<1600x64xf32, #tpu.memory_space<vmem>>, vector<16xf32>,
        %add3A_1590 = arith.addf %add3A_1564, %get3A_1589 : vector<16xf32>
        %scan3A_1591 = arith.constant 4 : i32
        %scan3A_1592 = arith.addi %scan3A_1484, %scan3A_1591 : i32
        %add3A_1593 = arith.constant 600 : i32
        %add3A_1594 = arith.addi %add3A_1593, %scan3A_1592 : i32
        %get3A_1595 = arith.index_cast %add3A_1594 : i32 to index
        %get3A_1596 = arith.constant 0 : index
        %get3A_1597 = tpu.vector_load %arg8[%get3A_1595, %get3A_1596] {strides = array<i32>} : memref<1600x64xf32, #tpu.memory_space<vmem>>, vector<16xf32>,
        %add3A_1598 = arith.addf %add3A_1572, %get3A_1597 : vector<16xf32>
        %add3A_1599 = arith.constant 600 : i32
        %add3A_1600 = arith.addi %add3A_1599, %scan3A_1592 : i32
        %get3A_1601 = arith.index_cast %add3A_1600 : i32 to index
        %get3A_1602 = arith.constant 16 : index
        %get3A_1603 = tpu.vector_load %arg8[%get3A_1601, %get3A_1602] {strides = array<i32>} : memref<1600x64xf32, #tpu.memory_space<vmem>>, vector<16xf32>,
        %add3A_1604 = arith.addf %add3A_1578, %get3A_1603 : vector<16xf32>
        %add3A_1605 = arith.constant 600 : i32
        %add3A_1606 = arith.addi %add3A_1605, %scan3A_1592 : i32
        %get3A_1607 = arith.index_cast %add3A_1606 : i32 to index
        %get3A_1608 = arith.constant 32 : index
        %get3A_1609 = tpu.vector_load %arg8[%get3A_1607, %get3A_1608] {strides = array<i32>} : memref<1600x64xf32, #tpu.memory_space<vmem>>, vector<16xf32>,
        %add3A_1610 = arith.addf %add3A_1584, %get3A_1609 : vector<16xf32>
        %add3A_1611 = arith.constant 600 : i32
        %add3A_1612 = arith.addi %add3A_1611, %scan3A_1592 : i32
        %get3A_1613 = arith.index_cast %add3A_1612 : i32 to index
        %get3A_1614 = arith.constant 48 : index
        %get3A_1615 = tpu.vector_load %arg8[%get3A_1613, %get3A_1614] {strides = array<i32>} : memref<1600x64xf32, #tpu.memory_space<vmem>>, vector<16xf32>,
        %add3A_1616 = arith.addf %add3A_1590, %get3A_1615 : vector<16xf32>
        %scan3A_1617 = arith.constant 5 : i32
        %scan3A_1618 = arith.addi %scan3A_1484, %scan3A_1617 : i32
        %add3A_1619 = arith.constant 600 : i32
        %add3A_1620 = arith.addi %add3A_1619, %scan3A_1618 : i32
        %get3A_1621 = arith.index_cast %add3A_1620 : i32 to index
        %get3A_1622 = arith.constant 0 : index
        %get3A_1623 = tpu.vector_load %arg8[%get3A_1621, %get3A_1622] {strides = array<i32>} : memref<1600x64xf32, #tpu.memory_space<vmem>>, vector<16xf32>,
        %add3A_1624 = arith.addf %add3A_1598, %get3A_1623 : vector<16xf32>
        %add3A_1625 = arith.constant 600 : i32
        %add3A_1626 = arith.addi %add3A_1625, %scan3A_1618 : i32
        %get3A_1627 = arith.index_cast %add3A_1626 : i32 to index
        %get3A_1628 = arith.constant 16 : index
        %get3A_1629 = tpu.vector_load %arg8[%get3A_1627, %get3A_1628] {strides = array<i32>} : memref<1600x64xf32, #tpu.memory_space<vmem>>, vector<16xf32>,
        %add3A_1630 = arith.addf %add3A_1604, %get3A_1629 : vector<16xf32>
        %add3A_1631 = arith.constant 600 : i32
        %add3A_1632 = arith.addi %add3A_1631, %scan3A_1618 : i32
        %get3A_1633 = arith.index_cast %add3A_1632 : i32 to index
        %get3A_1634 = arith.constant 32 : index
        %get3A_1635 = tpu.vector_load %arg8[%get3A_1633, %get3A_1634] {strides = array<i32>} : memref<1600x64xf32, #tpu.memory_space<vmem>>, vector<16xf32>,
        %add3A_1636 = arith.addf %add3A_1610, %get3A_1635 : vector<16xf32>
        %add3A_1637 = arith.constant 600 : i32
        %add3A_1638 = arith.addi %add3A_1637, %scan3A_1618 : i32
        %get3A_1639 = arith.index_cast %add3A_1638 : i32 to index
        %get3A_1640 = arith.constant 48 : index
        %get3A_1641 = tpu.vector_load %arg8[%get3A_1639, %get3A_1640] {strides = array<i32>} : memref<1600x64xf32, #tpu.memory_space<vmem>>, vector<16xf32>,
        %add3A_1642 = arith.addf %add3A_1616, %get3A_1641 : vector<16xf32>
        %scan3A_1643 = arith.constant 6 : i32
        %scan3A_1644 = arith.addi %scan3A_1484, %scan3A_1643 : i32
        %add3A_1645 = arith.constant 600 : i32
        %add3A_1646 = arith.addi %add3A_1645, %scan3A_1644 : i32
        %get3A_1647 = arith.index_cast %add3A_1646 : i32 to index
        %get3A_1648 = arith.constant 0 : index
        %get3A_1649 = tpu.vector_load %arg8[%get3A_1647, %get3A_1648] {strides = array<i32>} : memref<1600x64xf32, #tpu.memory_space<vmem>>, vector<16xf32>,
        %add3A_1650 = arith.addf %add3A_1624, %get3A_1649 : vector<16xf32>
        %add3A_1651 = arith.constant 600 : i32
        %add3A_1652 = arith.addi %add3A_1651, %scan3A_1644 : i32
        %get3A_1653 = arith.index_cast %add3A_1652 : i32 to index
        %get3A_1654 = arith.constant 16 : index
        %get3A_1655 = tpu.vector_load %arg8[%get3A_1653, %get3A_1654] {strides = array<i32>} : memref<1600x64xf32, #tpu.memory_space<vmem>>, vector<16xf32>,
        %add3A_1656 = arith.addf %add3A_1630, %get3A_1655 : vector<16xf32>
        %add3A_1657 = arith.constant 600 : i32
        %add3A_1658 = arith.addi %add3A_1657, %scan3A_1644 : i32
        %get3A_1659 = arith.index_cast %add3A_1658 : i32 to index
        %get3A_1660 = arith.constant 32 : index
        %get3A_1661 = tpu.vector_load %arg8[%get3A_1659, %get3A_1660] {strides = array<i32>} : memref<1600x64xf32, #tpu.memory_space<vmem>>, vector<16xf32>,
        %add3A_1662 = arith.addf %add3A_1636, %get3A_1661 : vector<16xf32>
        %add3A_1663 = arith.constant 600 : i32
        %add3A_1664 = arith.addi %add3A_1663, %scan3A_1644 : i32
        %get3A_1665 = arith.index_cast %add3A_1664 : i32 to index
        %get3A_1666 = arith.constant 48 : index
        %get3A_1667 = tpu.vector_load %arg8[%get3A_1665, %get3A_1666] {strides = array<i32>} : memref<1600x64xf32, #tpu.memory_space<vmem>>, vector<16xf32>,
        %add3A_1668 = arith.addf %add3A_1642, %get3A_1667 : vector<16xf32>
        %scan3A_1669 = arith.constant 7 : i32
        %scan3A_1670 = arith.addi %scan3A_1484, %scan3A_1669 : i32
        %add3A_1671 = arith.constant 600 : i32
        %add3A_1672 = arith.addi %add3A_1671, %scan3A_1670 : i32
        %get3A_1673 = arith.index_cast %add3A_1672 : i32 to index
        %get3A_1674 = arith.constant 0 : index
        %get3A_1675 = tpu.vector_load %arg8[%get3A_1673, %get3A_1674] {strides = array<i32>} : memref<1600x64xf32, #tpu.memory_space<vmem>>, vector<16xf32>,
        %add3A_1676 = arith.addf %add3A_1650, %get3A_1675 : vector<16xf32>
        %add3A_1677 = arith.constant 600 : i32
        %add3A_1678 = arith.addi %add3A_1677, %scan3A_1670 : i32
        %get3A_1679 = arith.index_cast %add3A_1678 : i32 to index
        %get3A_1680 = arith.constant 16 : index
        %get3A_1681 = tpu.vector_load %arg8[%get3A_1679, %get3A_1680] {strides = array<i32>} : memref<1600x64xf32, #tpu.memory_space<vmem>>, vector<16xf32>,
        %add3A_1682 = arith.addf %add3A_1656, %get3A_1681 : vector<16xf32>
        %add3A_1683 = arith.constant 600 : i32
        %add3A_1684 = arith.addi %add3A_1683, %scan3A_1670 : i32
        %get3A_1685 = arith.index_cast %add3A_1684 : i32 to index
        %get3A_1686 = arith.constant 32 : index
        %get3A_1687 = tpu.vector_load %arg8[%get3A_1685, %get3A_1686] {strides = array<i32>} : memref<1600x64xf32, #tpu.memory_space<vmem>>, vector<16xf32>,
        %add3A_1688 = arith.addf %add3A_1662, %get3A_1687 : vector<16xf32>
        %add3A_1689 = arith.constant 600 : i32
        %add3A_1690 = arith.addi %add3A_1689, %scan3A_1670 : i32
        %get3A_1691 = arith.index_cast %add3A_1690 : i32 to index
        %get3A_1692 = arith.constant 48 : index
        %get3A_1693 = tpu.vector_load %arg8[%get3A_1691, %get3A_1692] {strides = array<i32>} : memref<1600x64xf32, #tpu.memory_space<vmem>>, vector<16xf32>,
        %add3A_1694 = arith.addf %add3A_1668, %get3A_1693 : vector<16xf32>
        %scan3A_1695 = arith.constant 8 : i32
        %scan3A_1696 = arith.addi %scan3A_1484, %scan3A_1695 : i32
        %add3A_1697 = arith.constant 600 : i32
        %add3A_1698 = arith.addi %add3A_1697, %scan3A_1696 : i32
        %get3A_1699 = arith.index_cast %add3A_1698 : i32 to index
        %get3A_1700 = arith.constant 0 : index
        %get3A_1701 = tpu.vector_load %arg8[%get3A_1699, %get3A_1700] {strides = array<i32>} : memref<1600x64xf32, #tpu.memory_space<vmem>>, vector<16xf32>,
        %add3A_1702 = arith.addf %add3A_1676, %get3A_1701 : vector<16xf32>
        %add3A_1703 = arith.constant 600 : i32
        %add3A_1704 = arith.addi %add3A_1703, %scan3A_1696 : i32
        %get3A_1705 = arith.index_cast %add3A_1704 : i32 to index
        %get3A_1706 = arith.constant 16 : index
        %get3A_1707 = tpu.vector_load %arg8[%get3A_1705, %get3A_1706] {strides = array<i32>} : memref<1600x64xf32, #tpu.memory_space<vmem>>, vector<16xf32>,
        %add3A_1708 = arith.addf %add3A_1682, %get3A_1707 : vector<16xf32>
        %add3A_1709 = arith.constant 600 : i32
        %add3A_1710 = arith.addi %add3A_1709, %scan3A_1696 : i32
        %get3A_1711 = arith.index_cast %add3A_1710 : i32 to index
        %get3A_1712 = arith.constant 32 : index
        %get3A_1713 = tpu.vector_load %arg8[%get3A_1711, %get3A_1712] {strides = array<i32>} : memref<1600x64xf32, #tpu.memory_space<vmem>>, vector<16xf32>,
        %add3A_1714 = arith.addf %add3A_1688, %get3A_1713 : vector<16xf32>
        %add3A_1715 = arith.constant 600 : i32
        %add3A_1716 = arith.addi %add3A_1715, %scan3A_1696 : i32
        %get3A_1717 = arith.index_cast %add3A_1716 : i32 to index
        %get3A_1718 = arith.constant 48 : index
        %get3A_1719 = tpu.vector_load %arg8[%get3A_1717, %get3A_1718] {strides = array<i32>} : memref<1600x64xf32, #tpu.memory_space<vmem>>, vector<16xf32>,
        %add3A_1720 = arith.addf %add3A_1694, %get3A_1719 : vector<16xf32>
        %scan3A_1721 = arith.constant 9 : i32
        %scan3A_1722 = arith.addi %scan3A_1484, %scan3A_1721 : i32
        %add3A_1723 = arith.constant 600 : i32
        %add3A_1724 = arith.addi %add3A_1723, %scan3A_1722 : i32
        %get3A_1725 = arith.index_cast %add3A_1724 : i32 to index
        %get3A_1726 = arith.constant 0 : index
        %get3A_1727 = tpu.vector_load %arg8[%get3A_1725, %get3A_1726] {strides = array<i32>} : memref<1600x64xf32, #tpu.memory_space<vmem>>, vector<16xf32>,
        %add3A_1728 = arith.addf %add3A_1702, %get3A_1727 : vector<16xf32>
        %add3A_1729 = arith.constant 600 : i32
        %add3A_1730 = arith.addi %add3A_1729, %scan3A_1722 : i32
        %get3A_1731 = arith.index_cast %add3A_1730 : i32 to index
        %get3A_1732 = arith.constant 16 : index
        %get3A_1733 = tpu.vector_load %arg8[%get3A_1731, %get3A_1732] {strides = array<i32>} : memref<1600x64xf32, #tpu.memory_space<vmem>>, vector<16xf32>,
        %add3A_1734 = arith.addf %add3A_1708, %get3A_1733 : vector<16xf32>
        %add3A_1735 = arith.constant 600 : i32
        %add3A_1736 = arith.addi %add3A_1735, %scan3A_1722 : i32
        %get3A_1737 = arith.index_cast %add3A_1736 : i32 to index
        %get3A_1738 = arith.constant 32 : index
        %get3A_1739 = tpu.vector_load %arg8[%get3A_1737, %get3A_1738] {strides = array<i32>} : memref<1600x64xf32, #tpu.memory_space<vmem>>, vector<16xf32>,
        %add3A_1740 = arith.addf %add3A_1714, %get3A_1739 : vector<16xf32>
        %add3A_1741 = arith.constant 600 : i32
        %add3A_1742 = arith.addi %add3A_1741, %scan3A_1722 : i32
        %get3A_1743 = arith.index_cast %add3A_1742 : i32 to index
        %get3A_1744 = arith.constant 48 : index
        %get3A_1745 = tpu.vector_load %arg8[%get3A_1743, %get3A_1744] {strides = array<i32>} : memref<1600x64xf32, #tpu.memory_space<vmem>>, vector<16xf32>,
        %add3A_1746 = arith.addf %add3A_1720, %get3A_1745 : vector<16xf32>
        scf.yield %add3A_1728, %add3A_1734, %add3A_1740, %add3A_1746 : vector<16xf32>, vector<16xf32>, vector<16xf32>, vector<16xf32>
      }
      %scan3A_653 = arith.constant 200 : i32
      %mul3A_654 = arith.constant 2 : i32
      %mul3A_655 = arith.muli %mul3A_654, %add3A_469 : i32
      %add3A_656 = arith.constant 1 : i32
      %add3A_657 = arith.addi %mul3A_655, %add3A_656 : i32
      %get3A_658 = arith.constant 0 : i32
      %get3A_659 = arith.index_cast %get3A_658 : i32 to index
      %get3A_660 = arith.constant 0 : index
      %get3A_661 = tpu.vector_load %arg9[%get3A_659, %get3A_660] {strides = array<i32>} : memref<3x64xf32, #tpu.memory_space<vmem>>, vector<16xf32>,
      %mul3A_662 = arith.mulf %scan3A_652#0, %get3A_661 : vector<16xf32>
      %reduce_sum3A_663 = arith.constant true
      %reduce_sum3A_664 = vector.broadcast %reduce_sum3A_663 : i1 to vector<16xi1>
      %reduce_sum3A_665 = tpu.scan <sum>, %mul3A_662 masked %reduce_sum3A_664 : vector<16xf32>, vector<16xi1> -> vector<16xf32>
      %reduce_sum3A_666 = vector.extract %reduce_sum3A_665[15] : f32 from vector<16xf32>
      %get3A_667 = arith.constant 0 : i32
      %get3A_668 = arith.index_cast %get3A_667 : i32 to index
      %get3A_669 = arith.constant 16 : index
      %get3A_670 = tpu.vector_load %arg9[%get3A_668, %get3A_669] {strides = array<i32>} : memref<3x64xf32, #tpu.memory_space<vmem>>, vector<16xf32>,
      %mul3A_671 = arith.mulf %scan3A_652#1, %get3A_670 : vector<16xf32>
      %reduce_sum3A_672 = arith.constant true
      %reduce_sum3A_673 = vector.broadcast %reduce_sum3A_672 : i1 to vector<16xi1>
      %reduce_sum3A_674 = tpu.scan <sum>, %mul3A_671 masked %reduce_sum3A_673 : vector<16xf32>, vector<16xi1> -> vector<16xf32>
      %reduce_sum3A_675 = vector.extract %reduce_sum3A_674[15] : f32 from vector<16xf32>
      %add3A_676 = arith.addf %reduce_sum3A_666, %reduce_sum3A_675 : f32
      %get3A_677 = arith.constant 0 : i32
      %get3A_678 = arith.index_cast %get3A_677 : i32 to index
      %get3A_679 = arith.constant 32 : index
      %get3A_680 = tpu.vector_load %arg9[%get3A_678, %get3A_679] {strides = array<i32>} : memref<3x64xf32, #tpu.memory_space<vmem>>, vector<16xf32>,
      %mul3A_681 = arith.mulf %scan3A_652#2, %get3A_680 : vector<16xf32>
      %reduce_sum3A_682 = arith.constant true
      %reduce_sum3A_683 = vector.broadcast %reduce_sum3A_682 : i1 to vector<16xi1>
      %reduce_sum3A_684 = tpu.scan <sum>, %mul3A_681 masked %reduce_sum3A_683 : vector<16xf32>, vector<16xi1> -> vector<16xf32>
      %reduce_sum3A_685 = vector.extract %reduce_sum3A_684[15] : f32 from vector<16xf32>
      %add3A_686 = arith.addf %add3A_676, %reduce_sum3A_685 : f32
      %get3A_687 = arith.constant 0 : i32
      %get3A_688 = arith.index_cast %get3A_687 : i32 to index
      %get3A_689 = arith.constant 48 : index
      %get3A_690 = tpu.vector_load %arg9[%get3A_688, %get3A_689] {strides = array<i32>} : memref<3x64xf32, #tpu.memory_space<vmem>>, vector<16xf32>,
      %mul3A_691 = arith.mulf %scan3A_652#3, %get3A_690 : vector<16xf32>
      %reduce_sum3A_692 = arith.constant true
      %reduce_sum3A_693 = vector.broadcast %reduce_sum3A_692 : i1 to vector<16xi1>
      %reduce_sum3A_694 = tpu.scan <sum>, %mul3A_691 masked %reduce_sum3A_693 : vector<16xf32>, vector<16xi1> -> vector<16xf32>
      %reduce_sum3A_695 = vector.extract %reduce_sum3A_694[15] : f32 from vector<16xf32>
      %add3A_696 = arith.addf %add3A_686, %reduce_sum3A_695 : f32
      %mul3A_697 = arith.mulf %add3A_696, %scan3A : f32
      %slice3A_698 = vector.extract_strided_slice %get3A_5 {offsets = [0], sizes = [1], strides = [1]} : vector<16xf32> to vector<1xf32>
      %squeeze3A_699 = vector.extract %slice3A_698[0] : f32 from vector<1xf32>
      %add3A_700 = arith.addf %mul3A_697, %squeeze3A_699 : f32
      %get3A_701 = arith.constant 1 : i32
      %get3A_702 = arith.index_cast %get3A_701 : i32 to index
      %get3A_703 = arith.constant 0 : index
      %get3A_704 = tpu.vector_load %arg9[%get3A_702, %get3A_703] {strides = array<i32>} : memref<3x64xf32, #tpu.memory_space<vmem>>, vector<16xf32>,
      %mul3A_705 = arith.mulf %scan3A_652#0, %get3A_704 : vector<16xf32>
      %reduce_sum3A_706 = arith.constant true
      %reduce_sum3A_707 = vector.broadcast %reduce_sum3A_706 : i1 to vector<16xi1>
      %reduce_sum3A_708 = tpu.scan <sum>, %mul3A_705 masked %reduce_sum3A_707 : vector<16xf32>, vector<16xi1> -> vector<16xf32>
      %reduce_sum3A_709 = vector.extract %reduce_sum3A_708[15] : f32 from vector<16xf32>
      %get3A_710 = arith.constant 1 : i32
      %get3A_711 = arith.index_cast %get3A_710 : i32 to index
      %get3A_712 = arith.constant 16 : index
      %get3A_713 = tpu.vector_load %arg9[%get3A_711, %get3A_712] {strides = array<i32>} : memref<3x64xf32, #tpu.memory_space<vmem>>, vector<16xf32>,
      %mul3A_714 = arith.mulf %scan3A_652#1, %get3A_713 : vector<16xf32>
      %reduce_sum3A_715 = arith.constant true
      %reduce_sum3A_716 = vector.broadcast %reduce_sum3A_715 : i1 to vector<16xi1>
      %reduce_sum3A_717 = tpu.scan <sum>, %mul3A_714 masked %reduce_sum3A_716 : vector<16xf32>, vector<16xi1> -> vector<16xf32>
      %reduce_sum3A_718 = vector.extract %reduce_sum3A_717[15] : f32 from vector<16xf32>
      %add3A_719 = arith.addf %reduce_sum3A_709, %reduce_sum3A_718 : f32
      %get3A_720 = arith.constant 1 : i32
      %get3A_721 = arith.index_cast %get3A_720 : i32 to index
      %get3A_722 = arith.constant 32 : index
      %get3A_723 = tpu.vector_load %arg9[%get3A_721, %get3A_722] {strides = array<i32>} : memref<3x64xf32, #tpu.memory_space<vmem>>, vector<16xf32>,
      %mul3A_724 = arith.mulf %scan3A_652#2, %get3A_723 : vector<16xf32>
      %reduce_sum3A_725 = arith.constant true
      %reduce_sum3A_726 = vector.broadcast %reduce_sum3A_725 : i1 to vector<16xi1>
      %reduce_sum3A_727 = tpu.scan <sum>, %mul3A_724 masked %reduce_sum3A_726 : vector<16xf32>, vector<16xi1> -> vector<16xf32>
      %reduce_sum3A_728 = vector.extract %reduce_sum3A_727[15] : f32 from vector<16xf32>
      %add3A_729 = arith.addf %add3A_719, %reduce_sum3A_728 : f32
      %get3A_730 = arith.constant 1 : i32
      %get3A_731 = arith.index_cast %get3A_730 : i32 to index
      %get3A_732 = arith.constant 48 : index
      %get3A_733 = tpu.vector_load %arg9[%get3A_731, %get3A_732] {strides = array<i32>} : memref<3x64xf32, #tpu.memory_space<vmem>>, vector<16xf32>,
      %mul3A_734 = arith.mulf %scan3A_652#3, %get3A_733 : vector<16xf32>
      %reduce_sum3A_735 = arith.constant true
      %reduce_sum3A_736 = vector.broadcast %reduce_sum3A_735 : i1 to vector<16xi1>
      %reduce_sum3A_737 = tpu.scan <sum>, %mul3A_734 masked %reduce_sum3A_736 : vector<16xf32>, vector<16xi1> -> vector<16xf32>
      %reduce_sum3A_738 = vector.extract %reduce_sum3A_737[15] : f32 from vector<16xf32>
      %add3A_739 = arith.addf %add3A_729, %reduce_sum3A_738 : f32
      %mul3A_740 = arith.mulf %add3A_739, %scan3A : f32
      %slice3A_741 = vector.extract_strided_slice %get3A_5 {offsets = [1], sizes = [1], strides = [1]} : vector<16xf32> to vector<1xf32>
      %squeeze3A_742 = vector.extract %slice3A_741[0] : f32 from vector<1xf32>
      %add3A_743 = arith.addf %mul3A_740, %squeeze3A_742 : f32
      %get3A_744 = arith.constant 2 : i32
      %get3A_745 = arith.index_cast %get3A_744 : i32 to index
      %get3A_746 = arith.constant 0 : index
      %get3A_747 = tpu.vector_load %arg9[%get3A_745, %get3A_746] {strides = array<i32>} : memref<3x64xf32, #tpu.memory_space<vmem>>, vector<16xf32>,
      %mul3A_748 = arith.mulf %scan3A_652#0, %get3A_747 : vector<16xf32>
      %reduce_sum3A_749 = arith.constant true
      %reduce_sum3A_750 = vector.broadcast %reduce_sum3A_749 : i1 to vector<16xi1>
      %reduce_sum3A_751 = tpu.scan <sum>, %mul3A_748 masked %reduce_sum3A_750 : vector<16xf32>, vector<16xi1> -> vector<16xf32>
      %reduce_sum3A_752 = vector.extract %reduce_sum3A_751[15] : f32 from vector<16xf32>
      %get3A_753 = arith.constant 2 : i32
      %get3A_754 = arith.index_cast %get3A_753 : i32 to index
      %get3A_755 = arith.constant 16 : index
      %get3A_756 = tpu.vector_load %arg9[%get3A_754, %get3A_755] {strides = array<i32>} : memref<3x64xf32, #tpu.memory_space<vmem>>, vector<16xf32>,
      %mul3A_757 = arith.mulf %scan3A_652#1, %get3A_756 : vector<16xf32>
      %reduce_sum3A_758 = arith.constant true
      %reduce_sum3A_759 = vector.broadcast %reduce_sum3A_758 : i1 to vector<16xi1>
      %reduce_sum3A_760 = tpu.scan <sum>, %mul3A_757 masked %reduce_sum3A_759 : vector<16xf32>, vector<16xi1> -> vector<16xf32>
      %reduce_sum3A_761 = vector.extract %reduce_sum3A_760[15] : f32 from vector<16xf32>
      %add3A_762 = arith.addf %reduce_sum3A_752, %reduce_sum3A_761 : f32
      %get3A_763 = arith.constant 2 : i32
      %get3A_764 = arith.index_cast %get3A_763 : i32 to index
      %get3A_765 = arith.constant 32 : index
      %get3A_766 = tpu.vector_load %arg9[%get3A_764, %get3A_765] {strides = array<i32>} : memref<3x64xf32, #tpu.memory_space<vmem>>, vector<16xf32>,
      %mul3A_767 = arith.mulf %scan3A_652#2, %get3A_766 : vector<16xf32>
      %reduce_sum3A_768 = arith.constant true
      %reduce_sum3A_769 = vector.broadcast %reduce_sum3A_768 : i1 to vector<16xi1>
      %reduce_sum3A_770 = tpu.scan <sum>, %mul3A_767 masked %reduce_sum3A_769 : vector<16xf32>, vector<16xi1> -> vector<16xf32>
      %reduce_sum3A_771 = vector.extract %reduce_sum3A_770[15] : f32 from vector<16xf32>
      %add3A_772 = arith.addf %add3A_762, %reduce_sum3A_771 : f32
      %get3A_773 = arith.constant 2 : i32
      %get3A_774 = arith.index_cast %get3A_773 : i32 to index
      %get3A_775 = arith.constant 48 : index
      %get3A_776 = tpu.vector_load %arg9[%get3A_774, %get3A_775] {strides = array<i32>} : memref<3x64xf32, #tpu.memory_space<vmem>>, vector<16xf32>,
      %mul3A_777 = arith.mulf %scan3A_652#3, %get3A_776 : vector<16xf32>
      %reduce_sum3A_778 = arith.constant true
      %reduce_sum3A_779 = vector.broadcast %reduce_sum3A_778 : i1 to vector<16xi1>
      %reduce_sum3A_780 = tpu.scan <sum>, %mul3A_777 masked %reduce_sum3A_779 : vector<16xf32>, vector<16xi1> -> vector<16xf32>
      %reduce_sum3A_781 = vector.extract %reduce_sum3A_780[15] : f32 from vector<16xf32>
      %add3A_782 = arith.addf %add3A_772, %reduce_sum3A_781 : f32
      %mul3A_783 = arith.mulf %add3A_782, %scan3A : f32
      %slice3A_784 = vector.extract_strided_slice %get3A_5 {offsets = [2], sizes = [1], strides = [1]} : vector<16xf32> to vector<1xf32>
      %squeeze3A_785 = vector.extract %slice3A_784[0] : f32 from vector<1xf32>
      %add3A_786 = arith.addf %mul3A_783, %squeeze3A_785 : f32
      %eq3A_787 = arith.constant 0 : i32
      %eq3A_788 = vector.broadcast %eq3A_787 : i32 to vector<16xi32>
      %eq3A_789 = arith.cmpi eq, %iota3A, %eq3A_788 : vector<16xi32>
      %eq3A_790 = arith.constant 1 : i32
      %eq3A_791 = vector.broadcast %eq3A_790 : i32 to vector<16xi32>
      %eq3A_792 = arith.cmpi eq, %iota3A, %eq3A_791 : vector<16xi32>
      %broadcast_in_dim3A_793 = vector.broadcast %add3A_743 : f32 to vector<16xf32>
      %broadcast_in_dim3A_794 = vector.broadcast %add3A_786 : f32 to vector<16xf32>
      %select_n3A_795 = arith.select %eq3A_792, %broadcast_in_dim3A_793, %broadcast_in_dim3A_794 : vector<16xi1>, vector<16xf32>
      %broadcast_in_dim3A_796 = vector.broadcast %add3A_700 : f32 to vector<16xf32>
      %select_n3A_797 = arith.select %eq3A_789, %broadcast_in_dim3A_796, %select_n3A_795 : vector<16xi1>, vector<16xf32>
      %mul3A_798 = arith.constant 3 : i32
      %mul3A_799 = arith.muli %mul3A_798, %add3A_657 : i32
      %add3A_800 = vector.broadcast %mul3A_799 : i32 to vector<16xi32>
      %add3A_801 = arith.addi %add3A_800, %iota3A : vector<16xi32>
      %lt3A_802 = arith.constant 3 : i32
      %lt3A_803 = vector.broadcast %lt3A_802 : i32 to vector<16xi32>
      %lt3A_804 = arith.cmpi slt, %iota3A, %lt3A_803 : vector<16xi32>
      tpu.vector_store_idx %arg11[%add3A_801], %select_n3A_797 masked %lt3A_804 : memref<384xf32, #tpu.memory_space<vmem>>[vector<16xi32>], vector<16xf32>, vector<16xi1>
      %mul3A_805 = arith.constant 4 : i32
      %mul3A_806 = arith.muli %scan3A_135, %mul3A_805 : i32
      %add3A_807 = arith.constant 2 : i32
      %add3A_808 = arith.addi %mul3A_806, %add3A_807 : i32
      %add3A_809 = arith.constant 4 : i32
      %add3A_810 = arith.addi %add3A_808, %add3A_809 : i32
      %sub3A_811 = arith.constant 1 : i32
      %sub3A_812 = arith.subi %add3A_810, %sub3A_811 : i32
      %lt3A_813 = arith.constant 64 : i32
      %lt3A_814 = arith.cmpi slt, %sub3A_812, %lt3A_813 : i32
      %convert_element_type3A_815 = arith.extui %lt3A_814 : i1 to i32
      %cond3A_816 = arith.constant 0 : i32
      %cond3A_817 = arith.cmpi ne, %convert_element_type3A_815, %cond3A_816 : i32
      scf.if %cond3A_817 {
        %add3A_1484 = arith.constant 4 : i32
        %add3A_1485 = arith.addi %add3A_808, %add3A_1484 : i32
        %sub3A_1486 = arith.constant 1 : i32
        %sub3A_1487 = arith.subi %add3A_1485, %sub3A_1486 : i32
        %mul3A_1488 = arith.constant 4 : i32
        %mul3A_1489 = arith.muli %mul3A_1488, %sub3A_1487 : i32
        %add3A_1490 = arith.constant 0 : i32
        %add3A_1491 = arith.addi %mul3A_1489, %add3A_1490 : i32
        %dma_start3A_1492 = arith.constant 400 : i32
        %dma_start3A_1493 = arith.constant 0 : i32
        %dma_start3A_1494 = tpu.memref_slice %arg8[%dma_start3A_1492, %dma_start3A_1493] : memref<1600x64xf32, #tpu.memory_space<vmem>> -> memref<100x64xf32, #tpu.memory_space<vmem>>
        %dma_start3A_1495 = arith.constant 0 : i32
        %dma_start3A_1496 = tpu.memref_slice %arg7[%add3A_1491, %dma_start3A_1495] : memref<256x100xi32, #tpu.memory_space<vmem>> -> memref<1x100xi32, #tpu.memory_space<vmem>>
        %dma_start3A_1497 = tpu.memref_squeeze %dma_start3A_1496 : memref<1x100xi32, #tpu.memory_space<vmem>> -> memref<100xi32, #tpu.memory_space<vmem>>
        %dma_start3A_1498 = arith.constant 0 : i32
        %dma_start3A_1499 = arith.constant 0 : i32
        %dma_start3A_1500 = tpu.memref_slice %arg3[%dma_start3A_1498, %dma_start3A_1499] : memref<1000000x64xf32, #tpu.memory_space<hbm>> -> memref<1000000x64xf32, #tpu.memory_space<hbm>>
        tpu.enqueue_indirect_dma source(%dma_start3A_1500 : memref<1000000x64xf32, #tpu.memory_space<hbm>>) target(%dma_start3A_1494 : memref<100x64xf32, #tpu.memory_space<vmem>>) offsets(%dma_start3A_1497 : memref<100xi32, #tpu.memory_space<vmem>>) semaphore(%arg13 : memref<!tpu.dma_semaphore, #tpu.memory_space<semaphore_mem>>)
        %mul3A_1501 = arith.constant 4 : i32
        %mul3A_1502 = arith.muli %mul3A_1501, %sub3A_1487 : i32
        %add3A_1503 = arith.constant 1 : i32
        %add3A_1504 = arith.addi %mul3A_1502, %add3A_1503 : i32
        %dma_start3A_1505 = arith.constant 500 : i32
        %dma_start3A_1506 = arith.constant 0 : i32
        %dma_start3A_1507 = tpu.memref_slice %arg8[%dma_start3A_1505, %dma_start3A_1506] : memref<1600x64xf32, #tpu.memory_space<vmem>> -> memref<100x64xf32, #tpu.memory_space<vmem>>
        %dma_start3A_1508 = arith.constant 0 : i32
        %dma_start3A_1509 = tpu.memref_slice %arg7[%add3A_1504, %dma_start3A_1508] : memref<256x100xi32, #tpu.memory_space<vmem>> -> memref<1x100xi32, #tpu.memory_space<vmem>>
        %dma_start3A_1510 = tpu.memref_squeeze %dma_start3A_1509 : memref<1x100xi32, #tpu.memory_space<vmem>> -> memref<100xi32, #tpu.memory_space<vmem>>
        %dma_start3A_1511 = arith.constant 0 : i32
        %dma_start3A_1512 = arith.constant 0 : i32
        %dma_start3A_1513 = tpu.memref_slice %arg3[%dma_start3A_1511, %dma_start3A_1512] : memref<1000000x64xf32, #tpu.memory_space<hbm>> -> memref<1000000x64xf32, #tpu.memory_space<hbm>>
        tpu.enqueue_indirect_dma source(%dma_start3A_1513 : memref<1000000x64xf32, #tpu.memory_space<hbm>>) target(%dma_start3A_1507 : memref<100x64xf32, #tpu.memory_space<vmem>>) offsets(%dma_start3A_1510 : memref<100xi32, #tpu.memory_space<vmem>>) semaphore(%arg13 : memref<!tpu.dma_semaphore, #tpu.memory_space<semaphore_mem>>)
        %mul3A_1514 = arith.constant 4 : i32
        %mul3A_1515 = arith.muli %mul3A_1514, %sub3A_1487 : i32
        %add3A_1516 = arith.constant 2 : i32
        %add3A_1517 = arith.addi %mul3A_1515, %add3A_1516 : i32
        %dma_start3A_1518 = arith.constant 600 : i32
        %dma_start3A_1519 = arith.constant 0 : i32
        %dma_start3A_1520 = tpu.memref_slice %arg8[%dma_start3A_1518, %dma_start3A_1519] : memref<1600x64xf32, #tpu.memory_space<vmem>> -> memref<100x64xf32, #tpu.memory_space<vmem>>
        %dma_start3A_1521 = arith.constant 0 : i32
        %dma_start3A_1522 = tpu.memref_slice %arg7[%add3A_1517, %dma_start3A_1521] : memref<256x100xi32, #tpu.memory_space<vmem>> -> memref<1x100xi32, #tpu.memory_space<vmem>>
        %dma_start3A_1523 = tpu.memref_squeeze %dma_start3A_1522 : memref<1x100xi32, #tpu.memory_space<vmem>> -> memref<100xi32, #tpu.memory_space<vmem>>
        %dma_start3A_1524 = arith.constant 0 : i32
        %dma_start3A_1525 = arith.constant 0 : i32
        %dma_start3A_1526 = tpu.memref_slice %arg3[%dma_start3A_1524, %dma_start3A_1525] : memref<1000000x64xf32, #tpu.memory_space<hbm>> -> memref<1000000x64xf32, #tpu.memory_space<hbm>>
        tpu.enqueue_indirect_dma source(%dma_start3A_1526 : memref<1000000x64xf32, #tpu.memory_space<hbm>>) target(%dma_start3A_1520 : memref<100x64xf32, #tpu.memory_space<vmem>>) offsets(%dma_start3A_1523 : memref<100xi32, #tpu.memory_space<vmem>>) semaphore(%arg13 : memref<!tpu.dma_semaphore, #tpu.memory_space<semaphore_mem>>)
        %mul3A_1527 = arith.constant 4 : i32
        %mul3A_1528 = arith.muli %mul3A_1527, %sub3A_1487 : i32
        %add3A_1529 = arith.constant 3 : i32
        %add3A_1530 = arith.addi %mul3A_1528, %add3A_1529 : i32
        %dma_start3A_1531 = arith.constant 700 : i32
        %dma_start3A_1532 = arith.constant 0 : i32
        %dma_start3A_1533 = tpu.memref_slice %arg8[%dma_start3A_1531, %dma_start3A_1532] : memref<1600x64xf32, #tpu.memory_space<vmem>> -> memref<100x64xf32, #tpu.memory_space<vmem>>
        %dma_start3A_1534 = arith.constant 0 : i32
        %dma_start3A_1535 = tpu.memref_slice %arg7[%add3A_1530, %dma_start3A_1534] : memref<256x100xi32, #tpu.memory_space<vmem>> -> memref<1x100xi32, #tpu.memory_space<vmem>>
        %dma_start3A_1536 = tpu.memref_squeeze %dma_start3A_1535 : memref<1x100xi32, #tpu.memory_space<vmem>> -> memref<100xi32, #tpu.memory_space<vmem>>
        %dma_start3A_1537 = arith.constant 0 : i32
        %dma_start3A_1538 = arith.constant 0 : i32
        %dma_start3A_1539 = tpu.memref_slice %arg3[%dma_start3A_1537, %dma_start3A_1538] : memref<1000000x64xf32, #tpu.memory_space<hbm>> -> memref<1000000x64xf32, #tpu.memory_space<hbm>>
        tpu.enqueue_indirect_dma source(%dma_start3A_1539 : memref<1000000x64xf32, #tpu.memory_space<hbm>>) target(%dma_start3A_1533 : memref<100x64xf32, #tpu.memory_space<vmem>>) offsets(%dma_start3A_1536 : memref<100xi32, #tpu.memory_space<vmem>>) semaphore(%arg13 : memref<!tpu.dma_semaphore, #tpu.memory_space<semaphore_mem>>)
      } else {
      }
      %dma_wait3A_818 = arith.constant 800 : i32
      %dma_wait3A_819 = arith.constant 0 : i32
      %dma_wait3A_820 = tpu.memref_slice %arg8[%dma_wait3A_818, %dma_wait3A_819] : memref<1600x64xf32, #tpu.memory_space<vmem>> -> memref<400x64xf32, #tpu.memory_space<vmem>>
      %dma_wait3A_821 = arith.constant 0 : i32
      %dma_wait3A_822 = arith.constant 0 : i32
      %dma_wait3A_823 = tpu.memref_slice %arg3[%dma_wait3A_821, %dma_wait3A_822] : memref<1000000x64xf32, #tpu.memory_space<hbm>> -> memref<400x64xf32, #tpu.memory_space<hbm>>
      %dma_wait3A_824 = arith.constant 800 : i32
      %dma_wait3A_825 = arith.constant 0 : i32
      %dma_wait3A_826 = tpu.memref_slice %arg8[%dma_wait3A_824, %dma_wait3A_825] : memref<1600x64xf32, #tpu.memory_space<vmem>> -> memref<400x64xf32, #tpu.memory_space<vmem>>
      %dma_wait3A_827 = arith.constant 0 : i32
      %dma_wait3A_828 = arith.constant 0 : i32
      %dma_wait3A_829 = tpu.memref_slice %arg3[%dma_wait3A_827, %dma_wait3A_828] : memref<1000000x64xf32, #tpu.memory_space<hbm>> -> memref<400x64xf32, #tpu.memory_space<hbm>>
      tpu.wait_dma2 semaphore(%arg14 : memref<!tpu.dma_semaphore, #tpu.memory_space<semaphore_mem>>) src(%dma_wait3A_829 : memref<400x64xf32, #tpu.memory_space<hbm>>) dst(%dma_wait3A_826 : memref<400x64xf32, #tpu.memory_space<vmem>>)
      %scan3A_830 = arith.constant 0 : i32
      %scan3A_831 = arith.constant 200 : i32
      %scan3A_832 = arith.addi %scan3A_830, %scan3A_831 : i32
      %scan3A_833 = arith.constant 10 : i32
      %scan3A_834:4 = scf.for %scan3A_1484 = %scan3A_830 to %scan3A_832 step %scan3A_833 iter_args(%scan3A_1485 = %broadcast_in_dim3A_125, %scan3A_1486 = %broadcast_in_dim3A_125, %scan3A_1487 = %broadcast_in_dim3A_125, %scan3A_1488 = %broadcast_in_dim3A_125) -> (vector<16xf32>, vector<16xf32>, vector<16xf32>, vector<16xf32>)  : i32 {
        %add3A_1489 = arith.constant 800 : i32
        %add3A_1490 = arith.addi %add3A_1489, %scan3A_1484 : i32
        %get3A_1491 = arith.index_cast %add3A_1490 : i32 to index
        %get3A_1492 = arith.constant 0 : index
        %get3A_1493 = tpu.vector_load %arg8[%get3A_1491, %get3A_1492] {strides = array<i32>} : memref<1600x64xf32, #tpu.memory_space<vmem>>, vector<16xf32>,
        %add3A_1494 = arith.addf %scan3A_1485, %get3A_1493 : vector<16xf32>
        %add3A_1495 = arith.constant 800 : i32
        %add3A_1496 = arith.addi %add3A_1495, %scan3A_1484 : i32
        %get3A_1497 = arith.index_cast %add3A_1496 : i32 to index
        %get3A_1498 = arith.constant 16 : index
        %get3A_1499 = tpu.vector_load %arg8[%get3A_1497, %get3A_1498] {strides = array<i32>} : memref<1600x64xf32, #tpu.memory_space<vmem>>, vector<16xf32>,
        %add3A_1500 = arith.addf %scan3A_1486, %get3A_1499 : vector<16xf32>
        %add3A_1501 = arith.constant 800 : i32
        %add3A_1502 = arith.addi %add3A_1501, %scan3A_1484 : i32
        %get3A_1503 = arith.index_cast %add3A_1502 : i32 to index
        %get3A_1504 = arith.constant 32 : index
        %get3A_1505 = tpu.vector_load %arg8[%get3A_1503, %get3A_1504] {strides = array<i32>} : memref<1600x64xf32, #tpu.memory_space<vmem>>, vector<16xf32>,
        %add3A_1506 = arith.addf %scan3A_1487, %get3A_1505 : vector<16xf32>
        %add3A_1507 = arith.constant 800 : i32
        %add3A_1508 = arith.addi %add3A_1507, %scan3A_1484 : i32
        %get3A_1509 = arith.index_cast %add3A_1508 : i32 to index
        %get3A_1510 = arith.constant 48 : index
        %get3A_1511 = tpu.vector_load %arg8[%get3A_1509, %get3A_1510] {strides = array<i32>} : memref<1600x64xf32, #tpu.memory_space<vmem>>, vector<16xf32>,
        %add3A_1512 = arith.addf %scan3A_1488, %get3A_1511 : vector<16xf32>
        %scan3A_1513 = arith.constant 1 : i32
        %scan3A_1514 = arith.addi %scan3A_1484, %scan3A_1513 : i32
        %add3A_1515 = arith.constant 800 : i32
        %add3A_1516 = arith.addi %add3A_1515, %scan3A_1514 : i32
        %get3A_1517 = arith.index_cast %add3A_1516 : i32 to index
        %get3A_1518 = arith.constant 0 : index
        %get3A_1519 = tpu.vector_load %arg8[%get3A_1517, %get3A_1518] {strides = array<i32>} : memref<1600x64xf32, #tpu.memory_space<vmem>>, vector<16xf32>,
        %add3A_1520 = arith.addf %add3A_1494, %get3A_1519 : vector<16xf32>
        %add3A_1521 = arith.constant 800 : i32
        %add3A_1522 = arith.addi %add3A_1521, %scan3A_1514 : i32
        %get3A_1523 = arith.index_cast %add3A_1522 : i32 to index
        %get3A_1524 = arith.constant 16 : index
        %get3A_1525 = tpu.vector_load %arg8[%get3A_1523, %get3A_1524] {strides = array<i32>} : memref<1600x64xf32, #tpu.memory_space<vmem>>, vector<16xf32>,
        %add3A_1526 = arith.addf %add3A_1500, %get3A_1525 : vector<16xf32>
        %add3A_1527 = arith.constant 800 : i32
        %add3A_1528 = arith.addi %add3A_1527, %scan3A_1514 : i32
        %get3A_1529 = arith.index_cast %add3A_1528 : i32 to index
        %get3A_1530 = arith.constant 32 : index
        %get3A_1531 = tpu.vector_load %arg8[%get3A_1529, %get3A_1530] {strides = array<i32>} : memref<1600x64xf32, #tpu.memory_space<vmem>>, vector<16xf32>,
        %add3A_1532 = arith.addf %add3A_1506, %get3A_1531 : vector<16xf32>
        %add3A_1533 = arith.constant 800 : i32
        %add3A_1534 = arith.addi %add3A_1533, %scan3A_1514 : i32
        %get3A_1535 = arith.index_cast %add3A_1534 : i32 to index
        %get3A_1536 = arith.constant 48 : index
        %get3A_1537 = tpu.vector_load %arg8[%get3A_1535, %get3A_1536] {strides = array<i32>} : memref<1600x64xf32, #tpu.memory_space<vmem>>, vector<16xf32>,
        %add3A_1538 = arith.addf %add3A_1512, %get3A_1537 : vector<16xf32>
        %scan3A_1539 = arith.constant 2 : i32
        %scan3A_1540 = arith.addi %scan3A_1484, %scan3A_1539 : i32
        %add3A_1541 = arith.constant 800 : i32
        %add3A_1542 = arith.addi %add3A_1541, %scan3A_1540 : i32
        %get3A_1543 = arith.index_cast %add3A_1542 : i32 to index
        %get3A_1544 = arith.constant 0 : index
        %get3A_1545 = tpu.vector_load %arg8[%get3A_1543, %get3A_1544] {strides = array<i32>} : memref<1600x64xf32, #tpu.memory_space<vmem>>, vector<16xf32>,
        %add3A_1546 = arith.addf %add3A_1520, %get3A_1545 : vector<16xf32>
        %add3A_1547 = arith.constant 800 : i32
        %add3A_1548 = arith.addi %add3A_1547, %scan3A_1540 : i32
        %get3A_1549 = arith.index_cast %add3A_1548 : i32 to index
        %get3A_1550 = arith.constant 16 : index
        %get3A_1551 = tpu.vector_load %arg8[%get3A_1549, %get3A_1550] {strides = array<i32>} : memref<1600x64xf32, #tpu.memory_space<vmem>>, vector<16xf32>,
        %add3A_1552 = arith.addf %add3A_1526, %get3A_1551 : vector<16xf32>
        %add3A_1553 = arith.constant 800 : i32
        %add3A_1554 = arith.addi %add3A_1553, %scan3A_1540 : i32
        %get3A_1555 = arith.index_cast %add3A_1554 : i32 to index
        %get3A_1556 = arith.constant 32 : index
        %get3A_1557 = tpu.vector_load %arg8[%get3A_1555, %get3A_1556] {strides = array<i32>} : memref<1600x64xf32, #tpu.memory_space<vmem>>, vector<16xf32>,
        %add3A_1558 = arith.addf %add3A_1532, %get3A_1557 : vector<16xf32>
        %add3A_1559 = arith.constant 800 : i32
        %add3A_1560 = arith.addi %add3A_1559, %scan3A_1540 : i32
        %get3A_1561 = arith.index_cast %add3A_1560 : i32 to index
        %get3A_1562 = arith.constant 48 : index
        %get3A_1563 = tpu.vector_load %arg8[%get3A_1561, %get3A_1562] {strides = array<i32>} : memref<1600x64xf32, #tpu.memory_space<vmem>>, vector<16xf32>,
        %add3A_1564 = arith.addf %add3A_1538, %get3A_1563 : vector<16xf32>
        %scan3A_1565 = arith.constant 3 : i32
        %scan3A_1566 = arith.addi %scan3A_1484, %scan3A_1565 : i32
        %add3A_1567 = arith.constant 800 : i32
        %add3A_1568 = arith.addi %add3A_1567, %scan3A_1566 : i32
        %get3A_1569 = arith.index_cast %add3A_1568 : i32 to index
        %get3A_1570 = arith.constant 0 : index
        %get3A_1571 = tpu.vector_load %arg8[%get3A_1569, %get3A_1570] {strides = array<i32>} : memref<1600x64xf32, #tpu.memory_space<vmem>>, vector<16xf32>,
        %add3A_1572 = arith.addf %add3A_1546, %get3A_1571 : vector<16xf32>
        %add3A_1573 = arith.constant 800 : i32
        %add3A_1574 = arith.addi %add3A_1573, %scan3A_1566 : i32
        %get3A_1575 = arith.index_cast %add3A_1574 : i32 to index
        %get3A_1576 = arith.constant 16 : index
        %get3A_1577 = tpu.vector_load %arg8[%get3A_1575, %get3A_1576] {strides = array<i32>} : memref<1600x64xf32, #tpu.memory_space<vmem>>, vector<16xf32>,
        %add3A_1578 = arith.addf %add3A_1552, %get3A_1577 : vector<16xf32>
        %add3A_1579 = arith.constant 800 : i32
        %add3A_1580 = arith.addi %add3A_1579, %scan3A_1566 : i32
        %get3A_1581 = arith.index_cast %add3A_1580 : i32 to index
        %get3A_1582 = arith.constant 32 : index
        %get3A_1583 = tpu.vector_load %arg8[%get3A_1581, %get3A_1582] {strides = array<i32>} : memref<1600x64xf32, #tpu.memory_space<vmem>>, vector<16xf32>,
        %add3A_1584 = arith.addf %add3A_1558, %get3A_1583 : vector<16xf32>
        %add3A_1585 = arith.constant 800 : i32
        %add3A_1586 = arith.addi %add3A_1585, %scan3A_1566 : i32
        %get3A_1587 = arith.index_cast %add3A_1586 : i32 to index
        %get3A_1588 = arith.constant 48 : index
        %get3A_1589 = tpu.vector_load %arg8[%get3A_1587, %get3A_1588] {strides = array<i32>} : memref<1600x64xf32, #tpu.memory_space<vmem>>, vector<16xf32>,
        %add3A_1590 = arith.addf %add3A_1564, %get3A_1589 : vector<16xf32>
        %scan3A_1591 = arith.constant 4 : i32
        %scan3A_1592 = arith.addi %scan3A_1484, %scan3A_1591 : i32
        %add3A_1593 = arith.constant 800 : i32
        %add3A_1594 = arith.addi %add3A_1593, %scan3A_1592 : i32
        %get3A_1595 = arith.index_cast %add3A_1594 : i32 to index
        %get3A_1596 = arith.constant 0 : index
        %get3A_1597 = tpu.vector_load %arg8[%get3A_1595, %get3A_1596] {strides = array<i32>} : memref<1600x64xf32, #tpu.memory_space<vmem>>, vector<16xf32>,
        %add3A_1598 = arith.addf %add3A_1572, %get3A_1597 : vector<16xf32>
        %add3A_1599 = arith.constant 800 : i32
        %add3A_1600 = arith.addi %add3A_1599, %scan3A_1592 : i32
        %get3A_1601 = arith.index_cast %add3A_1600 : i32 to index
        %get3A_1602 = arith.constant 16 : index
        %get3A_1603 = tpu.vector_load %arg8[%get3A_1601, %get3A_1602] {strides = array<i32>} : memref<1600x64xf32, #tpu.memory_space<vmem>>, vector<16xf32>,
        %add3A_1604 = arith.addf %add3A_1578, %get3A_1603 : vector<16xf32>
        %add3A_1605 = arith.constant 800 : i32
        %add3A_1606 = arith.addi %add3A_1605, %scan3A_1592 : i32
        %get3A_1607 = arith.index_cast %add3A_1606 : i32 to index
        %get3A_1608 = arith.constant 32 : index
        %get3A_1609 = tpu.vector_load %arg8[%get3A_1607, %get3A_1608] {strides = array<i32>} : memref<1600x64xf32, #tpu.memory_space<vmem>>, vector<16xf32>,
        %add3A_1610 = arith.addf %add3A_1584, %get3A_1609 : vector<16xf32>
        %add3A_1611 = arith.constant 800 : i32
        %add3A_1612 = arith.addi %add3A_1611, %scan3A_1592 : i32
        %get3A_1613 = arith.index_cast %add3A_1612 : i32 to index
        %get3A_1614 = arith.constant 48 : index
        %get3A_1615 = tpu.vector_load %arg8[%get3A_1613, %get3A_1614] {strides = array<i32>} : memref<1600x64xf32, #tpu.memory_space<vmem>>, vector<16xf32>,
        %add3A_1616 = arith.addf %add3A_1590, %get3A_1615 : vector<16xf32>
        %scan3A_1617 = arith.constant 5 : i32
        %scan3A_1618 = arith.addi %scan3A_1484, %scan3A_1617 : i32
        %add3A_1619 = arith.constant 800 : i32
        %add3A_1620 = arith.addi %add3A_1619, %scan3A_1618 : i32
        %get3A_1621 = arith.index_cast %add3A_1620 : i32 to index
        %get3A_1622 = arith.constant 0 : index
        %get3A_1623 = tpu.vector_load %arg8[%get3A_1621, %get3A_1622] {strides = array<i32>} : memref<1600x64xf32, #tpu.memory_space<vmem>>, vector<16xf32>,
        %add3A_1624 = arith.addf %add3A_1598, %get3A_1623 : vector<16xf32>
        %add3A_1625 = arith.constant 800 : i32
        %add3A_1626 = arith.addi %add3A_1625, %scan3A_1618 : i32
        %get3A_1627 = arith.index_cast %add3A_1626 : i32 to index
        %get3A_1628 = arith.constant 16 : index
        %get3A_1629 = tpu.vector_load %arg8[%get3A_1627, %get3A_1628] {strides = array<i32>} : memref<1600x64xf32, #tpu.memory_space<vmem>>, vector<16xf32>,
        %add3A_1630 = arith.addf %add3A_1604, %get3A_1629 : vector<16xf32>
        %add3A_1631 = arith.constant 800 : i32
        %add3A_1632 = arith.addi %add3A_1631, %scan3A_1618 : i32
        %get3A_1633 = arith.index_cast %add3A_1632 : i32 to index
        %get3A_1634 = arith.constant 32 : index
        %get3A_1635 = tpu.vector_load %arg8[%get3A_1633, %get3A_1634] {strides = array<i32>} : memref<1600x64xf32, #tpu.memory_space<vmem>>, vector<16xf32>,
        %add3A_1636 = arith.addf %add3A_1610, %get3A_1635 : vector<16xf32>
        %add3A_1637 = arith.constant 800 : i32
        %add3A_1638 = arith.addi %add3A_1637, %scan3A_1618 : i32
        %get3A_1639 = arith.index_cast %add3A_1638 : i32 to index
        %get3A_1640 = arith.constant 48 : index
        %get3A_1641 = tpu.vector_load %arg8[%get3A_1639, %get3A_1640] {strides = array<i32>} : memref<1600x64xf32, #tpu.memory_space<vmem>>, vector<16xf32>,
        %add3A_1642 = arith.addf %add3A_1616, %get3A_1641 : vector<16xf32>
        %scan3A_1643 = arith.constant 6 : i32
        %scan3A_1644 = arith.addi %scan3A_1484, %scan3A_1643 : i32
        %add3A_1645 = arith.constant 800 : i32
        %add3A_1646 = arith.addi %add3A_1645, %scan3A_1644 : i32
        %get3A_1647 = arith.index_cast %add3A_1646 : i32 to index
        %get3A_1648 = arith.constant 0 : index
        %get3A_1649 = tpu.vector_load %arg8[%get3A_1647, %get3A_1648] {strides = array<i32>} : memref<1600x64xf32, #tpu.memory_space<vmem>>, vector<16xf32>,
        %add3A_1650 = arith.addf %add3A_1624, %get3A_1649 : vector<16xf32>
        %add3A_1651 = arith.constant 800 : i32
        %add3A_1652 = arith.addi %add3A_1651, %scan3A_1644 : i32
        %get3A_1653 = arith.index_cast %add3A_1652 : i32 to index
        %get3A_1654 = arith.constant 16 : index
        %get3A_1655 = tpu.vector_load %arg8[%get3A_1653, %get3A_1654] {strides = array<i32>} : memref<1600x64xf32, #tpu.memory_space<vmem>>, vector<16xf32>,
        %add3A_1656 = arith.addf %add3A_1630, %get3A_1655 : vector<16xf32>
        %add3A_1657 = arith.constant 800 : i32
        %add3A_1658 = arith.addi %add3A_1657, %scan3A_1644 : i32
        %get3A_1659 = arith.index_cast %add3A_1658 : i32 to index
        %get3A_1660 = arith.constant 32 : index
        %get3A_1661 = tpu.vector_load %arg8[%get3A_1659, %get3A_1660] {strides = array<i32>} : memref<1600x64xf32, #tpu.memory_space<vmem>>, vector<16xf32>,
        %add3A_1662 = arith.addf %add3A_1636, %get3A_1661 : vector<16xf32>
        %add3A_1663 = arith.constant 800 : i32
        %add3A_1664 = arith.addi %add3A_1663, %scan3A_1644 : i32
        %get3A_1665 = arith.index_cast %add3A_1664 : i32 to index
        %get3A_1666 = arith.constant 48 : index
        %get3A_1667 = tpu.vector_load %arg8[%get3A_1665, %get3A_1666] {strides = array<i32>} : memref<1600x64xf32, #tpu.memory_space<vmem>>, vector<16xf32>,
        %add3A_1668 = arith.addf %add3A_1642, %get3A_1667 : vector<16xf32>
        %scan3A_1669 = arith.constant 7 : i32
        %scan3A_1670 = arith.addi %scan3A_1484, %scan3A_1669 : i32
        %add3A_1671 = arith.constant 800 : i32
        %add3A_1672 = arith.addi %add3A_1671, %scan3A_1670 : i32
        %get3A_1673 = arith.index_cast %add3A_1672 : i32 to index
        %get3A_1674 = arith.constant 0 : index
        %get3A_1675 = tpu.vector_load %arg8[%get3A_1673, %get3A_1674] {strides = array<i32>} : memref<1600x64xf32, #tpu.memory_space<vmem>>, vector<16xf32>,
        %add3A_1676 = arith.addf %add3A_1650, %get3A_1675 : vector<16xf32>
        %add3A_1677 = arith.constant 800 : i32
        %add3A_1678 = arith.addi %add3A_1677, %scan3A_1670 : i32
        %get3A_1679 = arith.index_cast %add3A_1678 : i32 to index
        %get3A_1680 = arith.constant 16 : index
        %get3A_1681 = tpu.vector_load %arg8[%get3A_1679, %get3A_1680] {strides = array<i32>} : memref<1600x64xf32, #tpu.memory_space<vmem>>, vector<16xf32>,
        %add3A_1682 = arith.addf %add3A_1656, %get3A_1681 : vector<16xf32>
        %add3A_1683 = arith.constant 800 : i32
        %add3A_1684 = arith.addi %add3A_1683, %scan3A_1670 : i32
        %get3A_1685 = arith.index_cast %add3A_1684 : i32 to index
        %get3A_1686 = arith.constant 32 : index
        %get3A_1687 = tpu.vector_load %arg8[%get3A_1685, %get3A_1686] {strides = array<i32>} : memref<1600x64xf32, #tpu.memory_space<vmem>>, vector<16xf32>,
        %add3A_1688 = arith.addf %add3A_1662, %get3A_1687 : vector<16xf32>
        %add3A_1689 = arith.constant 800 : i32
        %add3A_1690 = arith.addi %add3A_1689, %scan3A_1670 : i32
        %get3A_1691 = arith.index_cast %add3A_1690 : i32 to index
        %get3A_1692 = arith.constant 48 : index
        %get3A_1693 = tpu.vector_load %arg8[%get3A_1691, %get3A_1692] {strides = array<i32>} : memref<1600x64xf32, #tpu.memory_space<vmem>>, vector<16xf32>,
        %add3A_1694 = arith.addf %add3A_1668, %get3A_1693 : vector<16xf32>
        %scan3A_1695 = arith.constant 8 : i32
        %scan3A_1696 = arith.addi %scan3A_1484, %scan3A_1695 : i32
        %add3A_1697 = arith.constant 800 : i32
        %add3A_1698 = arith.addi %add3A_1697, %scan3A_1696 : i32
        %get3A_1699 = arith.index_cast %add3A_1698 : i32 to index
        %get3A_1700 = arith.constant 0 : index
        %get3A_1701 = tpu.vector_load %arg8[%get3A_1699, %get3A_1700] {strides = array<i32>} : memref<1600x64xf32, #tpu.memory_space<vmem>>, vector<16xf32>,
        %add3A_1702 = arith.addf %add3A_1676, %get3A_1701 : vector<16xf32>
        %add3A_1703 = arith.constant 800 : i32
        %add3A_1704 = arith.addi %add3A_1703, %scan3A_1696 : i32
        %get3A_1705 = arith.index_cast %add3A_1704 : i32 to index
        %get3A_1706 = arith.constant 16 : index
        %get3A_1707 = tpu.vector_load %arg8[%get3A_1705, %get3A_1706] {strides = array<i32>} : memref<1600x64xf32, #tpu.memory_space<vmem>>, vector<16xf32>,
        %add3A_1708 = arith.addf %add3A_1682, %get3A_1707 : vector<16xf32>
        %add3A_1709 = arith.constant 800 : i32
        %add3A_1710 = arith.addi %add3A_1709, %scan3A_1696 : i32
        %get3A_1711 = arith.index_cast %add3A_1710 : i32 to index
        %get3A_1712 = arith.constant 32 : index
        %get3A_1713 = tpu.vector_load %arg8[%get3A_1711, %get3A_1712] {strides = array<i32>} : memref<1600x64xf32, #tpu.memory_space<vmem>>, vector<16xf32>,
        %add3A_1714 = arith.addf %add3A_1688, %get3A_1713 : vector<16xf32>
        %add3A_1715 = arith.constant 800 : i32
        %add3A_1716 = arith.addi %add3A_1715, %scan3A_1696 : i32
        %get3A_1717 = arith.index_cast %add3A_1716 : i32 to index
        %get3A_1718 = arith.constant 48 : index
        %get3A_1719 = tpu.vector_load %arg8[%get3A_1717, %get3A_1718] {strides = array<i32>} : memref<1600x64xf32, #tpu.memory_space<vmem>>, vector<16xf32>,
        %add3A_1720 = arith.addf %add3A_1694, %get3A_1719 : vector<16xf32>
        %scan3A_1721 = arith.constant 9 : i32
        %scan3A_1722 = arith.addi %scan3A_1484, %scan3A_1721 : i32
        %add3A_1723 = arith.constant 800 : i32
        %add3A_1724 = arith.addi %add3A_1723, %scan3A_1722 : i32
        %get3A_1725 = arith.index_cast %add3A_1724 : i32 to index
        %get3A_1726 = arith.constant 0 : index
        %get3A_1727 = tpu.vector_load %arg8[%get3A_1725, %get3A_1726] {strides = array<i32>} : memref<1600x64xf32, #tpu.memory_space<vmem>>, vector<16xf32>,
        %add3A_1728 = arith.addf %add3A_1702, %get3A_1727 : vector<16xf32>
        %add3A_1729 = arith.constant 800 : i32
        %add3A_1730 = arith.addi %add3A_1729, %scan3A_1722 : i32
        %get3A_1731 = arith.index_cast %add3A_1730 : i32 to index
        %get3A_1732 = arith.constant 16 : index
        %get3A_1733 = tpu.vector_load %arg8[%get3A_1731, %get3A_1732] {strides = array<i32>} : memref<1600x64xf32, #tpu.memory_space<vmem>>, vector<16xf32>,
        %add3A_1734 = arith.addf %add3A_1708, %get3A_1733 : vector<16xf32>
        %add3A_1735 = arith.constant 800 : i32
        %add3A_1736 = arith.addi %add3A_1735, %scan3A_1722 : i32
        %get3A_1737 = arith.index_cast %add3A_1736 : i32 to index
        %get3A_1738 = arith.constant 32 : index
        %get3A_1739 = tpu.vector_load %arg8[%get3A_1737, %get3A_1738] {strides = array<i32>} : memref<1600x64xf32, #tpu.memory_space<vmem>>, vector<16xf32>,
        %add3A_1740 = arith.addf %add3A_1714, %get3A_1739 : vector<16xf32>
        %add3A_1741 = arith.constant 800 : i32
        %add3A_1742 = arith.addi %add3A_1741, %scan3A_1722 : i32
        %get3A_1743 = arith.index_cast %add3A_1742 : i32 to index
        %get3A_1744 = arith.constant 48 : index
        %get3A_1745 = tpu.vector_load %arg8[%get3A_1743, %get3A_1744] {strides = array<i32>} : memref<1600x64xf32, #tpu.memory_space<vmem>>, vector<16xf32>,
        %add3A_1746 = arith.addf %add3A_1720, %get3A_1745 : vector<16xf32>
        scf.yield %add3A_1728, %add3A_1734, %add3A_1740, %add3A_1746 : vector<16xf32>, vector<16xf32>, vector<16xf32>, vector<16xf32>
      }
      %scan3A_835 = arith.constant 200 : i32
      %mul3A_836 = arith.constant 2 : i32
      %mul3A_837 = arith.muli %mul3A_836, %add3A_808 : i32
      %add3A_838 = arith.constant 0 : i32
      %add3A_839 = arith.addi %mul3A_837, %add3A_838 : i32
      %get3A_840 = arith.constant 0 : i32
      %get3A_841 = arith.index_cast %get3A_840 : i32 to index
      %get3A_842 = arith.constant 0 : index
      %get3A_843 = tpu.vector_load %arg9[%get3A_841, %get3A_842] {strides = array<i32>} : memref<3x64xf32, #tpu.memory_space<vmem>>, vector<16xf32>,
      %mul3A_844 = arith.mulf %scan3A_834#0, %get3A_843 : vector<16xf32>
      %reduce_sum3A_845 = arith.constant true
      %reduce_sum3A_846 = vector.broadcast %reduce_sum3A_845 : i1 to vector<16xi1>
      %reduce_sum3A_847 = tpu.scan <sum>, %mul3A_844 masked %reduce_sum3A_846 : vector<16xf32>, vector<16xi1> -> vector<16xf32>
      %reduce_sum3A_848 = vector.extract %reduce_sum3A_847[15] : f32 from vector<16xf32>
      %get3A_849 = arith.constant 0 : i32
      %get3A_850 = arith.index_cast %get3A_849 : i32 to index
      %get3A_851 = arith.constant 16 : index
      %get3A_852 = tpu.vector_load %arg9[%get3A_850, %get3A_851] {strides = array<i32>} : memref<3x64xf32, #tpu.memory_space<vmem>>, vector<16xf32>,
      %mul3A_853 = arith.mulf %scan3A_834#1, %get3A_852 : vector<16xf32>
      %reduce_sum3A_854 = arith.constant true
      %reduce_sum3A_855 = vector.broadcast %reduce_sum3A_854 : i1 to vector<16xi1>
      %reduce_sum3A_856 = tpu.scan <sum>, %mul3A_853 masked %reduce_sum3A_855 : vector<16xf32>, vector<16xi1> -> vector<16xf32>
      %reduce_sum3A_857 = vector.extract %reduce_sum3A_856[15] : f32 from vector<16xf32>
      %add3A_858 = arith.addf %reduce_sum3A_848, %reduce_sum3A_857 : f32
      %get3A_859 = arith.constant 0 : i32
      %get3A_860 = arith.index_cast %get3A_859 : i32 to index
      %get3A_861 = arith.constant 32 : index
      %get3A_862 = tpu.vector_load %arg9[%get3A_860, %get3A_861] {strides = array<i32>} : memref<3x64xf32, #tpu.memory_space<vmem>>, vector<16xf32>,
      %mul3A_863 = arith.mulf %scan3A_834#2, %get3A_862 : vector<16xf32>
      %reduce_sum3A_864 = arith.constant true
      %reduce_sum3A_865 = vector.broadcast %reduce_sum3A_864 : i1 to vector<16xi1>
      %reduce_sum3A_866 = tpu.scan <sum>, %mul3A_863 masked %reduce_sum3A_865 : vector<16xf32>, vector<16xi1> -> vector<16xf32>
      %reduce_sum3A_867 = vector.extract %reduce_sum3A_866[15] : f32 from vector<16xf32>
      %add3A_868 = arith.addf %add3A_858, %reduce_sum3A_867 : f32
      %get3A_869 = arith.constant 0 : i32
      %get3A_870 = arith.index_cast %get3A_869 : i32 to index
      %get3A_871 = arith.constant 48 : index
      %get3A_872 = tpu.vector_load %arg9[%get3A_870, %get3A_871] {strides = array<i32>} : memref<3x64xf32, #tpu.memory_space<vmem>>, vector<16xf32>,
      %mul3A_873 = arith.mulf %scan3A_834#3, %get3A_872 : vector<16xf32>
      %reduce_sum3A_874 = arith.constant true
      %reduce_sum3A_875 = vector.broadcast %reduce_sum3A_874 : i1 to vector<16xi1>
      %reduce_sum3A_876 = tpu.scan <sum>, %mul3A_873 masked %reduce_sum3A_875 : vector<16xf32>, vector<16xi1> -> vector<16xf32>
      %reduce_sum3A_877 = vector.extract %reduce_sum3A_876[15] : f32 from vector<16xf32>
      %add3A_878 = arith.addf %add3A_868, %reduce_sum3A_877 : f32
      %mul3A_879 = arith.mulf %add3A_878, %scan3A : f32
      %slice3A_880 = vector.extract_strided_slice %get3A_5 {offsets = [0], sizes = [1], strides = [1]} : vector<16xf32> to vector<1xf32>
      %squeeze3A_881 = vector.extract %slice3A_880[0] : f32 from vector<1xf32>
      %add3A_882 = arith.addf %mul3A_879, %squeeze3A_881 : f32
      %get3A_883 = arith.constant 1 : i32
      %get3A_884 = arith.index_cast %get3A_883 : i32 to index
      %get3A_885 = arith.constant 0 : index
      %get3A_886 = tpu.vector_load %arg9[%get3A_884, %get3A_885] {strides = array<i32>} : memref<3x64xf32, #tpu.memory_space<vmem>>, vector<16xf32>,
      %mul3A_887 = arith.mulf %scan3A_834#0, %get3A_886 : vector<16xf32>
      %reduce_sum3A_888 = arith.constant true
      %reduce_sum3A_889 = vector.broadcast %reduce_sum3A_888 : i1 to vector<16xi1>
      %reduce_sum3A_890 = tpu.scan <sum>, %mul3A_887 masked %reduce_sum3A_889 : vector<16xf32>, vector<16xi1> -> vector<16xf32>
      %reduce_sum3A_891 = vector.extract %reduce_sum3A_890[15] : f32 from vector<16xf32>
      %get3A_892 = arith.constant 1 : i32
      %get3A_893 = arith.index_cast %get3A_892 : i32 to index
      %get3A_894 = arith.constant 16 : index
      %get3A_895 = tpu.vector_load %arg9[%get3A_893, %get3A_894] {strides = array<i32>} : memref<3x64xf32, #tpu.memory_space<vmem>>, vector<16xf32>,
      %mul3A_896 = arith.mulf %scan3A_834#1, %get3A_895 : vector<16xf32>
      %reduce_sum3A_897 = arith.constant true
      %reduce_sum3A_898 = vector.broadcast %reduce_sum3A_897 : i1 to vector<16xi1>
      %reduce_sum3A_899 = tpu.scan <sum>, %mul3A_896 masked %reduce_sum3A_898 : vector<16xf32>, vector<16xi1> -> vector<16xf32>
      %reduce_sum3A_900 = vector.extract %reduce_sum3A_899[15] : f32 from vector<16xf32>
      %add3A_901 = arith.addf %reduce_sum3A_891, %reduce_sum3A_900 : f32
      %get3A_902 = arith.constant 1 : i32
      %get3A_903 = arith.index_cast %get3A_902 : i32 to index
      %get3A_904 = arith.constant 32 : index
      %get3A_905 = tpu.vector_load %arg9[%get3A_903, %get3A_904] {strides = array<i32>} : memref<3x64xf32, #tpu.memory_space<vmem>>, vector<16xf32>,
      %mul3A_906 = arith.mulf %scan3A_834#2, %get3A_905 : vector<16xf32>
      %reduce_sum3A_907 = arith.constant true
      %reduce_sum3A_908 = vector.broadcast %reduce_sum3A_907 : i1 to vector<16xi1>
      %reduce_sum3A_909 = tpu.scan <sum>, %mul3A_906 masked %reduce_sum3A_908 : vector<16xf32>, vector<16xi1> -> vector<16xf32>
      %reduce_sum3A_910 = vector.extract %reduce_sum3A_909[15] : f32 from vector<16xf32>
      %add3A_911 = arith.addf %add3A_901, %reduce_sum3A_910 : f32
      %get3A_912 = arith.constant 1 : i32
      %get3A_913 = arith.index_cast %get3A_912 : i32 to index
      %get3A_914 = arith.constant 48 : index
      %get3A_915 = tpu.vector_load %arg9[%get3A_913, %get3A_914] {strides = array<i32>} : memref<3x64xf32, #tpu.memory_space<vmem>>, vector<16xf32>,
      %mul3A_916 = arith.mulf %scan3A_834#3, %get3A_915 : vector<16xf32>
      %reduce_sum3A_917 = arith.constant true
      %reduce_sum3A_918 = vector.broadcast %reduce_sum3A_917 : i1 to vector<16xi1>
      %reduce_sum3A_919 = tpu.scan <sum>, %mul3A_916 masked %reduce_sum3A_918 : vector<16xf32>, vector<16xi1> -> vector<16xf32>
      %reduce_sum3A_920 = vector.extract %reduce_sum3A_919[15] : f32 from vector<16xf32>
      %add3A_921 = arith.addf %add3A_911, %reduce_sum3A_920 : f32
      %mul3A_922 = arith.mulf %add3A_921, %scan3A : f32
      %slice3A_923 = vector.extract_strided_slice %get3A_5 {offsets = [1], sizes = [1], strides = [1]} : vector<16xf32> to vector<1xf32>
      %squeeze3A_924 = vector.extract %slice3A_923[0] : f32 from vector<1xf32>
      %add3A_925 = arith.addf %mul3A_922, %squeeze3A_924 : f32
      %get3A_926 = arith.constant 2 : i32
      %get3A_927 = arith.index_cast %get3A_926 : i32 to index
      %get3A_928 = arith.constant 0 : index
      %get3A_929 = tpu.vector_load %arg9[%get3A_927, %get3A_928] {strides = array<i32>} : memref<3x64xf32, #tpu.memory_space<vmem>>, vector<16xf32>,
      %mul3A_930 = arith.mulf %scan3A_834#0, %get3A_929 : vector<16xf32>
      %reduce_sum3A_931 = arith.constant true
      %reduce_sum3A_932 = vector.broadcast %reduce_sum3A_931 : i1 to vector<16xi1>
      %reduce_sum3A_933 = tpu.scan <sum>, %mul3A_930 masked %reduce_sum3A_932 : vector<16xf32>, vector<16xi1> -> vector<16xf32>
      %reduce_sum3A_934 = vector.extract %reduce_sum3A_933[15] : f32 from vector<16xf32>
      %get3A_935 = arith.constant 2 : i32
      %get3A_936 = arith.index_cast %get3A_935 : i32 to index
      %get3A_937 = arith.constant 16 : index
      %get3A_938 = tpu.vector_load %arg9[%get3A_936, %get3A_937] {strides = array<i32>} : memref<3x64xf32, #tpu.memory_space<vmem>>, vector<16xf32>,
      %mul3A_939 = arith.mulf %scan3A_834#1, %get3A_938 : vector<16xf32>
      %reduce_sum3A_940 = arith.constant true
      %reduce_sum3A_941 = vector.broadcast %reduce_sum3A_940 : i1 to vector<16xi1>
      %reduce_sum3A_942 = tpu.scan <sum>, %mul3A_939 masked %reduce_sum3A_941 : vector<16xf32>, vector<16xi1> -> vector<16xf32>
      %reduce_sum3A_943 = vector.extract %reduce_sum3A_942[15] : f32 from vector<16xf32>
      %add3A_944 = arith.addf %reduce_sum3A_934, %reduce_sum3A_943 : f32
      %get3A_945 = arith.constant 2 : i32
      %get3A_946 = arith.index_cast %get3A_945 : i32 to index
      %get3A_947 = arith.constant 32 : index
      %get3A_948 = tpu.vector_load %arg9[%get3A_946, %get3A_947] {strides = array<i32>} : memref<3x64xf32, #tpu.memory_space<vmem>>, vector<16xf32>,
      %mul3A_949 = arith.mulf %scan3A_834#2, %get3A_948 : vector<16xf32>
      %reduce_sum3A_950 = arith.constant true
      %reduce_sum3A_951 = vector.broadcast %reduce_sum3A_950 : i1 to vector<16xi1>
      %reduce_sum3A_952 = tpu.scan <sum>, %mul3A_949 masked %reduce_sum3A_951 : vector<16xf32>, vector<16xi1> -> vector<16xf32>
      %reduce_sum3A_953 = vector.extract %reduce_sum3A_952[15] : f32 from vector<16xf32>
      %add3A_954 = arith.addf %add3A_944, %reduce_sum3A_953 : f32
      %get3A_955 = arith.constant 2 : i32
      %get3A_956 = arith.index_cast %get3A_955 : i32 to index
      %get3A_957 = arith.constant 48 : index
      %get3A_958 = tpu.vector_load %arg9[%get3A_956, %get3A_957] {strides = array<i32>} : memref<3x64xf32, #tpu.memory_space<vmem>>, vector<16xf32>,
      %mul3A_959 = arith.mulf %scan3A_834#3, %get3A_958 : vector<16xf32>
      %reduce_sum3A_960 = arith.constant true
      %reduce_sum3A_961 = vector.broadcast %reduce_sum3A_960 : i1 to vector<16xi1>
      %reduce_sum3A_962 = tpu.scan <sum>, %mul3A_959 masked %reduce_sum3A_961 : vector<16xf32>, vector<16xi1> -> vector<16xf32>
      %reduce_sum3A_963 = vector.extract %reduce_sum3A_962[15] : f32 from vector<16xf32>
      %add3A_964 = arith.addf %add3A_954, %reduce_sum3A_963 : f32
      %mul3A_965 = arith.mulf %add3A_964, %scan3A : f32
      %slice3A_966 = vector.extract_strided_slice %get3A_5 {offsets = [2], sizes = [1], strides = [1]} : vector<16xf32> to vector<1xf32>
      %squeeze3A_967 = vector.extract %slice3A_966[0] : f32 from vector<1xf32>
      %add3A_968 = arith.addf %mul3A_965, %squeeze3A_967 : f32
      %eq3A_969 = arith.constant 0 : i32
      %eq3A_970 = vector.broadcast %eq3A_969 : i32 to vector<16xi32>
      %eq3A_971 = arith.cmpi eq, %iota3A, %eq3A_970 : vector<16xi32>
      %eq3A_972 = arith.constant 1 : i32
      %eq3A_973 = vector.broadcast %eq3A_972 : i32 to vector<16xi32>
      %eq3A_974 = arith.cmpi eq, %iota3A, %eq3A_973 : vector<16xi32>
      %broadcast_in_dim3A_975 = vector.broadcast %add3A_925 : f32 to vector<16xf32>
      %broadcast_in_dim3A_976 = vector.broadcast %add3A_968 : f32 to vector<16xf32>
      %select_n3A_977 = arith.select %eq3A_974, %broadcast_in_dim3A_975, %broadcast_in_dim3A_976 : vector<16xi1>, vector<16xf32>
      %broadcast_in_dim3A_978 = vector.broadcast %add3A_882 : f32 to vector<16xf32>
      %select_n3A_979 = arith.select %eq3A_971, %broadcast_in_dim3A_978, %select_n3A_977 : vector<16xi1>, vector<16xf32>
      %mul3A_980 = arith.constant 3 : i32
      %mul3A_981 = arith.muli %mul3A_980, %add3A_839 : i32
      %add3A_982 = vector.broadcast %mul3A_981 : i32 to vector<16xi32>
      %add3A_983 = arith.addi %add3A_982, %iota3A : vector<16xi32>
      %lt3A_984 = arith.constant 3 : i32
      %lt3A_985 = vector.broadcast %lt3A_984 : i32 to vector<16xi32>
      %lt3A_986 = arith.cmpi slt, %iota3A, %lt3A_985 : vector<16xi32>
      tpu.vector_store_idx %arg11[%add3A_983], %select_n3A_979 masked %lt3A_986 : memref<384xf32, #tpu.memory_space<vmem>>[vector<16xi32>], vector<16xf32>, vector<16xi1>
      %scan3A_987 = arith.constant 0 : i32
      %scan3A_988 = arith.constant 200 : i32
      %scan3A_989 = arith.addi %scan3A_987, %scan3A_988 : i32
      %scan3A_990 = arith.constant 10 : i32
      %scan3A_991:4 = scf.for %scan3A_1484 = %scan3A_987 to %scan3A_989 step %scan3A_990 iter_args(%scan3A_1485 = %broadcast_in_dim3A_125, %scan3A_1486 = %broadcast_in_dim3A_125, %scan3A_1487 = %broadcast_in_dim3A_125, %scan3A_1488 = %broadcast_in_dim3A_125) -> (vector<16xf32>, vector<16xf32>, vector<16xf32>, vector<16xf32>)  : i32 {
        %add3A_1489 = arith.constant 1000 : i32
        %add3A_1490 = arith.addi %add3A_1489, %scan3A_1484 : i32
        %get3A_1491 = arith.index_cast %add3A_1490 : i32 to index
        %get3A_1492 = arith.constant 0 : index
        %get3A_1493 = tpu.vector_load %arg8[%get3A_1491, %get3A_1492] {strides = array<i32>} : memref<1600x64xf32, #tpu.memory_space<vmem>>, vector<16xf32>,
        %add3A_1494 = arith.addf %scan3A_1485, %get3A_1493 : vector<16xf32>
        %add3A_1495 = arith.constant 1000 : i32
        %add3A_1496 = arith.addi %add3A_1495, %scan3A_1484 : i32
        %get3A_1497 = arith.index_cast %add3A_1496 : i32 to index
        %get3A_1498 = arith.constant 16 : index
        %get3A_1499 = tpu.vector_load %arg8[%get3A_1497, %get3A_1498] {strides = array<i32>} : memref<1600x64xf32, #tpu.memory_space<vmem>>, vector<16xf32>,
        %add3A_1500 = arith.addf %scan3A_1486, %get3A_1499 : vector<16xf32>
        %add3A_1501 = arith.constant 1000 : i32
        %add3A_1502 = arith.addi %add3A_1501, %scan3A_1484 : i32
        %get3A_1503 = arith.index_cast %add3A_1502 : i32 to index
        %get3A_1504 = arith.constant 32 : index
        %get3A_1505 = tpu.vector_load %arg8[%get3A_1503, %get3A_1504] {strides = array<i32>} : memref<1600x64xf32, #tpu.memory_space<vmem>>, vector<16xf32>,
        %add3A_1506 = arith.addf %scan3A_1487, %get3A_1505 : vector<16xf32>
        %add3A_1507 = arith.constant 1000 : i32
        %add3A_1508 = arith.addi %add3A_1507, %scan3A_1484 : i32
        %get3A_1509 = arith.index_cast %add3A_1508 : i32 to index
        %get3A_1510 = arith.constant 48 : index
        %get3A_1511 = tpu.vector_load %arg8[%get3A_1509, %get3A_1510] {strides = array<i32>} : memref<1600x64xf32, #tpu.memory_space<vmem>>, vector<16xf32>,
        %add3A_1512 = arith.addf %scan3A_1488, %get3A_1511 : vector<16xf32>
        %scan3A_1513 = arith.constant 1 : i32
        %scan3A_1514 = arith.addi %scan3A_1484, %scan3A_1513 : i32
        %add3A_1515 = arith.constant 1000 : i32
        %add3A_1516 = arith.addi %add3A_1515, %scan3A_1514 : i32
        %get3A_1517 = arith.index_cast %add3A_1516 : i32 to index
        %get3A_1518 = arith.constant 0 : index
        %get3A_1519 = tpu.vector_load %arg8[%get3A_1517, %get3A_1518] {strides = array<i32>} : memref<1600x64xf32, #tpu.memory_space<vmem>>, vector<16xf32>,
        %add3A_1520 = arith.addf %add3A_1494, %get3A_1519 : vector<16xf32>
        %add3A_1521 = arith.constant 1000 : i32
        %add3A_1522 = arith.addi %add3A_1521, %scan3A_1514 : i32
        %get3A_1523 = arith.index_cast %add3A_1522 : i32 to index
        %get3A_1524 = arith.constant 16 : index
        %get3A_1525 = tpu.vector_load %arg8[%get3A_1523, %get3A_1524] {strides = array<i32>} : memref<1600x64xf32, #tpu.memory_space<vmem>>, vector<16xf32>,
        %add3A_1526 = arith.addf %add3A_1500, %get3A_1525 : vector<16xf32>
        %add3A_1527 = arith.constant 1000 : i32
        %add3A_1528 = arith.addi %add3A_1527, %scan3A_1514 : i32
        %get3A_1529 = arith.index_cast %add3A_1528 : i32 to index
        %get3A_1530 = arith.constant 32 : index
        %get3A_1531 = tpu.vector_load %arg8[%get3A_1529, %get3A_1530] {strides = array<i32>} : memref<1600x64xf32, #tpu.memory_space<vmem>>, vector<16xf32>,
        %add3A_1532 = arith.addf %add3A_1506, %get3A_1531 : vector<16xf32>
        %add3A_1533 = arith.constant 1000 : i32
        %add3A_1534 = arith.addi %add3A_1533, %scan3A_1514 : i32
        %get3A_1535 = arith.index_cast %add3A_1534 : i32 to index
        %get3A_1536 = arith.constant 48 : index
        %get3A_1537 = tpu.vector_load %arg8[%get3A_1535, %get3A_1536] {strides = array<i32>} : memref<1600x64xf32, #tpu.memory_space<vmem>>, vector<16xf32>,
        %add3A_1538 = arith.addf %add3A_1512, %get3A_1537 : vector<16xf32>
        %scan3A_1539 = arith.constant 2 : i32
        %scan3A_1540 = arith.addi %scan3A_1484, %scan3A_1539 : i32
        %add3A_1541 = arith.constant 1000 : i32
        %add3A_1542 = arith.addi %add3A_1541, %scan3A_1540 : i32
        %get3A_1543 = arith.index_cast %add3A_1542 : i32 to index
        %get3A_1544 = arith.constant 0 : index
        %get3A_1545 = tpu.vector_load %arg8[%get3A_1543, %get3A_1544] {strides = array<i32>} : memref<1600x64xf32, #tpu.memory_space<vmem>>, vector<16xf32>,
        %add3A_1546 = arith.addf %add3A_1520, %get3A_1545 : vector<16xf32>
        %add3A_1547 = arith.constant 1000 : i32
        %add3A_1548 = arith.addi %add3A_1547, %scan3A_1540 : i32
        %get3A_1549 = arith.index_cast %add3A_1548 : i32 to index
        %get3A_1550 = arith.constant 16 : index
        %get3A_1551 = tpu.vector_load %arg8[%get3A_1549, %get3A_1550] {strides = array<i32>} : memref<1600x64xf32, #tpu.memory_space<vmem>>, vector<16xf32>,
        %add3A_1552 = arith.addf %add3A_1526, %get3A_1551 : vector<16xf32>
        %add3A_1553 = arith.constant 1000 : i32
        %add3A_1554 = arith.addi %add3A_1553, %scan3A_1540 : i32
        %get3A_1555 = arith.index_cast %add3A_1554 : i32 to index
        %get3A_1556 = arith.constant 32 : index
        %get3A_1557 = tpu.vector_load %arg8[%get3A_1555, %get3A_1556] {strides = array<i32>} : memref<1600x64xf32, #tpu.memory_space<vmem>>, vector<16xf32>,
        %add3A_1558 = arith.addf %add3A_1532, %get3A_1557 : vector<16xf32>
        %add3A_1559 = arith.constant 1000 : i32
        %add3A_1560 = arith.addi %add3A_1559, %scan3A_1540 : i32
        %get3A_1561 = arith.index_cast %add3A_1560 : i32 to index
        %get3A_1562 = arith.constant 48 : index
        %get3A_1563 = tpu.vector_load %arg8[%get3A_1561, %get3A_1562] {strides = array<i32>} : memref<1600x64xf32, #tpu.memory_space<vmem>>, vector<16xf32>,
        %add3A_1564 = arith.addf %add3A_1538, %get3A_1563 : vector<16xf32>
        %scan3A_1565 = arith.constant 3 : i32
        %scan3A_1566 = arith.addi %scan3A_1484, %scan3A_1565 : i32
        %add3A_1567 = arith.constant 1000 : i32
        %add3A_1568 = arith.addi %add3A_1567, %scan3A_1566 : i32
        %get3A_1569 = arith.index_cast %add3A_1568 : i32 to index
        %get3A_1570 = arith.constant 0 : index
        %get3A_1571 = tpu.vector_load %arg8[%get3A_1569, %get3A_1570] {strides = array<i32>} : memref<1600x64xf32, #tpu.memory_space<vmem>>, vector<16xf32>,
        %add3A_1572 = arith.addf %add3A_1546, %get3A_1571 : vector<16xf32>
        %add3A_1573 = arith.constant 1000 : i32
        %add3A_1574 = arith.addi %add3A_1573, %scan3A_1566 : i32
        %get3A_1575 = arith.index_cast %add3A_1574 : i32 to index
        %get3A_1576 = arith.constant 16 : index
        %get3A_1577 = tpu.vector_load %arg8[%get3A_1575, %get3A_1576] {strides = array<i32>} : memref<1600x64xf32, #tpu.memory_space<vmem>>, vector<16xf32>,
        %add3A_1578 = arith.addf %add3A_1552, %get3A_1577 : vector<16xf32>
        %add3A_1579 = arith.constant 1000 : i32
        %add3A_1580 = arith.addi %add3A_1579, %scan3A_1566 : i32
        %get3A_1581 = arith.index_cast %add3A_1580 : i32 to index
        %get3A_1582 = arith.constant 32 : index
        %get3A_1583 = tpu.vector_load %arg8[%get3A_1581, %get3A_1582] {strides = array<i32>} : memref<1600x64xf32, #tpu.memory_space<vmem>>, vector<16xf32>,
        %add3A_1584 = arith.addf %add3A_1558, %get3A_1583 : vector<16xf32>
        %add3A_1585 = arith.constant 1000 : i32
        %add3A_1586 = arith.addi %add3A_1585, %scan3A_1566 : i32
        %get3A_1587 = arith.index_cast %add3A_1586 : i32 to index
        %get3A_1588 = arith.constant 48 : index
        %get3A_1589 = tpu.vector_load %arg8[%get3A_1587, %get3A_1588] {strides = array<i32>} : memref<1600x64xf32, #tpu.memory_space<vmem>>, vector<16xf32>,
        %add3A_1590 = arith.addf %add3A_1564, %get3A_1589 : vector<16xf32>
        %scan3A_1591 = arith.constant 4 : i32
        %scan3A_1592 = arith.addi %scan3A_1484, %scan3A_1591 : i32
        %add3A_1593 = arith.constant 1000 : i32
        %add3A_1594 = arith.addi %add3A_1593, %scan3A_1592 : i32
        %get3A_1595 = arith.index_cast %add3A_1594 : i32 to index
        %get3A_1596 = arith.constant 0 : index
        %get3A_1597 = tpu.vector_load %arg8[%get3A_1595, %get3A_1596] {strides = array<i32>} : memref<1600x64xf32, #tpu.memory_space<vmem>>, vector<16xf32>,
        %add3A_1598 = arith.addf %add3A_1572, %get3A_1597 : vector<16xf32>
        %add3A_1599 = arith.constant 1000 : i32
        %add3A_1600 = arith.addi %add3A_1599, %scan3A_1592 : i32
        %get3A_1601 = arith.index_cast %add3A_1600 : i32 to index
        %get3A_1602 = arith.constant 16 : index
        %get3A_1603 = tpu.vector_load %arg8[%get3A_1601, %get3A_1602] {strides = array<i32>} : memref<1600x64xf32, #tpu.memory_space<vmem>>, vector<16xf32>,
        %add3A_1604 = arith.addf %add3A_1578, %get3A_1603 : vector<16xf32>
        %add3A_1605 = arith.constant 1000 : i32
        %add3A_1606 = arith.addi %add3A_1605, %scan3A_1592 : i32
        %get3A_1607 = arith.index_cast %add3A_1606 : i32 to index
        %get3A_1608 = arith.constant 32 : index
        %get3A_1609 = tpu.vector_load %arg8[%get3A_1607, %get3A_1608] {strides = array<i32>} : memref<1600x64xf32, #tpu.memory_space<vmem>>, vector<16xf32>,
        %add3A_1610 = arith.addf %add3A_1584, %get3A_1609 : vector<16xf32>
        %add3A_1611 = arith.constant 1000 : i32
        %add3A_1612 = arith.addi %add3A_1611, %scan3A_1592 : i32
        %get3A_1613 = arith.index_cast %add3A_1612 : i32 to index
        %get3A_1614 = arith.constant 48 : index
        %get3A_1615 = tpu.vector_load %arg8[%get3A_1613, %get3A_1614] {strides = array<i32>} : memref<1600x64xf32, #tpu.memory_space<vmem>>, vector<16xf32>,
        %add3A_1616 = arith.addf %add3A_1590, %get3A_1615 : vector<16xf32>
        %scan3A_1617 = arith.constant 5 : i32
        %scan3A_1618 = arith.addi %scan3A_1484, %scan3A_1617 : i32
        %add3A_1619 = arith.constant 1000 : i32
        %add3A_1620 = arith.addi %add3A_1619, %scan3A_1618 : i32
        %get3A_1621 = arith.index_cast %add3A_1620 : i32 to index
        %get3A_1622 = arith.constant 0 : index
        %get3A_1623 = tpu.vector_load %arg8[%get3A_1621, %get3A_1622] {strides = array<i32>} : memref<1600x64xf32, #tpu.memory_space<vmem>>, vector<16xf32>,
        %add3A_1624 = arith.addf %add3A_1598, %get3A_1623 : vector<16xf32>
        %add3A_1625 = arith.constant 1000 : i32
        %add3A_1626 = arith.addi %add3A_1625, %scan3A_1618 : i32
        %get3A_1627 = arith.index_cast %add3A_1626 : i32 to index
        %get3A_1628 = arith.constant 16 : index
        %get3A_1629 = tpu.vector_load %arg8[%get3A_1627, %get3A_1628] {strides = array<i32>} : memref<1600x64xf32, #tpu.memory_space<vmem>>, vector<16xf32>,
        %add3A_1630 = arith.addf %add3A_1604, %get3A_1629 : vector<16xf32>
        %add3A_1631 = arith.constant 1000 : i32
        %add3A_1632 = arith.addi %add3A_1631, %scan3A_1618 : i32
        %get3A_1633 = arith.index_cast %add3A_1632 : i32 to index
        %get3A_1634 = arith.constant 32 : index
        %get3A_1635 = tpu.vector_load %arg8[%get3A_1633, %get3A_1634] {strides = array<i32>} : memref<1600x64xf32, #tpu.memory_space<vmem>>, vector<16xf32>,
        %add3A_1636 = arith.addf %add3A_1610, %get3A_1635 : vector<16xf32>
        %add3A_1637 = arith.constant 1000 : i32
        %add3A_1638 = arith.addi %add3A_1637, %scan3A_1618 : i32
        %get3A_1639 = arith.index_cast %add3A_1638 : i32 to index
        %get3A_1640 = arith.constant 48 : index
        %get3A_1641 = tpu.vector_load %arg8[%get3A_1639, %get3A_1640] {strides = array<i32>} : memref<1600x64xf32, #tpu.memory_space<vmem>>, vector<16xf32>,
        %add3A_1642 = arith.addf %add3A_1616, %get3A_1641 : vector<16xf32>
        %scan3A_1643 = arith.constant 6 : i32
        %scan3A_1644 = arith.addi %scan3A_1484, %scan3A_1643 : i32
        %add3A_1645 = arith.constant 1000 : i32
        %add3A_1646 = arith.addi %add3A_1645, %scan3A_1644 : i32
        %get3A_1647 = arith.index_cast %add3A_1646 : i32 to index
        %get3A_1648 = arith.constant 0 : index
        %get3A_1649 = tpu.vector_load %arg8[%get3A_1647, %get3A_1648] {strides = array<i32>} : memref<1600x64xf32, #tpu.memory_space<vmem>>, vector<16xf32>,
        %add3A_1650 = arith.addf %add3A_1624, %get3A_1649 : vector<16xf32>
        %add3A_1651 = arith.constant 1000 : i32
        %add3A_1652 = arith.addi %add3A_1651, %scan3A_1644 : i32
        %get3A_1653 = arith.index_cast %add3A_1652 : i32 to index
        %get3A_1654 = arith.constant 16 : index
        %get3A_1655 = tpu.vector_load %arg8[%get3A_1653, %get3A_1654] {strides = array<i32>} : memref<1600x64xf32, #tpu.memory_space<vmem>>, vector<16xf32>,
        %add3A_1656 = arith.addf %add3A_1630, %get3A_1655 : vector<16xf32>
        %add3A_1657 = arith.constant 1000 : i32
        %add3A_1658 = arith.addi %add3A_1657, %scan3A_1644 : i32
        %get3A_1659 = arith.index_cast %add3A_1658 : i32 to index
        %get3A_1660 = arith.constant 32 : index
        %get3A_1661 = tpu.vector_load %arg8[%get3A_1659, %get3A_1660] {strides = array<i32>} : memref<1600x64xf32, #tpu.memory_space<vmem>>, vector<16xf32>,
        %add3A_1662 = arith.addf %add3A_1636, %get3A_1661 : vector<16xf32>
        %add3A_1663 = arith.constant 1000 : i32
        %add3A_1664 = arith.addi %add3A_1663, %scan3A_1644 : i32
        %get3A_1665 = arith.index_cast %add3A_1664 : i32 to index
        %get3A_1666 = arith.constant 48 : index
        %get3A_1667 = tpu.vector_load %arg8[%get3A_1665, %get3A_1666] {strides = array<i32>} : memref<1600x64xf32, #tpu.memory_space<vmem>>, vector<16xf32>,
        %add3A_1668 = arith.addf %add3A_1642, %get3A_1667 : vector<16xf32>
        %scan3A_1669 = arith.constant 7 : i32
        %scan3A_1670 = arith.addi %scan3A_1484, %scan3A_1669 : i32
        %add3A_1671 = arith.constant 1000 : i32
        %add3A_1672 = arith.addi %add3A_1671, %scan3A_1670 : i32
        %get3A_1673 = arith.index_cast %add3A_1672 : i32 to index
        %get3A_1674 = arith.constant 0 : index
        %get3A_1675 = tpu.vector_load %arg8[%get3A_1673, %get3A_1674] {strides = array<i32>} : memref<1600x64xf32, #tpu.memory_space<vmem>>, vector<16xf32>,
        %add3A_1676 = arith.addf %add3A_1650, %get3A_1675 : vector<16xf32>
        %add3A_1677 = arith.constant 1000 : i32
        %add3A_1678 = arith.addi %add3A_1677, %scan3A_1670 : i32
        %get3A_1679 = arith.index_cast %add3A_1678 : i32 to index
        %get3A_1680 = arith.constant 16 : index
        %get3A_1681 = tpu.vector_load %arg8[%get3A_1679, %get3A_1680] {strides = array<i32>} : memref<1600x64xf32, #tpu.memory_space<vmem>>, vector<16xf32>,
        %add3A_1682 = arith.addf %add3A_1656, %get3A_1681 : vector<16xf32>
        %add3A_1683 = arith.constant 1000 : i32
        %add3A_1684 = arith.addi %add3A_1683, %scan3A_1670 : i32
        %get3A_1685 = arith.index_cast %add3A_1684 : i32 to index
        %get3A_1686 = arith.constant 32 : index
        %get3A_1687 = tpu.vector_load %arg8[%get3A_1685, %get3A_1686] {strides = array<i32>} : memref<1600x64xf32, #tpu.memory_space<vmem>>, vector<16xf32>,
        %add3A_1688 = arith.addf %add3A_1662, %get3A_1687 : vector<16xf32>
        %add3A_1689 = arith.constant 1000 : i32
        %add3A_1690 = arith.addi %add3A_1689, %scan3A_1670 : i32
        %get3A_1691 = arith.index_cast %add3A_1690 : i32 to index
        %get3A_1692 = arith.constant 48 : index
        %get3A_1693 = tpu.vector_load %arg8[%get3A_1691, %get3A_1692] {strides = array<i32>} : memref<1600x64xf32, #tpu.memory_space<vmem>>, vector<16xf32>,
        %add3A_1694 = arith.addf %add3A_1668, %get3A_1693 : vector<16xf32>
        %scan3A_1695 = arith.constant 8 : i32
        %scan3A_1696 = arith.addi %scan3A_1484, %scan3A_1695 : i32
        %add3A_1697 = arith.constant 1000 : i32
        %add3A_1698 = arith.addi %add3A_1697, %scan3A_1696 : i32
        %get3A_1699 = arith.index_cast %add3A_1698 : i32 to index
        %get3A_1700 = arith.constant 0 : index
        %get3A_1701 = tpu.vector_load %arg8[%get3A_1699, %get3A_1700] {strides = array<i32>} : memref<1600x64xf32, #tpu.memory_space<vmem>>, vector<16xf32>,
        %add3A_1702 = arith.addf %add3A_1676, %get3A_1701 : vector<16xf32>
        %add3A_1703 = arith.constant 1000 : i32
        %add3A_1704 = arith.addi %add3A_1703, %scan3A_1696 : i32
        %get3A_1705 = arith.index_cast %add3A_1704 : i32 to index
        %get3A_1706 = arith.constant 16 : index
        %get3A_1707 = tpu.vector_load %arg8[%get3A_1705, %get3A_1706] {strides = array<i32>} : memref<1600x64xf32, #tpu.memory_space<vmem>>, vector<16xf32>,
        %add3A_1708 = arith.addf %add3A_1682, %get3A_1707 : vector<16xf32>
        %add3A_1709 = arith.constant 1000 : i32
        %add3A_1710 = arith.addi %add3A_1709, %scan3A_1696 : i32
        %get3A_1711 = arith.index_cast %add3A_1710 : i32 to index
        %get3A_1712 = arith.constant 32 : index
        %get3A_1713 = tpu.vector_load %arg8[%get3A_1711, %get3A_1712] {strides = array<i32>} : memref<1600x64xf32, #tpu.memory_space<vmem>>, vector<16xf32>,
        %add3A_1714 = arith.addf %add3A_1688, %get3A_1713 : vector<16xf32>
        %add3A_1715 = arith.constant 1000 : i32
        %add3A_1716 = arith.addi %add3A_1715, %scan3A_1696 : i32
        %get3A_1717 = arith.index_cast %add3A_1716 : i32 to index
        %get3A_1718 = arith.constant 48 : index
        %get3A_1719 = tpu.vector_load %arg8[%get3A_1717, %get3A_1718] {strides = array<i32>} : memref<1600x64xf32, #tpu.memory_space<vmem>>, vector<16xf32>,
        %add3A_1720 = arith.addf %add3A_1694, %get3A_1719 : vector<16xf32>
        %scan3A_1721 = arith.constant 9 : i32
        %scan3A_1722 = arith.addi %scan3A_1484, %scan3A_1721 : i32
        %add3A_1723 = arith.constant 1000 : i32
        %add3A_1724 = arith.addi %add3A_1723, %scan3A_1722 : i32
        %get3A_1725 = arith.index_cast %add3A_1724 : i32 to index
        %get3A_1726 = arith.constant 0 : index
        %get3A_1727 = tpu.vector_load %arg8[%get3A_1725, %get3A_1726] {strides = array<i32>} : memref<1600x64xf32, #tpu.memory_space<vmem>>, vector<16xf32>,
        %add3A_1728 = arith.addf %add3A_1702, %get3A_1727 : vector<16xf32>
        %add3A_1729 = arith.constant 1000 : i32
        %add3A_1730 = arith.addi %add3A_1729, %scan3A_1722 : i32
        %get3A_1731 = arith.index_cast %add3A_1730 : i32 to index
        %get3A_1732 = arith.constant 16 : index
        %get3A_1733 = tpu.vector_load %arg8[%get3A_1731, %get3A_1732] {strides = array<i32>} : memref<1600x64xf32, #tpu.memory_space<vmem>>, vector<16xf32>,
        %add3A_1734 = arith.addf %add3A_1708, %get3A_1733 : vector<16xf32>
        %add3A_1735 = arith.constant 1000 : i32
        %add3A_1736 = arith.addi %add3A_1735, %scan3A_1722 : i32
        %get3A_1737 = arith.index_cast %add3A_1736 : i32 to index
        %get3A_1738 = arith.constant 32 : index
        %get3A_1739 = tpu.vector_load %arg8[%get3A_1737, %get3A_1738] {strides = array<i32>} : memref<1600x64xf32, #tpu.memory_space<vmem>>, vector<16xf32>,
        %add3A_1740 = arith.addf %add3A_1714, %get3A_1739 : vector<16xf32>
        %add3A_1741 = arith.constant 1000 : i32
        %add3A_1742 = arith.addi %add3A_1741, %scan3A_1722 : i32
        %get3A_1743 = arith.index_cast %add3A_1742 : i32 to index
        %get3A_1744 = arith.constant 48 : index
        %get3A_1745 = tpu.vector_load %arg8[%get3A_1743, %get3A_1744] {strides = array<i32>} : memref<1600x64xf32, #tpu.memory_space<vmem>>, vector<16xf32>,
        %add3A_1746 = arith.addf %add3A_1720, %get3A_1745 : vector<16xf32>
        scf.yield %add3A_1728, %add3A_1734, %add3A_1740, %add3A_1746 : vector<16xf32>, vector<16xf32>, vector<16xf32>, vector<16xf32>
      }
      %scan3A_992 = arith.constant 200 : i32
      %mul3A_993 = arith.constant 2 : i32
      %mul3A_994 = arith.muli %mul3A_993, %add3A_808 : i32
      %add3A_995 = arith.constant 1 : i32
      %add3A_996 = arith.addi %mul3A_994, %add3A_995 : i32
      %get3A_997 = arith.constant 0 : i32
      %get3A_998 = arith.index_cast %get3A_997 : i32 to index
      %get3A_999 = arith.constant 0 : index
      %get3A_1000 = tpu.vector_load %arg9[%get3A_998, %get3A_999] {strides = array<i32>} : memref<3x64xf32, #tpu.memory_space<vmem>>, vector<16xf32>,
      %mul3A_1001 = arith.mulf %scan3A_991#0, %get3A_1000 : vector<16xf32>
      %reduce_sum3A_1002 = arith.constant true
      %reduce_sum3A_1003 = vector.broadcast %reduce_sum3A_1002 : i1 to vector<16xi1>
      %reduce_sum3A_1004 = tpu.scan <sum>, %mul3A_1001 masked %reduce_sum3A_1003 : vector<16xf32>, vector<16xi1> -> vector<16xf32>
      %reduce_sum3A_1005 = vector.extract %reduce_sum3A_1004[15] : f32 from vector<16xf32>
      %get3A_1006 = arith.constant 0 : i32
      %get3A_1007 = arith.index_cast %get3A_1006 : i32 to index
      %get3A_1008 = arith.constant 16 : index
      %get3A_1009 = tpu.vector_load %arg9[%get3A_1007, %get3A_1008] {strides = array<i32>} : memref<3x64xf32, #tpu.memory_space<vmem>>, vector<16xf32>,
      %mul3A_1010 = arith.mulf %scan3A_991#1, %get3A_1009 : vector<16xf32>
      %reduce_sum3A_1011 = arith.constant true
      %reduce_sum3A_1012 = vector.broadcast %reduce_sum3A_1011 : i1 to vector<16xi1>
      %reduce_sum3A_1013 = tpu.scan <sum>, %mul3A_1010 masked %reduce_sum3A_1012 : vector<16xf32>, vector<16xi1> -> vector<16xf32>
      %reduce_sum3A_1014 = vector.extract %reduce_sum3A_1013[15] : f32 from vector<16xf32>
      %add3A_1015 = arith.addf %reduce_sum3A_1005, %reduce_sum3A_1014 : f32
      %get3A_1016 = arith.constant 0 : i32
      %get3A_1017 = arith.index_cast %get3A_1016 : i32 to index
      %get3A_1018 = arith.constant 32 : index
      %get3A_1019 = tpu.vector_load %arg9[%get3A_1017, %get3A_1018] {strides = array<i32>} : memref<3x64xf32, #tpu.memory_space<vmem>>, vector<16xf32>,
      %mul3A_1020 = arith.mulf %scan3A_991#2, %get3A_1019 : vector<16xf32>
      %reduce_sum3A_1021 = arith.constant true
      %reduce_sum3A_1022 = vector.broadcast %reduce_sum3A_1021 : i1 to vector<16xi1>
      %reduce_sum3A_1023 = tpu.scan <sum>, %mul3A_1020 masked %reduce_sum3A_1022 : vector<16xf32>, vector<16xi1> -> vector<16xf32>
      %reduce_sum3A_1024 = vector.extract %reduce_sum3A_1023[15] : f32 from vector<16xf32>
      %add3A_1025 = arith.addf %add3A_1015, %reduce_sum3A_1024 : f32
      %get3A_1026 = arith.constant 0 : i32
      %get3A_1027 = arith.index_cast %get3A_1026 : i32 to index
      %get3A_1028 = arith.constant 48 : index
      %get3A_1029 = tpu.vector_load %arg9[%get3A_1027, %get3A_1028] {strides = array<i32>} : memref<3x64xf32, #tpu.memory_space<vmem>>, vector<16xf32>,
      %mul3A_1030 = arith.mulf %scan3A_991#3, %get3A_1029 : vector<16xf32>
      %reduce_sum3A_1031 = arith.constant true
      %reduce_sum3A_1032 = vector.broadcast %reduce_sum3A_1031 : i1 to vector<16xi1>
      %reduce_sum3A_1033 = tpu.scan <sum>, %mul3A_1030 masked %reduce_sum3A_1032 : vector<16xf32>, vector<16xi1> -> vector<16xf32>
      %reduce_sum3A_1034 = vector.extract %reduce_sum3A_1033[15] : f32 from vector<16xf32>
      %add3A_1035 = arith.addf %add3A_1025, %reduce_sum3A_1034 : f32
      %mul3A_1036 = arith.mulf %add3A_1035, %scan3A : f32
      %slice3A_1037 = vector.extract_strided_slice %get3A_5 {offsets = [0], sizes = [1], strides = [1]} : vector<16xf32> to vector<1xf32>
      %squeeze3A_1038 = vector.extract %slice3A_1037[0] : f32 from vector<1xf32>
      %add3A_1039 = arith.addf %mul3A_1036, %squeeze3A_1038 : f32
      %get3A_1040 = arith.constant 1 : i32
      %get3A_1041 = arith.index_cast %get3A_1040 : i32 to index
      %get3A_1042 = arith.constant 0 : index
      %get3A_1043 = tpu.vector_load %arg9[%get3A_1041, %get3A_1042] {strides = array<i32>} : memref<3x64xf32, #tpu.memory_space<vmem>>, vector<16xf32>,
      %mul3A_1044 = arith.mulf %scan3A_991#0, %get3A_1043 : vector<16xf32>
      %reduce_sum3A_1045 = arith.constant true
      %reduce_sum3A_1046 = vector.broadcast %reduce_sum3A_1045 : i1 to vector<16xi1>
      %reduce_sum3A_1047 = tpu.scan <sum>, %mul3A_1044 masked %reduce_sum3A_1046 : vector<16xf32>, vector<16xi1> -> vector<16xf32>
      %reduce_sum3A_1048 = vector.extract %reduce_sum3A_1047[15] : f32 from vector<16xf32>
      %get3A_1049 = arith.constant 1 : i32
      %get3A_1050 = arith.index_cast %get3A_1049 : i32 to index
      %get3A_1051 = arith.constant 16 : index
      %get3A_1052 = tpu.vector_load %arg9[%get3A_1050, %get3A_1051] {strides = array<i32>} : memref<3x64xf32, #tpu.memory_space<vmem>>, vector<16xf32>,
      %mul3A_1053 = arith.mulf %scan3A_991#1, %get3A_1052 : vector<16xf32>
      %reduce_sum3A_1054 = arith.constant true
      %reduce_sum3A_1055 = vector.broadcast %reduce_sum3A_1054 : i1 to vector<16xi1>
      %reduce_sum3A_1056 = tpu.scan <sum>, %mul3A_1053 masked %reduce_sum3A_1055 : vector<16xf32>, vector<16xi1> -> vector<16xf32>
      %reduce_sum3A_1057 = vector.extract %reduce_sum3A_1056[15] : f32 from vector<16xf32>
      %add3A_1058 = arith.addf %reduce_sum3A_1048, %reduce_sum3A_1057 : f32
      %get3A_1059 = arith.constant 1 : i32
      %get3A_1060 = arith.index_cast %get3A_1059 : i32 to index
      %get3A_1061 = arith.constant 32 : index
      %get3A_1062 = tpu.vector_load %arg9[%get3A_1060, %get3A_1061] {strides = array<i32>} : memref<3x64xf32, #tpu.memory_space<vmem>>, vector<16xf32>,
      %mul3A_1063 = arith.mulf %scan3A_991#2, %get3A_1062 : vector<16xf32>
      %reduce_sum3A_1064 = arith.constant true
      %reduce_sum3A_1065 = vector.broadcast %reduce_sum3A_1064 : i1 to vector<16xi1>
      %reduce_sum3A_1066 = tpu.scan <sum>, %mul3A_1063 masked %reduce_sum3A_1065 : vector<16xf32>, vector<16xi1> -> vector<16xf32>
      %reduce_sum3A_1067 = vector.extract %reduce_sum3A_1066[15] : f32 from vector<16xf32>
      %add3A_1068 = arith.addf %add3A_1058, %reduce_sum3A_1067 : f32
      %get3A_1069 = arith.constant 1 : i32
      %get3A_1070 = arith.index_cast %get3A_1069 : i32 to index
      %get3A_1071 = arith.constant 48 : index
      %get3A_1072 = tpu.vector_load %arg9[%get3A_1070, %get3A_1071] {strides = array<i32>} : memref<3x64xf32, #tpu.memory_space<vmem>>, vector<16xf32>,
      %mul3A_1073 = arith.mulf %scan3A_991#3, %get3A_1072 : vector<16xf32>
      %reduce_sum3A_1074 = arith.constant true
      %reduce_sum3A_1075 = vector.broadcast %reduce_sum3A_1074 : i1 to vector<16xi1>
      %reduce_sum3A_1076 = tpu.scan <sum>, %mul3A_1073 masked %reduce_sum3A_1075 : vector<16xf32>, vector<16xi1> -> vector<16xf32>
      %reduce_sum3A_1077 = vector.extract %reduce_sum3A_1076[15] : f32 from vector<16xf32>
      %add3A_1078 = arith.addf %add3A_1068, %reduce_sum3A_1077 : f32
      %mul3A_1079 = arith.mulf %add3A_1078, %scan3A : f32
      %slice3A_1080 = vector.extract_strided_slice %get3A_5 {offsets = [1], sizes = [1], strides = [1]} : vector<16xf32> to vector<1xf32>
      %squeeze3A_1081 = vector.extract %slice3A_1080[0] : f32 from vector<1xf32>
      %add3A_1082 = arith.addf %mul3A_1079, %squeeze3A_1081 : f32
      %get3A_1083 = arith.constant 2 : i32
      %get3A_1084 = arith.index_cast %get3A_1083 : i32 to index
      %get3A_1085 = arith.constant 0 : index
      %get3A_1086 = tpu.vector_load %arg9[%get3A_1084, %get3A_1085] {strides = array<i32>} : memref<3x64xf32, #tpu.memory_space<vmem>>, vector<16xf32>,
      %mul3A_1087 = arith.mulf %scan3A_991#0, %get3A_1086 : vector<16xf32>
      %reduce_sum3A_1088 = arith.constant true
      %reduce_sum3A_1089 = vector.broadcast %reduce_sum3A_1088 : i1 to vector<16xi1>
      %reduce_sum3A_1090 = tpu.scan <sum>, %mul3A_1087 masked %reduce_sum3A_1089 : vector<16xf32>, vector<16xi1> -> vector<16xf32>
      %reduce_sum3A_1091 = vector.extract %reduce_sum3A_1090[15] : f32 from vector<16xf32>
      %get3A_1092 = arith.constant 2 : i32
      %get3A_1093 = arith.index_cast %get3A_1092 : i32 to index
      %get3A_1094 = arith.constant 16 : index
      %get3A_1095 = tpu.vector_load %arg9[%get3A_1093, %get3A_1094] {strides = array<i32>} : memref<3x64xf32, #tpu.memory_space<vmem>>, vector<16xf32>,
      %mul3A_1096 = arith.mulf %scan3A_991#1, %get3A_1095 : vector<16xf32>
      %reduce_sum3A_1097 = arith.constant true
      %reduce_sum3A_1098 = vector.broadcast %reduce_sum3A_1097 : i1 to vector<16xi1>
      %reduce_sum3A_1099 = tpu.scan <sum>, %mul3A_1096 masked %reduce_sum3A_1098 : vector<16xf32>, vector<16xi1> -> vector<16xf32>
      %reduce_sum3A_1100 = vector.extract %reduce_sum3A_1099[15] : f32 from vector<16xf32>
      %add3A_1101 = arith.addf %reduce_sum3A_1091, %reduce_sum3A_1100 : f32
      %get3A_1102 = arith.constant 2 : i32
      %get3A_1103 = arith.index_cast %get3A_1102 : i32 to index
      %get3A_1104 = arith.constant 32 : index
      %get3A_1105 = tpu.vector_load %arg9[%get3A_1103, %get3A_1104] {strides = array<i32>} : memref<3x64xf32, #tpu.memory_space<vmem>>, vector<16xf32>,
      %mul3A_1106 = arith.mulf %scan3A_991#2, %get3A_1105 : vector<16xf32>
      %reduce_sum3A_1107 = arith.constant true
      %reduce_sum3A_1108 = vector.broadcast %reduce_sum3A_1107 : i1 to vector<16xi1>
      %reduce_sum3A_1109 = tpu.scan <sum>, %mul3A_1106 masked %reduce_sum3A_1108 : vector<16xf32>, vector<16xi1> -> vector<16xf32>
      %reduce_sum3A_1110 = vector.extract %reduce_sum3A_1109[15] : f32 from vector<16xf32>
      %add3A_1111 = arith.addf %add3A_1101, %reduce_sum3A_1110 : f32
      %get3A_1112 = arith.constant 2 : i32
      %get3A_1113 = arith.index_cast %get3A_1112 : i32 to index
      %get3A_1114 = arith.constant 48 : index
      %get3A_1115 = tpu.vector_load %arg9[%get3A_1113, %get3A_1114] {strides = array<i32>} : memref<3x64xf32, #tpu.memory_space<vmem>>, vector<16xf32>,
      %mul3A_1116 = arith.mulf %scan3A_991#3, %get3A_1115 : vector<16xf32>
      %reduce_sum3A_1117 = arith.constant true
      %reduce_sum3A_1118 = vector.broadcast %reduce_sum3A_1117 : i1 to vector<16xi1>
      %reduce_sum3A_1119 = tpu.scan <sum>, %mul3A_1116 masked %reduce_sum3A_1118 : vector<16xf32>, vector<16xi1> -> vector<16xf32>
      %reduce_sum3A_1120 = vector.extract %reduce_sum3A_1119[15] : f32 from vector<16xf32>
      %add3A_1121 = arith.addf %add3A_1111, %reduce_sum3A_1120 : f32
      %mul3A_1122 = arith.mulf %add3A_1121, %scan3A : f32
      %slice3A_1123 = vector.extract_strided_slice %get3A_5 {offsets = [2], sizes = [1], strides = [1]} : vector<16xf32> to vector<1xf32>
      %squeeze3A_1124 = vector.extract %slice3A_1123[0] : f32 from vector<1xf32>
      %add3A_1125 = arith.addf %mul3A_1122, %squeeze3A_1124 : f32
      %eq3A_1126 = arith.constant 0 : i32
      %eq3A_1127 = vector.broadcast %eq3A_1126 : i32 to vector<16xi32>
      %eq3A_1128 = arith.cmpi eq, %iota3A, %eq3A_1127 : vector<16xi32>
      %eq3A_1129 = arith.constant 1 : i32
      %eq3A_1130 = vector.broadcast %eq3A_1129 : i32 to vector<16xi32>
      %eq3A_1131 = arith.cmpi eq, %iota3A, %eq3A_1130 : vector<16xi32>
      %broadcast_in_dim3A_1132 = vector.broadcast %add3A_1082 : f32 to vector<16xf32>
      %broadcast_in_dim3A_1133 = vector.broadcast %add3A_1125 : f32 to vector<16xf32>
      %select_n3A_1134 = arith.select %eq3A_1131, %broadcast_in_dim3A_1132, %broadcast_in_dim3A_1133 : vector<16xi1>, vector<16xf32>
      %broadcast_in_dim3A_1135 = vector.broadcast %add3A_1039 : f32 to vector<16xf32>
      %select_n3A_1136 = arith.select %eq3A_1128, %broadcast_in_dim3A_1135, %select_n3A_1134 : vector<16xi1>, vector<16xf32>
      %mul3A_1137 = arith.constant 3 : i32
      %mul3A_1138 = arith.muli %mul3A_1137, %add3A_996 : i32
      %add3A_1139 = vector.broadcast %mul3A_1138 : i32 to vector<16xi32>
      %add3A_1140 = arith.addi %add3A_1139, %iota3A : vector<16xi32>
      %lt3A_1141 = arith.constant 3 : i32
      %lt3A_1142 = vector.broadcast %lt3A_1141 : i32 to vector<16xi32>
      %lt3A_1143 = arith.cmpi slt, %iota3A, %lt3A_1142 : vector<16xi32>
      tpu.vector_store_idx %arg11[%add3A_1140], %select_n3A_1136 masked %lt3A_1143 : memref<384xf32, #tpu.memory_space<vmem>>[vector<16xi32>], vector<16xf32>, vector<16xi1>
      %mul3A_1144 = arith.constant 4 : i32
      %mul3A_1145 = arith.muli %scan3A_135, %mul3A_1144 : i32
      %add3A_1146 = arith.constant 3 : i32
      %add3A_1147 = arith.addi %mul3A_1145, %add3A_1146 : i32
      %add3A_1148 = arith.constant 4 : i32
      %add3A_1149 = arith.addi %add3A_1147, %add3A_1148 : i32
      %sub3A_1150 = arith.constant 1 : i32
      %sub3A_1151 = arith.subi %add3A_1149, %sub3A_1150 : i32
      %lt3A_1152 = arith.constant 64 : i32
      %lt3A_1153 = arith.cmpi slt, %sub3A_1151, %lt3A_1152 : i32
      %convert_element_type3A_1154 = arith.extui %lt3A_1153 : i1 to i32
      %cond3A_1155 = arith.constant 0 : i32
      %cond3A_1156 = arith.cmpi ne, %convert_element_type3A_1154, %cond3A_1155 : i32
      scf.if %cond3A_1156 {
        %add3A_1484 = arith.constant 4 : i32
        %add3A_1485 = arith.addi %add3A_1147, %add3A_1484 : i32
        %sub3A_1486 = arith.constant 1 : i32
        %sub3A_1487 = arith.subi %add3A_1485, %sub3A_1486 : i32
        %mul3A_1488 = arith.constant 4 : i32
        %mul3A_1489 = arith.muli %mul3A_1488, %sub3A_1487 : i32
        %add3A_1490 = arith.constant 0 : i32
        %add3A_1491 = arith.addi %mul3A_1489, %add3A_1490 : i32
        %dma_start3A_1492 = arith.constant 800 : i32
        %dma_start3A_1493 = arith.constant 0 : i32
        %dma_start3A_1494 = tpu.memref_slice %arg8[%dma_start3A_1492, %dma_start3A_1493] : memref<1600x64xf32, #tpu.memory_space<vmem>> -> memref<100x64xf32, #tpu.memory_space<vmem>>
        %dma_start3A_1495 = arith.constant 0 : i32
        %dma_start3A_1496 = tpu.memref_slice %arg7[%add3A_1491, %dma_start3A_1495] : memref<256x100xi32, #tpu.memory_space<vmem>> -> memref<1x100xi32, #tpu.memory_space<vmem>>
        %dma_start3A_1497 = tpu.memref_squeeze %dma_start3A_1496 : memref<1x100xi32, #tpu.memory_space<vmem>> -> memref<100xi32, #tpu.memory_space<vmem>>
        %dma_start3A_1498 = arith.constant 0 : i32
        %dma_start3A_1499 = arith.constant 0 : i32
        %dma_start3A_1500 = tpu.memref_slice %arg3[%dma_start3A_1498, %dma_start3A_1499] : memref<1000000x64xf32, #tpu.memory_space<hbm>> -> memref<1000000x64xf32, #tpu.memory_space<hbm>>
        tpu.enqueue_indirect_dma source(%dma_start3A_1500 : memref<1000000x64xf32, #tpu.memory_space<hbm>>) target(%dma_start3A_1494 : memref<100x64xf32, #tpu.memory_space<vmem>>) offsets(%dma_start3A_1497 : memref<100xi32, #tpu.memory_space<vmem>>) semaphore(%arg14 : memref<!tpu.dma_semaphore, #tpu.memory_space<semaphore_mem>>)
        %mul3A_1501 = arith.constant 4 : i32
        %mul3A_1502 = arith.muli %mul3A_1501, %sub3A_1487 : i32
        %add3A_1503 = arith.constant 1 : i32
        %add3A_1504 = arith.addi %mul3A_1502, %add3A_1503 : i32
        %dma_start3A_1505 = arith.constant 900 : i32
        %dma_start3A_1506 = arith.constant 0 : i32
        %dma_start3A_1507 = tpu.memref_slice %arg8[%dma_start3A_1505, %dma_start3A_1506] : memref<1600x64xf32, #tpu.memory_space<vmem>> -> memref<100x64xf32, #tpu.memory_space<vmem>>
        %dma_start3A_1508 = arith.constant 0 : i32
        %dma_start3A_1509 = tpu.memref_slice %arg7[%add3A_1504, %dma_start3A_1508] : memref<256x100xi32, #tpu.memory_space<vmem>> -> memref<1x100xi32, #tpu.memory_space<vmem>>
        %dma_start3A_1510 = tpu.memref_squeeze %dma_start3A_1509 : memref<1x100xi32, #tpu.memory_space<vmem>> -> memref<100xi32, #tpu.memory_space<vmem>>
        %dma_start3A_1511 = arith.constant 0 : i32
        %dma_start3A_1512 = arith.constant 0 : i32
        %dma_start3A_1513 = tpu.memref_slice %arg3[%dma_start3A_1511, %dma_start3A_1512] : memref<1000000x64xf32, #tpu.memory_space<hbm>> -> memref<1000000x64xf32, #tpu.memory_space<hbm>>
        tpu.enqueue_indirect_dma source(%dma_start3A_1513 : memref<1000000x64xf32, #tpu.memory_space<hbm>>) target(%dma_start3A_1507 : memref<100x64xf32, #tpu.memory_space<vmem>>) offsets(%dma_start3A_1510 : memref<100xi32, #tpu.memory_space<vmem>>) semaphore(%arg14 : memref<!tpu.dma_semaphore, #tpu.memory_space<semaphore_mem>>)
        %mul3A_1514 = arith.constant 4 : i32
        %mul3A_1515 = arith.muli %mul3A_1514, %sub3A_1487 : i32
        %add3A_1516 = arith.constant 2 : i32
        %add3A_1517 = arith.addi %mul3A_1515, %add3A_1516 : i32
        %dma_start3A_1518 = arith.constant 1000 : i32
        %dma_start3A_1519 = arith.constant 0 : i32
        %dma_start3A_1520 = tpu.memref_slice %arg8[%dma_start3A_1518, %dma_start3A_1519] : memref<1600x64xf32, #tpu.memory_space<vmem>> -> memref<100x64xf32, #tpu.memory_space<vmem>>
        %dma_start3A_1521 = arith.constant 0 : i32
        %dma_start3A_1522 = tpu.memref_slice %arg7[%add3A_1517, %dma_start3A_1521] : memref<256x100xi32, #tpu.memory_space<vmem>> -> memref<1x100xi32, #tpu.memory_space<vmem>>
        %dma_start3A_1523 = tpu.memref_squeeze %dma_start3A_1522 : memref<1x100xi32, #tpu.memory_space<vmem>> -> memref<100xi32, #tpu.memory_space<vmem>>
        %dma_start3A_1524 = arith.constant 0 : i32
        %dma_start3A_1525 = arith.constant 0 : i32
        %dma_start3A_1526 = tpu.memref_slice %arg3[%dma_start3A_1524, %dma_start3A_1525] : memref<1000000x64xf32, #tpu.memory_space<hbm>> -> memref<1000000x64xf32, #tpu.memory_space<hbm>>
        tpu.enqueue_indirect_dma source(%dma_start3A_1526 : memref<1000000x64xf32, #tpu.memory_space<hbm>>) target(%dma_start3A_1520 : memref<100x64xf32, #tpu.memory_space<vmem>>) offsets(%dma_start3A_1523 : memref<100xi32, #tpu.memory_space<vmem>>) semaphore(%arg14 : memref<!tpu.dma_semaphore, #tpu.memory_space<semaphore_mem>>)
        %mul3A_1527 = arith.constant 4 : i32
        %mul3A_1528 = arith.muli %mul3A_1527, %sub3A_1487 : i32
        %add3A_1529 = arith.constant 3 : i32
        %add3A_1530 = arith.addi %mul3A_1528, %add3A_1529 : i32
        %dma_start3A_1531 = arith.constant 1100 : i32
        %dma_start3A_1532 = arith.constant 0 : i32
        %dma_start3A_1533 = tpu.memref_slice %arg8[%dma_start3A_1531, %dma_start3A_1532] : memref<1600x64xf32, #tpu.memory_space<vmem>> -> memref<100x64xf32, #tpu.memory_space<vmem>>
        %dma_start3A_1534 = arith.constant 0 : i32
        %dma_start3A_1535 = tpu.memref_slice %arg7[%add3A_1530, %dma_start3A_1534] : memref<256x100xi32, #tpu.memory_space<vmem>> -> memref<1x100xi32, #tpu.memory_space<vmem>>
        %dma_start3A_1536 = tpu.memref_squeeze %dma_start3A_1535 : memref<1x100xi32, #tpu.memory_space<vmem>> -> memref<100xi32, #tpu.memory_space<vmem>>
        %dma_start3A_1537 = arith.constant 0 : i32
        %dma_start3A_1538 = arith.constant 0 : i32
        %dma_start3A_1539 = tpu.memref_slice %arg3[%dma_start3A_1537, %dma_start3A_1538] : memref<1000000x64xf32, #tpu.memory_space<hbm>> -> memref<1000000x64xf32, #tpu.memory_space<hbm>>
        tpu.enqueue_indirect_dma source(%dma_start3A_1539 : memref<1000000x64xf32, #tpu.memory_space<hbm>>) target(%dma_start3A_1533 : memref<100x64xf32, #tpu.memory_space<vmem>>) offsets(%dma_start3A_1536 : memref<100xi32, #tpu.memory_space<vmem>>) semaphore(%arg14 : memref<!tpu.dma_semaphore, #tpu.memory_space<semaphore_mem>>)
      } else {
      }
      %dma_wait3A_1157 = arith.constant 1200 : i32
      %dma_wait3A_1158 = arith.constant 0 : i32
      %dma_wait3A_1159 = tpu.memref_slice %arg8[%dma_wait3A_1157, %dma_wait3A_1158] : memref<1600x64xf32, #tpu.memory_space<vmem>> -> memref<400x64xf32, #tpu.memory_space<vmem>>
      %dma_wait3A_1160 = arith.constant 0 : i32
      %dma_wait3A_1161 = arith.constant 0 : i32
      %dma_wait3A_1162 = tpu.memref_slice %arg3[%dma_wait3A_1160, %dma_wait3A_1161] : memref<1000000x64xf32, #tpu.memory_space<hbm>> -> memref<400x64xf32, #tpu.memory_space<hbm>>
      %dma_wait3A_1163 = arith.constant 1200 : i32
      %dma_wait3A_1164 = arith.constant 0 : i32
      %dma_wait3A_1165 = tpu.memref_slice %arg8[%dma_wait3A_1163, %dma_wait3A_1164] : memref<1600x64xf32, #tpu.memory_space<vmem>> -> memref<400x64xf32, #tpu.memory_space<vmem>>
      %dma_wait3A_1166 = arith.constant 0 : i32
      %dma_wait3A_1167 = arith.constant 0 : i32
      %dma_wait3A_1168 = tpu.memref_slice %arg3[%dma_wait3A_1166, %dma_wait3A_1167] : memref<1000000x64xf32, #tpu.memory_space<hbm>> -> memref<400x64xf32, #tpu.memory_space<hbm>>
      tpu.wait_dma2 semaphore(%arg15 : memref<!tpu.dma_semaphore, #tpu.memory_space<semaphore_mem>>) src(%dma_wait3A_1168 : memref<400x64xf32, #tpu.memory_space<hbm>>) dst(%dma_wait3A_1165 : memref<400x64xf32, #tpu.memory_space<vmem>>)
      %scan3A_1169 = arith.constant 0 : i32
      %scan3A_1170 = arith.constant 200 : i32
      %scan3A_1171 = arith.addi %scan3A_1169, %scan3A_1170 : i32
      %scan3A_1172 = arith.constant 10 : i32
      %scan3A_1173:4 = scf.for %scan3A_1484 = %scan3A_1169 to %scan3A_1171 step %scan3A_1172 iter_args(%scan3A_1485 = %broadcast_in_dim3A_125, %scan3A_1486 = %broadcast_in_dim3A_125, %scan3A_1487 = %broadcast_in_dim3A_125, %scan3A_1488 = %broadcast_in_dim3A_125) -> (vector<16xf32>, vector<16xf32>, vector<16xf32>, vector<16xf32>)  : i32 {
        %add3A_1489 = arith.constant 1200 : i32
        %add3A_1490 = arith.addi %add3A_1489, %scan3A_1484 : i32
        %get3A_1491 = arith.index_cast %add3A_1490 : i32 to index
        %get3A_1492 = arith.constant 0 : index
        %get3A_1493 = tpu.vector_load %arg8[%get3A_1491, %get3A_1492] {strides = array<i32>} : memref<1600x64xf32, #tpu.memory_space<vmem>>, vector<16xf32>,
        %add3A_1494 = arith.addf %scan3A_1485, %get3A_1493 : vector<16xf32>
        %add3A_1495 = arith.constant 1200 : i32
        %add3A_1496 = arith.addi %add3A_1495, %scan3A_1484 : i32
        %get3A_1497 = arith.index_cast %add3A_1496 : i32 to index
        %get3A_1498 = arith.constant 16 : index
        %get3A_1499 = tpu.vector_load %arg8[%get3A_1497, %get3A_1498] {strides = array<i32>} : memref<1600x64xf32, #tpu.memory_space<vmem>>, vector<16xf32>,
        %add3A_1500 = arith.addf %scan3A_1486, %get3A_1499 : vector<16xf32>
        %add3A_1501 = arith.constant 1200 : i32
        %add3A_1502 = arith.addi %add3A_1501, %scan3A_1484 : i32
        %get3A_1503 = arith.index_cast %add3A_1502 : i32 to index
        %get3A_1504 = arith.constant 32 : index
        %get3A_1505 = tpu.vector_load %arg8[%get3A_1503, %get3A_1504] {strides = array<i32>} : memref<1600x64xf32, #tpu.memory_space<vmem>>, vector<16xf32>,
        %add3A_1506 = arith.addf %scan3A_1487, %get3A_1505 : vector<16xf32>
        %add3A_1507 = arith.constant 1200 : i32
        %add3A_1508 = arith.addi %add3A_1507, %scan3A_1484 : i32
        %get3A_1509 = arith.index_cast %add3A_1508 : i32 to index
        %get3A_1510 = arith.constant 48 : index
        %get3A_1511 = tpu.vector_load %arg8[%get3A_1509, %get3A_1510] {strides = array<i32>} : memref<1600x64xf32, #tpu.memory_space<vmem>>, vector<16xf32>,
        %add3A_1512 = arith.addf %scan3A_1488, %get3A_1511 : vector<16xf32>
        %scan3A_1513 = arith.constant 1 : i32
        %scan3A_1514 = arith.addi %scan3A_1484, %scan3A_1513 : i32
        %add3A_1515 = arith.constant 1200 : i32
        %add3A_1516 = arith.addi %add3A_1515, %scan3A_1514 : i32
        %get3A_1517 = arith.index_cast %add3A_1516 : i32 to index
        %get3A_1518 = arith.constant 0 : index
        %get3A_1519 = tpu.vector_load %arg8[%get3A_1517, %get3A_1518] {strides = array<i32>} : memref<1600x64xf32, #tpu.memory_space<vmem>>, vector<16xf32>,
        %add3A_1520 = arith.addf %add3A_1494, %get3A_1519 : vector<16xf32>
        %add3A_1521 = arith.constant 1200 : i32
        %add3A_1522 = arith.addi %add3A_1521, %scan3A_1514 : i32
        %get3A_1523 = arith.index_cast %add3A_1522 : i32 to index
        %get3A_1524 = arith.constant 16 : index
        %get3A_1525 = tpu.vector_load %arg8[%get3A_1523, %get3A_1524] {strides = array<i32>} : memref<1600x64xf32, #tpu.memory_space<vmem>>, vector<16xf32>,
        %add3A_1526 = arith.addf %add3A_1500, %get3A_1525 : vector<16xf32>
        %add3A_1527 = arith.constant 1200 : i32
        %add3A_1528 = arith.addi %add3A_1527, %scan3A_1514 : i32
        %get3A_1529 = arith.index_cast %add3A_1528 : i32 to index
        %get3A_1530 = arith.constant 32 : index
        %get3A_1531 = tpu.vector_load %arg8[%get3A_1529, %get3A_1530] {strides = array<i32>} : memref<1600x64xf32, #tpu.memory_space<vmem>>, vector<16xf32>,
        %add3A_1532 = arith.addf %add3A_1506, %get3A_1531 : vector<16xf32>
        %add3A_1533 = arith.constant 1200 : i32
        %add3A_1534 = arith.addi %add3A_1533, %scan3A_1514 : i32
        %get3A_1535 = arith.index_cast %add3A_1534 : i32 to index
        %get3A_1536 = arith.constant 48 : index
        %get3A_1537 = tpu.vector_load %arg8[%get3A_1535, %get3A_1536] {strides = array<i32>} : memref<1600x64xf32, #tpu.memory_space<vmem>>, vector<16xf32>,
        %add3A_1538 = arith.addf %add3A_1512, %get3A_1537 : vector<16xf32>
        %scan3A_1539 = arith.constant 2 : i32
        %scan3A_1540 = arith.addi %scan3A_1484, %scan3A_1539 : i32
        %add3A_1541 = arith.constant 1200 : i32
        %add3A_1542 = arith.addi %add3A_1541, %scan3A_1540 : i32
        %get3A_1543 = arith.index_cast %add3A_1542 : i32 to index
        %get3A_1544 = arith.constant 0 : index
        %get3A_1545 = tpu.vector_load %arg8[%get3A_1543, %get3A_1544] {strides = array<i32>} : memref<1600x64xf32, #tpu.memory_space<vmem>>, vector<16xf32>,
        %add3A_1546 = arith.addf %add3A_1520, %get3A_1545 : vector<16xf32>
        %add3A_1547 = arith.constant 1200 : i32
        %add3A_1548 = arith.addi %add3A_1547, %scan3A_1540 : i32
        %get3A_1549 = arith.index_cast %add3A_1548 : i32 to index
        %get3A_1550 = arith.constant 16 : index
        %get3A_1551 = tpu.vector_load %arg8[%get3A_1549, %get3A_1550] {strides = array<i32>} : memref<1600x64xf32, #tpu.memory_space<vmem>>, vector<16xf32>,
        %add3A_1552 = arith.addf %add3A_1526, %get3A_1551 : vector<16xf32>
        %add3A_1553 = arith.constant 1200 : i32
        %add3A_1554 = arith.addi %add3A_1553, %scan3A_1540 : i32
        %get3A_1555 = arith.index_cast %add3A_1554 : i32 to index
        %get3A_1556 = arith.constant 32 : index
        %get3A_1557 = tpu.vector_load %arg8[%get3A_1555, %get3A_1556] {strides = array<i32>} : memref<1600x64xf32, #tpu.memory_space<vmem>>, vector<16xf32>,
        %add3A_1558 = arith.addf %add3A_1532, %get3A_1557 : vector<16xf32>
        %add3A_1559 = arith.constant 1200 : i32
        %add3A_1560 = arith.addi %add3A_1559, %scan3A_1540 : i32
        %get3A_1561 = arith.index_cast %add3A_1560 : i32 to index
        %get3A_1562 = arith.constant 48 : index
        %get3A_1563 = tpu.vector_load %arg8[%get3A_1561, %get3A_1562] {strides = array<i32>} : memref<1600x64xf32, #tpu.memory_space<vmem>>, vector<16xf32>,
        %add3A_1564 = arith.addf %add3A_1538, %get3A_1563 : vector<16xf32>
        %scan3A_1565 = arith.constant 3 : i32
        %scan3A_1566 = arith.addi %scan3A_1484, %scan3A_1565 : i32
        %add3A_1567 = arith.constant 1200 : i32
        %add3A_1568 = arith.addi %add3A_1567, %scan3A_1566 : i32
        %get3A_1569 = arith.index_cast %add3A_1568 : i32 to index
        %get3A_1570 = arith.constant 0 : index
        %get3A_1571 = tpu.vector_load %arg8[%get3A_1569, %get3A_1570] {strides = array<i32>} : memref<1600x64xf32, #tpu.memory_space<vmem>>, vector<16xf32>,
        %add3A_1572 = arith.addf %add3A_1546, %get3A_1571 : vector<16xf32>
        %add3A_1573 = arith.constant 1200 : i32
        %add3A_1574 = arith.addi %add3A_1573, %scan3A_1566 : i32
        %get3A_1575 = arith.index_cast %add3A_1574 : i32 to index
        %get3A_1576 = arith.constant 16 : index
        %get3A_1577 = tpu.vector_load %arg8[%get3A_1575, %get3A_1576] {strides = array<i32>} : memref<1600x64xf32, #tpu.memory_space<vmem>>, vector<16xf32>,
        %add3A_1578 = arith.addf %add3A_1552, %get3A_1577 : vector<16xf32>
        %add3A_1579 = arith.constant 1200 : i32
        %add3A_1580 = arith.addi %add3A_1579, %scan3A_1566 : i32
        %get3A_1581 = arith.index_cast %add3A_1580 : i32 to index
        %get3A_1582 = arith.constant 32 : index
        %get3A_1583 = tpu.vector_load %arg8[%get3A_1581, %get3A_1582] {strides = array<i32>} : memref<1600x64xf32, #tpu.memory_space<vmem>>, vector<16xf32>,
        %add3A_1584 = arith.addf %add3A_1558, %get3A_1583 : vector<16xf32>
        %add3A_1585 = arith.constant 1200 : i32
        %add3A_1586 = arith.addi %add3A_1585, %scan3A_1566 : i32
        %get3A_1587 = arith.index_cast %add3A_1586 : i32 to index
        %get3A_1588 = arith.constant 48 : index
        %get3A_1589 = tpu.vector_load %arg8[%get3A_1587, %get3A_1588] {strides = array<i32>} : memref<1600x64xf32, #tpu.memory_space<vmem>>, vector<16xf32>,
        %add3A_1590 = arith.addf %add3A_1564, %get3A_1589 : vector<16xf32>
        %scan3A_1591 = arith.constant 4 : i32
        %scan3A_1592 = arith.addi %scan3A_1484, %scan3A_1591 : i32
        %add3A_1593 = arith.constant 1200 : i32
        %add3A_1594 = arith.addi %add3A_1593, %scan3A_1592 : i32
        %get3A_1595 = arith.index_cast %add3A_1594 : i32 to index
        %get3A_1596 = arith.constant 0 : index
        %get3A_1597 = tpu.vector_load %arg8[%get3A_1595, %get3A_1596] {strides = array<i32>} : memref<1600x64xf32, #tpu.memory_space<vmem>>, vector<16xf32>,
        %add3A_1598 = arith.addf %add3A_1572, %get3A_1597 : vector<16xf32>
        %add3A_1599 = arith.constant 1200 : i32
        %add3A_1600 = arith.addi %add3A_1599, %scan3A_1592 : i32
        %get3A_1601 = arith.index_cast %add3A_1600 : i32 to index
        %get3A_1602 = arith.constant 16 : index
        %get3A_1603 = tpu.vector_load %arg8[%get3A_1601, %get3A_1602] {strides = array<i32>} : memref<1600x64xf32, #tpu.memory_space<vmem>>, vector<16xf32>,
        %add3A_1604 = arith.addf %add3A_1578, %get3A_1603 : vector<16xf32>
        %add3A_1605 = arith.constant 1200 : i32
        %add3A_1606 = arith.addi %add3A_1605, %scan3A_1592 : i32
        %get3A_1607 = arith.index_cast %add3A_1606 : i32 to index
        %get3A_1608 = arith.constant 32 : index
        %get3A_1609 = tpu.vector_load %arg8[%get3A_1607, %get3A_1608] {strides = array<i32>} : memref<1600x64xf32, #tpu.memory_space<vmem>>, vector<16xf32>,
        %add3A_1610 = arith.addf %add3A_1584, %get3A_1609 : vector<16xf32>
        %add3A_1611 = arith.constant 1200 : i32
        %add3A_1612 = arith.addi %add3A_1611, %scan3A_1592 : i32
        %get3A_1613 = arith.index_cast %add3A_1612 : i32 to index
        %get3A_1614 = arith.constant 48 : index
        %get3A_1615 = tpu.vector_load %arg8[%get3A_1613, %get3A_1614] {strides = array<i32>} : memref<1600x64xf32, #tpu.memory_space<vmem>>, vector<16xf32>,
        %add3A_1616 = arith.addf %add3A_1590, %get3A_1615 : vector<16xf32>
        %scan3A_1617 = arith.constant 5 : i32
        %scan3A_1618 = arith.addi %scan3A_1484, %scan3A_1617 : i32
        %add3A_1619 = arith.constant 1200 : i32
        %add3A_1620 = arith.addi %add3A_1619, %scan3A_1618 : i32
        %get3A_1621 = arith.index_cast %add3A_1620 : i32 to index
        %get3A_1622 = arith.constant 0 : index
        %get3A_1623 = tpu.vector_load %arg8[%get3A_1621, %get3A_1622] {strides = array<i32>} : memref<1600x64xf32, #tpu.memory_space<vmem>>, vector<16xf32>,
        %add3A_1624 = arith.addf %add3A_1598, %get3A_1623 : vector<16xf32>
        %add3A_1625 = arith.constant 1200 : i32
        %add3A_1626 = arith.addi %add3A_1625, %scan3A_1618 : i32
        %get3A_1627 = arith.index_cast %add3A_1626 : i32 to index
        %get3A_1628 = arith.constant 16 : index
        %get3A_1629 = tpu.vector_load %arg8[%get3A_1627, %get3A_1628] {strides = array<i32>} : memref<1600x64xf32, #tpu.memory_space<vmem>>, vector<16xf32>,
        %add3A_1630 = arith.addf %add3A_1604, %get3A_1629 : vector<16xf32>
        %add3A_1631 = arith.constant 1200 : i32
        %add3A_1632 = arith.addi %add3A_1631, %scan3A_1618 : i32
        %get3A_1633 = arith.index_cast %add3A_1632 : i32 to index
        %get3A_1634 = arith.constant 32 : index
        %get3A_1635 = tpu.vector_load %arg8[%get3A_1633, %get3A_1634] {strides = array<i32>} : memref<1600x64xf32, #tpu.memory_space<vmem>>, vector<16xf32>,
        %add3A_1636 = arith.addf %add3A_1610, %get3A_1635 : vector<16xf32>
        %add3A_1637 = arith.constant 1200 : i32
        %add3A_1638 = arith.addi %add3A_1637, %scan3A_1618 : i32
        %get3A_1639 = arith.index_cast %add3A_1638 : i32 to index
        %get3A_1640 = arith.constant 48 : index
        %get3A_1641 = tpu.vector_load %arg8[%get3A_1639, %get3A_1640] {strides = array<i32>} : memref<1600x64xf32, #tpu.memory_space<vmem>>, vector<16xf32>,
        %add3A_1642 = arith.addf %add3A_1616, %get3A_1641 : vector<16xf32>
        %scan3A_1643 = arith.constant 6 : i32
        %scan3A_1644 = arith.addi %scan3A_1484, %scan3A_1643 : i32
        %add3A_1645 = arith.constant 1200 : i32
        %add3A_1646 = arith.addi %add3A_1645, %scan3A_1644 : i32
        %get3A_1647 = arith.index_cast %add3A_1646 : i32 to index
        %get3A_1648 = arith.constant 0 : index
        %get3A_1649 = tpu.vector_load %arg8[%get3A_1647, %get3A_1648] {strides = array<i32>} : memref<1600x64xf32, #tpu.memory_space<vmem>>, vector<16xf32>,
        %add3A_1650 = arith.addf %add3A_1624, %get3A_1649 : vector<16xf32>
        %add3A_1651 = arith.constant 1200 : i32
        %add3A_1652 = arith.addi %add3A_1651, %scan3A_1644 : i32
        %get3A_1653 = arith.index_cast %add3A_1652 : i32 to index
        %get3A_1654 = arith.constant 16 : index
        %get3A_1655 = tpu.vector_load %arg8[%get3A_1653, %get3A_1654] {strides = array<i32>} : memref<1600x64xf32, #tpu.memory_space<vmem>>, vector<16xf32>,
        %add3A_1656 = arith.addf %add3A_1630, %get3A_1655 : vector<16xf32>
        %add3A_1657 = arith.constant 1200 : i32
        %add3A_1658 = arith.addi %add3A_1657, %scan3A_1644 : i32
        %get3A_1659 = arith.index_cast %add3A_1658 : i32 to index
        %get3A_1660 = arith.constant 32 : index
        %get3A_1661 = tpu.vector_load %arg8[%get3A_1659, %get3A_1660] {strides = array<i32>} : memref<1600x64xf32, #tpu.memory_space<vmem>>, vector<16xf32>,
        %add3A_1662 = arith.addf %add3A_1636, %get3A_1661 : vector<16xf32>
        %add3A_1663 = arith.constant 1200 : i32
        %add3A_1664 = arith.addi %add3A_1663, %scan3A_1644 : i32
        %get3A_1665 = arith.index_cast %add3A_1664 : i32 to index
        %get3A_1666 = arith.constant 48 : index
        %get3A_1667 = tpu.vector_load %arg8[%get3A_1665, %get3A_1666] {strides = array<i32>} : memref<1600x64xf32, #tpu.memory_space<vmem>>, vector<16xf32>,
        %add3A_1668 = arith.addf %add3A_1642, %get3A_1667 : vector<16xf32>
        %scan3A_1669 = arith.constant 7 : i32
        %scan3A_1670 = arith.addi %scan3A_1484, %scan3A_1669 : i32
        %add3A_1671 = arith.constant 1200 : i32
        %add3A_1672 = arith.addi %add3A_1671, %scan3A_1670 : i32
        %get3A_1673 = arith.index_cast %add3A_1672 : i32 to index
        %get3A_1674 = arith.constant 0 : index
        %get3A_1675 = tpu.vector_load %arg8[%get3A_1673, %get3A_1674] {strides = array<i32>} : memref<1600x64xf32, #tpu.memory_space<vmem>>, vector<16xf32>,
        %add3A_1676 = arith.addf %add3A_1650, %get3A_1675 : vector<16xf32>
        %add3A_1677 = arith.constant 1200 : i32
        %add3A_1678 = arith.addi %add3A_1677, %scan3A_1670 : i32
        %get3A_1679 = arith.index_cast %add3A_1678 : i32 to index
        %get3A_1680 = arith.constant 16 : index
        %get3A_1681 = tpu.vector_load %arg8[%get3A_1679, %get3A_1680] {strides = array<i32>} : memref<1600x64xf32, #tpu.memory_space<vmem>>, vector<16xf32>,
        %add3A_1682 = arith.addf %add3A_1656, %get3A_1681 : vector<16xf32>
        %add3A_1683 = arith.constant 1200 : i32
        %add3A_1684 = arith.addi %add3A_1683, %scan3A_1670 : i32
        %get3A_1685 = arith.index_cast %add3A_1684 : i32 to index
        %get3A_1686 = arith.constant 32 : index
        %get3A_1687 = tpu.vector_load %arg8[%get3A_1685, %get3A_1686] {strides = array<i32>} : memref<1600x64xf32, #tpu.memory_space<vmem>>, vector<16xf32>,
        %add3A_1688 = arith.addf %add3A_1662, %get3A_1687 : vector<16xf32>
        %add3A_1689 = arith.constant 1200 : i32
        %add3A_1690 = arith.addi %add3A_1689, %scan3A_1670 : i32
        %get3A_1691 = arith.index_cast %add3A_1690 : i32 to index
        %get3A_1692 = arith.constant 48 : index
        %get3A_1693 = tpu.vector_load %arg8[%get3A_1691, %get3A_1692] {strides = array<i32>} : memref<1600x64xf32, #tpu.memory_space<vmem>>, vector<16xf32>,
        %add3A_1694 = arith.addf %add3A_1668, %get3A_1693 : vector<16xf32>
        %scan3A_1695 = arith.constant 8 : i32
        %scan3A_1696 = arith.addi %scan3A_1484, %scan3A_1695 : i32
        %add3A_1697 = arith.constant 1200 : i32
        %add3A_1698 = arith.addi %add3A_1697, %scan3A_1696 : i32
        %get3A_1699 = arith.index_cast %add3A_1698 : i32 to index
        %get3A_1700 = arith.constant 0 : index
        %get3A_1701 = tpu.vector_load %arg8[%get3A_1699, %get3A_1700] {strides = array<i32>} : memref<1600x64xf32, #tpu.memory_space<vmem>>, vector<16xf32>,
        %add3A_1702 = arith.addf %add3A_1676, %get3A_1701 : vector<16xf32>
        %add3A_1703 = arith.constant 1200 : i32
        %add3A_1704 = arith.addi %add3A_1703, %scan3A_1696 : i32
        %get3A_1705 = arith.index_cast %add3A_1704 : i32 to index
        %get3A_1706 = arith.constant 16 : index
        %get3A_1707 = tpu.vector_load %arg8[%get3A_1705, %get3A_1706] {strides = array<i32>} : memref<1600x64xf32, #tpu.memory_space<vmem>>, vector<16xf32>,
        %add3A_1708 = arith.addf %add3A_1682, %get3A_1707 : vector<16xf32>
        %add3A_1709 = arith.constant 1200 : i32
        %add3A_1710 = arith.addi %add3A_1709, %scan3A_1696 : i32
        %get3A_1711 = arith.index_cast %add3A_1710 : i32 to index
        %get3A_1712 = arith.constant 32 : index
        %get3A_1713 = tpu.vector_load %arg8[%get3A_1711, %get3A_1712] {strides = array<i32>} : memref<1600x64xf32, #tpu.memory_space<vmem>>, vector<16xf32>,
        %add3A_1714 = arith.addf %add3A_1688, %get3A_1713 : vector<16xf32>
        %add3A_1715 = arith.constant 1200 : i32
        %add3A_1716 = arith.addi %add3A_1715, %scan3A_1696 : i32
        %get3A_1717 = arith.index_cast %add3A_1716 : i32 to index
        %get3A_1718 = arith.constant 48 : index
        %get3A_1719 = tpu.vector_load %arg8[%get3A_1717, %get3A_1718] {strides = array<i32>} : memref<1600x64xf32, #tpu.memory_space<vmem>>, vector<16xf32>,
        %add3A_1720 = arith.addf %add3A_1694, %get3A_1719 : vector<16xf32>
        %scan3A_1721 = arith.constant 9 : i32
        %scan3A_1722 = arith.addi %scan3A_1484, %scan3A_1721 : i32
        %add3A_1723 = arith.constant 1200 : i32
        %add3A_1724 = arith.addi %add3A_1723, %scan3A_1722 : i32
        %get3A_1725 = arith.index_cast %add3A_1724 : i32 to index
        %get3A_1726 = arith.constant 0 : index
        %get3A_1727 = tpu.vector_load %arg8[%get3A_1725, %get3A_1726] {strides = array<i32>} : memref<1600x64xf32, #tpu.memory_space<vmem>>, vector<16xf32>,
        %add3A_1728 = arith.addf %add3A_1702, %get3A_1727 : vector<16xf32>
        %add3A_1729 = arith.constant 1200 : i32
        %add3A_1730 = arith.addi %add3A_1729, %scan3A_1722 : i32
        %get3A_1731 = arith.index_cast %add3A_1730 : i32 to index
        %get3A_1732 = arith.constant 16 : index
        %get3A_1733 = tpu.vector_load %arg8[%get3A_1731, %get3A_1732] {strides = array<i32>} : memref<1600x64xf32, #tpu.memory_space<vmem>>, vector<16xf32>,
        %add3A_1734 = arith.addf %add3A_1708, %get3A_1733 : vector<16xf32>
        %add3A_1735 = arith.constant 1200 : i32
        %add3A_1736 = arith.addi %add3A_1735, %scan3A_1722 : i32
        %get3A_1737 = arith.index_cast %add3A_1736 : i32 to index
        %get3A_1738 = arith.constant 32 : index
        %get3A_1739 = tpu.vector_load %arg8[%get3A_1737, %get3A_1738] {strides = array<i32>} : memref<1600x64xf32, #tpu.memory_space<vmem>>, vector<16xf32>,
        %add3A_1740 = arith.addf %add3A_1714, %get3A_1739 : vector<16xf32>
        %add3A_1741 = arith.constant 1200 : i32
        %add3A_1742 = arith.addi %add3A_1741, %scan3A_1722 : i32
        %get3A_1743 = arith.index_cast %add3A_1742 : i32 to index
        %get3A_1744 = arith.constant 48 : index
        %get3A_1745 = tpu.vector_load %arg8[%get3A_1743, %get3A_1744] {strides = array<i32>} : memref<1600x64xf32, #tpu.memory_space<vmem>>, vector<16xf32>,
        %add3A_1746 = arith.addf %add3A_1720, %get3A_1745 : vector<16xf32>
        scf.yield %add3A_1728, %add3A_1734, %add3A_1740, %add3A_1746 : vector<16xf32>, vector<16xf32>, vector<16xf32>, vector<16xf32>
      }
      %scan3A_1174 = arith.constant 200 : i32
      %mul3A_1175 = arith.constant 2 : i32
      %mul3A_1176 = arith.muli %mul3A_1175, %add3A_1147 : i32
      %add3A_1177 = arith.constant 0 : i32
      %add3A_1178 = arith.addi %mul3A_1176, %add3A_1177 : i32
      %get3A_1179 = arith.constant 0 : i32
      %get3A_1180 = arith.index_cast %get3A_1179 : i32 to index
      %get3A_1181 = arith.constant 0 : index
      %get3A_1182 = tpu.vector_load %arg9[%get3A_1180, %get3A_1181] {strides = array<i32>} : memref<3x64xf32, #tpu.memory_space<vmem>>, vector<16xf32>,
      %mul3A_1183 = arith.mulf %scan3A_1173#0, %get3A_1182 : vector<16xf32>
      %reduce_sum3A_1184 = arith.constant true
      %reduce_sum3A_1185 = vector.broadcast %reduce_sum3A_1184 : i1 to vector<16xi1>
      %reduce_sum3A_1186 = tpu.scan <sum>, %mul3A_1183 masked %reduce_sum3A_1185 : vector<16xf32>, vector<16xi1> -> vector<16xf32>
      %reduce_sum3A_1187 = vector.extract %reduce_sum3A_1186[15] : f32 from vector<16xf32>
      %get3A_1188 = arith.constant 0 : i32
      %get3A_1189 = arith.index_cast %get3A_1188 : i32 to index
      %get3A_1190 = arith.constant 16 : index
      %get3A_1191 = tpu.vector_load %arg9[%get3A_1189, %get3A_1190] {strides = array<i32>} : memref<3x64xf32, #tpu.memory_space<vmem>>, vector<16xf32>,
      %mul3A_1192 = arith.mulf %scan3A_1173#1, %get3A_1191 : vector<16xf32>
      %reduce_sum3A_1193 = arith.constant true
      %reduce_sum3A_1194 = vector.broadcast %reduce_sum3A_1193 : i1 to vector<16xi1>
      %reduce_sum3A_1195 = tpu.scan <sum>, %mul3A_1192 masked %reduce_sum3A_1194 : vector<16xf32>, vector<16xi1> -> vector<16xf32>
      %reduce_sum3A_1196 = vector.extract %reduce_sum3A_1195[15] : f32 from vector<16xf32>
      %add3A_1197 = arith.addf %reduce_sum3A_1187, %reduce_sum3A_1196 : f32
      %get3A_1198 = arith.constant 0 : i32
      %get3A_1199 = arith.index_cast %get3A_1198 : i32 to index
      %get3A_1200 = arith.constant 32 : index
      %get3A_1201 = tpu.vector_load %arg9[%get3A_1199, %get3A_1200] {strides = array<i32>} : memref<3x64xf32, #tpu.memory_space<vmem>>, vector<16xf32>,
      %mul3A_1202 = arith.mulf %scan3A_1173#2, %get3A_1201 : vector<16xf32>
      %reduce_sum3A_1203 = arith.constant true
      %reduce_sum3A_1204 = vector.broadcast %reduce_sum3A_1203 : i1 to vector<16xi1>
      %reduce_sum3A_1205 = tpu.scan <sum>, %mul3A_1202 masked %reduce_sum3A_1204 : vector<16xf32>, vector<16xi1> -> vector<16xf32>
      %reduce_sum3A_1206 = vector.extract %reduce_sum3A_1205[15] : f32 from vector<16xf32>
      %add3A_1207 = arith.addf %add3A_1197, %reduce_sum3A_1206 : f32
      %get3A_1208 = arith.constant 0 : i32
      %get3A_1209 = arith.index_cast %get3A_1208 : i32 to index
      %get3A_1210 = arith.constant 48 : index
      %get3A_1211 = tpu.vector_load %arg9[%get3A_1209, %get3A_1210] {strides = array<i32>} : memref<3x64xf32, #tpu.memory_space<vmem>>, vector<16xf32>,
      %mul3A_1212 = arith.mulf %scan3A_1173#3, %get3A_1211 : vector<16xf32>
      %reduce_sum3A_1213 = arith.constant true
      %reduce_sum3A_1214 = vector.broadcast %reduce_sum3A_1213 : i1 to vector<16xi1>
      %reduce_sum3A_1215 = tpu.scan <sum>, %mul3A_1212 masked %reduce_sum3A_1214 : vector<16xf32>, vector<16xi1> -> vector<16xf32>
      %reduce_sum3A_1216 = vector.extract %reduce_sum3A_1215[15] : f32 from vector<16xf32>
      %add3A_1217 = arith.addf %add3A_1207, %reduce_sum3A_1216 : f32
      %mul3A_1218 = arith.mulf %add3A_1217, %scan3A : f32
      %slice3A_1219 = vector.extract_strided_slice %get3A_5 {offsets = [0], sizes = [1], strides = [1]} : vector<16xf32> to vector<1xf32>
      %squeeze3A_1220 = vector.extract %slice3A_1219[0] : f32 from vector<1xf32>
      %add3A_1221 = arith.addf %mul3A_1218, %squeeze3A_1220 : f32
      %get3A_1222 = arith.constant 1 : i32
      %get3A_1223 = arith.index_cast %get3A_1222 : i32 to index
      %get3A_1224 = arith.constant 0 : index
      %get3A_1225 = tpu.vector_load %arg9[%get3A_1223, %get3A_1224] {strides = array<i32>} : memref<3x64xf32, #tpu.memory_space<vmem>>, vector<16xf32>,
      %mul3A_1226 = arith.mulf %scan3A_1173#0, %get3A_1225 : vector<16xf32>
      %reduce_sum3A_1227 = arith.constant true
      %reduce_sum3A_1228 = vector.broadcast %reduce_sum3A_1227 : i1 to vector<16xi1>
      %reduce_sum3A_1229 = tpu.scan <sum>, %mul3A_1226 masked %reduce_sum3A_1228 : vector<16xf32>, vector<16xi1> -> vector<16xf32>
      %reduce_sum3A_1230 = vector.extract %reduce_sum3A_1229[15] : f32 from vector<16xf32>
      %get3A_1231 = arith.constant 1 : i32
      %get3A_1232 = arith.index_cast %get3A_1231 : i32 to index
      %get3A_1233 = arith.constant 16 : index
      %get3A_1234 = tpu.vector_load %arg9[%get3A_1232, %get3A_1233] {strides = array<i32>} : memref<3x64xf32, #tpu.memory_space<vmem>>, vector<16xf32>,
      %mul3A_1235 = arith.mulf %scan3A_1173#1, %get3A_1234 : vector<16xf32>
      %reduce_sum3A_1236 = arith.constant true
      %reduce_sum3A_1237 = vector.broadcast %reduce_sum3A_1236 : i1 to vector<16xi1>
      %reduce_sum3A_1238 = tpu.scan <sum>, %mul3A_1235 masked %reduce_sum3A_1237 : vector<16xf32>, vector<16xi1> -> vector<16xf32>
      %reduce_sum3A_1239 = vector.extract %reduce_sum3A_1238[15] : f32 from vector<16xf32>
      %add3A_1240 = arith.addf %reduce_sum3A_1230, %reduce_sum3A_1239 : f32
      %get3A_1241 = arith.constant 1 : i32
      %get3A_1242 = arith.index_cast %get3A_1241 : i32 to index
      %get3A_1243 = arith.constant 32 : index
      %get3A_1244 = tpu.vector_load %arg9[%get3A_1242, %get3A_1243] {strides = array<i32>} : memref<3x64xf32, #tpu.memory_space<vmem>>, vector<16xf32>,
      %mul3A_1245 = arith.mulf %scan3A_1173#2, %get3A_1244 : vector<16xf32>
      %reduce_sum3A_1246 = arith.constant true
      %reduce_sum3A_1247 = vector.broadcast %reduce_sum3A_1246 : i1 to vector<16xi1>
      %reduce_sum3A_1248 = tpu.scan <sum>, %mul3A_1245 masked %reduce_sum3A_1247 : vector<16xf32>, vector<16xi1> -> vector<16xf32>
      %reduce_sum3A_1249 = vector.extract %reduce_sum3A_1248[15] : f32 from vector<16xf32>
      %add3A_1250 = arith.addf %add3A_1240, %reduce_sum3A_1249 : f32
      %get3A_1251 = arith.constant 1 : i32
      %get3A_1252 = arith.index_cast %get3A_1251 : i32 to index
      %get3A_1253 = arith.constant 48 : index
      %get3A_1254 = tpu.vector_load %arg9[%get3A_1252, %get3A_1253] {strides = array<i32>} : memref<3x64xf32, #tpu.memory_space<vmem>>, vector<16xf32>,
      %mul3A_1255 = arith.mulf %scan3A_1173#3, %get3A_1254 : vector<16xf32>
      %reduce_sum3A_1256 = arith.constant true
      %reduce_sum3A_1257 = vector.broadcast %reduce_sum3A_1256 : i1 to vector<16xi1>
      %reduce_sum3A_1258 = tpu.scan <sum>, %mul3A_1255 masked %reduce_sum3A_1257 : vector<16xf32>, vector<16xi1> -> vector<16xf32>
      %reduce_sum3A_1259 = vector.extract %reduce_sum3A_1258[15] : f32 from vector<16xf32>
      %add3A_1260 = arith.addf %add3A_1250, %reduce_sum3A_1259 : f32
      %mul3A_1261 = arith.mulf %add3A_1260, %scan3A : f32
      %slice3A_1262 = vector.extract_strided_slice %get3A_5 {offsets = [1], sizes = [1], strides = [1]} : vector<16xf32> to vector<1xf32>
      %squeeze3A_1263 = vector.extract %slice3A_1262[0] : f32 from vector<1xf32>
      %add3A_1264 = arith.addf %mul3A_1261, %squeeze3A_1263 : f32
      %get3A_1265 = arith.constant 2 : i32
      %get3A_1266 = arith.index_cast %get3A_1265 : i32 to index
      %get3A_1267 = arith.constant 0 : index
      %get3A_1268 = tpu.vector_load %arg9[%get3A_1266, %get3A_1267] {strides = array<i32>} : memref<3x64xf32, #tpu.memory_space<vmem>>, vector<16xf32>,
      %mul3A_1269 = arith.mulf %scan3A_1173#0, %get3A_1268 : vector<16xf32>
      %reduce_sum3A_1270 = arith.constant true
      %reduce_sum3A_1271 = vector.broadcast %reduce_sum3A_1270 : i1 to vector<16xi1>
      %reduce_sum3A_1272 = tpu.scan <sum>, %mul3A_1269 masked %reduce_sum3A_1271 : vector<16xf32>, vector<16xi1> -> vector<16xf32>
      %reduce_sum3A_1273 = vector.extract %reduce_sum3A_1272[15] : f32 from vector<16xf32>
      %get3A_1274 = arith.constant 2 : i32
      %get3A_1275 = arith.index_cast %get3A_1274 : i32 to index
      %get3A_1276 = arith.constant 16 : index
      %get3A_1277 = tpu.vector_load %arg9[%get3A_1275, %get3A_1276] {strides = array<i32>} : memref<3x64xf32, #tpu.memory_space<vmem>>, vector<16xf32>,
      %mul3A_1278 = arith.mulf %scan3A_1173#1, %get3A_1277 : vector<16xf32>
      %reduce_sum3A_1279 = arith.constant true
      %reduce_sum3A_1280 = vector.broadcast %reduce_sum3A_1279 : i1 to vector<16xi1>
      %reduce_sum3A_1281 = tpu.scan <sum>, %mul3A_1278 masked %reduce_sum3A_1280 : vector<16xf32>, vector<16xi1> -> vector<16xf32>
      %reduce_sum3A_1282 = vector.extract %reduce_sum3A_1281[15] : f32 from vector<16xf32>
      %add3A_1283 = arith.addf %reduce_sum3A_1273, %reduce_sum3A_1282 : f32
      %get3A_1284 = arith.constant 2 : i32
      %get3A_1285 = arith.index_cast %get3A_1284 : i32 to index
      %get3A_1286 = arith.constant 32 : index
      %get3A_1287 = tpu.vector_load %arg9[%get3A_1285, %get3A_1286] {strides = array<i32>} : memref<3x64xf32, #tpu.memory_space<vmem>>, vector<16xf32>,
      %mul3A_1288 = arith.mulf %scan3A_1173#2, %get3A_1287 : vector<16xf32>
      %reduce_sum3A_1289 = arith.constant true
      %reduce_sum3A_1290 = vector.broadcast %reduce_sum3A_1289 : i1 to vector<16xi1>
      %reduce_sum3A_1291 = tpu.scan <sum>, %mul3A_1288 masked %reduce_sum3A_1290 : vector<16xf32>, vector<16xi1> -> vector<16xf32>
      %reduce_sum3A_1292 = vector.extract %reduce_sum3A_1291[15] : f32 from vector<16xf32>
      %add3A_1293 = arith.addf %add3A_1283, %reduce_sum3A_1292 : f32
      %get3A_1294 = arith.constant 2 : i32
      %get3A_1295 = arith.index_cast %get3A_1294 : i32 to index
      %get3A_1296 = arith.constant 48 : index
      %get3A_1297 = tpu.vector_load %arg9[%get3A_1295, %get3A_1296] {strides = array<i32>} : memref<3x64xf32, #tpu.memory_space<vmem>>, vector<16xf32>,
      %mul3A_1298 = arith.mulf %scan3A_1173#3, %get3A_1297 : vector<16xf32>
      %reduce_sum3A_1299 = arith.constant true
      %reduce_sum3A_1300 = vector.broadcast %reduce_sum3A_1299 : i1 to vector<16xi1>
      %reduce_sum3A_1301 = tpu.scan <sum>, %mul3A_1298 masked %reduce_sum3A_1300 : vector<16xf32>, vector<16xi1> -> vector<16xf32>
      %reduce_sum3A_1302 = vector.extract %reduce_sum3A_1301[15] : f32 from vector<16xf32>
      %add3A_1303 = arith.addf %add3A_1293, %reduce_sum3A_1302 : f32
      %mul3A_1304 = arith.mulf %add3A_1303, %scan3A : f32
      %slice3A_1305 = vector.extract_strided_slice %get3A_5 {offsets = [2], sizes = [1], strides = [1]} : vector<16xf32> to vector<1xf32>
      %squeeze3A_1306 = vector.extract %slice3A_1305[0] : f32 from vector<1xf32>
      %add3A_1307 = arith.addf %mul3A_1304, %squeeze3A_1306 : f32
      %eq3A_1308 = arith.constant 0 : i32
      %eq3A_1309 = vector.broadcast %eq3A_1308 : i32 to vector<16xi32>
      %eq3A_1310 = arith.cmpi eq, %iota3A, %eq3A_1309 : vector<16xi32>
      %eq3A_1311 = arith.constant 1 : i32
      %eq3A_1312 = vector.broadcast %eq3A_1311 : i32 to vector<16xi32>
      %eq3A_1313 = arith.cmpi eq, %iota3A, %eq3A_1312 : vector<16xi32>
      %broadcast_in_dim3A_1314 = vector.broadcast %add3A_1264 : f32 to vector<16xf32>
      %broadcast_in_dim3A_1315 = vector.broadcast %add3A_1307 : f32 to vector<16xf32>
      %select_n3A_1316 = arith.select %eq3A_1313, %broadcast_in_dim3A_1314, %broadcast_in_dim3A_1315 : vector<16xi1>, vector<16xf32>
      %broadcast_in_dim3A_1317 = vector.broadcast %add3A_1221 : f32 to vector<16xf32>
      %select_n3A_1318 = arith.select %eq3A_1310, %broadcast_in_dim3A_1317, %select_n3A_1316 : vector<16xi1>, vector<16xf32>
      %mul3A_1319 = arith.constant 3 : i32
      %mul3A_1320 = arith.muli %mul3A_1319, %add3A_1178 : i32
      %add3A_1321 = vector.broadcast %mul3A_1320 : i32 to vector<16xi32>
      %add3A_1322 = arith.addi %add3A_1321, %iota3A : vector<16xi32>
      %lt3A_1323 = arith.constant 3 : i32
      %lt3A_1324 = vector.broadcast %lt3A_1323 : i32 to vector<16xi32>
      %lt3A_1325 = arith.cmpi slt, %iota3A, %lt3A_1324 : vector<16xi32>
      tpu.vector_store_idx %arg11[%add3A_1322], %select_n3A_1318 masked %lt3A_1325 : memref<384xf32, #tpu.memory_space<vmem>>[vector<16xi32>], vector<16xf32>, vector<16xi1>
      %scan3A_1326 = arith.constant 0 : i32
      %scan3A_1327 = arith.constant 200 : i32
      %scan3A_1328 = arith.addi %scan3A_1326, %scan3A_1327 : i32
      %scan3A_1329 = arith.constant 10 : i32
      %scan3A_1330:4 = scf.for %scan3A_1484 = %scan3A_1326 to %scan3A_1328 step %scan3A_1329 iter_args(%scan3A_1485 = %broadcast_in_dim3A_125, %scan3A_1486 = %broadcast_in_dim3A_125, %scan3A_1487 = %broadcast_in_dim3A_125, %scan3A_1488 = %broadcast_in_dim3A_125) -> (vector<16xf32>, vector<16xf32>, vector<16xf32>, vector<16xf32>)  : i32 {
        %add3A_1489 = arith.constant 1400 : i32
        %add3A_1490 = arith.addi %add3A_1489, %scan3A_1484 : i32
        %get3A_1491 = arith.index_cast %add3A_1490 : i32 to index
        %get3A_1492 = arith.constant 0 : index
        %get3A_1493 = tpu.vector_load %arg8[%get3A_1491, %get3A_1492] {strides = array<i32>} : memref<1600x64xf32, #tpu.memory_space<vmem>>, vector<16xf32>,
        %add3A_1494 = arith.addf %scan3A_1485, %get3A_1493 : vector<16xf32>
        %add3A_1495 = arith.constant 1400 : i32
        %add3A_1496 = arith.addi %add3A_1495, %scan3A_1484 : i32
        %get3A_1497 = arith.index_cast %add3A_1496 : i32 to index
        %get3A_1498 = arith.constant 16 : index
        %get3A_1499 = tpu.vector_load %arg8[%get3A_1497, %get3A_1498] {strides = array<i32>} : memref<1600x64xf32, #tpu.memory_space<vmem>>, vector<16xf32>,
        %add3A_1500 = arith.addf %scan3A_1486, %get3A_1499 : vector<16xf32>
        %add3A_1501 = arith.constant 1400 : i32
        %add3A_1502 = arith.addi %add3A_1501, %scan3A_1484 : i32
        %get3A_1503 = arith.index_cast %add3A_1502 : i32 to index
        %get3A_1504 = arith.constant 32 : index
        %get3A_1505 = tpu.vector_load %arg8[%get3A_1503, %get3A_1504] {strides = array<i32>} : memref<1600x64xf32, #tpu.memory_space<vmem>>, vector<16xf32>,
        %add3A_1506 = arith.addf %scan3A_1487, %get3A_1505 : vector<16xf32>
        %add3A_1507 = arith.constant 1400 : i32
        %add3A_1508 = arith.addi %add3A_1507, %scan3A_1484 : i32
        %get3A_1509 = arith.index_cast %add3A_1508 : i32 to index
        %get3A_1510 = arith.constant 48 : index
        %get3A_1511 = tpu.vector_load %arg8[%get3A_1509, %get3A_1510] {strides = array<i32>} : memref<1600x64xf32, #tpu.memory_space<vmem>>, vector<16xf32>,
        %add3A_1512 = arith.addf %scan3A_1488, %get3A_1511 : vector<16xf32>
        %scan3A_1513 = arith.constant 1 : i32
        %scan3A_1514 = arith.addi %scan3A_1484, %scan3A_1513 : i32
        %add3A_1515 = arith.constant 1400 : i32
        %add3A_1516 = arith.addi %add3A_1515, %scan3A_1514 : i32
        %get3A_1517 = arith.index_cast %add3A_1516 : i32 to index
        %get3A_1518 = arith.constant 0 : index
        %get3A_1519 = tpu.vector_load %arg8[%get3A_1517, %get3A_1518] {strides = array<i32>} : memref<1600x64xf32, #tpu.memory_space<vmem>>, vector<16xf32>,
        %add3A_1520 = arith.addf %add3A_1494, %get3A_1519 : vector<16xf32>
        %add3A_1521 = arith.constant 1400 : i32
        %add3A_1522 = arith.addi %add3A_1521, %scan3A_1514 : i32
        %get3A_1523 = arith.index_cast %add3A_1522 : i32 to index
        %get3A_1524 = arith.constant 16 : index
        %get3A_1525 = tpu.vector_load %arg8[%get3A_1523, %get3A_1524] {strides = array<i32>} : memref<1600x64xf32, #tpu.memory_space<vmem>>, vector<16xf32>,
        %add3A_1526 = arith.addf %add3A_1500, %get3A_1525 : vector<16xf32>
        %add3A_1527 = arith.constant 1400 : i32
        %add3A_1528 = arith.addi %add3A_1527, %scan3A_1514 : i32
        %get3A_1529 = arith.index_cast %add3A_1528 : i32 to index
        %get3A_1530 = arith.constant 32 : index
        %get3A_1531 = tpu.vector_load %arg8[%get3A_1529, %get3A_1530] {strides = array<i32>} : memref<1600x64xf32, #tpu.memory_space<vmem>>, vector<16xf32>,
        %add3A_1532 = arith.addf %add3A_1506, %get3A_1531 : vector<16xf32>
        %add3A_1533 = arith.constant 1400 : i32
        %add3A_1534 = arith.addi %add3A_1533, %scan3A_1514 : i32
        %get3A_1535 = arith.index_cast %add3A_1534 : i32 to index
        %get3A_1536 = arith.constant 48 : index
        %get3A_1537 = tpu.vector_load %arg8[%get3A_1535, %get3A_1536] {strides = array<i32>} : memref<1600x64xf32, #tpu.memory_space<vmem>>, vector<16xf32>,
        %add3A_1538 = arith.addf %add3A_1512, %get3A_1537 : vector<16xf32>
        %scan3A_1539 = arith.constant 2 : i32
        %scan3A_1540 = arith.addi %scan3A_1484, %scan3A_1539 : i32
        %add3A_1541 = arith.constant 1400 : i32
        %add3A_1542 = arith.addi %add3A_1541, %scan3A_1540 : i32
        %get3A_1543 = arith.index_cast %add3A_1542 : i32 to index
        %get3A_1544 = arith.constant 0 : index
        %get3A_1545 = tpu.vector_load %arg8[%get3A_1543, %get3A_1544] {strides = array<i32>} : memref<1600x64xf32, #tpu.memory_space<vmem>>, vector<16xf32>,
        %add3A_1546 = arith.addf %add3A_1520, %get3A_1545 : vector<16xf32>
        %add3A_1547 = arith.constant 1400 : i32
        %add3A_1548 = arith.addi %add3A_1547, %scan3A_1540 : i32
        %get3A_1549 = arith.index_cast %add3A_1548 : i32 to index
        %get3A_1550 = arith.constant 16 : index
        %get3A_1551 = tpu.vector_load %arg8[%get3A_1549, %get3A_1550] {strides = array<i32>} : memref<1600x64xf32, #tpu.memory_space<vmem>>, vector<16xf32>,
        %add3A_1552 = arith.addf %add3A_1526, %get3A_1551 : vector<16xf32>
        %add3A_1553 = arith.constant 1400 : i32
        %add3A_1554 = arith.addi %add3A_1553, %scan3A_1540 : i32
        %get3A_1555 = arith.index_cast %add3A_1554 : i32 to index
        %get3A_1556 = arith.constant 32 : index
        %get3A_1557 = tpu.vector_load %arg8[%get3A_1555, %get3A_1556] {strides = array<i32>} : memref<1600x64xf32, #tpu.memory_space<vmem>>, vector<16xf32>,
        %add3A_1558 = arith.addf %add3A_1532, %get3A_1557 : vector<16xf32>
        %add3A_1559 = arith.constant 1400 : i32
        %add3A_1560 = arith.addi %add3A_1559, %scan3A_1540 : i32
        %get3A_1561 = arith.index_cast %add3A_1560 : i32 to index
        %get3A_1562 = arith.constant 48 : index
        %get3A_1563 = tpu.vector_load %arg8[%get3A_1561, %get3A_1562] {strides = array<i32>} : memref<1600x64xf32, #tpu.memory_space<vmem>>, vector<16xf32>,
        %add3A_1564 = arith.addf %add3A_1538, %get3A_1563 : vector<16xf32>
        %scan3A_1565 = arith.constant 3 : i32
        %scan3A_1566 = arith.addi %scan3A_1484, %scan3A_1565 : i32
        %add3A_1567 = arith.constant 1400 : i32
        %add3A_1568 = arith.addi %add3A_1567, %scan3A_1566 : i32
        %get3A_1569 = arith.index_cast %add3A_1568 : i32 to index
        %get3A_1570 = arith.constant 0 : index
        %get3A_1571 = tpu.vector_load %arg8[%get3A_1569, %get3A_1570] {strides = array<i32>} : memref<1600x64xf32, #tpu.memory_space<vmem>>, vector<16xf32>,
        %add3A_1572 = arith.addf %add3A_1546, %get3A_1571 : vector<16xf32>
        %add3A_1573 = arith.constant 1400 : i32
        %add3A_1574 = arith.addi %add3A_1573, %scan3A_1566 : i32
        %get3A_1575 = arith.index_cast %add3A_1574 : i32 to index
        %get3A_1576 = arith.constant 16 : index
        %get3A_1577 = tpu.vector_load %arg8[%get3A_1575, %get3A_1576] {strides = array<i32>} : memref<1600x64xf32, #tpu.memory_space<vmem>>, vector<16xf32>,
        %add3A_1578 = arith.addf %add3A_1552, %get3A_1577 : vector<16xf32>
        %add3A_1579 = arith.constant 1400 : i32
        %add3A_1580 = arith.addi %add3A_1579, %scan3A_1566 : i32
        %get3A_1581 = arith.index_cast %add3A_1580 : i32 to index
        %get3A_1582 = arith.constant 32 : index
        %get3A_1583 = tpu.vector_load %arg8[%get3A_1581, %get3A_1582] {strides = array<i32>} : memref<1600x64xf32, #tpu.memory_space<vmem>>, vector<16xf32>,
        %add3A_1584 = arith.addf %add3A_1558, %get3A_1583 : vector<16xf32>
        %add3A_1585 = arith.constant 1400 : i32
        %add3A_1586 = arith.addi %add3A_1585, %scan3A_1566 : i32
        %get3A_1587 = arith.index_cast %add3A_1586 : i32 to index
        %get3A_1588 = arith.constant 48 : index
        %get3A_1589 = tpu.vector_load %arg8[%get3A_1587, %get3A_1588] {strides = array<i32>} : memref<1600x64xf32, #tpu.memory_space<vmem>>, vector<16xf32>,
        %add3A_1590 = arith.addf %add3A_1564, %get3A_1589 : vector<16xf32>
        %scan3A_1591 = arith.constant 4 : i32
        %scan3A_1592 = arith.addi %scan3A_1484, %scan3A_1591 : i32
        %add3A_1593 = arith.constant 1400 : i32
        %add3A_1594 = arith.addi %add3A_1593, %scan3A_1592 : i32
        %get3A_1595 = arith.index_cast %add3A_1594 : i32 to index
        %get3A_1596 = arith.constant 0 : index
        %get3A_1597 = tpu.vector_load %arg8[%get3A_1595, %get3A_1596] {strides = array<i32>} : memref<1600x64xf32, #tpu.memory_space<vmem>>, vector<16xf32>,
        %add3A_1598 = arith.addf %add3A_1572, %get3A_1597 : vector<16xf32>
        %add3A_1599 = arith.constant 1400 : i32
        %add3A_1600 = arith.addi %add3A_1599, %scan3A_1592 : i32
        %get3A_1601 = arith.index_cast %add3A_1600 : i32 to index
        %get3A_1602 = arith.constant 16 : index
        %get3A_1603 = tpu.vector_load %arg8[%get3A_1601, %get3A_1602] {strides = array<i32>} : memref<1600x64xf32, #tpu.memory_space<vmem>>, vector<16xf32>,
        %add3A_1604 = arith.addf %add3A_1578, %get3A_1603 : vector<16xf32>
        %add3A_1605 = arith.constant 1400 : i32
        %add3A_1606 = arith.addi %add3A_1605, %scan3A_1592 : i32
        %get3A_1607 = arith.index_cast %add3A_1606 : i32 to index
        %get3A_1608 = arith.constant 32 : index
        %get3A_1609 = tpu.vector_load %arg8[%get3A_1607, %get3A_1608] {strides = array<i32>} : memref<1600x64xf32, #tpu.memory_space<vmem>>, vector<16xf32>,
        %add3A_1610 = arith.addf %add3A_1584, %get3A_1609 : vector<16xf32>
        %add3A_1611 = arith.constant 1400 : i32
        %add3A_1612 = arith.addi %add3A_1611, %scan3A_1592 : i32
        %get3A_1613 = arith.index_cast %add3A_1612 : i32 to index
        %get3A_1614 = arith.constant 48 : index
        %get3A_1615 = tpu.vector_load %arg8[%get3A_1613, %get3A_1614] {strides = array<i32>} : memref<1600x64xf32, #tpu.memory_space<vmem>>, vector<16xf32>,
        %add3A_1616 = arith.addf %add3A_1590, %get3A_1615 : vector<16xf32>
        %scan3A_1617 = arith.constant 5 : i32
        %scan3A_1618 = arith.addi %scan3A_1484, %scan3A_1617 : i32
        %add3A_1619 = arith.constant 1400 : i32
        %add3A_1620 = arith.addi %add3A_1619, %scan3A_1618 : i32
        %get3A_1621 = arith.index_cast %add3A_1620 : i32 to index
        %get3A_1622 = arith.constant 0 : index
        %get3A_1623 = tpu.vector_load %arg8[%get3A_1621, %get3A_1622] {strides = array<i32>} : memref<1600x64xf32, #tpu.memory_space<vmem>>, vector<16xf32>,
        %add3A_1624 = arith.addf %add3A_1598, %get3A_1623 : vector<16xf32>
        %add3A_1625 = arith.constant 1400 : i32
        %add3A_1626 = arith.addi %add3A_1625, %scan3A_1618 : i32
        %get3A_1627 = arith.index_cast %add3A_1626 : i32 to index
        %get3A_1628 = arith.constant 16 : index
        %get3A_1629 = tpu.vector_load %arg8[%get3A_1627, %get3A_1628] {strides = array<i32>} : memref<1600x64xf32, #tpu.memory_space<vmem>>, vector<16xf32>,
        %add3A_1630 = arith.addf %add3A_1604, %get3A_1629 : vector<16xf32>
        %add3A_1631 = arith.constant 1400 : i32
        %add3A_1632 = arith.addi %add3A_1631, %scan3A_1618 : i32
        %get3A_1633 = arith.index_cast %add3A_1632 : i32 to index
        %get3A_1634 = arith.constant 32 : index
        %get3A_1635 = tpu.vector_load %arg8[%get3A_1633, %get3A_1634] {strides = array<i32>} : memref<1600x64xf32, #tpu.memory_space<vmem>>, vector<16xf32>,
        %add3A_1636 = arith.addf %add3A_1610, %get3A_1635 : vector<16xf32>
        %add3A_1637 = arith.constant 1400 : i32
        %add3A_1638 = arith.addi %add3A_1637, %scan3A_1618 : i32
        %get3A_1639 = arith.index_cast %add3A_1638 : i32 to index
        %get3A_1640 = arith.constant 48 : index
        %get3A_1641 = tpu.vector_load %arg8[%get3A_1639, %get3A_1640] {strides = array<i32>} : memref<1600x64xf32, #tpu.memory_space<vmem>>, vector<16xf32>,
        %add3A_1642 = arith.addf %add3A_1616, %get3A_1641 : vector<16xf32>
        %scan3A_1643 = arith.constant 6 : i32
        %scan3A_1644 = arith.addi %scan3A_1484, %scan3A_1643 : i32
        %add3A_1645 = arith.constant 1400 : i32
        %add3A_1646 = arith.addi %add3A_1645, %scan3A_1644 : i32
        %get3A_1647 = arith.index_cast %add3A_1646 : i32 to index
        %get3A_1648 = arith.constant 0 : index
        %get3A_1649 = tpu.vector_load %arg8[%get3A_1647, %get3A_1648] {strides = array<i32>} : memref<1600x64xf32, #tpu.memory_space<vmem>>, vector<16xf32>,
        %add3A_1650 = arith.addf %add3A_1624, %get3A_1649 : vector<16xf32>
        %add3A_1651 = arith.constant 1400 : i32
        %add3A_1652 = arith.addi %add3A_1651, %scan3A_1644 : i32
        %get3A_1653 = arith.index_cast %add3A_1652 : i32 to index
        %get3A_1654 = arith.constant 16 : index
        %get3A_1655 = tpu.vector_load %arg8[%get3A_1653, %get3A_1654] {strides = array<i32>} : memref<1600x64xf32, #tpu.memory_space<vmem>>, vector<16xf32>,
        %add3A_1656 = arith.addf %add3A_1630, %get3A_1655 : vector<16xf32>
        %add3A_1657 = arith.constant 1400 : i32
        %add3A_1658 = arith.addi %add3A_1657, %scan3A_1644 : i32
        %get3A_1659 = arith.index_cast %add3A_1658 : i32 to index
        %get3A_1660 = arith.constant 32 : index
        %get3A_1661 = tpu.vector_load %arg8[%get3A_1659, %get3A_1660] {strides = array<i32>} : memref<1600x64xf32, #tpu.memory_space<vmem>>, vector<16xf32>,
        %add3A_1662 = arith.addf %add3A_1636, %get3A_1661 : vector<16xf32>
        %add3A_1663 = arith.constant 1400 : i32
        %add3A_1664 = arith.addi %add3A_1663, %scan3A_1644 : i32
        %get3A_1665 = arith.index_cast %add3A_1664 : i32 to index
        %get3A_1666 = arith.constant 48 : index
        %get3A_1667 = tpu.vector_load %arg8[%get3A_1665, %get3A_1666] {strides = array<i32>} : memref<1600x64xf32, #tpu.memory_space<vmem>>, vector<16xf32>,
        %add3A_1668 = arith.addf %add3A_1642, %get3A_1667 : vector<16xf32>
        %scan3A_1669 = arith.constant 7 : i32
        %scan3A_1670 = arith.addi %scan3A_1484, %scan3A_1669 : i32
        %add3A_1671 = arith.constant 1400 : i32
        %add3A_1672 = arith.addi %add3A_1671, %scan3A_1670 : i32
        %get3A_1673 = arith.index_cast %add3A_1672 : i32 to index
        %get3A_1674 = arith.constant 0 : index
        %get3A_1675 = tpu.vector_load %arg8[%get3A_1673, %get3A_1674] {strides = array<i32>} : memref<1600x64xf32, #tpu.memory_space<vmem>>, vector<16xf32>,
        %add3A_1676 = arith.addf %add3A_1650, %get3A_1675 : vector<16xf32>
        %add3A_1677 = arith.constant 1400 : i32
        %add3A_1678 = arith.addi %add3A_1677, %scan3A_1670 : i32
        %get3A_1679 = arith.index_cast %add3A_1678 : i32 to index
        %get3A_1680 = arith.constant 16 : index
        %get3A_1681 = tpu.vector_load %arg8[%get3A_1679, %get3A_1680] {strides = array<i32>} : memref<1600x64xf32, #tpu.memory_space<vmem>>, vector<16xf32>,
        %add3A_1682 = arith.addf %add3A_1656, %get3A_1681 : vector<16xf32>
        %add3A_1683 = arith.constant 1400 : i32
        %add3A_1684 = arith.addi %add3A_1683, %scan3A_1670 : i32
        %get3A_1685 = arith.index_cast %add3A_1684 : i32 to index
        %get3A_1686 = arith.constant 32 : index
        %get3A_1687 = tpu.vector_load %arg8[%get3A_1685, %get3A_1686] {strides = array<i32>} : memref<1600x64xf32, #tpu.memory_space<vmem>>, vector<16xf32>,
        %add3A_1688 = arith.addf %add3A_1662, %get3A_1687 : vector<16xf32>
        %add3A_1689 = arith.constant 1400 : i32
        %add3A_1690 = arith.addi %add3A_1689, %scan3A_1670 : i32
        %get3A_1691 = arith.index_cast %add3A_1690 : i32 to index
        %get3A_1692 = arith.constant 48 : index
        %get3A_1693 = tpu.vector_load %arg8[%get3A_1691, %get3A_1692] {strides = array<i32>} : memref<1600x64xf32, #tpu.memory_space<vmem>>, vector<16xf32>,
        %add3A_1694 = arith.addf %add3A_1668, %get3A_1693 : vector<16xf32>
        %scan3A_1695 = arith.constant 8 : i32
        %scan3A_1696 = arith.addi %scan3A_1484, %scan3A_1695 : i32
        %add3A_1697 = arith.constant 1400 : i32
        %add3A_1698 = arith.addi %add3A_1697, %scan3A_1696 : i32
        %get3A_1699 = arith.index_cast %add3A_1698 : i32 to index
        %get3A_1700 = arith.constant 0 : index
        %get3A_1701 = tpu.vector_load %arg8[%get3A_1699, %get3A_1700] {strides = array<i32>} : memref<1600x64xf32, #tpu.memory_space<vmem>>, vector<16xf32>,
        %add3A_1702 = arith.addf %add3A_1676, %get3A_1701 : vector<16xf32>
        %add3A_1703 = arith.constant 1400 : i32
        %add3A_1704 = arith.addi %add3A_1703, %scan3A_1696 : i32
        %get3A_1705 = arith.index_cast %add3A_1704 : i32 to index
        %get3A_1706 = arith.constant 16 : index
        %get3A_1707 = tpu.vector_load %arg8[%get3A_1705, %get3A_1706] {strides = array<i32>} : memref<1600x64xf32, #tpu.memory_space<vmem>>, vector<16xf32>,
        %add3A_1708 = arith.addf %add3A_1682, %get3A_1707 : vector<16xf32>
        %add3A_1709 = arith.constant 1400 : i32
        %add3A_1710 = arith.addi %add3A_1709, %scan3A_1696 : i32
        %get3A_1711 = arith.index_cast %add3A_1710 : i32 to index
        %get3A_1712 = arith.constant 32 : index
        %get3A_1713 = tpu.vector_load %arg8[%get3A_1711, %get3A_1712] {strides = array<i32>} : memref<1600x64xf32, #tpu.memory_space<vmem>>, vector<16xf32>,
        %add3A_1714 = arith.addf %add3A_1688, %get3A_1713 : vector<16xf32>
        %add3A_1715 = arith.constant 1400 : i32
        %add3A_1716 = arith.addi %add3A_1715, %scan3A_1696 : i32
        %get3A_1717 = arith.index_cast %add3A_1716 : i32 to index
        %get3A_1718 = arith.constant 48 : index
        %get3A_1719 = tpu.vector_load %arg8[%get3A_1717, %get3A_1718] {strides = array<i32>} : memref<1600x64xf32, #tpu.memory_space<vmem>>, vector<16xf32>,
        %add3A_1720 = arith.addf %add3A_1694, %get3A_1719 : vector<16xf32>
        %scan3A_1721 = arith.constant 9 : i32
        %scan3A_1722 = arith.addi %scan3A_1484, %scan3A_1721 : i32
        %add3A_1723 = arith.constant 1400 : i32
        %add3A_1724 = arith.addi %add3A_1723, %scan3A_1722 : i32
        %get3A_1725 = arith.index_cast %add3A_1724 : i32 to index
        %get3A_1726 = arith.constant 0 : index
        %get3A_1727 = tpu.vector_load %arg8[%get3A_1725, %get3A_1726] {strides = array<i32>} : memref<1600x64xf32, #tpu.memory_space<vmem>>, vector<16xf32>,
        %add3A_1728 = arith.addf %add3A_1702, %get3A_1727 : vector<16xf32>
        %add3A_1729 = arith.constant 1400 : i32
        %add3A_1730 = arith.addi %add3A_1729, %scan3A_1722 : i32
        %get3A_1731 = arith.index_cast %add3A_1730 : i32 to index
        %get3A_1732 = arith.constant 16 : index
        %get3A_1733 = tpu.vector_load %arg8[%get3A_1731, %get3A_1732] {strides = array<i32>} : memref<1600x64xf32, #tpu.memory_space<vmem>>, vector<16xf32>,
        %add3A_1734 = arith.addf %add3A_1708, %get3A_1733 : vector<16xf32>
        %add3A_1735 = arith.constant 1400 : i32
        %add3A_1736 = arith.addi %add3A_1735, %scan3A_1722 : i32
        %get3A_1737 = arith.index_cast %add3A_1736 : i32 to index
        %get3A_1738 = arith.constant 32 : index
        %get3A_1739 = tpu.vector_load %arg8[%get3A_1737, %get3A_1738] {strides = array<i32>} : memref<1600x64xf32, #tpu.memory_space<vmem>>, vector<16xf32>,
        %add3A_1740 = arith.addf %add3A_1714, %get3A_1739 : vector<16xf32>
        %add3A_1741 = arith.constant 1400 : i32
        %add3A_1742 = arith.addi %add3A_1741, %scan3A_1722 : i32
        %get3A_1743 = arith.index_cast %add3A_1742 : i32 to index
        %get3A_1744 = arith.constant 48 : index
        %get3A_1745 = tpu.vector_load %arg8[%get3A_1743, %get3A_1744] {strides = array<i32>} : memref<1600x64xf32, #tpu.memory_space<vmem>>, vector<16xf32>,
        %add3A_1746 = arith.addf %add3A_1720, %get3A_1745 : vector<16xf32>
        scf.yield %add3A_1728, %add3A_1734, %add3A_1740, %add3A_1746 : vector<16xf32>, vector<16xf32>, vector<16xf32>, vector<16xf32>
      }
      %scan3A_1331 = arith.constant 200 : i32
      %mul3A_1332 = arith.constant 2 : i32
      %mul3A_1333 = arith.muli %mul3A_1332, %add3A_1147 : i32
      %add3A_1334 = arith.constant 1 : i32
      %add3A_1335 = arith.addi %mul3A_1333, %add3A_1334 : i32
      %get3A_1336 = arith.constant 0 : i32
      %get3A_1337 = arith.index_cast %get3A_1336 : i32 to index
      %get3A_1338 = arith.constant 0 : index
      %get3A_1339 = tpu.vector_load %arg9[%get3A_1337, %get3A_1338] {strides = array<i32>} : memref<3x64xf32, #tpu.memory_space<vmem>>, vector<16xf32>,
      %mul3A_1340 = arith.mulf %scan3A_1330#0, %get3A_1339 : vector<16xf32>
      %reduce_sum3A_1341 = arith.constant true
      %reduce_sum3A_1342 = vector.broadcast %reduce_sum3A_1341 : i1 to vector<16xi1>
      %reduce_sum3A_1343 = tpu.scan <sum>, %mul3A_1340 masked %reduce_sum3A_1342 : vector<16xf32>, vector<16xi1> -> vector<16xf32>
      %reduce_sum3A_1344 = vector.extract %reduce_sum3A_1343[15] : f32 from vector<16xf32>
      %get3A_1345 = arith.constant 0 : i32
      %get3A_1346 = arith.index_cast %get3A_1345 : i32 to index
      %get3A_1347 = arith.constant 16 : index
      %get3A_1348 = tpu.vector_load %arg9[%get3A_1346, %get3A_1347] {strides = array<i32>} : memref<3x64xf32, #tpu.memory_space<vmem>>, vector<16xf32>,
      %mul3A_1349 = arith.mulf %scan3A_1330#1, %get3A_1348 : vector<16xf32>
      %reduce_sum3A_1350 = arith.constant true
      %reduce_sum3A_1351 = vector.broadcast %reduce_sum3A_1350 : i1 to vector<16xi1>
      %reduce_sum3A_1352 = tpu.scan <sum>, %mul3A_1349 masked %reduce_sum3A_1351 : vector<16xf32>, vector<16xi1> -> vector<16xf32>
      %reduce_sum3A_1353 = vector.extract %reduce_sum3A_1352[15] : f32 from vector<16xf32>
      %add3A_1354 = arith.addf %reduce_sum3A_1344, %reduce_sum3A_1353 : f32
      %get3A_1355 = arith.constant 0 : i32
      %get3A_1356 = arith.index_cast %get3A_1355 : i32 to index
      %get3A_1357 = arith.constant 32 : index
      %get3A_1358 = tpu.vector_load %arg9[%get3A_1356, %get3A_1357] {strides = array<i32>} : memref<3x64xf32, #tpu.memory_space<vmem>>, vector<16xf32>,
      %mul3A_1359 = arith.mulf %scan3A_1330#2, %get3A_1358 : vector<16xf32>
      %reduce_sum3A_1360 = arith.constant true
      %reduce_sum3A_1361 = vector.broadcast %reduce_sum3A_1360 : i1 to vector<16xi1>
      %reduce_sum3A_1362 = tpu.scan <sum>, %mul3A_1359 masked %reduce_sum3A_1361 : vector<16xf32>, vector<16xi1> -> vector<16xf32>
      %reduce_sum3A_1363 = vector.extract %reduce_sum3A_1362[15] : f32 from vector<16xf32>
      %add3A_1364 = arith.addf %add3A_1354, %reduce_sum3A_1363 : f32
      %get3A_1365 = arith.constant 0 : i32
      %get3A_1366 = arith.index_cast %get3A_1365 : i32 to index
      %get3A_1367 = arith.constant 48 : index
      %get3A_1368 = tpu.vector_load %arg9[%get3A_1366, %get3A_1367] {strides = array<i32>} : memref<3x64xf32, #tpu.memory_space<vmem>>, vector<16xf32>,
      %mul3A_1369 = arith.mulf %scan3A_1330#3, %get3A_1368 : vector<16xf32>
      %reduce_sum3A_1370 = arith.constant true
      %reduce_sum3A_1371 = vector.broadcast %reduce_sum3A_1370 : i1 to vector<16xi1>
      %reduce_sum3A_1372 = tpu.scan <sum>, %mul3A_1369 masked %reduce_sum3A_1371 : vector<16xf32>, vector<16xi1> -> vector<16xf32>
      %reduce_sum3A_1373 = vector.extract %reduce_sum3A_1372[15] : f32 from vector<16xf32>
      %add3A_1374 = arith.addf %add3A_1364, %reduce_sum3A_1373 : f32
      %mul3A_1375 = arith.mulf %add3A_1374, %scan3A : f32
      %slice3A_1376 = vector.extract_strided_slice %get3A_5 {offsets = [0], sizes = [1], strides = [1]} : vector<16xf32> to vector<1xf32>
      %squeeze3A_1377 = vector.extract %slice3A_1376[0] : f32 from vector<1xf32>
      %add3A_1378 = arith.addf %mul3A_1375, %squeeze3A_1377 : f32
      %get3A_1379 = arith.constant 1 : i32
      %get3A_1380 = arith.index_cast %get3A_1379 : i32 to index
      %get3A_1381 = arith.constant 0 : index
      %get3A_1382 = tpu.vector_load %arg9[%get3A_1380, %get3A_1381] {strides = array<i32>} : memref<3x64xf32, #tpu.memory_space<vmem>>, vector<16xf32>,
      %mul3A_1383 = arith.mulf %scan3A_1330#0, %get3A_1382 : vector<16xf32>
      %reduce_sum3A_1384 = arith.constant true
      %reduce_sum3A_1385 = vector.broadcast %reduce_sum3A_1384 : i1 to vector<16xi1>
      %reduce_sum3A_1386 = tpu.scan <sum>, %mul3A_1383 masked %reduce_sum3A_1385 : vector<16xf32>, vector<16xi1> -> vector<16xf32>
      %reduce_sum3A_1387 = vector.extract %reduce_sum3A_1386[15] : f32 from vector<16xf32>
      %get3A_1388 = arith.constant 1 : i32
      %get3A_1389 = arith.index_cast %get3A_1388 : i32 to index
      %get3A_1390 = arith.constant 16 : index
      %get3A_1391 = tpu.vector_load %arg9[%get3A_1389, %get3A_1390] {strides = array<i32>} : memref<3x64xf32, #tpu.memory_space<vmem>>, vector<16xf32>,
      %mul3A_1392 = arith.mulf %scan3A_1330#1, %get3A_1391 : vector<16xf32>
      %reduce_sum3A_1393 = arith.constant true
      %reduce_sum3A_1394 = vector.broadcast %reduce_sum3A_1393 : i1 to vector<16xi1>
      %reduce_sum3A_1395 = tpu.scan <sum>, %mul3A_1392 masked %reduce_sum3A_1394 : vector<16xf32>, vector<16xi1> -> vector<16xf32>
      %reduce_sum3A_1396 = vector.extract %reduce_sum3A_1395[15] : f32 from vector<16xf32>
      %add3A_1397 = arith.addf %reduce_sum3A_1387, %reduce_sum3A_1396 : f32
      %get3A_1398 = arith.constant 1 : i32
      %get3A_1399 = arith.index_cast %get3A_1398 : i32 to index
      %get3A_1400 = arith.constant 32 : index
      %get3A_1401 = tpu.vector_load %arg9[%get3A_1399, %get3A_1400] {strides = array<i32>} : memref<3x64xf32, #tpu.memory_space<vmem>>, vector<16xf32>,
      %mul3A_1402 = arith.mulf %scan3A_1330#2, %get3A_1401 : vector<16xf32>
      %reduce_sum3A_1403 = arith.constant true
      %reduce_sum3A_1404 = vector.broadcast %reduce_sum3A_1403 : i1 to vector<16xi1>
      %reduce_sum3A_1405 = tpu.scan <sum>, %mul3A_1402 masked %reduce_sum3A_1404 : vector<16xf32>, vector<16xi1> -> vector<16xf32>
      %reduce_sum3A_1406 = vector.extract %reduce_sum3A_1405[15] : f32 from vector<16xf32>
      %add3A_1407 = arith.addf %add3A_1397, %reduce_sum3A_1406 : f32
      %get3A_1408 = arith.constant 1 : i32
      %get3A_1409 = arith.index_cast %get3A_1408 : i32 to index
      %get3A_1410 = arith.constant 48 : index
      %get3A_1411 = tpu.vector_load %arg9[%get3A_1409, %get3A_1410] {strides = array<i32>} : memref<3x64xf32, #tpu.memory_space<vmem>>, vector<16xf32>,
      %mul3A_1412 = arith.mulf %scan3A_1330#3, %get3A_1411 : vector<16xf32>
      %reduce_sum3A_1413 = arith.constant true
      %reduce_sum3A_1414 = vector.broadcast %reduce_sum3A_1413 : i1 to vector<16xi1>
      %reduce_sum3A_1415 = tpu.scan <sum>, %mul3A_1412 masked %reduce_sum3A_1414 : vector<16xf32>, vector<16xi1> -> vector<16xf32>
      %reduce_sum3A_1416 = vector.extract %reduce_sum3A_1415[15] : f32 from vector<16xf32>
      %add3A_1417 = arith.addf %add3A_1407, %reduce_sum3A_1416 : f32
      %mul3A_1418 = arith.mulf %add3A_1417, %scan3A : f32
      %slice3A_1419 = vector.extract_strided_slice %get3A_5 {offsets = [1], sizes = [1], strides = [1]} : vector<16xf32> to vector<1xf32>
      %squeeze3A_1420 = vector.extract %slice3A_1419[0] : f32 from vector<1xf32>
      %add3A_1421 = arith.addf %mul3A_1418, %squeeze3A_1420 : f32
      %get3A_1422 = arith.constant 2 : i32
      %get3A_1423 = arith.index_cast %get3A_1422 : i32 to index
      %get3A_1424 = arith.constant 0 : index
      %get3A_1425 = tpu.vector_load %arg9[%get3A_1423, %get3A_1424] {strides = array<i32>} : memref<3x64xf32, #tpu.memory_space<vmem>>, vector<16xf32>,
      %mul3A_1426 = arith.mulf %scan3A_1330#0, %get3A_1425 : vector<16xf32>
      %reduce_sum3A_1427 = arith.constant true
      %reduce_sum3A_1428 = vector.broadcast %reduce_sum3A_1427 : i1 to vector<16xi1>
      %reduce_sum3A_1429 = tpu.scan <sum>, %mul3A_1426 masked %reduce_sum3A_1428 : vector<16xf32>, vector<16xi1> -> vector<16xf32>
      %reduce_sum3A_1430 = vector.extract %reduce_sum3A_1429[15] : f32 from vector<16xf32>
      %get3A_1431 = arith.constant 2 : i32
      %get3A_1432 = arith.index_cast %get3A_1431 : i32 to index
      %get3A_1433 = arith.constant 16 : index
      %get3A_1434 = tpu.vector_load %arg9[%get3A_1432, %get3A_1433] {strides = array<i32>} : memref<3x64xf32, #tpu.memory_space<vmem>>, vector<16xf32>,
      %mul3A_1435 = arith.mulf %scan3A_1330#1, %get3A_1434 : vector<16xf32>
      %reduce_sum3A_1436 = arith.constant true
      %reduce_sum3A_1437 = vector.broadcast %reduce_sum3A_1436 : i1 to vector<16xi1>
      %reduce_sum3A_1438 = tpu.scan <sum>, %mul3A_1435 masked %reduce_sum3A_1437 : vector<16xf32>, vector<16xi1> -> vector<16xf32>
      %reduce_sum3A_1439 = vector.extract %reduce_sum3A_1438[15] : f32 from vector<16xf32>
      %add3A_1440 = arith.addf %reduce_sum3A_1430, %reduce_sum3A_1439 : f32
      %get3A_1441 = arith.constant 2 : i32
      %get3A_1442 = arith.index_cast %get3A_1441 : i32 to index
      %get3A_1443 = arith.constant 32 : index
      %get3A_1444 = tpu.vector_load %arg9[%get3A_1442, %get3A_1443] {strides = array<i32>} : memref<3x64xf32, #tpu.memory_space<vmem>>, vector<16xf32>,
      %mul3A_1445 = arith.mulf %scan3A_1330#2, %get3A_1444 : vector<16xf32>
      %reduce_sum3A_1446 = arith.constant true
      %reduce_sum3A_1447 = vector.broadcast %reduce_sum3A_1446 : i1 to vector<16xi1>
      %reduce_sum3A_1448 = tpu.scan <sum>, %mul3A_1445 masked %reduce_sum3A_1447 : vector<16xf32>, vector<16xi1> -> vector<16xf32>
      %reduce_sum3A_1449 = vector.extract %reduce_sum3A_1448[15] : f32 from vector<16xf32>
      %add3A_1450 = arith.addf %add3A_1440, %reduce_sum3A_1449 : f32
      %get3A_1451 = arith.constant 2 : i32
      %get3A_1452 = arith.index_cast %get3A_1451 : i32 to index
      %get3A_1453 = arith.constant 48 : index
      %get3A_1454 = tpu.vector_load %arg9[%get3A_1452, %get3A_1453] {strides = array<i32>} : memref<3x64xf32, #tpu.memory_space<vmem>>, vector<16xf32>,
      %mul3A_1455 = arith.mulf %scan3A_1330#3, %get3A_1454 : vector<16xf32>
      %reduce_sum3A_1456 = arith.constant true
      %reduce_sum3A_1457 = vector.broadcast %reduce_sum3A_1456 : i1 to vector<16xi1>
      %reduce_sum3A_1458 = tpu.scan <sum>, %mul3A_1455 masked %reduce_sum3A_1457 : vector<16xf32>, vector<16xi1> -> vector<16xf32>
      %reduce_sum3A_1459 = vector.extract %reduce_sum3A_1458[15] : f32 from vector<16xf32>
      %add3A_1460 = arith.addf %add3A_1450, %reduce_sum3A_1459 : f32
      %mul3A_1461 = arith.mulf %add3A_1460, %scan3A : f32
      %slice3A_1462 = vector.extract_strided_slice %get3A_5 {offsets = [2], sizes = [1], strides = [1]} : vector<16xf32> to vector<1xf32>
      %squeeze3A_1463 = vector.extract %slice3A_1462[0] : f32 from vector<1xf32>
      %add3A_1464 = arith.addf %mul3A_1461, %squeeze3A_1463 : f32
      %eq3A_1465 = arith.constant 0 : i32
      %eq3A_1466 = vector.broadcast %eq3A_1465 : i32 to vector<16xi32>
      %eq3A_1467 = arith.cmpi eq, %iota3A, %eq3A_1466 : vector<16xi32>
      %eq3A_1468 = arith.constant 1 : i32
      %eq3A_1469 = vector.broadcast %eq3A_1468 : i32 to vector<16xi32>
      %eq3A_1470 = arith.cmpi eq, %iota3A, %eq3A_1469 : vector<16xi32>
      %broadcast_in_dim3A_1471 = vector.broadcast %add3A_1421 : f32 to vector<16xf32>
      %broadcast_in_dim3A_1472 = vector.broadcast %add3A_1464 : f32 to vector<16xf32>
      %select_n3A_1473 = arith.select %eq3A_1470, %broadcast_in_dim3A_1471, %broadcast_in_dim3A_1472 : vector<16xi1>, vector<16xf32>
      %broadcast_in_dim3A_1474 = vector.broadcast %add3A_1378 : f32 to vector<16xf32>
      %select_n3A_1475 = arith.select %eq3A_1467, %broadcast_in_dim3A_1474, %select_n3A_1473 : vector<16xi1>, vector<16xf32>
      %mul3A_1476 = arith.constant 3 : i32
      %mul3A_1477 = arith.muli %mul3A_1476, %add3A_1335 : i32
      %add3A_1478 = vector.broadcast %mul3A_1477 : i32 to vector<16xi32>
      %add3A_1479 = arith.addi %add3A_1478, %iota3A : vector<16xi32>
      %lt3A_1480 = arith.constant 3 : i32
      %lt3A_1481 = vector.broadcast %lt3A_1480 : i32 to vector<16xi32>
      %lt3A_1482 = arith.cmpi slt, %iota3A, %lt3A_1481 : vector<16xi32>
      tpu.vector_store_idx %arg11[%add3A_1479], %select_n3A_1475 masked %lt3A_1482 : memref<384xf32, #tpu.memory_space<vmem>>[vector<16xi32>], vector<16xf32>, vector<16xi1>
      %scan3A_1483 = arith.constant 0 : i32
      scf.yield %scan3A_1483 : i32
    }
    %scan3A_132 = arith.constant 16 : i32
    %mul3A_133 = arith.constant 3 : i32
    %mul3A_134 = arith.muli %mul3A_4, %mul3A_133 : i32
    "tpu.region"() ({
      %run_scoped3A = tpu.sem_alloc : memref<!tpu.dma_semaphore, #tpu.memory_space<semaphore_mem>>
      %dma_start3A_135 = tpu.memref_slice %arg6[%mul3A_134] : memref<12288xf32, #tpu.memory_space<hbm>> -> memref<384xf32, #tpu.memory_space<hbm>>
      %dma_start3A_136 = tpu.memref_slice %arg6[%mul3A_134] : memref<12288xf32, #tpu.memory_space<hbm>> -> memref<384xf32, #tpu.memory_space<hbm>>
      tpu.enqueue_dma source(%arg11 : memref<384xf32, #tpu.memory_space<vmem>>) target(%dma_start3A_136 : memref<384xf32, #tpu.memory_space<hbm>>) target_semaphore(%run_scoped3A : memref<!tpu.dma_semaphore, #tpu.memory_space<semaphore_mem>>)
      %dma_wait3A = tpu.memref_slice %arg6[%mul3A_134] : memref<12288xf32, #tpu.memory_space<hbm>> -> memref<384xf32, #tpu.memory_space<hbm>>
      %dma_wait3A_137 = tpu.memref_slice %arg6[%mul3A_134] : memref<12288xf32, #tpu.memory_space<hbm>> -> memref<384xf32, #tpu.memory_space<hbm>>
      tpu.wait_dma2 semaphore(%run_scoped3A : memref<!tpu.dma_semaphore, #tpu.memory_space<semaphore_mem>>) src(%arg11 : memref<384xf32, #tpu.memory_space<vmem>>) dst(%dma_wait3A_137 : memref<384xf32, #tpu.memory_space<hbm>>)
      tpu.yield
    }) : () -> ()
    return
  }
}

</mosaic_0001>

<sc_bundles>
// kernel: _run.3.cloned.1.call-start
scs
__scs_entry_jumppad:
0x0: {  	(pc) =	sbr.rel $0x88, $3  }
0x1: {  	(tag) =	ssettag $0x0;
	lr =	simm.s32 $0x1  }
0x2: {  	[smem:$0x3F9D] =	sst lr;
	_ =	strace $0xD0000000  }
0x3: {  	_ = 	snop  }
0x4: {  	_ = 	snop  }
0x5: {  	_ = 	snop  }
0x6: {  	_ = 	snop  }
0x7: {  	_ = 	snop  }
__scs_overlays_trampoline_lowered:
0x8: {  	[smem:$0x3FAC] =	sst s0  }
0x9: {  	[smem:$0x3FAD] =	sst s1  }
0xa: {  	[smem:$0x3FAE] =	sst s2  }
0xb: {  	[smem:$0x3FAF] =	sst s3  }
0xc: {  	[smem:$0x3FB0] =	sst s4  }
0xd: {  	[smem:$0x3FB1] =	sst s5  }
0xe: {  	[smem:$0x3FB2] =	sst s6  }
0xf: {  	[smem:$0x3FB3] =	sst s7  }
0x10: {  	[smem:$0x3FB4] =	sst s8  }
0x11: {  	[smem:$0x3FB5] =	sst s9;
	s0 =	simm.s32 @!p0 $0x0  }
0x12: {  	s1 =	sld [smem:$0x3F9B];
	s0 =	simm.s32 @p0 $0x1  }
0x13: {  	[smem:$0x3FB6] =	sst s0;
	s0 =	simm.s32 @!p1 $0x0  }
0x14: {  	s2 =	sld [smem:$0x3F9A];
	s0 =	simm.s32 @p1 $0x1  }
0x15: {  	[smem:$0x3FB7] =	sst s0;
	s0 =	simm.s32 @!p2 $0x0  }
0x16: {  	s3 =	sld [smem:$0x3FDB];
	s0 =	simm.s32 @p2 $0x1  }
0x17: {  	s4 =	simm.s32 $0x1BF5;
	[smem:$0x3FB9] =	sst s0  }
0x18: {  	s0 =	sld [smem:$0x3F9C];
	_ =	swait.ge [sflag:s4], $0x0  }
0x19: {  	s7 =	sld [smem:$0x3F9D]  }
0x1a: {  	s8 =	sadd.s32 $0xFFFFE003, lr  }
0x1b: {  	s9 =	sadd.s32 $0xFFFFFEF7, lr;
	s5 =	simm.s32 $0xFFFFFFFF;
	p2 =	slt.u32 s8, $0xFFFFF086  }
0x1c: {  	p1 =	slt.u32 s9, $0xF7A;
	s5 =	simm.s32 @!p2 $0x0  }
0x1d: {  	s5 =	simm.s32 @p1 $0x1;
	p0 =	seq.s32 s7, s2  }
0x1e: {  	s7 =	smul.u32 @!p0 $0xF7A, s2;
	p2 =	seq.s32 @!p0 s5, $0x0  }
0x1f: {  	s9 =	smul.u32 $0xF7A, s1;
	s8 =	simm.s32 @!p0 $0x1BF5;
	p2 =	por !p2, p0  }
0x20: {  	[sflag:s8] =	ssyncset.s32 @!p0 $0xFFFFF086;
	s6 =	sadd.s32 @!p0 s3, s7;
	s7 =	simm.s32 @!p0 $0x108  }
0x21: {  	s3 =	sadd.s32 s3, s9;
	s6 =	sadd.s32 @!p0 $0x88, s6;
	s7 =	simm.s32 @p2 $0x1082  }
0x22: {  	[simem:s7], [sflag:s8] =	dma.local @!p0 [hbm:s6], $0xF7A  }
0x23: {  	s9 =	sor.u32 $0xD0000000, s2;
	s6 =	simm.s32 $0x108;
	_ =	swait.ge @!p0 [sflag:s8], $0x0  }
0x24: {  	s3 =	sadd.s32 $0x88, s3;
	s6 =	simm.s32 @!p1 $0x1082;
	[sflag:s4] =	ssyncset.s32 $0xFFFFF086  }
0x25: {  	[simem:s6], [sflag:s4] =	dma.local [hbm:s3], $0xF7A  }
0x26: {  	[smem:$0x3F9D] =	sst s1;
	(tag) =	ssettag s2;
	_ =	strace s9  }
0x27: {  	s1 =	sld [smem:$0x3FAD]  }
0x28: {  	s2 =	sld [smem:$0x3FAE]  }
0x29: {  	s4 =	sld [smem:$0x3FB0]  }
0x2a: {  	p0 =	seq.s32 s5, $0x0;
	s5 =	sld [smem:$0x3FB1]  }
0x2b: {  	s6 =	sld [smem:$0x3FB2]  }
0x2c: {  	s7 =	sld [smem:$0x3FB3]  }
0x2d: {  	s3 =	simm.s32 $0x108;
	s8 =	sld [smem:$0x3FB4]  }
0x2e: {  	s3 =	simm.s32 @!p0 $0x1082;
	s9 =	sld [smem:$0x3FB5]  }
0x2f: {  	lr =	sadd.s32 s0, s3;
	s0 =	sld [smem:$0x3FAC]  }
0x30: {  	s3 =	sld [smem:$0x3FAF]  }
0x31: {  	[smem:$0x3FB8] =	sst s10  }
0x32: {  	s10 =	sld [smem:$0x3FB6];
	_ =	sdelay $0x3  }
0x33: {  	p0 =	seq.s32 s10, $0x1;
	s10 =	sld [smem:$0x3FB8];
	_ =	sdelay $0x3  }
0x34: {  	[smem:$0x3FB8] =	sst s10  }
0x35: {  	s10 =	sld [smem:$0x3FB7];
	_ =	sdelay $0x3  }
0x36: {  	p1 =	seq.s32 s10, $0x1;
	s10 =	sld [smem:$0x3FB8];
	_ =	sdelay $0x3  }
0x37: {  	[smem:$0x3FB8] =	sst s10  }
0x38: {  	s10 =	sld [smem:$0x3FB9]  }
0x39: {  	_ = 	snop;
	(pc) =	sbr.ind lr, $3  }
0x3a: {  	_ = 	snop  }
0x3b: {  	_ = 	snop  }
0x3c: {  	p2 =	seq.s32 s10, $0x1;
	s10 =	sld [smem:$0x3FB8]  }
0x3d: {  	_ =	shalt  }
0x3e: {  	_ =	shalt  }
0x3f: {  	_ =	shalt  }
0x40: {  	_ =	shalt  }
0x41: {  	_ =	shalt  }
0x42: {  	_ =	shalt  }
0x43: {  	_ =	shalt  }
0x44: {  	_ =	shalt  }
0x45: {  	_ =	shalt  }
0x46: {  	_ =	shalt  }
0x47: {  	_ =	shalt  }
0x48: {  	_ =	shalt  }
0x49: {  	_ =	shalt  }
0x4a: {  	_ =	shalt  }
0x4b: {  	_ =	shalt  }
0x4c: {  	_ =	shalt  }
0x4d: {  	_ =	shalt  }
0x4e: {  	_ =	shalt  }
0x4f: {  	_ =	shalt  }
0x50: {  	_ =	shalt  }
0x51: {  	_ =	shalt  }
0x52: {  	_ =	shalt  }
0x53: {  	_ =	shalt  }
0x54: {  	_ =	shalt  }
0x55: {  	_ =	shalt  }
0x56: {  	_ =	shalt  }
0x57: {  	_ =	shalt  }
0x58: {  	_ =	shalt  }
0x59: {  	_ =	shalt  }
0x5a: {  	_ =	shalt  }
0x5b: {  	_ =	shalt  }
0x5c: {  	_ =	shalt  }
0x5d: {  	_ =	shalt  }
0x5e: {  	_ =	shalt  }
0x5f: {  	_ =	shalt  }
0x60: {  	_ =	shalt  }
0x61: {  	_ =	shalt  }
0x62: {  	_ =	shalt  }
0x63: {  	_ =	shalt  }
0x64: {  	_ =	shalt  }
0x65: {  	_ =	shalt  }
0x66: {  	_ =	shalt  }
0x67: {  	_ =	shalt  }
0x68: {  	_ =	shalt  }
0x69: {  	_ =	shalt  }
0x6a: {  	_ =	shalt  }
0x6b: {  	_ =	shalt  }
0x6c: {  	_ =	shalt  }
0x6d: {  	_ =	shalt  }
0x6e: {  	_ =	shalt  }
0x6f: {  	_ =	shalt  }
0x70: {  	_ =	shalt  }
0x71: {  	_ =	shalt  }
0x72: {  	_ =	shalt  }
0x73: {  	_ =	shalt  }
0x74: {  	_ =	shalt  }
0x75: {  	_ =	shalt  }
0x76: {  	_ =	shalt  }
0x77: {  	_ =	shalt  }
0x78: {  	_ =	shalt  }
0x79: {  	_ =	shalt  }
0x7a: {  	_ =	shalt  }
0x7b: {  	_ =	shalt  }
0x7c: {  	_ =	shalt  }
0x7d: {  	_ =	shalt  }
0x7e: {  	_ =	shalt  }
0x7f: {  	_ =	shalt  }
0x80: {  	_ =	shalt  }
0x81: {  	_ =	shalt  }
0x82: {  	_ =	shalt  }
0x83: {  	_ =	shalt  }
0x84: {  	_ =	shalt  }
0x85: {  	_ =	shalt  }
0x86: {  	_ =	shalt  }
0x87: {  	_ =	shalt  }
.Lfunc_end0:
.L_simem_size_0:
called_computation_lowered:
.L_overlay_start_0:
0x88: {  	s2 =	sld [smem:$0x3FD9]  }
0x89: {  	s3 =	sld [smem:$0x3FFE];
	_ =	sdelay $0x1  }
0x8a: {  	s1 =	srdreg.scid  }
0x8b: {  	s0 =	sand.u32 $0x1, s1  }
0x8c: {  	s17 =	sshll.u32 s0, $0xA;
	s2 =	sadd.s32 s3, s2  }
0x8d: {  	s2 =	sadd.s32 s2, s17  }
0x8e: {  	[smem:$0x3FC4] =	sst s2  }
0x8f: {  	_ = 	snop  }
0x90: {  	s2 =	sld [smem:$0x3FC6]  }
0x91: {  	s18 =	sld [smem:$0x3FD0];
	(tm) =	ssettm $0x1  }
0x92: {  	s4 =	sld [smem:$0x3FFB];
	_ =	sdelay $0x3  }
0x93: {  	_ =	strace s4  }
0x94: {  	s4 =	sld [smem:$0x3FFC];
	_ =	sdelay $0x3  }
0x95: {  	_ =	strace s4  }
0x96: {  	s4 =	sld [smem:$0x3FFD];
	_ =	sdelay $0x3  }
0x97: {  	_ =	strace s4  }
0x98: {  	_ =	strace $0x8FFFFFFF  }
0x99: {  	s19 =	sld [smem:$0x3FDB];
	_ =	sdelay $0x1  }
0x9a: {  	s5 =	simm.s32 $_scs_section_size  }
0x9b: {  	s6 =	simm.s32 $_size__tile_overlayer_lowered;
	s7 =	simm.s32 $_tile_overlayer_lowered  }
0x9c: {  	s22 =	simm.s32 $0x1BFF;
	s21 =	sshll.u32 s7, $0x1;
	s4 =	sadd.s32 s5, s19  }
0x9d: {  	s8 =	simm.s32 $0x0;
	s20 =	sshll.u32 s6, $0x1;
	s6 =	sadd.s32 s21, s4  }
0x9e: {  	[timem:s8], [sflag:s22] =	dma.local [hbm:s6], s20  }
0x9f: {  	_ =	swait.ge [sflag:s22], s20  }
0xa0: {  	s5 =	ssub.s32 $0x0, s20;
	[sflag:s22] =	ssyncset.done $0x0  }
0xa1: {  	[sflag:s22] =	ssyncadd.s32 s5;
	_ =	sdelay $0x1  }
0xa2: {  	s23 =	simm.s32 $0x1B8B  }
0xa3: {  	_ =	swait.ge [sflag:s23], $0x1  }
0xa4: {  	[sflag:s23] =	ssyncset.done $0x0  }
0xa5: {  	s25 =	simm.s32 $0x1B8E;
	s24 =	sld [smem:$0x3FFE];
	[sflag:s23] =	ssyncadd.s32 $0xFFFFFFFF  }
0xa6: {  	s26 =	simm.s32 $execute0_lowered;
	[smem:$0x3FD2] =	sst s25  }
0xa7: {  	s6 =	sshll.u32 s26, $0x1;
	_ =	strace $0x80000046;
	[dreg:$0x1] =	wrdreg $0xFFFFFFFF  }
0xa8: {  	s28 =	simm.s32 $_size_execute0_lowered;
	s4 =	sadd.s32 s4, s6;
	[dreg:$0x0] =	wrdreg $0x0  }
0xa9: {  	s6 =	sshll.u32 s28, $0x1;
	[dreg:$0x2] =	wrdreg s4  }
0xaa: {  	[dreg:$0x3] =	wrdreg s6  }
0xab: {  	[dreg:$0x4] =	wrdreg $0xC0  }
0xac: {  	_ =	task [dreg:s8], $0x5FFFF  }
0xad: {  	[dreg:$0x1] =	wrdreg $0xFFFFFFFF  }
0xae: {  	[dreg:$0x0] =	wrdreg $0x60  }
0xaf: {  	[dreg:$0x2] =	wrdreg s24  }
0xb0: {  	[dreg:$0x3] =	wrdreg s2  }
0xb1: {  	[dreg:$0x4] =	wrdreg s18  }
0xb2: {  	[dreg:$0x5] =	wrdreg $0x9  }
0xb3: {  	_ =	task.clear_ibuf [dreg:s8], $0x6FFFF;
	_ =	strace $0x90000046  }
0xb4: {  	s29 =	simm.s32 $0x9;
	_ =	strace $0x80000048  }
0xb5: {  	_ =	swait.ge [sflag:s29], $0x1  }
0xb6: {  	[sflag:s29] =	ssyncadd.s32 $0xFFFFFFFF  }
0xb7: {  	_ =	strace $0x90000048  }
0xb8: {  	_ =	sfence  }
0xb9: {  	s30 =	sld [smem:$0x0];
	_ =	sdelay $0x2  }
0xba: {  	s31 =	sshll.u32 s1, $0xD;
	s1 =	sshrl.u32 s1, $0x2  }
0xbb: {  	s3 =	sand.u32 $0x4000, s31;
	s1 =	sadd.s32 s1, s30  }
0xbc: {  	s0 =	sor.u32 s3, s0;
	s1 =	sshll.u32 s1, $0x11  }
0xbd: {  	s0 =	sor.u32 s1, s0  }
0xbe: {  	s0 =	sadd.s32 $0x8F2B, s0  }
0xbf: {  	[sflag:s0] =	ssyncadd.remote.s32 $0x1  }
0xc0: {  	_ =	sfence.sel $0xFFFF  }
0xc1: {  	[dreg:$0x0] =	wrdreg $0xFFFFFFFF;
	(pc) =	sbr.abs _section_cstart, $3  }
0xc2: {  	[dreg:$0x1] =	wrdreg $0xFFFFFFFF  }
0xc3: {  	_ =	task.clear_ibuf [dreg:s8], $0x2FFFF;
	_ =	strace $0x9FFFFFFF  }
0xc4: {  	(tm) =	ssettm $0x7FFFFFFF  }
0xc5: {  	_ =	shalt  }
tec
execute0_lowered:
.L_overlay_start_1:
0x0: {  	(tag) =	ssettag $0x1  }
0x1: {  	s0 =	rddreg [dreg:$0x0];
	s1 =	srdreg.scid  }
0x2: {  	s2 =	stileid.u32;
	s7 =	rddreg [dreg:$0x2];
	s3 =	simm.s32 $0x0  }
0x3: {  	s9 =	simm.s32 $0x5;
	s12 =	simm.s32 $0x64;
	s13 =	simm.s32 $0x19400  }
0x4: {  	s14 =	simm.s32 $0x1AD00;
	s15 =	simm.s32 $0x1C600;
	s16 =	simm.s32 $0x1DF00  }
0x5: {  	s17 =	simm.s32 $0x1;
	s18 =	simm.s32 $0x1F8D0;
	s19 =	simm.s32 $0x2  }
0x6: {  	s20 =	simm.s32 $0x3;
	s1 =	sand.u32 $0x1, s1;
	s2 =	sshll.u32 s2, $0x1  }
0x7: {  	s21 =	simm.s32 $0x4;
	s22 =	simm.s32 $0x0;
	s2 =	sor.u32 s1, s2  }
0x8: {  	[smem:$0x7FF] =	sst s3;
	s1 =	ssub.s32 $0x2, s1;
	s4 =	smul.u32 $0xD00, s2  }
0x9: {  	_ =	strace $0x80000047;
	s8 =	sshrl.u32 s1, $0x1;
	s2 =	smul.u32 $0x30, s2  }
0xa: {  	s6 =	sadd.s32 s4, s0;
	s4 =	sadd.s32 $0xF42C00, s0;
	s0 =	sadd.s32 $0x1A800, s0  }
0xb: {  	v0 =	vlaneseq.u32;
	s30 =	ssub.s32 s1, s8;
	[dreg:$0x4] =	wrdreg s0;
	s31 =	sadd.s32 $0x800, s6  }
0xc: {  	v1 =	vand.u32 $0x7, v0;
	s7 =	sadd.s32 s7, s2;
	s8 =	smax.u32 s30, $0x1;
	[dreg:$0x5] =	wrdreg s31  }
.LBB2_1:
0xd: {  	s0 =	rddreg [dreg:$0x5]  }
0xe: {  	[tilespmem:s3], [sflag:$0x5] =	stream.linear.gather [hbm4b:s0+s3], $0x6800, $0x38;
	[tilespmem:$0x1FA50] =	vst v63  }
0xf: {  	_ =	swait.ge [sflag:s9], $0x6800  }
0x10: {  	[sflag:s9] =	ssyncset.done $0x0  }
0x11: {  	s1 =	simm.s32 $0x1F800;
	s5 =	rddreg [dreg:$0x4];
	[sflag:s9] =	ssyncadd.s32 $0xFFFF9800  }
0x12: {  	[tilespmem:s1], [sflag:$0x5] =	stream.linear.gather [hbm4b:s5+s3], $0xC0, $0x38;
	[tilespmem:$0x1FA50] =	vst v63  }
0x13: {  	_ =	swait.ge [sflag:s9], $0xC0  }
0x14: {  	[sflag:s9] =	ssyncset.done $0x0  }
0x15: {  	[sflag:s9] =	ssyncadd.s32 $0xFFFFFF40  }
0x16: {  	s10 =	simm.s32 $0x1F8C0;
	s6 =	rddreg [dreg:$0x1]  }
0x17: {  	[tilespmem:s10], [sflag:$0x5] =	stream.linear.gather [hbm4b:s6+s3], $0x10, $0x38;
	[tilespmem:$0x1FA50] =	vst v63  }
0x18: {  	_ =	swait.ge [sflag:s9], $0x10  }
0x19: {  	[sflag:s9] =	ssyncset.done $0x0  }
0x1a: {  	s11 =	simm.s32 $0x6800;
	[sflag:s9] =	ssyncadd.s32 $0xFFFFFFF0  }
0x1b: {  	v2 =	vld [tilespmem:$0x1F8C0];
	[tilespmem:s11], [sflag:$0x1] =	stream.indirect.gather [hbm4b:s4+s12], $0x40, s3, s12, $0xb8  }
0x1c: {  	s23 =	simm.s32 $0x68;
	s24 =	simm.s32 $0x8100  }
0x1d: {  	[tilespmem:s24], [sflag:$0x1] =	stream.indirect.gather [hbm4b:s4+s12], $0x40, s23, s12, $0xb8;
	[tilespmem:$0x1FA50] =	vst v63  }
0x1e: {  	s25 =	simm.s32 $0xD0;
	s26 =	simm.s32 $0x9A00  }
0x1f: {  	[tilespmem:s26], [sflag:$0x1] =	stream.indirect.gather [hbm4b:s4+s12], $0x40, s25, s12, $0xb8;
	[tilespmem:$0x1FA50] =	vst v63  }
0x20: {  	s28 =	simm.s32 $0x138;
	s29 =	simm.s32 $0xB300  }
0x21: {  	(v2sf) =	vpush v2, $0x0;
	[tilespmem:s29], [sflag:$0x1] =	stream.indirect.gather [hbm4b:s4+s12], $0x40, s28, s12, $0xb8;
	[tilespmem:$0x1FA50] =	vst v63  }
0x22: {  	s30 =	simm.s32 $0x1A0;
	s31 =	simm.s32 $0xCC00;
	(v2sf) =	vpush v2, $0x1  }
0x23: {  	[tilespmem:s31], [sflag:$0x2] =	stream.indirect.gather [hbm4b:s4+s12], $0x40, s30, s12, $0xb8;
	[tilespmem:$0x1FA50] =	vst v63  }
0x24: {  	s2 =	simm.s32 $0xE500;
	s1 =	simm.s32 $0x208;
	(v2sf) =	vpush v2, $0x2  }
0x25: {  	[tilespmem:s2], [sflag:$0x2] =	stream.indirect.gather [hbm4b:s4+s12], $0x40, s1, s12, $0xb8;
	[tilespmem:$0x1FA50] =	vst v63  }
0x26: {  	s5 =	simm.s32 $0x270;
	s6 =	simm.s32 $0xFE00  }
0x27: {  	[tilespmem:s6], [sflag:$0x2] =	stream.indirect.gather [hbm4b:s4+s12], $0x40, s5, s12, $0xb8;
	[tilespmem:$0x1FA50] =	vst v63  }
0x28: {  	s10 =	simm.s32 $0x2D8;
	s11 =	simm.s32 $0x11700  }
0x29: {  	[tilespmem:s11], [sflag:$0x2] =	stream.indirect.gather [hbm4b:s4+s12], $0x40, s10, s12, $0xb8;
	[tilespmem:$0x1FA50] =	vst v63  }
0x2a: {  	s23 =	simm.s32 $0x340;
	s24 =	simm.s32 $0x13000  }
0x2b: {  	[tilespmem:s24], [sflag:$0x3] =	stream.indirect.gather [hbm4b:s4+s12], $0x40, s23, s12, $0xb8;
	[tilespmem:$0x1FA50] =	vst v63  }
0x2c: {  	s25 =	simm.s32 $0x3A8;
	s26 =	simm.s32 $0x14900  }
0x2d: {  	[tilespmem:s26], [sflag:$0x3] =	stream.indirect.gather [hbm4b:s4+s12], $0x40, s25, s12, $0xb8;
	[tilespmem:$0x1FA50] =	vst v63  }
0x2e: {  	s28 =	simm.s32 $0x410;
	s29 =	simm.s32 $0x16200  }
0x2f: {  	[tilespmem:s29], [sflag:$0x3] =	stream.indirect.gather [hbm4b:s4+s12], $0x40, s28, s12, $0xb8;
	[tilespmem:$0x1FA50] =	vst v63  }
0x30: {  	s23 =	spop (v2sf)  }
0x31: {  	s30 =	simm.s32 $0x478;
	s31 =	simm.s32 $0x17B00;
	s24 =	spop (v2sf)  }
0x32: {  	[tilespmem:s31], [sflag:$0x3] =	stream.indirect.gather [hbm4b:s4+s12], $0x40, s30, s12, $0xb8;
	[tilespmem:$0x1FA50] =	vst v63  }
0x33: {  	s26 =	simm.s32 $0x0;
	s25 =	spop (v2sf)  }
.LBB2_2:
0x34: {  	s28 =	sshllo.u32 s26, $0x2  }
0x35: {  	s1 =	smul.u32 $0x680, s28;
	_ =	sdelay $0x1  }
0x36: {  	s1 =	sshra.s32 s1, $0x2  }
0x37: {  	[tilespmem:s13], [sflag:$0x4] =	stream.indirect.gather [hbm4b:s4+s12], $0x40, s1, s12, $0xb8;
	[tilespmem:$0x1FA50] =	vst v63  }
0x38: {  	s29 =	sadd.s32 $0x68, s1  }
0x39: {  	[tilespmem:s14], [sflag:$0x4] =	stream.indirect.gather [hbm4b:s4+s12], $0x40, s29, s12, $0xb8;
	[tilespmem:$0x1FA50] =	vst v63  }
0x3a: {  	s29 =	sadd.s32 $0xD0, s1  }
0x3b: {  	[tilespmem:s15], [sflag:$0x4] =	stream.indirect.gather [hbm4b:s4+s12], $0x40, s29, s12, $0xb8;
	[tilespmem:$0x1FA50] =	vst v63  }
0x3c: {  	s1 =	sadd.s32 $0x138, s1  }
0x3d: {  	[tilespmem:s16], [sflag:$0x4] =	stream.indirect.gather [hbm4b:s4+s12], $0x40, s1, s12, $0xb8;
	[tilespmem:$0x1FA50] =	vst v63  }
0x3e: {  	_ =	swait.ge [sflag:s17], $0x6400  }
0x3f: {  	[sflag:s17] =	ssyncset.done $0x0  }
0x40: {  	s31 =	simm.s32 $0x6940;
	[sflag:s17] =	ssyncadd.s32 $0xFFFF9C00  }
0x41: {  	v2 =	vld [tilespmem:s31+$0x100]  }
0x42: {  	v3 =	vld [tilespmem:s31+$0x110]  }
0x43: {  	v4 =	vld [tilespmem:s31+$0xC0]  }
0x44: {  	v5 =	vld [tilespmem:s31+$0xD0]  }
0x45: {  	v11 =	vld [tilespmem:s31+$0x80]  }
0x46: {  	v14 =	vld [tilespmem:s31+$0x90]  }
0x47: {  	v8 =	vld [tilespmem:s31+$0x40]  }
0x48: {  	v10 =	vld [tilespmem:s31+$0x50]  }
0x49: {  	v7 =	vld [tilespmem:s31+$0x0]  }
0x4a: {  	v9 =	vld [tilespmem:s31+$0x10]  }
0x4b: {  	v6 =	vld [tilespmem:s31+$0xFFFFFFC0]  }
0x4c: {  	v12 =	vld [tilespmem:s31+$0xFFFFFFD0]  }
0x4d: {  	v13 =	vld [tilespmem:s31+$0xFFFFFF80]  }
0x4e: {  	v15 =	vld [tilespmem:s31+$0xFFFFFF90]  }
0x4f: {  	v16 =	vld [tilespmem:s31+$0xFFFFFF40]  }
0x50: {  	v17 =	vld [tilespmem:s31+$0xFFFFFF50]  }
0x51: {  	v18 =	vld [tilespmem:s31+$0xFFFFFF00]  }
0x52: {  	v19 =	vld [tilespmem:s31+$0xFFFFFF10]  }
0x53: {  	v20 =	vld [tilespmem:s31+$0xFFFFFEC0]  }
0x54: {  	v21 =	vld [tilespmem:s31+$0xFFFFFED0]  }
0x55: {  	v22 =	vld [tilespmem:s31+$0xFFFFFEE0]  }
0x56: {  	v23 =	vld [tilespmem:s31+$0xFFFFFEF0]  }
0x57: {  	v24 =	vld [tilespmem:s31+$0xFFFFFF20]  }
0x58: {  	v25 =	vld [tilespmem:s31+$0xFFFFFF30]  }
0x59: {  	v26 =	vimm.f32 $0.0e+00;
	v27 =	vld [tilespmem:s31+$0xFFFFFF60]  }
0x5a: {  	v28 =	vld [tilespmem:s31+$0xFFFFFF70];
	v20 =	vadd.f32 v20, v26;
	v21 =	vadd.f32 v21, v26  }
0x5b: {  	v51 =	vld [tilespmem:s31+$0xFFFFFFA0];
	v22 =	vadd.f32 v22, v26;
	v23 =	vadd.f32 v23, v26  }
0x5c: {  	v52 =	vld [tilespmem:s31+$0xFFFFFFB0];
	v18 =	vadd.f32 v18, v20;
	v19 =	vadd.f32 v19, v21  }
0x5d: {  	v55 =	vld [tilespmem:s31+$0xFFFFFFE0];
	v53 =	vadd.f32 v24, v22;
	v54 =	vadd.f32 v25, v23  }
0x5e: {  	v56 =	vld [tilespmem:s31+$0xFFFFFFF0];
	v16 =	vadd.f32 v16, v18;
	v17 =	vadd.f32 v17, v19  }
0x5f: {  	v59 =	vld [tilespmem:s31+$0x20];
	v57 =	vadd.f32 v27, v53;
	v58 =	vadd.f32 v28, v54  }
0x60: {  	v13 =	vadd.f32 v13, v16;
	v15 =	vadd.f32 v15, v17;
	v16 =	vld [tilespmem:s31+$0x30]  }
0x61: {  	v61 =	vld [tilespmem:s31+$0x60];
	v17 =	vadd.f32 v51, v57;
	v60 =	vadd.f32 v52, v58  }
0x62: {  	v13 =	vadd.f32 v6, v13;
	v12 =	vadd.f32 v12, v15;
	v15 =	vld [tilespmem:s31+$0x70]  }
0x63: {  	v17 =	vadd.f32 v55, v17;
	v18 =	vadd.f32 v56, v60;
	v6 =	vld [tilespmem:s31+$0xA0]  }
0x64: {  	v13 =	vadd.f32 v7, v13;
	v12 =	vadd.f32 v9, v12;
	v9 =	vld [tilespmem:s31+$0xB0]  }
0x65: {  	v17 =	vadd.f32 v59, v17;
	v7 =	vld [tilespmem:s31+$0xE0];
	v16 =	vadd.f32 v16, v18  }
0x66: {  	v62 =	vadd.f32 v8, v13;
	v63 =	vadd.f32 v10, v12;
	v10 =	vld [tilespmem:s31+$0xF0]  }
0x67: {  	v13 =	vadd.f32 v61, v17;
	v8 =	vld [tilespmem:s31+$0x120];
	v12 =	vadd.f32 v15, v16  }
0x68: {  	s30 =	simm.s32 $0x6BC0;
	s29 =	simm.s32 $0x0;
	v15 =	vadd.f32 v11, v62;
	v14 =	vadd.f32 v14, v63;
	v11 =	vld [tilespmem:s31+$0x130]  }
.LBB2_3:
0x69: {  	v16 =	vld [tilespmem:s30+$0x100];
	v6 =	vadd.f32 v6, v13;
	v9 =	vadd.f32 v9, v12  }
0x6a: {  	v12 =	vld [tilespmem:s30+$0x110];
	v13 =	vadd.f32 v4, v15;
	v14 =	vadd.f32 v5, v14  }
0x6b: {  	v4 =	vld [tilespmem:s30+$0xC0];
	v6 =	vadd.f32 v7, v6;
	v7 =	vadd.f32 v10, v9  }
0x6c: {  	v5 =	vld [tilespmem:s30+$0xD0];
	v9 =	vadd.f32 v2, v13;
	v10 =	vadd.f32 v3, v14  }
0x6d: {  	v14 =	vld [tilespmem:s30+$0x80];
	v6 =	vadd.f32 v8, v6;
	v7 =	vadd.f32 v11, v7  }
0x6e: {  	v11 =	vld [tilespmem:s30+$0x90];
	v2 =	vmov v16  }
0x6f: {  	v8 =	vld [tilespmem:s30+$0x40];
	v3 =	vmov v12  }
0x70: {  	v12 =	vld [tilespmem:s30+$0x50]  }
0x71: {  	v13 =	vld [tilespmem:s30+$0x0]  }
0x72: {  	v15 =	vld [tilespmem:s30+$0x10]  }
0x73: {  	v16 =	vld [tilespmem:s30+$0xFFFFFFC0]  }
0x74: {  	v17 =	vld [tilespmem:s30+$0xFFFFFFD0]  }
0x75: {  	v18 =	vld [tilespmem:s30+$0xFFFFFF80]  }
0x76: {  	v19 =	vld [tilespmem:s30+$0xFFFFFF90]  }
0x77: {  	v20 =	vld [tilespmem:s30+$0xFFFFFF40]  }
0x78: {  	v21 =	vld [tilespmem:s30+$0xFFFFFF50]  }
0x79: {  	v22 =	vld [tilespmem:s30+$0xFFFFFF00]  }
0x7a: {  	v23 =	vld [tilespmem:s30+$0xFFFFFF10]  }
0x7b: {  	v24 =	vld [tilespmem:s30+$0xFFFFFEC0]  }
0x7c: {  	v25 =	vld [tilespmem:s30+$0xFFFFFED0]  }
0x7d: {  	v26 =	vld [tilespmem:s30+$0xFFFFFEE0]  }
0x7e: {  	s29 =	sadd.s32 $0xA, s29;
	v27 =	vld [tilespmem:s30+$0xFFFFFEF0]  }
0x7f: {  	p0 =	slt.u32 s29, $0xBE;
	v28 =	vld [tilespmem:s30+$0xFFFFFF20]  }
0x80: {  	v29 =	vld [tilespmem:s30+$0xFFFFFF30]  }
0x81: {  	v30 =	vld [tilespmem:s30+$0xFFFFFF60]  }
0x82: {  	v9 =	vadd.f32 v24, v9;
	v10 =	vadd.f32 v25, v10;
	v24 =	vld [tilespmem:s30+$0xFFFFFF70]  }
0x83: {  	v6 =	vadd.f32 v26, v6;
	v7 =	vadd.f32 v27, v7;
	v25 =	vld [tilespmem:s30+$0xFFFFFFA0]  }
0x84: {  	v9 =	vadd.f32 v22, v9;
	v10 =	vadd.f32 v23, v10;
	v22 =	vld [tilespmem:s30+$0xFFFFFFB0]  }
0x85: {  	v6 =	vadd.f32 v28, v6;
	v7 =	vadd.f32 v29, v7;
	v23 =	vld [tilespmem:s30+$0xFFFFFFE0]  }
0x86: {  	v9 =	vadd.f32 v20, v9;
	v10 =	vadd.f32 v21, v10;
	v20 =	vld [tilespmem:s30+$0xFFFFFFF0]  }
0x87: {  	v6 =	vadd.f32 v30, v6;
	v7 =	vadd.f32 v24, v7;
	v21 =	vld [tilespmem:s30+$0x20]  }
0x88: {  	v9 =	vadd.f32 v18, v9;
	v10 =	vadd.f32 v19, v10;
	v18 =	vld [tilespmem:s30+$0x30]  }
0x89: {  	v6 =	vadd.f32 v25, v6;
	v7 =	vadd.f32 v22, v7;
	v19 =	vld [tilespmem:s30+$0x60]  }
0x8a: {  	v9 =	vadd.f32 v16, v9;
	v10 =	vadd.f32 v17, v10;
	v16 =	vld [tilespmem:s30+$0x70]  }
0x8b: {  	v17 =	vadd.f32 v23, v6;
	v7 =	vadd.f32 v20, v7;
	v6 =	vld [tilespmem:s30+$0xA0]  }
.Ltmp0:
0x8c: {  	v13 =	vadd.f32 v13, v9;
	v10 =	vadd.f32 v15, v10;
	v9 =	vld [tilespmem:s30+$0xB0];
	(pc) =	sbr.rel @p0 .LBB2_3-.Ltmp0, $4  }
0x8d: {  	v15 =	vadd.f32 v21, v17;
	v17 =	vadd.f32 v18, v7;
	v7 =	vld [tilespmem:s30+$0xE0]  }
0x8e: {  	v18 =	vadd.f32 v8, v13;
	v20 =	vadd.f32 v12, v10;
	v10 =	vld [tilespmem:s30+$0xF0]  }
0x8f: {  	v13 =	vadd.f32 v19, v15;
	v12 =	vadd.f32 v16, v17;
	v8 =	vld [tilespmem:s30+$0x120]  }
0x90: {  	v15 =	vadd.f32 v14, v18;
	v14 =	vadd.f32 v11, v20;
	v11 =	vld [tilespmem:s30+$0x130];
	s30 =	sadd.s32 $0x280, s30  }
0x91: {  	v16 =	vld [tilespmem:$0x1F800]  }
0x92: {  	v6 =	vadd.f32 v6, v13;
	v13 =	vld [tilespmem:$0x1F810];
	v4 =	vadd.f32 v4, v15  }
0x93: {  	v9 =	vadd.f32 v9, v12;
	v12 =	vld [tilespmem:$0x1F820];
	v5 =	vadd.f32 v5, v14  }
0x94: {  	v6 =	vadd.f32 v7, v6;
	v2 =	vadd.f32 v2, v4;
	v4 =	vld [tilespmem:$0x1F830]  }
0x95: {  	v7 =	vadd.f32 v10, v9;
	v3 =	vadd.f32 v3, v5;
	v5 =	vld [tilespmem:$0x1F840]  }
0x96: {  	v9 =	vld [tilespmem:$0x1F850];
	v6 =	vadd.f32 v8, v6;
	v8 =	vmul.f32 v16, v2  }
0x97: {  	v7 =	vadd.f32 v11, v7;
	v11 =	vld [tilespmem:$0x1F860];
	v10 =	vmul.f32 v13, v3  }
0x98: {  	(xrf2) =	vadd.scan.msk.f32 $0xffff, v8;
	v8 =	vmul.f32 v12, v6;
	v12 =	vld [tilespmem:$0x1F870]  }
0x99: {  	(xrf2) =	vadd.scan.msk.f32 $0xffff, v10;
	v4 =	vmul.f32 v4, v7;
	v10 =	vld [tilespmem:$0x1F880]  }
0x9a: {  	v5 =	vmul.f32 v5, v2;
	(xrf2) =	vadd.scan.msk.f32 $0xffff, v8;
	v8 =	vld [tilespmem:$0x1F890]  }
0x9b: {  	(xrf2) =	vadd.scan.msk.f32 $0xffff, v4;
	v4 =	vmul.f32 v9, v3  }
0x9c: {  	v9 =	vld [tilespmem:$0x1F8A0];
	(xrf2) =	vadd.scan.msk.f32 $0xffff, v5;
	v5 =	vmul.f32 v11, v6  }
0x9d: {  	(xrf2) =	vadd.scan.msk.f32 $0xffff, v4  }
0x9e: {  	v4 =	vmul.f32 v12, v7;
	(xrf2) =	vadd.scan.msk.f32 $0xffff, v5;
	v5 =	vld [tilespmem:$0x1F8B0]  }
0x9f: {  	v2 =	vmul.f32 v10, v2;
	v3 =	vmul.f32 v8, v3  }
0xa0: {  	(xrf2) =	vadd.scan.msk.f32 $0xffff, v4  }
0xa1: {  	(xrf2) =	vadd.scan.msk.f32 $0xffff, v2;
	v2 =	vmul.f32 v9, v6  }
0xa2: {  	(xrf2) =	vadd.scan.msk.f32 $0xffff, v3  }
0xa3: {  	v3, _, _ =	vpop (xrf2);
	(xrf2) =	vadd.scan.msk.f32 $0xffff, v2;
	v2 =	vmul.f32 v5, v7  }
0xa4: {  	(v2sf) =	vpush v3, $0xF;
	v3, _, _ =	vpop (xrf2)  }
0xa5: {  	v4, _, _ =	vpop (xrf2);
	(v2sf) =	vpush v3, $0xF  }
0xa6: {  	(xrf2) =	vadd.scan.msk.f32 $0xffff, v2;
	(v2sf) =	vpush v4, $0xF;
	v3, _, _ =	vpop (xrf2)  }
0xa7: {  	v2, _, _ =	vpop (xrf2);
	(v2sf) =	vpush v3, $0xF  }
0xa8: {  	v3, _, _ =	vpop (xrf2);
	(v2sf) =	vpush v2, $0xF  }
0xa9: {  	v2, _, _ =	vpop (xrf2);
	(v2sf) =	vpush v3, $0xF  }
0xaa: {  	v3, _, _ =	vpop (xrf2);
	(v2sf) =	vpush v2, $0xF  }
0xab: {  	v2, _, _ =	vpop (xrf2);
	(v2sf) =	vpush v3, $0xF  }
0xac: {  	v3, _, _ =	vpop (xrf2);
	(v2sf) =	vpush v2, $0xF  }
0xad: {  	(v2sf) =	vpush v3, $0xF  }
0xae: {  	v2, _, _ =	vpop (xrf2)  }
0xaf: {  	(v2sf) =	vpush v2, $0xF  }
0xb0: {  	v2, _, _ =	vpop (xrf2)  }
0xb1: {  	(v2sf) =	vpush v2, $0xF;
	_ =	sdelay $0x1  }
0xb2: {  	s1 =	spop (v2sf)  }
0xb3: {  	s29 =	spop (v2sf)  }
0xb4: {  	s30 =	spop (v2sf)  }
0xb5: {  	s31 =	spop (v2sf)  }
0xb6: {  	s0 =	spop (v2sf)  }
0xb7: {  	s2 =	spop (v2sf)  }
0xb8: {  	s10 =	spop (v2sf)  }
0xb9: {  	s1 =	sadd.f32 s29, s1;
	s11 =	spop (v2sf)  }
0xba: {  	s29 =	spop (v2sf)  }
0xbb: {  	s1 =	sadd.f32 s30, s1;
	s30 =	spop (v2sf)  }
0xbc: {  	s29 =	sadd.f32 s30, s29  }
0xbd: {  	s0 =	sadd.f32 s2, s0;
	s5 =	spop (v2sf)  }
0xbe: {  	s2 =	sadd.f32 s5, s29  }
0xbf: {  	s0 =	sadd.f32 s10, s0;
	s6 =	spop (v2sf)  }
0xc0: {  	s30 =	smul.u32 $0x18, s26;
	s2 =	sadd.f32 s6, s2  }
0xc1: {  	s1 =	sadd.f32 s31, s1  }
0xc2: {  	s0 =	sadd.f32 s11, s0;
	v2 =	vadd.s32 s30, v0;
	s2 =	smul.f32 $4.999999890e-03, s2  }
0xc3: {  	s1 =	smul.f32 $4.999999890e-03, s1;
	v2 =	vand.u32 $0x3F8, v2  }
0xc4: {  	s0 =	smul.f32 $4.999999890e-03, s0;
	v2 =	vor.u32 v1, v2;
	s2 =	sadd.f32 s2, s25  }
0xc5: {  	s1 =	sadd.f32 s1, s23  }
0xc6: {  	vm0 =	veq.s32 v0, $0x0;
	s0 =	sadd.f32 s0, s24;
	v3 =	vmov s2  }
0xc7: {  	vm15 =	veq.s32 v0, $0x1;
	v3 =	vsel vm0, s1, v3  }
0xc8: {  	v3 =	vsel vm15, s0, v3  }
0xc9: {  	s11 =	simm.s32 $0x9C70;
	[tilespmem:v2+s18+$0x0] =	vst.idx.msk $0x7, v3  }
0xca: {  	v2 =	vld [tilespmem:s11+$0xFFFFFFD0]  }
0xcb: {  	v3 =	vld [tilespmem:s11+$0xFFFFFFE0]  }
0xcc: {  	v4 =	vld [tilespmem:s11+$0xFFFFFF90]  }
0xcd: {  	v5 =	vld [tilespmem:s11+$0xFFFFFFA0]  }
0xce: {  	v11 =	vld [tilespmem:s11+$0xFFFFFF50]  }
0xcf: {  	v14 =	vld [tilespmem:s11+$0xFFFFFF60]  }
0xd0: {  	v8 =	vld [tilespmem:s11+$0xFFFFFF10]  }
0xd1: {  	v10 =	vld [tilespmem:s11+$0xFFFFFF20]  }
0xd2: {  	v7 =	vld [tilespmem:s11+$0xFFFFFED0]  }
0xd3: {  	v9 =	vld [tilespmem:s11+$0xFFFFFEE0]  }
0xd4: {  	v6 =	vld [tilespmem:s11+$0xFFFFFE90]  }
0xd5: {  	v12 =	vld [tilespmem:s11+$0xFFFFFEA0]  }
0xd6: {  	v13 =	vld [tilespmem:s11+$0xFFFFFE50]  }
0xd7: {  	v15 =	vld [tilespmem:s11+$0xFFFFFE60]  }
0xd8: {  	v16 =	vld [tilespmem:s11+$0xFFFFFE10]  }
0xd9: {  	v17 =	vld [tilespmem:s11+$0xFFFFFE20]  }
0xda: {  	v18 =	vld [tilespmem:s11+$0xFFFFFDD0]  }
0xdb: {  	v19 =	vld [tilespmem:s11+$0xFFFFFDE0]  }
0xdc: {  	v20 =	vld [tilespmem:s11+$0xFFFFFD90]  }
0xdd: {  	v21 =	vld [tilespmem:s11+$0xFFFFFDA0]  }
0xde: {  	v22 =	vld [tilespmem:s11+$0xFFFFFDB0]  }
0xdf: {  	v23 =	vld [tilespmem:s11+$0xFFFFFDC0]  }
0xe0: {  	v24 =	vld [tilespmem:s11+$0xFFFFFDF0]  }
0xe1: {  	v25 =	vld [tilespmem:s11+$0xFFFFFE00]  }
0xe2: {  	v26 =	vimm.f32 $0.0e+00;
	v27 =	vld [tilespmem:s11+$0xFFFFFE30]  }
0xe3: {  	v28 =	vld [tilespmem:s11+$0xFFFFFE40];
	v20 =	vadd.f32 v20, v26;
	v21 =	vadd.f32 v21, v26  }
0xe4: {  	v51 =	vld [tilespmem:s11+$0xFFFFFE70];
	v22 =	vadd.f32 v22, v26;
	v23 =	vadd.f32 v23, v26  }
0xe5: {  	v52 =	vld [tilespmem:s11+$0xFFFFFE80];
	v18 =	vadd.f32 v18, v20;
	v19 =	vadd.f32 v19, v21  }
0xe6: {  	v55 =	vld [tilespmem:s11+$0xFFFFFEB0];
	v53 =	vadd.f32 v24, v22;
	v54 =	vadd.f32 v25, v23  }
0xe7: {  	v56 =	vld [tilespmem:s11+$0xFFFFFEC0];
	v16 =	vadd.f32 v16, v18;
	v17 =	vadd.f32 v17, v19  }
0xe8: {  	v59 =	vld [tilespmem:s11+$0xFFFFFEF0];
	v57 =	vadd.f32 v27, v53;
	v58 =	vadd.f32 v28, v54  }
0xe9: {  	v13 =	vadd.f32 v13, v16;
	v15 =	vadd.f32 v15, v17;
	v16 =	vld [tilespmem:s11+$0xFFFFFF00]  }
0xea: {  	v61 =	vld [tilespmem:s11+$0xFFFFFF30];
	v17 =	vadd.f32 v51, v57;
	v60 =	vadd.f32 v52, v58  }
0xeb: {  	v13 =	vadd.f32 v6, v13;
	v12 =	vadd.f32 v12, v15;
	v15 =	vld [tilespmem:s11+$0xFFFFFF40]  }
0xec: {  	v17 =	vadd.f32 v55, v17;
	v18 =	vadd.f32 v56, v60;
	v6 =	vld [tilespmem:s11+$0xFFFFFF70]  }
0xed: {  	v13 =	vadd.f32 v7, v13;
	v12 =	vadd.f32 v9, v12;
	v9 =	vld [tilespmem:s11+$0xFFFFFF80]  }
0xee: {  	v17 =	vadd.f32 v59, v17;
	v7 =	vld [tilespmem:s11+$0xFFFFFFB0];
	v16 =	vadd.f32 v16, v18  }
0xef: {  	v62 =	vadd.f32 v8, v13;
	v63 =	vadd.f32 v10, v12;
	v10 =	vld [tilespmem:s11+$0xFFFFFFC0]  }
0xf0: {  	v13 =	vadd.f32 v61, v17;
	v8 =	vld [tilespmem:s11+$0xFFFFFFF0];
	v12 =	vadd.f32 v15, v16  }
0xf1: {  	s31 =	simm.s32 $0x9EF0;
	s29 =	simm.s32 $0x0;
	v15 =	vadd.f32 v11, v62;
	v14 =	vadd.f32 v14, v63;
	v11 =	vld [tilespmem:s11+$0x0]  }
.LBB2_5:
0xf2: {  	v16 =	vld [tilespmem:s31+$0xFFFFFFD0];
	v6 =	vadd.f32 v6, v13;
	v9 =	vadd.f32 v9, v12  }
0xf3: {  	v12 =	vld [tilespmem:s31+$0xFFFFFFE0];
	v13 =	vadd.f32 v4, v15;
	v14 =	vadd.f32 v5, v14  }
0xf4: {  	v4 =	vld [tilespmem:s31+$0xFFFFFF90];
	v6 =	vadd.f32 v7, v6;
	v7 =	vadd.f32 v10, v9  }
0xf5: {  	v5 =	vld [tilespmem:s31+$0xFFFFFFA0];
	v9 =	vadd.f32 v2, v13;
	v10 =	vadd.f32 v3, v14  }
0xf6: {  	v14 =	vld [tilespmem:s31+$0xFFFFFF50];
	v6 =	vadd.f32 v8, v6;
	v7 =	vadd.f32 v11, v7  }
0xf7: {  	v11 =	vld [tilespmem:s31+$0xFFFFFF60];
	v2 =	vmov v16  }
0xf8: {  	v8 =	vld [tilespmem:s31+$0xFFFFFF10];
	v3 =	vmov v12  }
0xf9: {  	v12 =	vld [tilespmem:s31+$0xFFFFFF20]  }
0xfa: {  	v13 =	vld [tilespmem:s31+$0xFFFFFED0]  }
0xfb: {  	v15 =	vld [tilespmem:s31+$0xFFFFFEE0]  }
0xfc: {  	v16 =	vld [tilespmem:s31+$0xFFFFFE90]  }
0xfd: {  	v17 =	vld [tilespmem:s31+$0xFFFFFEA0]  }
0xfe: {  	v18 =	vld [tilespmem:s31+$0xFFFFFE50]  }
0xff: {  	v19 =	vld [tilespmem:s31+$0xFFFFFE60]  }
0x100: {  	v20 =	vld [tilespmem:s31+$0xFFFFFE10]  }
0x101: {  	v21 =	vld [tilespmem:s31+$0xFFFFFE20]  }
0x102: {  	v22 =	vld [tilespmem:s31+$0xFFFFFDD0]  }
0x103: {  	v23 =	vld [tilespmem:s31+$0xFFFFFDE0]  }
0x104: {  	v24 =	vld [tilespmem:s31+$0xFFFFFD90]  }
0x105: {  	v25 =	vld [tilespmem:s31+$0xFFFFFDA0]  }
0x106: {  	v26 =	vld [tilespmem:s31+$0xFFFFFDB0]  }
0x107: {  	s29 =	sadd.s32 $0xA, s29;
	v27 =	vld [tilespmem:s31+$0xFFFFFDC0]  }
0x108: {  	p0 =	slt.u32 s29, $0xBE;
	v28 =	vld [tilespmem:s31+$0xFFFFFDF0]  }
0x109: {  	v29 =	vld [tilespmem:s31+$0xFFFFFE00]  }
0x10a: {  	v30 =	vld [tilespmem:s31+$0xFFFFFE30]  }
0x10b: {  	v9 =	vadd.f32 v24, v9;
	v10 =	vadd.f32 v25, v10;
	v24 =	vld [tilespmem:s31+$0xFFFFFE40]  }
0x10c: {  	v6 =	vadd.f32 v26, v6;
	v7 =	vadd.f32 v27, v7;
	v25 =	vld [tilespmem:s31+$0xFFFFFE70]  }
0x10d: {  	v9 =	vadd.f32 v22, v9;
	v10 =	vadd.f32 v23, v10;
	v22 =	vld [tilespmem:s31+$0xFFFFFE80]  }
0x10e: {  	v6 =	vadd.f32 v28, v6;
	v7 =	vadd.f32 v29, v7;
	v23 =	vld [tilespmem:s31+$0xFFFFFEB0]  }
0x10f: {  	v9 =	vadd.f32 v20, v9;
	v10 =	vadd.f32 v21, v10;
	v20 =	vld [tilespmem:s31+$0xFFFFFEC0]  }
0x110: {  	v6 =	vadd.f32 v30, v6;
	v7 =	vadd.f32 v24, v7;
	v21 =	vld [tilespmem:s31+$0xFFFFFEF0]  }
0x111: {  	v9 =	vadd.f32 v18, v9;
	v10 =	vadd.f32 v19, v10;
	v18 =	vld [tilespmem:s31+$0xFFFFFF00]  }
0x112: {  	v6 =	vadd.f32 v25, v6;
	v7 =	vadd.f32 v22, v7;
	v19 =	vld [tilespmem:s31+$0xFFFFFF30]  }
0x113: {  	v9 =	vadd.f32 v16, v9;
	v10 =	vadd.f32 v17, v10;
	v16 =	vld [tilespmem:s31+$0xFFFFFF40]  }
0x114: {  	v17 =	vadd.f32 v23, v6;
	v7 =	vadd.f32 v20, v7;
	v6 =	vld [tilespmem:s31+$0xFFFFFF70]  }
.Ltmp1:
0x115: {  	v13 =	vadd.f32 v13, v9;
	v10 =	vadd.f32 v15, v10;
	v9 =	vld [tilespmem:s31+$0xFFFFFF80];
	(pc) =	sbr.rel @p0 .LBB2_5-.Ltmp1, $4  }
0x116: {  	v15 =	vadd.f32 v21, v17;
	v17 =	vadd.f32 v18, v7;
	v7 =	vld [tilespmem:s31+$0xFFFFFFB0]  }
0x117: {  	v18 =	vadd.f32 v8, v13;
	v20 =	vadd.f32 v12, v10;
	v10 =	vld [tilespmem:s31+$0xFFFFFFC0]  }
0x118: {  	v13 =	vadd.f32 v19, v15;
	v12 =	vadd.f32 v16, v17;
	v8 =	vld [tilespmem:s31+$0xFFFFFFF0]  }
0x119: {  	v15 =	vadd.f32 v14, v18;
	v14 =	vadd.f32 v11, v20;
	v11 =	vld [tilespmem:s31+$0x0];
	s31 =	sadd.s32 $0x280, s31  }
0x11a: {  	v16 =	vld [tilespmem:$0x1F800]  }
0x11b: {  	v6 =	vadd.f32 v6, v13;
	v13 =	vld [tilespmem:$0x1F810];
	v4 =	vadd.f32 v4, v15  }
0x11c: {  	v9 =	vadd.f32 v9, v12;
	v12 =	vld [tilespmem:$0x1F820];
	v5 =	vadd.f32 v5, v14  }
0x11d: {  	v6 =	vadd.f32 v7, v6;
	v2 =	vadd.f32 v2, v4;
	v4 =	vld [tilespmem:$0x1F830]  }
0x11e: {  	v7 =	vadd.f32 v10, v9;
	v3 =	vadd.f32 v3, v5;
	v5 =	vld [tilespmem:$0x1F840]  }
0x11f: {  	v9 =	vld [tilespmem:$0x1F850];
	v6 =	vadd.f32 v8, v6;
	v8 =	vmul.f32 v16, v2  }
0x120: {  	v7 =	vadd.f32 v11, v7;
	v11 =	vld [tilespmem:$0x1F860];
	v10 =	vmul.f32 v13, v3  }
0x121: {  	(xrf2) =	vadd.scan.msk.f32 $0xffff, v8;
	v8 =	vmul.f32 v12, v6;
	v12 =	vld [tilespmem:$0x1F870]  }
0x122: {  	(xrf2) =	vadd.scan.msk.f32 $0xffff, v10;
	v4 =	vmul.f32 v4, v7;
	v10 =	vld [tilespmem:$0x1F880]  }
0x123: {  	v5 =	vmul.f32 v5, v2;
	(xrf2) =	vadd.scan.msk.f32 $0xffff, v8;
	v8 =	vld [tilespmem:$0x1F890]  }
0x124: {  	(xrf2) =	vadd.scan.msk.f32 $0xffff, v4;
	v4 =	vmul.f32 v9, v3  }
0x125: {  	v9 =	vld [tilespmem:$0x1F8A0];
	(xrf2) =	vadd.scan.msk.f32 $0xffff, v5;
	v5 =	vmul.f32 v11, v6  }
0x126: {  	(xrf2) =	vadd.scan.msk.f32 $0xffff, v4  }
0x127: {  	v4 =	vmul.f32 v12, v7;
	(xrf2) =	vadd.scan.msk.f32 $0xffff, v5;
	v5 =	vld [tilespmem:$0x1F8B0]  }
0x128: {  	v2 =	vmul.f32 v10, v2;
	v3 =	vmul.f32 v8, v3  }
0x129: {  	(xrf2) =	vadd.scan.msk.f32 $0xffff, v4  }
0x12a: {  	(xrf2) =	vadd.scan.msk.f32 $0xffff, v2;
	v2 =	vmul.f32 v9, v6  }
0x12b: {  	(xrf2) =	vadd.scan.msk.f32 $0xffff, v3  }
0x12c: {  	v3, _, _ =	vpop (xrf2);
	(xrf2) =	vadd.scan.msk.f32 $0xffff, v2;
	v2 =	vmul.f32 v5, v7  }
0x12d: {  	(v2sf) =	vpush v3, $0xF;
	v3, _, _ =	vpop (xrf2)  }
0x12e: {  	v4, _, _ =	vpop (xrf2);
	(v2sf) =	vpush v3, $0xF  }
0x12f: {  	(xrf2) =	vadd.scan.msk.f32 $0xffff, v2;
	(v2sf) =	vpush v4, $0xF;
	v3, _, _ =	vpop (xrf2)  }
0x130: {  	v2, _, _ =	vpop (xrf2);
	(v2sf) =	vpush v3, $0xF  }
0x131: {  	v3, _, _ =	vpop (xrf2);
	(v2sf) =	vpush v2, $0xF  }
0x132: {  	v2, _, _ =	vpop (xrf2);
	(v2sf) =	vpush v3, $0xF  }
0x133: {  	v3, _, _ =	vpop (xrf2);
	(v2sf) =	vpush v2, $0xF  }
0x134: {  	v2, _, _ =	vpop (xrf2);
	(v2sf) =	vpush v3, $0xF  }
0x135: {  	v3, _, _ =	vpop (xrf2);
	(v2sf) =	vpush v2, $0xF  }
0x136: {  	(v2sf) =	vpush v3, $0xF  }
0x137: {  	v2, _, _ =	vpop (xrf2)  }
0x138: {  	(v2sf) =	vpush v2, $0xF  }
0x139: {  	v2, _, _ =	vpop (xrf2)  }
0x13a: {  	(v2sf) =	vpush v2, $0xF;
	_ =	sdelay $0x1  }
0x13b: {  	s0 =	spop (v2sf)  }
0x13c: {  	s1 =	spop (v2sf)  }
0x13d: {  	s2 =	spop (v2sf)  }
0x13e: {  	s10 =	spop (v2sf)  }
0x13f: {  	s11 =	spop (v2sf)  }
0x140: {  	s29 =	spop (v2sf)  }
0x141: {  	s31 =	spop (v2sf)  }
0x142: {  	s0 =	sadd.f32 s1, s0;
	s5 =	spop (v2sf)  }
0x143: {  	s1 =	spop (v2sf)  }
0x144: {  	s0 =	sadd.f32 s2, s0;
	s6 =	spop (v2sf)  }
0x145: {  	s1 =	sadd.f32 s6, s1  }
0x146: {  	s2 =	sadd.f32 s29, s11;
	s6 =	spop (v2sf)  }
0x147: {  	s1 =	sadd.f32 s6, s1  }
0x148: {  	s2 =	sadd.f32 s31, s2;
	s6 =	spop (v2sf)  }
0x149: {  	s1 =	sadd.f32 s6, s1  }
0x14a: {  	s0 =	sadd.f32 s10, s0  }
0x14b: {  	s2 =	sadd.f32 s5, s2;
	s1 =	smul.f32 $4.999999890e-03, s1  }
0x14c: {  	s10 =	sor.u32 $0x3, s30;
	s0 =	smul.f32 $4.999999890e-03, s0  }
0x14d: {  	v2 =	vadd.s32 s10, v0;
	s2 =	smul.f32 $4.999999890e-03, s2;
	s1 =	sadd.f32 s1, s25  }
0x14e: {  	p0 =	seq.s32 s26, $0xF;
	s0 =	sadd.f32 s0, s23  }
0x14f: {  	vm0 =	veq.s32 v0, $0x0;
	s2 =	sadd.f32 s2, s24;
	v3 =	vmov s1;
	s1 =	smul.u32 @!p0 $0x1A00, s26  }
0x150: {  	vm15 =	veq.s32 v0, $0x1;
	v3 =	vsel vm0, s0, v3  }
0x151: {  	v3 =	vsel vm15, s2, v3;
	s29 =	sshra.s32 @!p0 s1, $0x2  }
0x152: {  	s1 =	simm.s32 @!p0 $0x64;
	s2 =	simm.s32 @!p0 $0x6800;
	[tilespmem:v2+s18+$0x0] =	vst.idx.msk $0x7, v3;
	s0 =	sadd.s32 @!p0 $0x680, s29  }
0x153: {  	[tilespmem:s2], [sflag:$0x1] =	stream.indirect.gather @!p0 [hbm4b:s4+s1], $0x40, s0, s1, $0xb8;
	[tilespmem:$0x1FA50] =	vst v63  }
0x154: {  	s0 =	sadd.s32 @!p0 $0x6E8, s29;
	s2 =	simm.s32 @!p0 $0x8100  }
0x155: {  	[tilespmem:s2], [sflag:$0x1] =	stream.indirect.gather @!p0 [hbm4b:s4+s1], $0x40, s0, s1, $0xb8;
	[tilespmem:$0x1FA50] =	vst v63  }
0x156: {  	s0 =	sadd.s32 @!p0 $0x750, s29;
	s2 =	simm.s32 @!p0 $0x9A00  }
0x157: {  	[tilespmem:s2], [sflag:$0x1] =	stream.indirect.gather @!p0 [hbm4b:s4+s1], $0x40, s0, s1, $0xb8;
	[tilespmem:$0x1FA50] =	vst v63  }
0x158: {  	s0 =	sadd.s32 @!p0 $0x7B8, s29;
	s2 =	simm.s32 @!p0 $0xB300  }
0x159: {  	[tilespmem:s2], [sflag:$0x1] =	stream.indirect.gather @!p0 [hbm4b:s4+s1], $0x40, s0, s1, $0xb8;
	[tilespmem:$0x1FA50] =	vst v63  }
0x15a: {  	_ =	swait.ge [sflag:s19], $0x6400  }
0x15b: {  	[sflag:s19] =	ssyncset.done $0x0  }
0x15c: {  	s11 =	simm.s32 $0xCC00;
	[sflag:s19] =	ssyncadd.s32 $0xFFFF9C00  }
0x15d: {  	v2 =	vld [tilespmem:s11+$0x240]  }
0x15e: {  	v3 =	vld [tilespmem:s11+$0x250]  }
0x15f: {  	v4 =	vld [tilespmem:s11+$0x200]  }
0x160: {  	v5 =	vld [tilespmem:s11+$0x210]  }
0x161: {  	v11 =	vld [tilespmem:s11+$0x1C0]  }
0x162: {  	v14 =	vld [tilespmem:s11+$0x1D0]  }
0x163: {  	v8 =	vld [tilespmem:s11+$0x180]  }
0x164: {  	v10 =	vld [tilespmem:s11+$0x190]  }
0x165: {  	v7 =	vld [tilespmem:s11+$0x140]  }
0x166: {  	v9 =	vld [tilespmem:s11+$0x150]  }
0x167: {  	v6 =	vld [tilespmem:s11+$0x100]  }
0x168: {  	v12 =	vld [tilespmem:s11+$0x110]  }
0x169: {  	v13 =	vld [tilespmem:s11+$0xC0]  }
0x16a: {  	v15 =	vld [tilespmem:s11+$0xD0]  }
0x16b: {  	v16 =	vld [tilespmem:s11+$0x80]  }
0x16c: {  	v17 =	vld [tilespmem:s11+$0x90]  }
0x16d: {  	v18 =	vld [tilespmem:s11+$0x40]  }
0x16e: {  	v19 =	vld [tilespmem:s11+$0x50]  }
0x16f: {  	v20 =	vld [tilespmem:s11+$0x0]  }
0x170: {  	v21 =	vld [tilespmem:s11+$0x10]  }
0x171: {  	v22 =	vld [tilespmem:s11+$0x20]  }
0x172: {  	v23 =	vld [tilespmem:s11+$0x30]  }
0x173: {  	v24 =	vld [tilespmem:s11+$0x60]  }
0x174: {  	v25 =	vld [tilespmem:s11+$0x70]  }
0x175: {  	v26 =	vimm.f32 $0.0e+00;
	v27 =	vld [tilespmem:s11+$0xA0]  }
0x176: {  	v28 =	vld [tilespmem:s11+$0xB0];
	v20 =	vadd.f32 v20, v26;
	v21 =	vadd.f32 v21, v26  }
0x177: {  	v51 =	vld [tilespmem:s11+$0xE0];
	v22 =	vadd.f32 v22, v26;
	v23 =	vadd.f32 v23, v26  }
0x178: {  	v52 =	vld [tilespmem:s11+$0xF0];
	v18 =	vadd.f32 v18, v20;
	v19 =	vadd.f32 v19, v21  }
0x179: {  	v55 =	vld [tilespmem:s11+$0x120];
	v53 =	vadd.f32 v24, v22;
	v54 =	vadd.f32 v25, v23  }
0x17a: {  	v56 =	vld [tilespmem:s11+$0x130];
	v16 =	vadd.f32 v16, v18;
	v17 =	vadd.f32 v17, v19  }
0x17b: {  	v59 =	vld [tilespmem:s11+$0x160];
	v57 =	vadd.f32 v27, v53;
	v58 =	vadd.f32 v28, v54  }
0x17c: {  	v13 =	vadd.f32 v13, v16;
	v15 =	vadd.f32 v15, v17;
	v16 =	vld [tilespmem:s11+$0x170]  }
0x17d: {  	v61 =	vld [tilespmem:s11+$0x1A0];
	v17 =	vadd.f32 v51, v57;
	v60 =	vadd.f32 v52, v58  }
0x17e: {  	v13 =	vadd.f32 v6, v13;
	v12 =	vadd.f32 v12, v15;
	v15 =	vld [tilespmem:s11+$0x1B0]  }
0x17f: {  	v17 =	vadd.f32 v55, v17;
	v18 =	vadd.f32 v56, v60;
	v6 =	vld [tilespmem:s11+$0x1E0]  }
0x180: {  	v13 =	vadd.f32 v7, v13;
	v12 =	vadd.f32 v9, v12;
	v9 =	vld [tilespmem:s11+$0x1F0]  }
0x181: {  	v17 =	vadd.f32 v59, v17;
	v7 =	vld [tilespmem:s11+$0x220];
	v16 =	vadd.f32 v16, v18  }
0x182: {  	v62 =	vadd.f32 v8, v13;
	v63 =	vadd.f32 v10, v12;
	v10 =	vld [tilespmem:s11+$0x230]  }
0x183: {  	v13 =	vadd.f32 v61, v17;
	v8 =	vld [tilespmem:s11+$0x260];
	v12 =	vadd.f32 v15, v16  }
0x184: {  	s31 =	simm.s32 $0x0;
	s1 =	simm.s32 $0xCE80;
	v15 =	vadd.f32 v11, v62;
	v14 =	vadd.f32 v14, v63;
	v11 =	vld [tilespmem:s11+$0x270]  }
.LBB2_7:
0x185: {  	v16 =	vld [tilespmem:s1+$0x240];
	v6 =	vadd.f32 v6, v13;
	v9 =	vadd.f32 v9, v12  }
0x186: {  	v12 =	vld [tilespmem:s1+$0x250];
	v13 =	vadd.f32 v4, v15;
	v14 =	vadd.f32 v5, v14  }
0x187: {  	v4 =	vld [tilespmem:s1+$0x200];
	v6 =	vadd.f32 v7, v6;
	v7 =	vadd.f32 v10, v9  }
0x188: {  	v5 =	vld [tilespmem:s1+$0x210];
	v9 =	vadd.f32 v2, v13;
	v10 =	vadd.f32 v3, v14  }
0x189: {  	v14 =	vld [tilespmem:s1+$0x1C0];
	v6 =	vadd.f32 v8, v6;
	v7 =	vadd.f32 v11, v7  }
0x18a: {  	v11 =	vld [tilespmem:s1+$0x1D0];
	v2 =	vmov v16  }
0x18b: {  	v8 =	vld [tilespmem:s1+$0x180];
	v3 =	vmov v12  }
0x18c: {  	v12 =	vld [tilespmem:s1+$0x190]  }
0x18d: {  	v13 =	vld [tilespmem:s1+$0x140]  }
0x18e: {  	v15 =	vld [tilespmem:s1+$0x150]  }
0x18f: {  	v16 =	vld [tilespmem:s1+$0x100]  }
0x190: {  	v17 =	vld [tilespmem:s1+$0x110]  }
0x191: {  	v18 =	vld [tilespmem:s1+$0xC0]  }
0x192: {  	v19 =	vld [tilespmem:s1+$0xD0]  }
0x193: {  	v20 =	vld [tilespmem:s1+$0x80]  }
0x194: {  	v21 =	vld [tilespmem:s1+$0x90]  }
0x195: {  	v22 =	vld [tilespmem:s1+$0x40]  }
0x196: {  	v23 =	vld [tilespmem:s1+$0x50]  }
0x197: {  	v24 =	vld [tilespmem:s1+$0x0]  }
0x198: {  	v25 =	vld [tilespmem:s1+$0x10]  }
0x199: {  	v26 =	vld [tilespmem:s1+$0x20]  }
0x19a: {  	s31 =	sadd.s32 $0xA, s31;
	v27 =	vld [tilespmem:s1+$0x30]  }
0x19b: {  	p1 =	slt.u32 s31, $0xBE;
	v28 =	vld [tilespmem:s1+$0x60]  }
0x19c: {  	v29 =	vld [tilespmem:s1+$0x70]  }
0x19d: {  	v30 =	vld [tilespmem:s1+$0xA0]  }
0x19e: {  	v9 =	vadd.f32 v24, v9;
	v10 =	vadd.f32 v25, v10;
	v24 =	vld [tilespmem:s1+$0xB0]  }
0x19f: {  	v6 =	vadd.f32 v26, v6;
	v7 =	vadd.f32 v27, v7;
	v25 =	vld [tilespmem:s1+$0xE0]  }
0x1a0: {  	v9 =	vadd.f32 v22, v9;
	v10 =	vadd.f32 v23, v10;
	v22 =	vld [tilespmem:s1+$0xF0]  }
0x1a1: {  	v6 =	vadd.f32 v28, v6;
	v7 =	vadd.f32 v29, v7;
	v23 =	vld [tilespmem:s1+$0x120]  }
0x1a2: {  	v9 =	vadd.f32 v20, v9;
	v10 =	vadd.f32 v21, v10;
	v20 =	vld [tilespmem:s1+$0x130]  }
0x1a3: {  	v6 =	vadd.f32 v30, v6;
	v7 =	vadd.f32 v24, v7;
	v21 =	vld [tilespmem:s1+$0x160]  }
0x1a4: {  	v9 =	vadd.f32 v18, v9;
	v10 =	vadd.f32 v19, v10;
	v18 =	vld [tilespmem:s1+$0x170]  }
0x1a5: {  	v6 =	vadd.f32 v25, v6;
	v7 =	vadd.f32 v22, v7;
	v19 =	vld [tilespmem:s1+$0x1A0]  }
0x1a6: {  	v9 =	vadd.f32 v16, v9;
	v10 =	vadd.f32 v17, v10;
	v16 =	vld [tilespmem:s1+$0x1B0]  }
0x1a7: {  	v17 =	vadd.f32 v23, v6;
	v7 =	vadd.f32 v20, v7;
	v6 =	vld [tilespmem:s1+$0x1E0]  }
.Ltmp2:
0x1a8: {  	v13 =	vadd.f32 v13, v9;
	v10 =	vadd.f32 v15, v10;
	v9 =	vld [tilespmem:s1+$0x1F0];
	(pc) =	sbr.rel @p1 .LBB2_7-.Ltmp2, $4  }
0x1a9: {  	v15 =	vadd.f32 v21, v17;
	v17 =	vadd.f32 v18, v7;
	v7 =	vld [tilespmem:s1+$0x220]  }
0x1aa: {  	v18 =	vadd.f32 v8, v13;
	v20 =	vadd.f32 v12, v10;
	v10 =	vld [tilespmem:s1+$0x230]  }
0x1ab: {  	v13 =	vadd.f32 v19, v15;
	v12 =	vadd.f32 v16, v17;
	v8 =	vld [tilespmem:s1+$0x260]  }
0x1ac: {  	v15 =	vadd.f32 v14, v18;
	v14 =	vadd.f32 v11, v20;
	v11 =	vld [tilespmem:s1+$0x270];
	s1 =	sadd.s32 $0x280, s1  }
0x1ad: {  	v16 =	vld [tilespmem:$0x1F800]  }
0x1ae: {  	v6 =	vadd.f32 v6, v13;
	v13 =	vld [tilespmem:$0x1F810];
	v4 =	vadd.f32 v4, v15  }
0x1af: {  	v9 =	vadd.f32 v9, v12;
	v12 =	vld [tilespmem:$0x1F820];
	v5 =	vadd.f32 v5, v14  }
0x1b0: {  	v6 =	vadd.f32 v7, v6;
	v2 =	vadd.f32 v2, v4;
	v4 =	vld [tilespmem:$0x1F830]  }
0x1b1: {  	v7 =	vadd.f32 v10, v9;
	v3 =	vadd.f32 v3, v5;
	v5 =	vld [tilespmem:$0x1F840]  }
0x1b2: {  	v9 =	vld [tilespmem:$0x1F850];
	v6 =	vadd.f32 v8, v6;
	v8 =	vmul.f32 v16, v2  }
0x1b3: {  	v7 =	vadd.f32 v11, v7;
	v11 =	vld [tilespmem:$0x1F860];
	v10 =	vmul.f32 v13, v3  }
0x1b4: {  	(xrf2) =	vadd.scan.msk.f32 $0xffff, v8;
	v8 =	vmul.f32 v12, v6;
	v12 =	vld [tilespmem:$0x1F870]  }
0x1b5: {  	(xrf2) =	vadd.scan.msk.f32 $0xffff, v10;
	v4 =	vmul.f32 v4, v7;
	v10 =	vld [tilespmem:$0x1F880]  }
0x1b6: {  	v5 =	vmul.f32 v5, v2;
	(xrf2) =	vadd.scan.msk.f32 $0xffff, v8;
	v8 =	vld [tilespmem:$0x1F890]  }
0x1b7: {  	(xrf2) =	vadd.scan.msk.f32 $0xffff, v4;
	v4 =	vmul.f32 v9, v3  }
0x1b8: {  	v9 =	vld [tilespmem:$0x1F8A0];
	(xrf2) =	vadd.scan.msk.f32 $0xffff, v5;
	v5 =	vmul.f32 v11, v6  }
0x1b9: {  	(xrf2) =	vadd.scan.msk.f32 $0xffff, v4  }
0x1ba: {  	v4 =	vmul.f32 v12, v7;
	(xrf2) =	vadd.scan.msk.f32 $0xffff, v5;
	v5 =	vld [tilespmem:$0x1F8B0]  }
0x1bb: {  	v2 =	vmul.f32 v10, v2;
	v3 =	vmul.f32 v8, v3  }
0x1bc: {  	(xrf2) =	vadd.scan.msk.f32 $0xffff, v4  }
0x1bd: {  	(xrf2) =	vadd.scan.msk.f32 $0xffff, v2;
	v2 =	vmul.f32 v9, v6  }
0x1be: {  	(xrf2) =	vadd.scan.msk.f32 $0xffff, v3  }
0x1bf: {  	v3, _, _ =	vpop (xrf2);
	(xrf2) =	vadd.scan.msk.f32 $0xffff, v2;
	v2 =	vmul.f32 v5, v7  }
0x1c0: {  	(v2sf) =	vpush v3, $0xF;
	v3, _, _ =	vpop (xrf2)  }
0x1c1: {  	v4, _, _ =	vpop (xrf2);
	(v2sf) =	vpush v3, $0xF  }
0x1c2: {  	(xrf2) =	vadd.scan.msk.f32 $0xffff, v2;
	(v2sf) =	vpush v4, $0xF;
	v3, _, _ =	vpop (xrf2)  }
0x1c3: {  	v2, _, _ =	vpop (xrf2);
	(v2sf) =	vpush v3, $0xF  }
0x1c4: {  	v3, _, _ =	vpop (xrf2);
	(v2sf) =	vpush v2, $0xF  }
0x1c5: {  	v2, _, _ =	vpop (xrf2);
	(v2sf) =	vpush v3, $0xF  }
0x1c6: {  	v3, _, _ =	vpop (xrf2);
	(v2sf) =	vpush v2, $0xF  }
0x1c7: {  	v2, _, _ =	vpop (xrf2);
	(v2sf) =	vpush v3, $0xF  }
0x1c8: {  	v3, _, _ =	vpop (xrf2);
	(v2sf) =	vpush v2, $0xF  }
0x1c9: {  	(v2sf) =	vpush v3, $0xF  }
0x1ca: {  	v2, _, _ =	vpop (xrf2)  }
0x1cb: {  	(v2sf) =	vpush v2, $0xF  }
0x1cc: {  	v2, _, _ =	vpop (xrf2)  }
0x1cd: {  	(v2sf) =	vpush v2, $0xF;
	_ =	sdelay $0x1  }
0x1ce: {  	s0 =	spop (v2sf)  }
0x1cf: {  	s1 =	spop (v2sf)  }
0x1d0: {  	s2 =	spop (v2sf)  }
0x1d1: {  	s5 =	spop (v2sf)  }
0x1d2: {  	s10 =	spop (v2sf)  }
0x1d3: {  	s11 =	spop (v2sf)  }
0x1d4: {  	s31 =	spop (v2sf)  }
0x1d5: {  	s0 =	sadd.f32 s1, s0;
	s6 =	spop (v2sf)  }
0x1d6: {  	s1 =	spop (v2sf)  }
0x1d7: {  	s0 =	sadd.f32 s2, s0;
	s2 =	spop (v2sf)  }
0x1d8: {  	s1 =	sadd.f32 s2, s1  }
0x1d9: {  	s2 =	sadd.f32 s11, s10;
	s11 =	spop (v2sf)  }
0x1da: {  	s1 =	sadd.f32 s11, s1  }
0x1db: {  	s2 =	sadd.f32 s31, s2;
	s11 =	spop (v2sf)  }
0x1dc: {  	s1 =	sadd.f32 s11, s1  }
0x1dd: {  	s0 =	sadd.f32 s5, s0  }
0x1de: {  	s2 =	sadd.f32 s6, s2;
	s1 =	smul.f32 $4.999999890e-03, s1  }
0x1df: {  	s0 =	smul.f32 $4.999999890e-03, s0;
	s10 =	sor.u32 $0x6, s30  }
0x1e0: {  	v2 =	vadd.s32 s10, v0;
	s2 =	smul.f32 $4.999999890e-03, s2;
	s1 =	sadd.f32 s1, s25  }
0x1e1: {  	s0 =	sadd.f32 s0, s23  }
0x1e2: {  	vm0 =	veq.s32 v0, $0x0;
	s2 =	sadd.f32 s2, s24;
	v3 =	vmov s1  }
0x1e3: {  	vm15 =	veq.s32 v0, $0x1;
	v3 =	vsel vm0, s0, v3  }
0x1e4: {  	v3 =	vsel vm15, s2, v3  }
0x1e5: {  	s11 =	simm.s32 $0xFE00;
	[tilespmem:v2+s18+$0x0] =	vst.idx.msk $0x7, v3  }
0x1e6: {  	v2 =	vld [tilespmem:s11+$0x240]  }
0x1e7: {  	v3 =	vld [tilespmem:s11+$0x250]  }
0x1e8: {  	v4 =	vld [tilespmem:s11+$0x200]  }
0x1e9: {  	v5 =	vld [tilespmem:s11+$0x210]  }
0x1ea: {  	v11 =	vld [tilespmem:s11+$0x1C0]  }
0x1eb: {  	v14 =	vld [tilespmem:s11+$0x1D0]  }
0x1ec: {  	v8 =	vld [tilespmem:s11+$0x180]  }
0x1ed: {  	v10 =	vld [tilespmem:s11+$0x190]  }
0x1ee: {  	v7 =	vld [tilespmem:s11+$0x140]  }
0x1ef: {  	v9 =	vld [tilespmem:s11+$0x150]  }
0x1f0: {  	v6 =	vld [tilespmem:s11+$0x100]  }
0x1f1: {  	v12 =	vld [tilespmem:s11+$0x110]  }
0x1f2: {  	v13 =	vld [tilespmem:s11+$0xC0]  }
0x1f3: {  	v15 =	vld [tilespmem:s11+$0xD0]  }
0x1f4: {  	v16 =	vld [tilespmem:s11+$0x80]  }
0x1f5: {  	v17 =	vld [tilespmem:s11+$0x90]  }
0x1f6: {  	v18 =	vld [tilespmem:s11+$0x40]  }
0x1f7: {  	v19 =	vld [tilespmem:s11+$0x50]  }
0x1f8: {  	v20 =	vld [tilespmem:s11+$0x0]  }
0x1f9: {  	v21 =	vld [tilespmem:s11+$0x10]  }
0x1fa: {  	v22 =	vld [tilespmem:s11+$0x20]  }
0x1fb: {  	v23 =	vld [tilespmem:s11+$0x30]  }
0x1fc: {  	v24 =	vld [tilespmem:s11+$0x60]  }
0x1fd: {  	v25 =	vld [tilespmem:s11+$0x70]  }
0x1fe: {  	v26 =	vimm.f32 $0.0e+00;
	v27 =	vld [tilespmem:s11+$0xA0]  }
0x1ff: {  	v28 =	vld [tilespmem:s11+$0xB0];
	v20 =	vadd.f32 v20, v26;
	v21 =	vadd.f32 v21, v26  }
0x200: {  	v51 =	vld [tilespmem:s11+$0xE0];
	v22 =	vadd.f32 v22, v26;
	v23 =	vadd.f32 v23, v26  }
0x201: {  	v52 =	vld [tilespmem:s11+$0xF0];
	v18 =	vadd.f32 v18, v20;
	v19 =	vadd.f32 v19, v21  }
0x202: {  	v55 =	vld [tilespmem:s11+$0x120];
	v53 =	vadd.f32 v24, v22;
	v54 =	vadd.f32 v25, v23  }
0x203: {  	v56 =	vld [tilespmem:s11+$0x130];
	v16 =	vadd.f32 v16, v18;
	v17 =	vadd.f32 v17, v19  }
0x204: {  	v59 =	vld [tilespmem:s11+$0x160];
	v57 =	vadd.f32 v27, v53;
	v58 =	vadd.f32 v28, v54  }
0x205: {  	v13 =	vadd.f32 v13, v16;
	v15 =	vadd.f32 v15, v17;
	v16 =	vld [tilespmem:s11+$0x170]  }
0x206: {  	v61 =	vld [tilespmem:s11+$0x1A0];
	v17 =	vadd.f32 v51, v57;
	v60 =	vadd.f32 v52, v58  }
0x207: {  	v13 =	vadd.f32 v6, v13;
	v12 =	vadd.f32 v12, v15;
	v15 =	vld [tilespmem:s11+$0x1B0]  }
0x208: {  	v17 =	vadd.f32 v55, v17;
	v18 =	vadd.f32 v56, v60;
	v6 =	vld [tilespmem:s11+$0x1E0]  }
0x209: {  	v13 =	vadd.f32 v7, v13;
	v12 =	vadd.f32 v9, v12;
	v9 =	vld [tilespmem:s11+$0x1F0]  }
0x20a: {  	v17 =	vadd.f32 v59, v17;
	v7 =	vld [tilespmem:s11+$0x220];
	v16 =	vadd.f32 v16, v18  }
0x20b: {  	v62 =	vadd.f32 v8, v13;
	v63 =	vadd.f32 v10, v12;
	v10 =	vld [tilespmem:s11+$0x230]  }
0x20c: {  	v13 =	vadd.f32 v61, v17;
	v8 =	vld [tilespmem:s11+$0x260];
	v12 =	vadd.f32 v15, v16  }
0x20d: {  	s31 =	simm.s32 $0x0;
	s1 =	simm.s32 $0x10080;
	v15 =	vadd.f32 v11, v62;
	v14 =	vadd.f32 v14, v63;
	v11 =	vld [tilespmem:s11+$0x270]  }
.LBB2_9:
0x20e: {  	v16 =	vld [tilespmem:s1+$0x240];
	v6 =	vadd.f32 v6, v13;
	v9 =	vadd.f32 v9, v12  }
0x20f: {  	v12 =	vld [tilespmem:s1+$0x250];
	v13 =	vadd.f32 v4, v15;
	v14 =	vadd.f32 v5, v14  }
0x210: {  	v4 =	vld [tilespmem:s1+$0x200];
	v6 =	vadd.f32 v7, v6;
	v7 =	vadd.f32 v10, v9  }
0x211: {  	v5 =	vld [tilespmem:s1+$0x210];
	v9 =	vadd.f32 v2, v13;
	v10 =	vadd.f32 v3, v14  }
0x212: {  	v14 =	vld [tilespmem:s1+$0x1C0];
	v6 =	vadd.f32 v8, v6;
	v7 =	vadd.f32 v11, v7  }
0x213: {  	v11 =	vld [tilespmem:s1+$0x1D0];
	v2 =	vmov v16  }
0x214: {  	v8 =	vld [tilespmem:s1+$0x180];
	v3 =	vmov v12  }
0x215: {  	v12 =	vld [tilespmem:s1+$0x190]  }
0x216: {  	v13 =	vld [tilespmem:s1+$0x140]  }
0x217: {  	v15 =	vld [tilespmem:s1+$0x150]  }
0x218: {  	v16 =	vld [tilespmem:s1+$0x100]  }
0x219: {  	v17 =	vld [tilespmem:s1+$0x110]  }
0x21a: {  	v18 =	vld [tilespmem:s1+$0xC0]  }
0x21b: {  	v19 =	vld [tilespmem:s1+$0xD0]  }
0x21c: {  	v20 =	vld [tilespmem:s1+$0x80]  }
0x21d: {  	v21 =	vld [tilespmem:s1+$0x90]  }
0x21e: {  	v22 =	vld [tilespmem:s1+$0x40]  }
0x21f: {  	v23 =	vld [tilespmem:s1+$0x50]  }
0x220: {  	v24 =	vld [tilespmem:s1+$0x0]  }
0x221: {  	v25 =	vld [tilespmem:s1+$0x10]  }
0x222: {  	v26 =	vld [tilespmem:s1+$0x20]  }
0x223: {  	s31 =	sadd.s32 $0xA, s31;
	v27 =	vld [tilespmem:s1+$0x30]  }
0x224: {  	p1 =	slt.u32 s31, $0xBE;
	v28 =	vld [tilespmem:s1+$0x60]  }
0x225: {  	v29 =	vld [tilespmem:s1+$0x70]  }
0x226: {  	v30 =	vld [tilespmem:s1+$0xA0]  }
0x227: {  	v9 =	vadd.f32 v24, v9;
	v10 =	vadd.f32 v25, v10;
	v24 =	vld [tilespmem:s1+$0xB0]  }
0x228: {  	v6 =	vadd.f32 v26, v6;
	v7 =	vadd.f32 v27, v7;
	v25 =	vld [tilespmem:s1+$0xE0]  }
0x229: {  	v9 =	vadd.f32 v22, v9;
	v10 =	vadd.f32 v23, v10;
	v22 =	vld [tilespmem:s1+$0xF0]  }
0x22a: {  	v6 =	vadd.f32 v28, v6;
	v7 =	vadd.f32 v29, v7;
	v23 =	vld [tilespmem:s1+$0x120]  }
0x22b: {  	v9 =	vadd.f32 v20, v9;
	v10 =	vadd.f32 v21, v10;
	v20 =	vld [tilespmem:s1+$0x130]  }
0x22c: {  	v6 =	vadd.f32 v30, v6;
	v7 =	vadd.f32 v24, v7;
	v21 =	vld [tilespmem:s1+$0x160]  }
0x22d: {  	v9 =	vadd.f32 v18, v9;
	v10 =	vadd.f32 v19, v10;
	v18 =	vld [tilespmem:s1+$0x170]  }
0x22e: {  	v6 =	vadd.f32 v25, v6;
	v7 =	vadd.f32 v22, v7;
	v19 =	vld [tilespmem:s1+$0x1A0]  }
0x22f: {  	v9 =	vadd.f32 v16, v9;
	v10 =	vadd.f32 v17, v10;
	v16 =	vld [tilespmem:s1+$0x1B0]  }
0x230: {  	v17 =	vadd.f32 v23, v6;
	v7 =	vadd.f32 v20, v7;
	v6 =	vld [tilespmem:s1+$0x1E0]  }
.Ltmp3:
0x231: {  	v13 =	vadd.f32 v13, v9;
	v10 =	vadd.f32 v15, v10;
	v9 =	vld [tilespmem:s1+$0x1F0];
	(pc) =	sbr.rel @p1 .LBB2_9-.Ltmp3, $4  }
0x232: {  	v15 =	vadd.f32 v21, v17;
	v17 =	vadd.f32 v18, v7;
	v7 =	vld [tilespmem:s1+$0x220]  }
0x233: {  	v18 =	vadd.f32 v8, v13;
	v20 =	vadd.f32 v12, v10;
	v10 =	vld [tilespmem:s1+$0x230]  }
0x234: {  	v13 =	vadd.f32 v19, v15;
	v12 =	vadd.f32 v16, v17;
	v8 =	vld [tilespmem:s1+$0x260]  }
0x235: {  	v15 =	vadd.f32 v14, v18;
	v14 =	vadd.f32 v11, v20;
	v11 =	vld [tilespmem:s1+$0x270];
	s1 =	sadd.s32 $0x280, s1  }
0x236: {  	v16 =	vld [tilespmem:$0x1F800]  }
0x237: {  	v6 =	vadd.f32 v6, v13;
	v13 =	vld [tilespmem:$0x1F810];
	v4 =	vadd.f32 v4, v15  }
0x238: {  	v9 =	vadd.f32 v9, v12;
	v12 =	vld [tilespmem:$0x1F820];
	v5 =	vadd.f32 v5, v14  }
0x239: {  	v6 =	vadd.f32 v7, v6;
	v2 =	vadd.f32 v2, v4;
	v4 =	vld [tilespmem:$0x1F830]  }
0x23a: {  	v7 =	vadd.f32 v10, v9;
	v3 =	vadd.f32 v3, v5;
	v5 =	vld [tilespmem:$0x1F840]  }
0x23b: {  	v9 =	vld [tilespmem:$0x1F850];
	v6 =	vadd.f32 v8, v6;
	v8 =	vmul.f32 v16, v2  }
0x23c: {  	v7 =	vadd.f32 v11, v7;
	v11 =	vld [tilespmem:$0x1F860];
	v10 =	vmul.f32 v13, v3  }
0x23d: {  	(xrf2) =	vadd.scan.msk.f32 $0xffff, v8;
	v8 =	vmul.f32 v12, v6;
	v12 =	vld [tilespmem:$0x1F870]  }
0x23e: {  	(xrf2) =	vadd.scan.msk.f32 $0xffff, v10;
	v4 =	vmul.f32 v4, v7;
	v10 =	vld [tilespmem:$0x1F880]  }
0x23f: {  	v5 =	vmul.f32 v5, v2;
	(xrf2) =	vadd.scan.msk.f32 $0xffff, v8;
	v8 =	vld [tilespmem:$0x1F890]  }
0x240: {  	(xrf2) =	vadd.scan.msk.f32 $0xffff, v4;
	v4 =	vmul.f32 v9, v3  }
0x241: {  	v9 =	vld [tilespmem:$0x1F8A0];
	(xrf2) =	vadd.scan.msk.f32 $0xffff, v5;
	v5 =	vmul.f32 v11, v6  }
0x242: {  	(xrf2) =	vadd.scan.msk.f32 $0xffff, v4  }
0x243: {  	v4 =	vmul.f32 v12, v7;
	(xrf2) =	vadd.scan.msk.f32 $0xffff, v5;
	v5 =	vld [tilespmem:$0x1F8B0]  }
0x244: {  	v2 =	vmul.f32 v10, v2;
	v3 =	vmul.f32 v8, v3  }
0x245: {  	(xrf2) =	vadd.scan.msk.f32 $0xffff, v4  }
0x246: {  	(xrf2) =	vadd.scan.msk.f32 $0xffff, v2;
	v2 =	vmul.f32 v9, v6  }
0x247: {  	(xrf2) =	vadd.scan.msk.f32 $0xffff, v3  }
0x248: {  	v3, _, _ =	vpop (xrf2);
	(xrf2) =	vadd.scan.msk.f32 $0xffff, v2;
	v2 =	vmul.f32 v5, v7  }
0x249: {  	(v2sf) =	vpush v3, $0xF;
	v3, _, _ =	vpop (xrf2)  }
0x24a: {  	v4, _, _ =	vpop (xrf2);
	(v2sf) =	vpush v3, $0xF  }
0x24b: {  	(xrf2) =	vadd.scan.msk.f32 $0xffff, v2;
	(v2sf) =	vpush v4, $0xF;
	v3, _, _ =	vpop (xrf2)  }
0x24c: {  	v2, _, _ =	vpop (xrf2);
	(v2sf) =	vpush v3, $0xF  }
0x24d: {  	v3, _, _ =	vpop (xrf2);
	(v2sf) =	vpush v2, $0xF  }
0x24e: {  	v2, _, _ =	vpop (xrf2);
	(v2sf) =	vpush v3, $0xF  }
0x24f: {  	v3, _, _ =	vpop (xrf2);
	(v2sf) =	vpush v2, $0xF  }
0x250: {  	v2, _, _ =	vpop (xrf2);
	(v2sf) =	vpush v3, $0xF  }
0x251: {  	v3, _, _ =	vpop (xrf2);
	(v2sf) =	vpush v2, $0xF  }
0x252: {  	(v2sf) =	vpush v3, $0xF  }
0x253: {  	v2, _, _ =	vpop (xrf2)  }
0x254: {  	(v2sf) =	vpush v2, $0xF  }
0x255: {  	v2, _, _ =	vpop (xrf2)  }
0x256: {  	(v2sf) =	vpush v2, $0xF;
	_ =	sdelay $0x1  }
0x257: {  	s0 =	spop (v2sf)  }
0x258: {  	s1 =	spop (v2sf)  }
0x259: {  	s2 =	spop (v2sf)  }
0x25a: {  	s5 =	spop (v2sf)  }
0x25b: {  	s6 =	spop (v2sf)  }
0x25c: {  	s10 =	spop (v2sf)  }
0x25d: {  	s11 =	spop (v2sf)  }
0x25e: {  	s0 =	sadd.f32 s1, s0;
	s31 =	spop (v2sf)  }
0x25f: {  	s1 =	spop (v2sf)  }
0x260: {  	s0 =	sadd.f32 s2, s0;
	s2 =	spop (v2sf)  }
0x261: {  	s1 =	sadd.f32 s2, s1  }
0x262: {  	s2 =	sadd.f32 s10, s6;
	s10 =	spop (v2sf)  }
0x263: {  	s1 =	sadd.f32 s10, s1  }
0x264: {  	s2 =	sadd.f32 s11, s2;
	s11 =	spop (v2sf)  }
0x265: {  	s1 =	sadd.f32 s11, s1  }
0x266: {  	s0 =	sadd.f32 s5, s0  }
0x267: {  	s2 =	sadd.f32 s31, s2;
	s1 =	smul.f32 $4.999999890e-03, s1  }
0x268: {  	s0 =	smul.f32 $4.999999890e-03, s0;
	s10 =	sadd.s32 $0x9, s30  }
0x269: {  	v2 =	vadd.s32 s10, v0;
	s2 =	smul.f32 $4.999999890e-03, s2;
	s1 =	sadd.f32 s1, s25  }
0x26a: {  	s0 =	sadd.f32 s0, s23  }
0x26b: {  	vm0 =	veq.s32 v0, $0x0;
	s2 =	sadd.f32 s2, s24;
	v3 =	vmov s1  }
0x26c: {  	vm15 =	veq.s32 v0, $0x1;
	v3 =	vsel vm0, s0, v3  }
0x26d: {  	v3 =	vsel vm15, s2, v3  }
0x26e: {  	s1 =	simm.s32 @!p0 $0x64;
	s0 =	sadd.s32 @!p0 $0x820, s29;
	s2 =	simm.s32 @!p0 $0xCC00;
	[tilespmem:v2+s18+$0x0] =	vst.idx.msk $0x7, v3  }
0x26f: {  	[tilespmem:s2], [sflag:$0x2] =	stream.indirect.gather @!p0 [hbm4b:s4+s1], $0x40, s0, s1, $0xb8;
	[tilespmem:$0x1FA50] =	vst v63  }
0x270: {  	s0 =	sadd.s32 @!p0 $0x888, s29;
	s2 =	simm.s32 @!p0 $0xE500  }
0x271: {  	[tilespmem:s2], [sflag:$0x2] =	stream.indirect.gather @!p0 [hbm4b:s4+s1], $0x40, s0, s1, $0xb8;
	[tilespmem:$0x1FA50] =	vst v63  }
0x272: {  	s0 =	sadd.s32 @!p0 $0x8F0, s29;
	s2 =	simm.s32 @!p0 $0xFE00  }
0x273: {  	[tilespmem:s2], [sflag:$0x2] =	stream.indirect.gather @!p0 [hbm4b:s4+s1], $0x40, s0, s1, $0xb8;
	[tilespmem:$0x1FA50] =	vst v63  }
0x274: {  	s0 =	sadd.s32 @!p0 $0x958, s29;
	s2 =	simm.s32 @!p0 $0x11700  }
0x275: {  	[tilespmem:s2], [sflag:$0x2] =	stream.indirect.gather @!p0 [hbm4b:s4+s1], $0x40, s0, s1, $0xb8;
	[tilespmem:$0x1FA50] =	vst v63  }
0x276: {  	_ =	swait.ge [sflag:s20], $0x6400  }
0x277: {  	[sflag:s20] =	ssyncset.done $0x0  }
0x278: {  	s11 =	simm.s32 $0x13000;
	[sflag:s20] =	ssyncadd.s32 $0xFFFF9C00  }
0x279: {  	v2 =	vld [tilespmem:s11+$0x240]  }
0x27a: {  	v3 =	vld [tilespmem:s11+$0x250]  }
0x27b: {  	v4 =	vld [tilespmem:s11+$0x200]  }
0x27c: {  	v5 =	vld [tilespmem:s11+$0x210]  }
0x27d: {  	v11 =	vld [tilespmem:s11+$0x1C0]  }
0x27e: {  	v14 =	vld [tilespmem:s11+$0x1D0]  }
0x27f: {  	v8 =	vld [tilespmem:s11+$0x180]  }
0x280: {  	v10 =	vld [tilespmem:s11+$0x190]  }
0x281: {  	v7 =	vld [tilespmem:s11+$0x140]  }
0x282: {  	v9 =	vld [tilespmem:s11+$0x150]  }
0x283: {  	v6 =	vld [tilespmem:s11+$0x100]  }
0x284: {  	v12 =	vld [tilespmem:s11+$0x110]  }
0x285: {  	v13 =	vld [tilespmem:s11+$0xC0]  }
0x286: {  	v15 =	vld [tilespmem:s11+$0xD0]  }
0x287: {  	v16 =	vld [tilespmem:s11+$0x80]  }
0x288: {  	v17 =	vld [tilespmem:s11+$0x90]  }
0x289: {  	v18 =	vld [tilespmem:s11+$0x40]  }
0x28a: {  	v19 =	vld [tilespmem:s11+$0x50]  }
0x28b: {  	v20 =	vld [tilespmem:s11+$0x0]  }
0x28c: {  	v21 =	vld [tilespmem:s11+$0x10]  }
0x28d: {  	v22 =	vld [tilespmem:s11+$0x20]  }
0x28e: {  	v23 =	vld [tilespmem:s11+$0x30]  }
0x28f: {  	v24 =	vld [tilespmem:s11+$0x60]  }
0x290: {  	v25 =	vld [tilespmem:s11+$0x70]  }
0x291: {  	v26 =	vimm.f32 $0.0e+00;
	v27 =	vld [tilespmem:s11+$0xA0]  }
0x292: {  	v28 =	vld [tilespmem:s11+$0xB0];
	v20 =	vadd.f32 v20, v26;
	v21 =	vadd.f32 v21, v26  }
0x293: {  	v51 =	vld [tilespmem:s11+$0xE0];
	v22 =	vadd.f32 v22, v26;
	v23 =	vadd.f32 v23, v26  }
0x294: {  	v52 =	vld [tilespmem:s11+$0xF0];
	v18 =	vadd.f32 v18, v20;
	v19 =	vadd.f32 v19, v21  }
0x295: {  	v55 =	vld [tilespmem:s11+$0x120];
	v53 =	vadd.f32 v24, v22;
	v54 =	vadd.f32 v25, v23  }
0x296: {  	v56 =	vld [tilespmem:s11+$0x130];
	v16 =	vadd.f32 v16, v18;
	v17 =	vadd.f32 v17, v19  }
0x297: {  	v59 =	vld [tilespmem:s11+$0x160];
	v57 =	vadd.f32 v27, v53;
	v58 =	vadd.f32 v28, v54  }
0x298: {  	v13 =	vadd.f32 v13, v16;
	v15 =	vadd.f32 v15, v17;
	v16 =	vld [tilespmem:s11+$0x170]  }
0x299: {  	v61 =	vld [tilespmem:s11+$0x1A0];
	v17 =	vadd.f32 v51, v57;
	v60 =	vadd.f32 v52, v58  }
0x29a: {  	v13 =	vadd.f32 v6, v13;
	v12 =	vadd.f32 v12, v15;
	v15 =	vld [tilespmem:s11+$0x1B0]  }
0x29b: {  	v17 =	vadd.f32 v55, v17;
	v18 =	vadd.f32 v56, v60;
	v6 =	vld [tilespmem:s11+$0x1E0]  }
0x29c: {  	v13 =	vadd.f32 v7, v13;
	v12 =	vadd.f32 v9, v12;
	v9 =	vld [tilespmem:s11+$0x1F0]  }
0x29d: {  	v17 =	vadd.f32 v59, v17;
	v7 =	vld [tilespmem:s11+$0x220];
	v16 =	vadd.f32 v16, v18  }
0x29e: {  	v62 =	vadd.f32 v8, v13;
	v63 =	vadd.f32 v10, v12;
	v10 =	vld [tilespmem:s11+$0x230]  }
0x29f: {  	v13 =	vadd.f32 v61, v17;
	v8 =	vld [tilespmem:s11+$0x260];
	v12 =	vadd.f32 v15, v16  }
0x2a0: {  	s31 =	simm.s32 $0x0;
	s1 =	simm.s32 $0x13280;
	v15 =	vadd.f32 v11, v62;
	v14 =	vadd.f32 v14, v63;
	v11 =	vld [tilespmem:s11+$0x270]  }
.LBB2_11:
0x2a1: {  	v16 =	vld [tilespmem:s1+$0x240];
	v6 =	vadd.f32 v6, v13;
	v9 =	vadd.f32 v9, v12  }
0x2a2: {  	v12 =	vld [tilespmem:s1+$0x250];
	v13 =	vadd.f32 v4, v15;
	v14 =	vadd.f32 v5, v14  }
0x2a3: {  	v4 =	vld [tilespmem:s1+$0x200];
	v6 =	vadd.f32 v7, v6;
	v7 =	vadd.f32 v10, v9  }
0x2a4: {  	v5 =	vld [tilespmem:s1+$0x210];
	v9 =	vadd.f32 v2, v13;
	v10 =	vadd.f32 v3, v14  }
0x2a5: {  	v14 =	vld [tilespmem:s1+$0x1C0];
	v6 =	vadd.f32 v8, v6;
	v7 =	vadd.f32 v11, v7  }
0x2a6: {  	v11 =	vld [tilespmem:s1+$0x1D0];
	v2 =	vmov v16  }
0x2a7: {  	v8 =	vld [tilespmem:s1+$0x180];
	v3 =	vmov v12  }
0x2a8: {  	v12 =	vld [tilespmem:s1+$0x190]  }
0x2a9: {  	v13 =	vld [tilespmem:s1+$0x140]  }
0x2aa: {  	v15 =	vld [tilespmem:s1+$0x150]  }
0x2ab: {  	v16 =	vld [tilespmem:s1+$0x100]  }
0x2ac: {  	v17 =	vld [tilespmem:s1+$0x110]  }
0x2ad: {  	v18 =	vld [tilespmem:s1+$0xC0]  }
0x2ae: {  	v19 =	vld [tilespmem:s1+$0xD0]  }
0x2af: {  	v20 =	vld [tilespmem:s1+$0x80]  }
0x2b0: {  	v21 =	vld [tilespmem:s1+$0x90]  }
0x2b1: {  	v22 =	vld [tilespmem:s1+$0x40]  }
0x2b2: {  	v23 =	vld [tilespmem:s1+$0x50]  }
0x2b3: {  	v24 =	vld [tilespmem:s1+$0x0]  }
0x2b4: {  	v25 =	vld [tilespmem:s1+$0x10]  }
0x2b5: {  	v26 =	vld [tilespmem:s1+$0x20]  }
0x2b6: {  	s31 =	sadd.s32 $0xA, s31;
	v27 =	vld [tilespmem:s1+$0x30]  }
0x2b7: {  	p1 =	slt.u32 s31, $0xBE;
	v28 =	vld [tilespmem:s1+$0x60]  }
0x2b8: {  	v29 =	vld [tilespmem:s1+$0x70]  }
0x2b9: {  	v30 =	vld [tilespmem:s1+$0xA0]  }
0x2ba: {  	v9 =	vadd.f32 v24, v9;
	v10 =	vadd.f32 v25, v10;
	v24 =	vld [tilespmem:s1+$0xB0]  }
0x2bb: {  	v6 =	vadd.f32 v26, v6;
	v7 =	vadd.f32 v27, v7;
	v25 =	vld [tilespmem:s1+$0xE0]  }
0x2bc: {  	v9 =	vadd.f32 v22, v9;
	v10 =	vadd.f32 v23, v10;
	v22 =	vld [tilespmem:s1+$0xF0]  }
0x2bd: {  	v6 =	vadd.f32 v28, v6;
	v7 =	vadd.f32 v29, v7;
	v23 =	vld [tilespmem:s1+$0x120]  }
0x2be: {  	v9 =	vadd.f32 v20, v9;
	v10 =	vadd.f32 v21, v10;
	v20 =	vld [tilespmem:s1+$0x130]  }
0x2bf: {  	v6 =	vadd.f32 v30, v6;
	v7 =	vadd.f32 v24, v7;
	v21 =	vld [tilespmem:s1+$0x160]  }
0x2c0: {  	v9 =	vadd.f32 v18, v9;
	v10 =	vadd.f32 v19, v10;
	v18 =	vld [tilespmem:s1+$0x170]  }
0x2c1: {  	v6 =	vadd.f32 v25, v6;
	v7 =	vadd.f32 v22, v7;
	v19 =	vld [tilespmem:s1+$0x1A0]  }
0x2c2: {  	v9 =	vadd.f32 v16, v9;
	v10 =	vadd.f32 v17, v10;
	v16 =	vld [tilespmem:s1+$0x1B0]  }
0x2c3: {  	v17 =	vadd.f32 v23, v6;
	v7 =	vadd.f32 v20, v7;
	v6 =	vld [tilespmem:s1+$0x1E0]  }
.Ltmp4:
0x2c4: {  	v13 =	vadd.f32 v13, v9;
	v10 =	vadd.f32 v15, v10;
	v9 =	vld [tilespmem:s1+$0x1F0];
	(pc) =	sbr.rel @p1 .LBB2_11-.Ltmp4, $4  }
0x2c5: {  	v15 =	vadd.f32 v21, v17;
	v17 =	vadd.f32 v18, v7;
	v7 =	vld [tilespmem:s1+$0x220]  }
0x2c6: {  	v18 =	vadd.f32 v8, v13;
	v20 =	vadd.f32 v12, v10;
	v10 =	vld [tilespmem:s1+$0x230]  }
0x2c7: {  	v13 =	vadd.f32 v19, v15;
	v12 =	vadd.f32 v16, v17;
	v8 =	vld [tilespmem:s1+$0x260]  }
0x2c8: {  	v15 =	vadd.f32 v14, v18;
	v14 =	vadd.f32 v11, v20;
	v11 =	vld [tilespmem:s1+$0x270];
	s1 =	sadd.s32 $0x280, s1  }
0x2c9: {  	v16 =	vld [tilespmem:$0x1F800]  }
0x2ca: {  	v6 =	vadd.f32 v6, v13;
	v13 =	vld [tilespmem:$0x1F810];
	v4 =	vadd.f32 v4, v15  }
0x2cb: {  	v9 =	vadd.f32 v9, v12;
	v12 =	vld [tilespmem:$0x1F820];
	v5 =	vadd.f32 v5, v14  }
0x2cc: {  	v6 =	vadd.f32 v7, v6;
	v2 =	vadd.f32 v2, v4;
	v4 =	vld [tilespmem:$0x1F830]  }
0x2cd: {  	v7 =	vadd.f32 v10, v9;
	v3 =	vadd.f32 v3, v5;
	v5 =	vld [tilespmem:$0x1F840]  }
0x2ce: {  	v9 =	vld [tilespmem:$0x1F850];
	v6 =	vadd.f32 v8, v6;
	v8 =	vmul.f32 v16, v2  }
0x2cf: {  	v7 =	vadd.f32 v11, v7;
	v11 =	vld [tilespmem:$0x1F860];
	v10 =	vmul.f32 v13, v3  }
0x2d0: {  	(xrf2) =	vadd.scan.msk.f32 $0xffff, v8;
	v8 =	vmul.f32 v12, v6;
	v12 =	vld [tilespmem:$0x1F870]  }
0x2d1: {  	(xrf2) =	vadd.scan.msk.f32 $0xffff, v10;
	v4 =	vmul.f32 v4, v7;
	v10 =	vld [tilespmem:$0x1F880]  }
0x2d2: {  	v5 =	vmul.f32 v5, v2;
	(xrf2) =	vadd.scan.msk.f32 $0xffff, v8;
	v8 =	vld [tilespmem:$0x1F890]  }
0x2d3: {  	(xrf2) =	vadd.scan.msk.f32 $0xffff, v4;
	v4 =	vmul.f32 v9, v3  }
0x2d4: {  	v9 =	vld [tilespmem:$0x1F8A0];
	(xrf2) =	vadd.scan.msk.f32 $0xffff, v5;
	v5 =	vmul.f32 v11, v6  }
0x2d5: {  	(xrf2) =	vadd.scan.msk.f32 $0xffff, v4  }
0x2d6: {  	v4 =	vmul.f32 v12, v7;
	(xrf2) =	vadd.scan.msk.f32 $0xffff, v5;
	v5 =	vld [tilespmem:$0x1F8B0]  }
0x2d7: {  	v2 =	vmul.f32 v10, v2;
	v3 =	vmul.f32 v8, v3  }
0x2d8: {  	(xrf2) =	vadd.scan.msk.f32 $0xffff, v4  }
0x2d9: {  	(xrf2) =	vadd.scan.msk.f32 $0xffff, v2;
	v2 =	vmul.f32 v9, v6  }
0x2da: {  	(xrf2) =	vadd.scan.msk.f32 $0xffff, v3  }
0x2db: {  	v3, _, _ =	vpop (xrf2);
	(xrf2) =	vadd.scan.msk.f32 $0xffff, v2;
	v2 =	vmul.f32 v5, v7  }
0x2dc: {  	(v2sf) =	vpush v3, $0xF;
	v3, _, _ =	vpop (xrf2)  }
0x2dd: {  	v4, _, _ =	vpop (xrf2);
	(v2sf) =	vpush v3, $0xF  }
0x2de: {  	(xrf2) =	vadd.scan.msk.f32 $0xffff, v2;
	(v2sf) =	vpush v4, $0xF;
	v3, _, _ =	vpop (xrf2)  }
0x2df: {  	v2, _, _ =	vpop (xrf2);
	(v2sf) =	vpush v3, $0xF  }
0x2e0: {  	v3, _, _ =	vpop (xrf2);
	(v2sf) =	vpush v2, $0xF  }
0x2e1: {  	v2, _, _ =	vpop (xrf2);
	(v2sf) =	vpush v3, $0xF  }
0x2e2: {  	v3, _, _ =	vpop (xrf2);
	(v2sf) =	vpush v2, $0xF  }
0x2e3: {  	v2, _, _ =	vpop (xrf2);
	(v2sf) =	vpush v3, $0xF  }
0x2e4: {  	v3, _, _ =	vpop (xrf2);
	(v2sf) =	vpush v2, $0xF  }
0x2e5: {  	(v2sf) =	vpush v3, $0xF  }
0x2e6: {  	v2, _, _ =	vpop (xrf2)  }
0x2e7: {  	(v2sf) =	vpush v2, $0xF  }
0x2e8: {  	v2, _, _ =	vpop (xrf2)  }
0x2e9: {  	(v2sf) =	vpush v2, $0xF;
	_ =	sdelay $0x1  }
0x2ea: {  	s0 =	spop (v2sf)  }
0x2eb: {  	s1 =	spop (v2sf)  }
0x2ec: {  	s2 =	spop (v2sf)  }
0x2ed: {  	s5 =	spop (v2sf)  }
0x2ee: {  	s6 =	spop (v2sf)  }
0x2ef: {  	s10 =	spop (v2sf)  }
0x2f0: {  	s11 =	spop (v2sf)  }
0x2f1: {  	s0 =	sadd.f32 s1, s0;
	s31 =	spop (v2sf)  }
0x2f2: {  	s1 =	spop (v2sf)  }
0x2f3: {  	s0 =	sadd.f32 s2, s0;
	s2 =	spop (v2sf)  }
0x2f4: {  	s1 =	sadd.f32 s2, s1  }
0x2f5: {  	s2 =	sadd.f32 s10, s6;
	s10 =	spop (v2sf)  }
0x2f6: {  	s1 =	sadd.f32 s10, s1  }
0x2f7: {  	s2 =	sadd.f32 s11, s2;
	s10 =	spop (v2sf)  }
0x2f8: {  	s1 =	sadd.f32 s10, s1  }
0x2f9: {  	s0 =	sadd.f32 s5, s0  }
0x2fa: {  	s2 =	sadd.f32 s31, s2;
	s1 =	smul.f32 $4.999999890e-03, s1  }
0x2fb: {  	s30 =	sadd.s32 $0xC, s30;
	s0 =	smul.f32 $4.999999890e-03, s0  }
0x2fc: {  	v2 =	vadd.s32 s30, v0;
	s2 =	smul.f32 $4.999999890e-03, s2;
	s1 =	sadd.f32 s1, s25  }
0x2fd: {  	s0 =	sadd.f32 s0, s23  }
0x2fe: {  	vm0 =	veq.s32 v0, $0x0;
	s2 =	sadd.f32 s2, s24;
	v3 =	vmov s1  }
0x2ff: {  	vm15 =	veq.s32 v0, $0x1;
	v3 =	vsel vm0, s0, v3  }
0x300: {  	v3 =	vsel vm15, s2, v3  }
0x301: {  	s11 =	simm.s32 $0x16200;
	[tilespmem:v2+s18+$0x0] =	vst.idx.msk $0x7, v3  }
0x302: {  	v2 =	vld [tilespmem:s11+$0x240]  }
0x303: {  	v3 =	vld [tilespmem:s11+$0x250]  }
0x304: {  	v4 =	vld [tilespmem:s11+$0x200]  }
0x305: {  	v5 =	vld [tilespmem:s11+$0x210]  }
0x306: {  	v11 =	vld [tilespmem:s11+$0x1C0]  }
0x307: {  	v14 =	vld [tilespmem:s11+$0x1D0]  }
0x308: {  	v8 =	vld [tilespmem:s11+$0x180]  }
0x309: {  	v10 =	vld [tilespmem:s11+$0x190]  }
0x30a: {  	v7 =	vld [tilespmem:s11+$0x140]  }
0x30b: {  	v9 =	vld [tilespmem:s11+$0x150]  }
0x30c: {  	v6 =	vld [tilespmem:s11+$0x100]  }
0x30d: {  	v12 =	vld [tilespmem:s11+$0x110]  }
0x30e: {  	v13 =	vld [tilespmem:s11+$0xC0]  }
0x30f: {  	v15 =	vld [tilespmem:s11+$0xD0]  }
0x310: {  	v16 =	vld [tilespmem:s11+$0x80]  }
0x311: {  	v17 =	vld [tilespmem:s11+$0x90]  }
0x312: {  	v18 =	vld [tilespmem:s11+$0x40]  }
0x313: {  	v19 =	vld [tilespmem:s11+$0x50]  }
0x314: {  	v20 =	vld [tilespmem:s11+$0x0]  }
0x315: {  	v21 =	vld [tilespmem:s11+$0x10]  }
0x316: {  	v22 =	vld [tilespmem:s11+$0x20]  }
0x317: {  	v23 =	vld [tilespmem:s11+$0x30]  }
0x318: {  	v24 =	vld [tilespmem:s11+$0x60]  }
0x319: {  	v25 =	vld [tilespmem:s11+$0x70]  }
0x31a: {  	v26 =	vimm.f32 $0.0e+00;
	v27 =	vld [tilespmem:s11+$0xA0]  }
0x31b: {  	v28 =	vld [tilespmem:s11+$0xB0];
	v20 =	vadd.f32 v20, v26;
	v21 =	vadd.f32 v21, v26  }
0x31c: {  	v51 =	vld [tilespmem:s11+$0xE0];
	v22 =	vadd.f32 v22, v26;
	v23 =	vadd.f32 v23, v26  }
0x31d: {  	v52 =	vld [tilespmem:s11+$0xF0];
	v18 =	vadd.f32 v18, v20;
	v19 =	vadd.f32 v19, v21  }
0x31e: {  	v55 =	vld [tilespmem:s11+$0x120];
	v53 =	vadd.f32 v24, v22;
	v54 =	vadd.f32 v25, v23  }
0x31f: {  	v56 =	vld [tilespmem:s11+$0x130];
	v16 =	vadd.f32 v16, v18;
	v17 =	vadd.f32 v17, v19  }
0x320: {  	v59 =	vld [tilespmem:s11+$0x160];
	v57 =	vadd.f32 v27, v53;
	v58 =	vadd.f32 v28, v54  }
0x321: {  	v13 =	vadd.f32 v13, v16;
	v15 =	vadd.f32 v15, v17;
	v16 =	vld [tilespmem:s11+$0x170]  }
0x322: {  	v61 =	vld [tilespmem:s11+$0x1A0];
	v17 =	vadd.f32 v51, v57;
	v60 =	vadd.f32 v52, v58  }
0x323: {  	v13 =	vadd.f32 v6, v13;
	v12 =	vadd.f32 v12, v15;
	v15 =	vld [tilespmem:s11+$0x1B0]  }
0x324: {  	v17 =	vadd.f32 v55, v17;
	v18 =	vadd.f32 v56, v60;
	v6 =	vld [tilespmem:s11+$0x1E0]  }
0x325: {  	v13 =	vadd.f32 v7, v13;
	v12 =	vadd.f32 v9, v12;
	v9 =	vld [tilespmem:s11+$0x1F0]  }
0x326: {  	v17 =	vadd.f32 v59, v17;
	v7 =	vld [tilespmem:s11+$0x220];
	v16 =	vadd.f32 v16, v18  }
0x327: {  	v62 =	vadd.f32 v8, v13;
	v63 =	vadd.f32 v10, v12;
	v10 =	vld [tilespmem:s11+$0x230]  }
0x328: {  	v13 =	vadd.f32 v61, v17;
	v8 =	vld [tilespmem:s11+$0x260];
	v12 =	vadd.f32 v15, v16  }
0x329: {  	s31 =	simm.s32 $0x0;
	s1 =	simm.s32 $0x16480;
	v15 =	vadd.f32 v11, v62;
	v14 =	vadd.f32 v14, v63;
	v11 =	vld [tilespmem:s11+$0x270]  }
.LBB2_13:
0x32a: {  	v16 =	vld [tilespmem:s1+$0x240];
	v6 =	vadd.f32 v6, v13;
	v9 =	vadd.f32 v9, v12  }
0x32b: {  	v12 =	vld [tilespmem:s1+$0x250];
	v13 =	vadd.f32 v4, v15;
	v14 =	vadd.f32 v5, v14  }
0x32c: {  	v4 =	vld [tilespmem:s1+$0x200];
	v6 =	vadd.f32 v7, v6;
	v7 =	vadd.f32 v10, v9  }
0x32d: {  	v5 =	vld [tilespmem:s1+$0x210];
	v9 =	vadd.f32 v2, v13;
	v10 =	vadd.f32 v3, v14  }
0x32e: {  	v14 =	vld [tilespmem:s1+$0x1C0];
	v6 =	vadd.f32 v8, v6;
	v7 =	vadd.f32 v11, v7  }
0x32f: {  	v11 =	vld [tilespmem:s1+$0x1D0];
	v2 =	vmov v16  }
0x330: {  	v8 =	vld [tilespmem:s1+$0x180];
	v3 =	vmov v12  }
0x331: {  	v12 =	vld [tilespmem:s1+$0x190]  }
0x332: {  	v13 =	vld [tilespmem:s1+$0x140]  }
0x333: {  	v15 =	vld [tilespmem:s1+$0x150]  }
0x334: {  	v16 =	vld [tilespmem:s1+$0x100]  }
0x335: {  	v17 =	vld [tilespmem:s1+$0x110]  }
0x336: {  	v18 =	vld [tilespmem:s1+$0xC0]  }
0x337: {  	v19 =	vld [tilespmem:s1+$0xD0]  }
0x338: {  	v20 =	vld [tilespmem:s1+$0x80]  }
0x339: {  	v21 =	vld [tilespmem:s1+$0x90]  }
0x33a: {  	v22 =	vld [tilespmem:s1+$0x40]  }
0x33b: {  	v23 =	vld [tilespmem:s1+$0x50]  }
0x33c: {  	v24 =	vld [tilespmem:s1+$0x0]  }
0x33d: {  	v25 =	vld [tilespmem:s1+$0x10]  }
0x33e: {  	v26 =	vld [tilespmem:s1+$0x20]  }
0x33f: {  	s31 =	sadd.s32 $0xA, s31;
	v27 =	vld [tilespmem:s1+$0x30]  }
0x340: {  	p1 =	slt.u32 s31, $0xBE;
	v28 =	vld [tilespmem:s1+$0x60]  }
0x341: {  	v29 =	vld [tilespmem:s1+$0x70]  }
0x342: {  	v30 =	vld [tilespmem:s1+$0xA0]  }
0x343: {  	v9 =	vadd.f32 v24, v9;
	v10 =	vadd.f32 v25, v10;
	v24 =	vld [tilespmem:s1+$0xB0]  }
0x344: {  	v6 =	vadd.f32 v26, v6;
	v7 =	vadd.f32 v27, v7;
	v25 =	vld [tilespmem:s1+$0xE0]  }
0x345: {  	v9 =	vadd.f32 v22, v9;
	v10 =	vadd.f32 v23, v10;
	v22 =	vld [tilespmem:s1+$0xF0]  }
0x346: {  	v6 =	vadd.f32 v28, v6;
	v7 =	vadd.f32 v29, v7;
	v23 =	vld [tilespmem:s1+$0x120]  }
0x347: {  	v9 =	vadd.f32 v20, v9;
	v10 =	vadd.f32 v21, v10;
	v20 =	vld [tilespmem:s1+$0x130]  }
0x348: {  	v6 =	vadd.f32 v30, v6;
	v7 =	vadd.f32 v24, v7;
	v21 =	vld [tilespmem:s1+$0x160]  }
0x349: {  	v9 =	vadd.f32 v18, v9;
	v10 =	vadd.f32 v19, v10;
	v18 =	vld [tilespmem:s1+$0x170]  }
0x34a: {  	v6 =	vadd.f32 v25, v6;
	v7 =	vadd.f32 v22, v7;
	v19 =	vld [tilespmem:s1+$0x1A0]  }
0x34b: {  	v9 =	vadd.f32 v16, v9;
	v10 =	vadd.f32 v17, v10;
	v16 =	vld [tilespmem:s1+$0x1B0]  }
0x34c: {  	v17 =	vadd.f32 v23, v6;
	v7 =	vadd.f32 v20, v7;
	v6 =	vld [tilespmem:s1+$0x1E0]  }
.Ltmp5:
0x34d: {  	v13 =	vadd.f32 v13, v9;
	v10 =	vadd.f32 v15, v10;
	v9 =	vld [tilespmem:s1+$0x1F0];
	(pc) =	sbr.rel @p1 .LBB2_13-.Ltmp5, $4  }
0x34e: {  	v15 =	vadd.f32 v21, v17;
	v17 =	vadd.f32 v18, v7;
	v7 =	vld [tilespmem:s1+$0x220]  }
0x34f: {  	v18 =	vadd.f32 v8, v13;
	v20 =	vadd.f32 v12, v10;
	v10 =	vld [tilespmem:s1+$0x230]  }
0x350: {  	v13 =	vadd.f32 v19, v15;
	v12 =	vadd.f32 v16, v17;
	v8 =	vld [tilespmem:s1+$0x260]  }
0x351: {  	v15 =	vadd.f32 v14, v18;
	v14 =	vadd.f32 v11, v20;
	v11 =	vld [tilespmem:s1+$0x270];
	s1 =	sadd.s32 $0x280, s1  }
0x352: {  	v16 =	vld [tilespmem:$0x1F800]  }
0x353: {  	v6 =	vadd.f32 v6, v13;
	v13 =	vld [tilespmem:$0x1F810];
	v4 =	vadd.f32 v4, v15  }
0x354: {  	v9 =	vadd.f32 v9, v12;
	v12 =	vld [tilespmem:$0x1F820];
	v5 =	vadd.f32 v5, v14  }
0x355: {  	v6 =	vadd.f32 v7, v6;
	v2 =	vadd.f32 v2, v4;
	v4 =	vld [tilespmem:$0x1F830]  }
0x356: {  	v7 =	vadd.f32 v10, v9;
	v3 =	vadd.f32 v3, v5;
	v5 =	vld [tilespmem:$0x1F840]  }
0x357: {  	v9 =	vld [tilespmem:$0x1F850];
	v6 =	vadd.f32 v8, v6;
	v8 =	vmul.f32 v16, v2  }
0x358: {  	v7 =	vadd.f32 v11, v7;
	v11 =	vld [tilespmem:$0x1F860];
	v10 =	vmul.f32 v13, v3  }
0x359: {  	(xrf2) =	vadd.scan.msk.f32 $0xffff, v8;
	v8 =	vmul.f32 v12, v6;
	v12 =	vld [tilespmem:$0x1F870]  }
0x35a: {  	(xrf2) =	vadd.scan.msk.f32 $0xffff, v10;
	v4 =	vmul.f32 v4, v7;
	v10 =	vld [tilespmem:$0x1F880]  }
0x35b: {  	v5 =	vmul.f32 v5, v2;
	(xrf2) =	vadd.scan.msk.f32 $0xffff, v8;
	v8 =	vld [tilespmem:$0x1F890]  }
0x35c: {  	(xrf2) =	vadd.scan.msk.f32 $0xffff, v4;
	v4 =	vmul.f32 v9, v3  }
0x35d: {  	v9 =	vld [tilespmem:$0x1F8A0];
	(xrf2) =	vadd.scan.msk.f32 $0xffff, v5;
	v5 =	vmul.f32 v11, v6  }
0x35e: {  	(xrf2) =	vadd.scan.msk.f32 $0xffff, v4  }
0x35f: {  	v4 =	vmul.f32 v12, v7;
	(xrf2) =	vadd.scan.msk.f32 $0xffff, v5;
	v5 =	vld [tilespmem:$0x1F8B0]  }
0x360: {  	v2 =	vmul.f32 v10, v2;
	v3 =	vmul.f32 v8, v3  }
0x361: {  	(xrf2) =	vadd.scan.msk.f32 $0xffff, v4  }
0x362: {  	(xrf2) =	vadd.scan.msk.f32 $0xffff, v2;
	v2 =	vmul.f32 v9, v6  }
0x363: {  	(xrf2) =	vadd.scan.msk.f32 $0xffff, v3  }
0x364: {  	v3, _, _ =	vpop (xrf2);
	(xrf2) =	vadd.scan.msk.f32 $0xffff, v2;
	v2 =	vmul.f32 v5, v7  }
0x365: {  	(v2sf) =	vpush v3, $0xF;
	v3, _, _ =	vpop (xrf2)  }
0x366: {  	v4, _, _ =	vpop (xrf2);
	(v2sf) =	vpush v3, $0xF  }
0x367: {  	(xrf2) =	vadd.scan.msk.f32 $0xffff, v2;
	(v2sf) =	vpush v4, $0xF;
	v3, _, _ =	vpop (xrf2)  }
0x368: {  	v2, _, _ =	vpop (xrf2);
	(v2sf) =	vpush v3, $0xF  }
0x369: {  	v3, _, _ =	vpop (xrf2);
	(v2sf) =	vpush v2, $0xF  }
0x36a: {  	v2, _, _ =	vpop (xrf2);
	(v2sf) =	vpush v3, $0xF  }
0x36b: {  	v3, _, _ =	vpop (xrf2);
	(v2sf) =	vpush v2, $0xF  }
0x36c: {  	v2, _, _ =	vpop (xrf2);
	(v2sf) =	vpush v3, $0xF  }
0x36d: {  	v3, _, _ =	vpop (xrf2);
	(v2sf) =	vpush v2, $0xF  }
0x36e: {  	(v2sf) =	vpush v3, $0xF  }
0x36f: {  	v2, _, _ =	vpop (xrf2)  }
0x370: {  	(v2sf) =	vpush v2, $0xF  }
0x371: {  	v2, _, _ =	vpop (xrf2)  }
0x372: {  	(v2sf) =	vpush v2, $0xF;
	_ =	sdelay $0x1  }
0x373: {  	s0 =	spop (v2sf)  }
0x374: {  	s1 =	spop (v2sf)  }
0x375: {  	s2 =	spop (v2sf)  }
0x376: {  	s5 =	spop (v2sf)  }
0x377: {  	s6 =	spop (v2sf)  }
0x378: {  	s10 =	spop (v2sf)  }
0x379: {  	s11 =	spop (v2sf)  }
0x37a: {  	s0 =	sadd.f32 s1, s0;
	s31 =	spop (v2sf)  }
0x37b: {  	s1 =	spop (v2sf)  }
0x37c: {  	s0 =	sadd.f32 s2, s0;
	s2 =	spop (v2sf)  }
0x37d: {  	s1 =	sadd.f32 s2, s1  }
0x37e: {  	s2 =	sadd.f32 s10, s6;
	s10 =	spop (v2sf)  }
0x37f: {  	s1 =	sadd.f32 s10, s1  }
0x380: {  	s2 =	sadd.f32 s11, s2;
	s11 =	spop (v2sf)  }
0x381: {  	s1 =	sadd.f32 s11, s1  }
0x382: {  	s0 =	sadd.f32 s5, s0  }
0x383: {  	s2 =	sadd.f32 s31, s2;
	s1 =	smul.f32 $4.999999890e-03, s1  }
0x384: {  	s30 =	sor.u32 $0x3, s30;
	s0 =	smul.f32 $4.999999890e-03, s0  }
0x385: {  	v2 =	vadd.s32 s30, v0;
	s2 =	smul.f32 $4.999999890e-03, s2;
	s1 =	sadd.f32 s1, s25  }
0x386: {  	s0 =	sadd.f32 s0, s23  }
0x387: {  	vm0 =	veq.s32 v0, $0x0;
	s2 =	sadd.f32 s2, s24;
	v3 =	vmov s1  }
0x388: {  	vm15 =	veq.s32 v0, $0x1;
	v3 =	vsel vm0, s0, v3  }
0x389: {  	v3 =	vsel vm15, s2, v3  }
0x38a: {  	s1 =	simm.s32 @!p0 $0x64;
	s0 =	sadd.s32 @!p0 $0x9C0, s29;
	s2 =	simm.s32 @!p0 $0x13000;
	[tilespmem:v2+s18+$0x0] =	vst.idx.msk $0x7, v3  }
0x38b: {  	[tilespmem:s2], [sflag:$0x3] =	stream.indirect.gather @!p0 [hbm4b:s4+s1], $0x40, s0, s1, $0xb8;
	[tilespmem:$0x1FA50] =	vst v63  }
0x38c: {  	s0 =	sadd.s32 @!p0 $0xA28, s29;
	s2 =	simm.s32 @!p0 $0x14900  }
0x38d: {  	[tilespmem:s2], [sflag:$0x3] =	stream.indirect.gather @!p0 [hbm4b:s4+s1], $0x40, s0, s1, $0xb8;
	[tilespmem:$0x1FA50] =	vst v63  }
0x38e: {  	s0 =	sadd.s32 @!p0 $0xA90, s29;
	s2 =	simm.s32 @!p0 $0x16200  }
0x38f: {  	[tilespmem:s2], [sflag:$0x3] =	stream.indirect.gather @!p0 [hbm4b:s4+s1], $0x40, s0, s1, $0xb8;
	[tilespmem:$0x1FA50] =	vst v63  }
0x390: {  	s0 =	sadd.s32 @!p0 $0xAF8, s29;
	s2 =	simm.s32 @!p0 $0x17B00  }
0x391: {  	[tilespmem:s2], [sflag:$0x3] =	stream.indirect.gather @!p0 [hbm4b:s4+s1], $0x40, s0, s1, $0xb8;
	[tilespmem:$0x1FA50] =	vst v63  }
0x392: {  	_ =	swait.ge [sflag:s21], $0x6400  }
0x393: {  	[sflag:s21] =	ssyncset.done $0x0  }
0x394: {  	s31 =	simm.s32 $0x19400;
	[sflag:s21] =	ssyncadd.s32 $0xFFFF9C00  }
0x395: {  	v2 =	vld [tilespmem:s31+$0x240]  }
0x396: {  	v3 =	vld [tilespmem:s31+$0x250]  }
0x397: {  	v4 =	vld [tilespmem:s31+$0x200]  }
0x398: {  	v5 =	vld [tilespmem:s31+$0x210]  }
0x399: {  	v11 =	vld [tilespmem:s31+$0x1C0]  }
0x39a: {  	v14 =	vld [tilespmem:s31+$0x1D0]  }
0x39b: {  	v8 =	vld [tilespmem:s31+$0x180]  }
0x39c: {  	v10 =	vld [tilespmem:s31+$0x190]  }
0x39d: {  	v7 =	vld [tilespmem:s31+$0x140]  }
0x39e: {  	v9 =	vld [tilespmem:s31+$0x150]  }
0x39f: {  	v6 =	vld [tilespmem:s31+$0x100]  }
0x3a0: {  	v12 =	vld [tilespmem:s31+$0x110]  }
0x3a1: {  	v13 =	vld [tilespmem:s31+$0xC0]  }
0x3a2: {  	v15 =	vld [tilespmem:s31+$0xD0]  }
0x3a3: {  	v16 =	vld [tilespmem:s31+$0x80]  }
0x3a4: {  	v17 =	vld [tilespmem:s31+$0x90]  }
0x3a5: {  	v18 =	vld [tilespmem:s31+$0x40]  }
0x3a6: {  	v19 =	vld [tilespmem:s31+$0x50]  }
0x3a7: {  	v20 =	vld [tilespmem:s31+$0x0]  }
0x3a8: {  	v21 =	vld [tilespmem:s31+$0x10]  }
0x3a9: {  	v22 =	vld [tilespmem:s31+$0x20]  }
0x3aa: {  	v23 =	vld [tilespmem:s31+$0x30]  }
0x3ab: {  	v24 =	vld [tilespmem:s31+$0x60]  }
0x3ac: {  	v25 =	vld [tilespmem:s31+$0x70]  }
0x3ad: {  	v26 =	vimm.f32 $0.0e+00;
	v27 =	vld [tilespmem:s31+$0xA0]  }
0x3ae: {  	v28 =	vld [tilespmem:s31+$0xB0];
	v20 =	vadd.f32 v20, v26;
	v21 =	vadd.f32 v21, v26  }
0x3af: {  	v51 =	vld [tilespmem:s31+$0xE0];
	v22 =	vadd.f32 v22, v26;
	v23 =	vadd.f32 v23, v26  }
0x3b0: {  	v52 =	vld [tilespmem:s31+$0xF0];
	v18 =	vadd.f32 v18, v20;
	v19 =	vadd.f32 v19, v21  }
0x3b1: {  	v55 =	vld [tilespmem:s31+$0x120];
	v53 =	vadd.f32 v24, v22;
	v54 =	vadd.f32 v25, v23  }
0x3b2: {  	v56 =	vld [tilespmem:s31+$0x130];
	v16 =	vadd.f32 v16, v18;
	v17 =	vadd.f32 v17, v19  }
0x3b3: {  	v59 =	vld [tilespmem:s31+$0x160];
	v57 =	vadd.f32 v27, v53;
	v58 =	vadd.f32 v28, v54  }
0x3b4: {  	v13 =	vadd.f32 v13, v16;
	v15 =	vadd.f32 v15, v17;
	v16 =	vld [tilespmem:s31+$0x170]  }
0x3b5: {  	v61 =	vld [tilespmem:s31+$0x1A0];
	v17 =	vadd.f32 v51, v57;
	v60 =	vadd.f32 v52, v58  }
0x3b6: {  	v13 =	vadd.f32 v6, v13;
	v12 =	vadd.f32 v12, v15;
	v15 =	vld [tilespmem:s31+$0x1B0]  }
0x3b7: {  	v17 =	vadd.f32 v55, v17;
	v18 =	vadd.f32 v56, v60;
	v6 =	vld [tilespmem:s31+$0x1E0]  }
0x3b8: {  	v13 =	vadd.f32 v7, v13;
	v12 =	vadd.f32 v9, v12;
	v9 =	vld [tilespmem:s31+$0x1F0]  }
0x3b9: {  	v17 =	vadd.f32 v59, v17;
	v7 =	vld [tilespmem:s31+$0x220];
	v16 =	vadd.f32 v16, v18  }
0x3ba: {  	v62 =	vadd.f32 v8, v13;
	v63 =	vadd.f32 v10, v12;
	v10 =	vld [tilespmem:s31+$0x230]  }
0x3bb: {  	v13 =	vadd.f32 v61, v17;
	v8 =	vld [tilespmem:s31+$0x260];
	v12 =	vadd.f32 v15, v16  }
0x3bc: {  	s29 =	simm.s32 $0x0;
	s1 =	simm.s32 $0x19680;
	v15 =	vadd.f32 v11, v62;
	v14 =	vadd.f32 v14, v63;
	v11 =	vld [tilespmem:s31+$0x270]  }
.LBB2_15:
0x3bd: {  	v16 =	vld [tilespmem:s1+$0x240];
	v6 =	vadd.f32 v6, v13;
	v9 =	vadd.f32 v9, v12  }
0x3be: {  	v12 =	vld [tilespmem:s1+$0x250];
	v13 =	vadd.f32 v4, v15;
	v14 =	vadd.f32 v5, v14  }
0x3bf: {  	v4 =	vld [tilespmem:s1+$0x200];
	v6 =	vadd.f32 v7, v6;
	v7 =	vadd.f32 v10, v9  }
0x3c0: {  	v5 =	vld [tilespmem:s1+$0x210];
	v9 =	vadd.f32 v2, v13;
	v10 =	vadd.f32 v3, v14  }
0x3c1: {  	v14 =	vld [tilespmem:s1+$0x1C0];
	v6 =	vadd.f32 v8, v6;
	v7 =	vadd.f32 v11, v7  }
0x3c2: {  	v11 =	vld [tilespmem:s1+$0x1D0];
	v2 =	vmov v16  }
0x3c3: {  	v8 =	vld [tilespmem:s1+$0x180];
	v3 =	vmov v12  }
0x3c4: {  	v12 =	vld [tilespmem:s1+$0x190]  }
0x3c5: {  	v13 =	vld [tilespmem:s1+$0x140]  }
0x3c6: {  	v15 =	vld [tilespmem:s1+$0x150]  }
0x3c7: {  	v16 =	vld [tilespmem:s1+$0x100]  }
0x3c8: {  	v17 =	vld [tilespmem:s1+$0x110]  }
0x3c9: {  	v18 =	vld [tilespmem:s1+$0xC0]  }
0x3ca: {  	v19 =	vld [tilespmem:s1+$0xD0]  }
0x3cb: {  	v20 =	vld [tilespmem:s1+$0x80]  }
0x3cc: {  	v21 =	vld [tilespmem:s1+$0x90]  }
0x3cd: {  	v22 =	vld [tilespmem:s1+$0x40]  }
0x3ce: {  	v23 =	vld [tilespmem:s1+$0x50]  }
0x3cf: {  	v24 =	vld [tilespmem:s1+$0x0]  }
0x3d0: {  	v25 =	vld [tilespmem:s1+$0x10]  }
0x3d1: {  	v26 =	vld [tilespmem:s1+$0x20]  }
0x3d2: {  	s29 =	sadd.s32 $0xA, s29;
	v27 =	vld [tilespmem:s1+$0x30]  }
0x3d3: {  	p0 =	slt.u32 s29, $0xBE;
	v28 =	vld [tilespmem:s1+$0x60]  }
0x3d4: {  	v29 =	vld [tilespmem:s1+$0x70]  }
0x3d5: {  	v30 =	vld [tilespmem:s1+$0xA0]  }
0x3d6: {  	v9 =	vadd.f32 v24, v9;
	v10 =	vadd.f32 v25, v10;
	v24 =	vld [tilespmem:s1+$0xB0]  }
0x3d7: {  	v6 =	vadd.f32 v26, v6;
	v7 =	vadd.f32 v27, v7;
	v25 =	vld [tilespmem:s1+$0xE0]  }
0x3d8: {  	v9 =	vadd.f32 v22, v9;
	v10 =	vadd.f32 v23, v10;
	v22 =	vld [tilespmem:s1+$0xF0]  }
0x3d9: {  	v6 =	vadd.f32 v28, v6;
	v7 =	vadd.f32 v29, v7;
	v23 =	vld [tilespmem:s1+$0x120]  }
0x3da: {  	v9 =	vadd.f32 v20, v9;
	v10 =	vadd.f32 v21, v10;
	v20 =	vld [tilespmem:s1+$0x130]  }
0x3db: {  	v6 =	vadd.f32 v30, v6;
	v7 =	vadd.f32 v24, v7;
	v21 =	vld [tilespmem:s1+$0x160]  }
0x3dc: {  	v9 =	vadd.f32 v18, v9;
	v10 =	vadd.f32 v19, v10;
	v18 =	vld [tilespmem:s1+$0x170]  }
0x3dd: {  	v6 =	vadd.f32 v25, v6;
	v7 =	vadd.f32 v22, v7;
	v19 =	vld [tilespmem:s1+$0x1A0]  }
0x3de: {  	v9 =	vadd.f32 v16, v9;
	v10 =	vadd.f32 v17, v10;
	v16 =	vld [tilespmem:s1+$0x1B0]  }
0x3df: {  	v17 =	vadd.f32 v23, v6;
	v7 =	vadd.f32 v20, v7;
	v6 =	vld [tilespmem:s1+$0x1E0]  }
.Ltmp6:
0x3e0: {  	v13 =	vadd.f32 v13, v9;
	v10 =	vadd.f32 v15, v10;
	v9 =	vld [tilespmem:s1+$0x1F0];
	(pc) =	sbr.rel @p0 .LBB2_15-.Ltmp6, $4  }
0x3e1: {  	v15 =	vadd.f32 v21, v17;
	v17 =	vadd.f32 v18, v7;
	v7 =	vld [tilespmem:s1+$0x220]  }
0x3e2: {  	v18 =	vadd.f32 v8, v13;
	v20 =	vadd.f32 v12, v10;
	v10 =	vld [tilespmem:s1+$0x230]  }
0x3e3: {  	v13 =	vadd.f32 v19, v15;
	v12 =	vadd.f32 v16, v17;
	v8 =	vld [tilespmem:s1+$0x260]  }
0x3e4: {  	v15 =	vadd.f32 v14, v18;
	v14 =	vadd.f32 v11, v20;
	v11 =	vld [tilespmem:s1+$0x270];
	s1 =	sadd.s32 $0x280, s1  }
0x3e5: {  	v16 =	vld [tilespmem:$0x1F800]  }
0x3e6: {  	v6 =	vadd.f32 v6, v13;
	v13 =	vld [tilespmem:$0x1F810];
	v4 =	vadd.f32 v4, v15  }
0x3e7: {  	v9 =	vadd.f32 v9, v12;
	v12 =	vld [tilespmem:$0x1F820];
	v5 =	vadd.f32 v5, v14  }
0x3e8: {  	v6 =	vadd.f32 v7, v6;
	v2 =	vadd.f32 v2, v4;
	v4 =	vld [tilespmem:$0x1F830]  }
0x3e9: {  	v7 =	vadd.f32 v10, v9;
	v3 =	vadd.f32 v3, v5;
	v5 =	vld [tilespmem:$0x1F840]  }
0x3ea: {  	v9 =	vld [tilespmem:$0x1F850];
	v6 =	vadd.f32 v8, v6;
	v8 =	vmul.f32 v16, v2  }
0x3eb: {  	v7 =	vadd.f32 v11, v7;
	v11 =	vld [tilespmem:$0x1F860];
	v10 =	vmul.f32 v13, v3  }
0x3ec: {  	(xrf2) =	vadd.scan.msk.f32 $0xffff, v8;
	v8 =	vmul.f32 v12, v6;
	v12 =	vld [tilespmem:$0x1F870]  }
0x3ed: {  	(xrf2) =	vadd.scan.msk.f32 $0xffff, v10;
	v4 =	vmul.f32 v4, v7;
	v10 =	vld [tilespmem:$0x1F880]  }
0x3ee: {  	v5 =	vmul.f32 v5, v2;
	(xrf2) =	vadd.scan.msk.f32 $0xffff, v8;
	v8 =	vld [tilespmem:$0x1F890]  }
0x3ef: {  	(xrf2) =	vadd.scan.msk.f32 $0xffff, v4;
	v4 =	vmul.f32 v9, v3  }
0x3f0: {  	v9 =	vld [tilespmem:$0x1F8A0];
	(xrf2) =	vadd.scan.msk.f32 $0xffff, v5;
	v5 =	vmul.f32 v11, v6  }
0x3f1: {  	(xrf2) =	vadd.scan.msk.f32 $0xffff, v4  }
0x3f2: {  	v4 =	vmul.f32 v12, v7;
	(xrf2) =	vadd.scan.msk.f32 $0xffff, v5;
	v5 =	vld [tilespmem:$0x1F8B0]  }
0x3f3: {  	v2 =	vmul.f32 v10, v2;
	v3 =	vmul.f32 v8, v3  }
0x3f4: {  	(xrf2) =	vadd.scan.msk.f32 $0xffff, v4  }
0x3f5: {  	(xrf2) =	vadd.scan.msk.f32 $0xffff, v2;
	v2 =	vmul.f32 v9, v6  }
0x3f6: {  	(xrf2) =	vadd.scan.msk.f32 $0xffff, v3  }
0x3f7: {  	v3, _, _ =	vpop (xrf2);
	(xrf2) =	vadd.scan.msk.f32 $0xffff, v2;
	v2 =	vmul.f32 v5, v7  }
0x3f8: {  	(v2sf) =	vpush v3, $0xF;
	v3, _, _ =	vpop (xrf2)  }
0x3f9: {  	v4, _, _ =	vpop (xrf2);
	(v2sf) =	vpush v3, $0xF  }
0x3fa: {  	(xrf2) =	vadd.scan.msk.f32 $0xffff, v2;
	(v2sf) =	vpush v4, $0xF;
	v3, _, _ =	vpop (xrf2)  }
0x3fb: {  	v2, _, _ =	vpop (xrf2);
	(v2sf) =	vpush v3, $0xF  }
0x3fc: {  	v3, _, _ =	vpop (xrf2);
	(v2sf) =	vpush v2, $0xF  }
0x3fd: {  	v2, _, _ =	vpop (xrf2);
	(v2sf) =	vpush v3, $0xF  }
0x3fe: {  	v3, _, _ =	vpop (xrf2);
	(v2sf) =	vpush v2, $0xF  }
0x3ff: {  	v2, _, _ =	vpop (xrf2);
	(v2sf) =	vpush v3, $0xF  }
0x400: {  	v3, _, _ =	vpop (xrf2);
	(v2sf) =	vpush v2, $0xF  }
0x401: {  	(v2sf) =	vpush v3, $0xF  }
0x402: {  	v2, _, _ =	vpop (xrf2)  }
0x403: {  	(v2sf) =	vpush v2, $0xF  }
0x404: {  	v2, _, _ =	vpop (xrf2)  }
0x405: {  	(v2sf) =	vpush v2, $0xF;
	_ =	sdelay $0x1  }
0x406: {  	s0 =	spop (v2sf)  }
0x407: {  	s1 =	spop (v2sf)  }
0x408: {  	s2 =	spop (v2sf)  }
0x409: {  	s5 =	spop (v2sf)  }
0x40a: {  	s6 =	spop (v2sf)  }
0x40b: {  	s10 =	spop (v2sf)  }
0x40c: {  	s11 =	spop (v2sf)  }
0x40d: {  	s0 =	sadd.f32 s1, s0;
	s29 =	spop (v2sf)  }
0x40e: {  	s30 =	spop (v2sf)  }
0x40f: {  	s0 =	sadd.f32 s2, s0;
	s31 =	spop (v2sf)  }
0x410: {  	s1 =	sadd.f32 s31, s30  }
0x411: {  	s10 =	sadd.f32 s10, s6;
	s31 =	spop (v2sf)  }
0x412: {  	s1 =	sadd.f32 s31, s1  }
0x413: {  	s2 =	sadd.f32 s11, s10;
	s30 =	spop (v2sf)  }
0x414: {  	s1 =	sadd.f32 s30, s1  }
0x415: {  	s28 =	smul.u32 $0x6, s28;
	s0 =	sadd.f32 s5, s0  }
0x416: {  	s2 =	sadd.f32 s29, s2;
	s1 =	smul.f32 $4.999999890e-03, s1  }
0x417: {  	s0 =	smul.f32 $4.999999890e-03, s0  }
0x418: {  	v2 =	vadd.s32 s28, v0;
	s2 =	smul.f32 $4.999999890e-03, s2;
	s1 =	sadd.f32 s1, s25  }
0x419: {  	s0 =	sadd.f32 s0, s23  }
0x41a: {  	vm0 =	veq.s32 v0, $0x0;
	s2 =	sadd.f32 s2, s24;
	v3 =	vmov s1  }
0x41b: {  	vm15 =	veq.s32 v0, $0x1;
	v3 =	vsel vm0, s0, v3  }
0x41c: {  	v3 =	vsel vm15, s2, v3  }
0x41d: {  	s31 =	simm.s32 $0x1C600;
	[tilespmem:v2+s18+$0x0] =	vst.idx.msk $0x7, v3  }
0x41e: {  	v2 =	vld [tilespmem:s31+$0x240]  }
0x41f: {  	v3 =	vld [tilespmem:s31+$0x250]  }
0x420: {  	v4 =	vld [tilespmem:s31+$0x200]  }
0x421: {  	v5 =	vld [tilespmem:s31+$0x210]  }
0x422: {  	v11 =	vld [tilespmem:s31+$0x1C0]  }
0x423: {  	v14 =	vld [tilespmem:s31+$0x1D0]  }
0x424: {  	v8 =	vld [tilespmem:s31+$0x180]  }
0x425: {  	v10 =	vld [tilespmem:s31+$0x190]  }
0x426: {  	v7 =	vld [tilespmem:s31+$0x140]  }
0x427: {  	v9 =	vld [tilespmem:s31+$0x150]  }
0x428: {  	v6 =	vld [tilespmem:s31+$0x100]  }
0x429: {  	v12 =	vld [tilespmem:s31+$0x110]  }
0x42a: {  	v13 =	vld [tilespmem:s31+$0xC0]  }
0x42b: {  	v15 =	vld [tilespmem:s31+$0xD0]  }
0x42c: {  	v16 =	vld [tilespmem:s31+$0x80]  }
0x42d: {  	v17 =	vld [tilespmem:s31+$0x90]  }
0x42e: {  	v18 =	vld [tilespmem:s31+$0x40]  }
0x42f: {  	v19 =	vld [tilespmem:s31+$0x50]  }
0x430: {  	v20 =	vld [tilespmem:s31+$0x0]  }
0x431: {  	v21 =	vld [tilespmem:s31+$0x10]  }
0x432: {  	v22 =	vld [tilespmem:s31+$0x20]  }
0x433: {  	v23 =	vld [tilespmem:s31+$0x30]  }
0x434: {  	v24 =	vld [tilespmem:s31+$0x60]  }
0x435: {  	v25 =	vld [tilespmem:s31+$0x70]  }
0x436: {  	v26 =	vimm.f32 $0.0e+00;
	v27 =	vld [tilespmem:s31+$0xA0]  }
0x437: {  	v28 =	vld [tilespmem:s31+$0xB0];
	v20 =	vadd.f32 v20, v26;
	v21 =	vadd.f32 v21, v26  }
0x438: {  	v51 =	vld [tilespmem:s31+$0xE0];
	v22 =	vadd.f32 v22, v26;
	v23 =	vadd.f32 v23, v26  }
0x439: {  	v52 =	vld [tilespmem:s31+$0xF0];
	v18 =	vadd.f32 v18, v20;
	v19 =	vadd.f32 v19, v21  }
0x43a: {  	v55 =	vld [tilespmem:s31+$0x120];
	v53 =	vadd.f32 v24, v22;
	v54 =	vadd.f32 v25, v23  }
0x43b: {  	v56 =	vld [tilespmem:s31+$0x130];
	v16 =	vadd.f32 v16, v18;
	v17 =	vadd.f32 v17, v19  }
0x43c: {  	v59 =	vld [tilespmem:s31+$0x160];
	v57 =	vadd.f32 v27, v53;
	v58 =	vadd.f32 v28, v54  }
0x43d: {  	v13 =	vadd.f32 v13, v16;
	v15 =	vadd.f32 v15, v17;
	v16 =	vld [tilespmem:s31+$0x170]  }
0x43e: {  	v61 =	vld [tilespmem:s31+$0x1A0];
	v17 =	vadd.f32 v51, v57;
	v60 =	vadd.f32 v52, v58  }
0x43f: {  	v13 =	vadd.f32 v6, v13;
	v12 =	vadd.f32 v12, v15;
	v15 =	vld [tilespmem:s31+$0x1B0]  }
0x440: {  	v17 =	vadd.f32 v55, v17;
	v18 =	vadd.f32 v56, v60;
	v6 =	vld [tilespmem:s31+$0x1E0]  }
0x441: {  	v13 =	vadd.f32 v7, v13;
	v12 =	vadd.f32 v9, v12;
	v9 =	vld [tilespmem:s31+$0x1F0]  }
0x442: {  	v17 =	vadd.f32 v59, v17;
	v7 =	vld [tilespmem:s31+$0x220];
	v16 =	vadd.f32 v16, v18  }
0x443: {  	v62 =	vadd.f32 v8, v13;
	v63 =	vadd.f32 v10, v12;
	v10 =	vld [tilespmem:s31+$0x230]  }
0x444: {  	v13 =	vadd.f32 v61, v17;
	v8 =	vld [tilespmem:s31+$0x260];
	v12 =	vadd.f32 v15, v16  }
0x445: {  	s29 =	simm.s32 $0x0;
	s1 =	simm.s32 $0x1C880;
	v15 =	vadd.f32 v11, v62;
	v14 =	vadd.f32 v14, v63;
	v11 =	vld [tilespmem:s31+$0x270]  }
.LBB2_17:
0x446: {  	v16 =	vld [tilespmem:s1+$0x240];
	v6 =	vadd.f32 v6, v13;
	v9 =	vadd.f32 v9, v12  }
0x447: {  	v12 =	vld [tilespmem:s1+$0x250];
	v13 =	vadd.f32 v4, v15;
	v14 =	vadd.f32 v5, v14  }
0x448: {  	v4 =	vld [tilespmem:s1+$0x200];
	v6 =	vadd.f32 v7, v6;
	v7 =	vadd.f32 v10, v9  }
0x449: {  	v5 =	vld [tilespmem:s1+$0x210];
	v9 =	vadd.f32 v2, v13;
	v10 =	vadd.f32 v3, v14  }
0x44a: {  	v14 =	vld [tilespmem:s1+$0x1C0];
	v6 =	vadd.f32 v8, v6;
	v7 =	vadd.f32 v11, v7  }
0x44b: {  	v11 =	vld [tilespmem:s1+$0x1D0];
	v2 =	vmov v16  }
0x44c: {  	v8 =	vld [tilespmem:s1+$0x180];
	v3 =	vmov v12  }
0x44d: {  	v12 =	vld [tilespmem:s1+$0x190]  }
0x44e: {  	v13 =	vld [tilespmem:s1+$0x140]  }
0x44f: {  	v15 =	vld [tilespmem:s1+$0x150]  }
0x450: {  	v16 =	vld [tilespmem:s1+$0x100]  }
0x451: {  	v17 =	vld [tilespmem:s1+$0x110]  }
0x452: {  	v18 =	vld [tilespmem:s1+$0xC0]  }
0x453: {  	v19 =	vld [tilespmem:s1+$0xD0]  }
0x454: {  	v20 =	vld [tilespmem:s1+$0x80]  }
0x455: {  	v21 =	vld [tilespmem:s1+$0x90]  }
0x456: {  	v22 =	vld [tilespmem:s1+$0x40]  }
0x457: {  	v23 =	vld [tilespmem:s1+$0x50]  }
0x458: {  	v24 =	vld [tilespmem:s1+$0x0]  }
0x459: {  	v25 =	vld [tilespmem:s1+$0x10]  }
0x45a: {  	v26 =	vld [tilespmem:s1+$0x20]  }
0x45b: {  	s29 =	sadd.s32 $0xA, s29;
	v27 =	vld [tilespmem:s1+$0x30]  }
0x45c: {  	p0 =	slt.u32 s29, $0xBE;
	v28 =	vld [tilespmem:s1+$0x60]  }
0x45d: {  	v29 =	vld [tilespmem:s1+$0x70]  }
0x45e: {  	v30 =	vld [tilespmem:s1+$0xA0]  }
0x45f: {  	v9 =	vadd.f32 v24, v9;
	v10 =	vadd.f32 v25, v10;
	v24 =	vld [tilespmem:s1+$0xB0]  }
0x460: {  	v6 =	vadd.f32 v26, v6;
	v7 =	vadd.f32 v27, v7;
	v25 =	vld [tilespmem:s1+$0xE0]  }
0x461: {  	v9 =	vadd.f32 v22, v9;
	v10 =	vadd.f32 v23, v10;
	v22 =	vld [tilespmem:s1+$0xF0]  }
0x462: {  	v6 =	vadd.f32 v28, v6;
	v7 =	vadd.f32 v29, v7;
	v23 =	vld [tilespmem:s1+$0x120]  }
0x463: {  	v9 =	vadd.f32 v20, v9;
	v10 =	vadd.f32 v21, v10;
	v20 =	vld [tilespmem:s1+$0x130]  }
0x464: {  	v6 =	vadd.f32 v30, v6;
	v7 =	vadd.f32 v24, v7;
	v21 =	vld [tilespmem:s1+$0x160]  }
0x465: {  	v9 =	vadd.f32 v18, v9;
	v10 =	vadd.f32 v19, v10;
	v18 =	vld [tilespmem:s1+$0x170]  }
0x466: {  	v6 =	vadd.f32 v25, v6;
	v7 =	vadd.f32 v22, v7;
	v19 =	vld [tilespmem:s1+$0x1A0]  }
0x467: {  	v9 =	vadd.f32 v16, v9;
	v10 =	vadd.f32 v17, v10;
	v16 =	vld [tilespmem:s1+$0x1B0]  }
0x468: {  	v17 =	vadd.f32 v23, v6;
	v7 =	vadd.f32 v20, v7;
	v6 =	vld [tilespmem:s1+$0x1E0]  }
.Ltmp7:
0x469: {  	v13 =	vadd.f32 v13, v9;
	v10 =	vadd.f32 v15, v10;
	v9 =	vld [tilespmem:s1+$0x1F0];
	(pc) =	sbr.rel @p0 .LBB2_17-.Ltmp7, $4  }
0x46a: {  	v15 =	vadd.f32 v21, v17;
	v17 =	vadd.f32 v18, v7;
	v7 =	vld [tilespmem:s1+$0x220]  }
0x46b: {  	v18 =	vadd.f32 v8, v13;
	v20 =	vadd.f32 v12, v10;
	v10 =	vld [tilespmem:s1+$0x230]  }
0x46c: {  	v13 =	vadd.f32 v19, v15;
	v12 =	vadd.f32 v16, v17;
	v8 =	vld [tilespmem:s1+$0x260]  }
0x46d: {  	v15 =	vadd.f32 v14, v18;
	v14 =	vadd.f32 v11, v20;
	v11 =	vld [tilespmem:s1+$0x270];
	s1 =	sadd.s32 $0x280, s1  }
0x46e: {  	v16 =	vld [tilespmem:$0x1F800]  }
0x46f: {  	v45 =	vld [tilespmem:$0x1F810]  }
0x470: {  	v6 =	vadd.f32 v6, v13;
	v46 =	vld [tilespmem:$0x1F820];
	v4 =	vadd.f32 v4, v15  }
0x471: {  	v9 =	vadd.f32 v9, v12;
	v47 =	vld [tilespmem:$0x1F830];
	v5 =	vadd.f32 v5, v14  }
0x472: {  	v49 =	vld [tilespmem:$0x1F840];
	v6 =	vadd.f32 v7, v6;
	v2 =	vadd.f32 v2, v4  }
0x473: {  	v51 =	vld [tilespmem:$0x1F850];
	v48 =	vadd.f32 v10, v9;
	v3 =	vadd.f32 v3, v5  }
0x474: {  	v53 =	vld [tilespmem:$0x1F860];
	v6 =	vadd.f32 v8, v6;
	v50 =	vmul.f32 v16, v2  }
0x475: {  	v55 =	vld [tilespmem:$0x1F870];
	v7 =	vadd.f32 v11, v48;
	v52 =	vmul.f32 v45, v3  }
0x476: {  	v56 =	vld [tilespmem:$0x1F880];
	v54 =	vmul.f32 v46, v6;
	(xrf2) =	vadd.scan.msk.f32 $0xffff, v50  }
0x477: {  	v57 =	vld [tilespmem:$0x1F890];
	v4 =	vmul.f32 v47, v7;
	(xrf2) =	vadd.scan.msk.f32 $0xffff, v52  }
0x478: {  	v5 =	vmul.f32 v49, v2;
	(xrf2) =	vadd.scan.msk.f32 $0xffff, v54  }
0x479: {  	v60 =	vld [tilespmem:$0x1F8A0];
	v58 =	vmul.f32 v51, v3;
	(xrf2) =	vadd.scan.msk.f32 $0xffff, v4  }
0x47a: {  	v59 =	vmul.f32 v53, v6;
	(xrf2) =	vadd.scan.msk.f32 $0xffff, v5  }
0x47b: {  	v62 =	vld [tilespmem:$0x1F8B0];
	v61 =	vmul.f32 v55, v7;
	(xrf2) =	vadd.scan.msk.f32 $0xffff, v58  }
0x47c: {  	v2 =	vmul.f32 v56, v2;
	v3 =	vmul.f32 v57, v3;
	(xrf2) =	vadd.scan.msk.f32 $0xffff, v59  }
0x47d: {  	(xrf2) =	vadd.scan.msk.f32 $0xffff, v61  }
0x47e: {  	(xrf2) =	vadd.scan.msk.f32 $0xffff, v2;
	v2 =	vmul.f32 v60, v6  }
0x47f: {  	(xrf2) =	vadd.scan.msk.f32 $0xffff, v3  }
0x480: {  	v3, _, _ =	vpop (xrf2);
	(xrf2) =	vadd.scan.msk.f32 $0xffff, v2;
	v2 =	vmul.f32 v62, v7  }
0x481: {  	(v2sf) =	vpush v3, $0xF;
	v3, _, _ =	vpop (xrf2)  }
0x482: {  	v63, _, _ =	vpop (xrf2);
	(v2sf) =	vpush v3, $0xF  }
0x483: {  	(xrf2) =	vadd.scan.msk.f32 $0xffff, v2;
	(v2sf) =	vpush v63, $0xF;
	v3, _, _ =	vpop (xrf2)  }
0x484: {  	v2, _, _ =	vpop (xrf2);
	(v2sf) =	vpush v3, $0xF  }
0x485: {  	v3, _, _ =	vpop (xrf2);
	(v2sf) =	vpush v2, $0xF  }
0x486: {  	v2, _, _ =	vpop (xrf2);
	(v2sf) =	vpush v3, $0xF  }
0x487: {  	v3, _, _ =	vpop (xrf2);
	(v2sf) =	vpush v2, $0xF  }
0x488: {  	v2, _, _ =	vpop (xrf2);
	(v2sf) =	vpush v3, $0xF  }
0x489: {  	v3, _, _ =	vpop (xrf2);
	(v2sf) =	vpush v2, $0xF  }
0x48a: {  	(v2sf) =	vpush v3, $0xF  }
0x48b: {  	v2, _, _ =	vpop (xrf2)  }
0x48c: {  	(v2sf) =	vpush v2, $0xF  }
0x48d: {  	v2, _, _ =	vpop (xrf2)  }
0x48e: {  	(v2sf) =	vpush v2, $0xF;
	_ =	sdelay $0x1  }
0x48f: {  	s0 =	spop (v2sf)  }
0x490: {  	s1 =	spop (v2sf)  }
0x491: {  	s2 =	spop (v2sf)  }
0x492: {  	s5 =	spop (v2sf)  }
0x493: {  	s6 =	spop (v2sf)  }
0x494: {  	s10 =	spop (v2sf)  }
0x495: {  	s11 =	spop (v2sf)  }
0x496: {  	s0 =	sadd.f32 s1, s0;
	s29 =	spop (v2sf)  }
0x497: {  	s31 =	spop (v2sf)  }
0x498: {  	s0 =	sadd.f32 s2, s0;
	s30 =	spop (v2sf)  }
0x499: {  	s1 =	sadd.f32 s30, s31  }
0x49a: {  	s31 =	sadd.f32 s10, s6;
	s10 =	spop (v2sf)  }
0x49b: {  	s1 =	sadd.f32 s10, s1  }
0x49c: {  	s2 =	sadd.f32 s11, s31;
	s30 =	spop (v2sf)  }
0x49d: {  	s1 =	sadd.f32 s30, s1  }
0x49e: {  	s0 =	sadd.f32 s5, s0  }
0x49f: {  	s2 =	sadd.f32 s29, s2;
	s1 =	smul.f32 $4.999999890e-03, s1  }
0x4a0: {  	s26 =	sadd.s32 $0x1, s26;
	s0 =	smul.f32 $4.999999890e-03, s0;
	s31 =	sadd.s32 $0x3, s28  }
0x4a1: {  	p0 =	sne.s32 s26, $0x10;
	v2 =	vadd.s32 s31, v0;
	s2 =	smul.f32 $4.999999890e-03, s2;
	s1 =	sadd.f32 s1, s25  }
.Ltmp8:
0x4a2: {  	s0 =	sadd.f32 s0, s23;
	(pc) =	sbr.rel @p0 .LBB2_2-.Ltmp8, $4  }
0x4a3: {  	vm0 =	veq.s32 v0, $0x0;
	s2 =	sadd.f32 s2, s24;
	v3 =	vmov s1  }
0x4a4: {  	vm15 =	veq.s32 v0, $0x1;
	v3 =	vsel vm0, s0, v3  }
0x4a5: {  	v3 =	vsel vm15, s2, v3  }
0x4a6: {  	[tilespmem:v2+s18+$0x0] =	vst.idx.msk $0x7, v3  }
0x4a7: {  	s22 =	sadd.s32 $0x1, s22  }
0x4a8: {  	p0 =	sne.s32 s22, s8  }
.Ltmp9:
0x4a9: {  	_ = 	snop;
	(pc) =	sbr.rel @p0 .LBB2_1-.Ltmp9, $4  }
0x4aa: {  	[hbm4b:s7+s3] =	stream.linear.scatter [tilespmem:s18], [sflag:$0x5], $0x180, $0x38;
	[tilespmem:$0x1FA50] =	vst v63  }
0x4ab: {  	_ =	swait.ge [sflag:s9], $0x180  }
0x4ac: {  	[sflag:s9] =	ssyncset.done $0x0  }
0x4ad: {  	[sflag:s9] =	ssyncadd.s32 $0xFFFFFE80  }
0x4ae: {  	_ =	sfence.sel $0x180000  }
0x4af: {  	[bflag:$0x0] =	sbarrier.arrive $0xFFFF  }
0x4b0: {  	_ =	strace $0x90000047  }
0x4b1: {  	s0 =	stileid.u32;
	[bflag:$0x2] =	sbarrier.arrive $0xFFFF  }
0x4b2: {  	p0 =	sne.s32 s0, $0x0;
	s0 =	rddreg [dreg:$0x3]  }
0x4b3: {  	s0 =	sadd.s32 @!p0 $0x100000, s0  }
0x4b4: {  	[sflag:s0] =	ssyncadd.tile.s32 @!p0 $0x1;
	_ =	shalt  }
.Lfunc_end2:
_tile_overlayer_lowered:
.L_overlay_start_2:
0x4b5: {  	(tag) =	ssettag $0x2  }
0x4b6: {  	s0 =	rddreg [dreg:$0x0];
	s2 =	stileid.u32  }
0x4b7: {  	s1 =	rddreg [dreg:$0x1];
	p0 =	sne.s32 s2, $0x0  }
0x4b8: {  	s3 =	rddreg [dreg:$0x2];
	[bflag:$0x3] =	sbarrier.arrive $0xFFFF;
	s2 =	simm.s32 @!p0 $0x1C05  }
0x4b9: {  	[timem:s3], [sflag:s2] =	dma.local @!p0 [hbm:s0], s1  }
0x4ba: {  	s0 =	simm.s32 @!p0 $0x5  }
0x4bb: {  	_ =	swait.ge @!p0 [sflag:s0], s1  }
0x4bc: {  	s1 =	ssub.s32 @!p0 $0x0, s1;
	[sflag:s0] =	ssyncset.done @!p0 $0x0  }
0x4bd: {  	[sflag:s0] =	ssyncadd.s32 @!p0 s1  }
0x4be: {  	[bflag:$0x3] =	sbarrier.arrive $0xFFFF  }
0x4bf: {  	_ =	shalt  }

</sc_bundles>
